<compile_context>
chip_gen: v7x
topology: tpu7x:2x2x1
jax: 0.10.2.dev20260603
libtpu: 0.0.44.dev20260713+nightly
codegen_flags: <defaults>
</compile_context>

<pallas_src>
import jax
import jax.numpy as jnp
from jax import lax
from jax.experimental import pallas as pl
from jax.experimental.pallas import tpu as pltpu
from jax.experimental.pallas import tpu_sc as plsc

_NC = 2
_NS = 16
_LANES = 16
_CHUNK = 80
_NPAD = 10112


def _emb_body(x_ref, w_ref, b_ref, o_ref):
    o_ref[...] = (
        jnp.dot(x_ref[...], w_ref[...], preferred_element_type=jnp.float32)
        + b_ref[...]
    )


def _gate_body(ea_ref, w_ref, o_ref):
    z = jnp.dot(ea_ref[...], w_ref[...], preferred_element_type=jnp.float32)
    gate = 0.5 + 0.5 * jnp.tanh(0.5 * z)
    d2 = gate.shape[1] // 2
    a = gate[:, :d2].astype(jnp.bfloat16).astype(jnp.float32)
    b = gate[:, d2:].astype(jnp.bfloat16).astype(jnp.float32)
    ai = lax.bitcast_convert_type(a, jnp.int32)
    bi = lax.bitcast_convert_type(b, jnp.int32)
    o_ref[...] = jnp.bitwise_or(lax.shift_right_logical(ai, 16), bi)


def _edge_sc_body(h_hbm, ei_hbm, gate_hbm, out_hbm,
                  srcb_ref, dstb_ref, rows_ref, gbuf_ref,
                  agg_ref, sg0, sg1, sa0, sa1, ss0, ss1,
                  si0, si1, si2, si3):
    N, D = h_hbm.shape
    E = ei_hbm.shape[0] // 2
    nj = D // _LANES
    cid = lax.axis_index("c")
    sid = lax.axis_index("s")
    rows_per_tile = _NPAD // _NS
    tile_id = cid * _NS + sid
    edges_per_tile = E // (_NC * _NS)
    nchunks = edges_per_tile // _CHUNK
    ebase = tile_id * edges_per_tile
    sg = (sg0, sg1)
    sa = (sa0, sa1)
    ss = (ss0, ss1)
    si = (si0, si1, si2, si3)

    def _idx_slices(c):
        return (ei_hbm.at[pl.ds(ebase + c * _CHUNK, _CHUNK)],
                ei_hbm.at[pl.ds(E + ebase + c * _CHUNK, _CHUNK)])

    def _issue_idx(c, slot):
        s, d = _idx_slices(c)
        pltpu.async_copy(s, srcb_ref.at[slot], si[slot])
        pltpu.async_copy(d, dstb_ref.at[slot], si[slot])

    def _wait_idx(slot):
        pltpu.make_async_copy(ei_hbm.at[pl.ds(0, _CHUNK)],
                              srcb_ref.at[slot], si[slot]).wait()
        pltpu.make_async_copy(ei_hbm.at[pl.ds(0, _CHUNK)],
                              dstb_ref.at[slot], si[slot]).wait()

    def _sync_idx(c, slot):
        s, d = _idx_slices(c)
        pltpu.sync_copy(s, srcb_ref.at[slot])
        pltpu.sync_copy(d, dstb_ref.at[slot])

    zb = rows_ref.at[0]
    zeros = jnp.zeros((_LANES,), jnp.float32)

    def _zrow(r, carry):
        for j in range(nj):
            zb[r, pl.ds(j * _LANES, _LANES)] = zeros
        return carry

    lax.fori_loop(0, _CHUNK, _zrow, 0)
    nfull = rows_per_tile // _CHUNK
    tail = rows_per_tile - nfull * _CHUNK
    for t in range(nfull):
        r0 = sid * rows_per_tile + t * _CHUNK
        pltpu.sync_copy(zb, agg_ref.at[pl.ds(r0, _CHUNK), :])
    pltpu.sync_copy(zb.at[pl.ds(0, tail), :],
                    agg_ref.at[pl.ds(sid * rows_per_tile + nfull * _CHUNK,
                                     tail), :])
    plsc.subcore_barrier()

    def _issue_gather(c, islot, slot):
        pltpu.async_copy(h_hbm.at[srcb_ref.at[islot]],
                         rows_ref.at[slot], sg[slot])
        pltpu.async_copy(
            gate_hbm.at[pl.ds(ebase + c * _CHUNK, _CHUNK), :],
            gbuf_ref.at[slot], sa[slot])

    def _wait_gather(slot):
        pltpu.make_async_copy(h_hbm.at[pl.ds(0, _CHUNK)],
                              rows_ref.at[slot], sg[slot]).wait()
        pltpu.make_async_copy(gate_hbm.at[pl.ds(0, _CHUNK), :],
                              gbuf_ref.at[slot], sa[slot]).wait()

    def _wait_scatter(slot):
        pltpu.make_async_copy(rows_ref.at[slot],
                              agg_ref.at[pl.ds(0, _CHUNK), :],
                              ss[slot]).wait()

    def _compute(slot):
        rr = rows_ref.at[slot]
        gg = gbuf_ref.at[slot]
        himask = jnp.int32(-65536)
        half = (nj // 2) * _LANES

        @plsc.parallel_loop(0, _CHUNK, unroll=2)
        def _e(e):
            for t in range(nj // 2):
                gv = gg[e, pl.ds(t * _LANES, _LANES)]
                ge = lax.bitcast_convert_type(jnp.left_shift(gv, 16),
                                              jnp.float32)
                go = lax.bitcast_convert_type(gv & himask, jnp.float32)
                s0 = pl.ds(t * _LANES, _LANES)
                s1 = pl.ds(half + t * _LANES, _LANES)
                rr[e, s0] = rr[e, s0] * ge
                rr[e, s1] = rr[e, s1] * go

    def _issue_scatter(c, islot, slot):
        pltpu.async_copy(rows_ref.at[slot], agg_ref.at[dstb_ref.at[islot]],
                         ss[slot], add=True)

    _sync_idx(0, 0)
    _sync_idx(1, 1)
    _issue_gather(0, 0, 0)

    def _quad(p, carry):
        for k in range(4):
            c = 4 * p + k
            slot = k % 2
            if k == 0:
                @pl.when(p >= 1)
                def _():
                    _wait_scatter(1)
                    _wait_idx(1)
            else:
                _wait_scatter(1 - slot)
                _wait_idx((k + 1) % 4)
            _issue_gather(c + 1, (k + 1) % 4, 1 - slot)
            _wait_gather(slot)
            cc = jnp.minimum(c + 2, nchunks - 1)
            _issue_idx(cc, (k + 2) % 4)
            _compute(slot)
            _issue_scatter(c, k, slot)
        return carry

    lax.fori_loop(0, (nchunks - 1) // 4, _quad, 0)
    _wait_scatter(1)
    _wait_idx(1)
    _wait_gather(0)
    _compute(0)
    _issue_scatter(nchunks - 1, 0, 0)
    _wait_scatter(0)
    plsc.subcore_barrier()

    for t in range(nfull):
        r0 = sid * rows_per_tile + t * _CHUNK
        pltpu.sync_copy(agg_ref.at[pl.ds(r0, _CHUNK), :], zb)
        pltpu.sync_copy(zb, out_hbm.at[cid, pl.ds(r0, _CHUNK), :])
    r0 = sid * rows_per_tile + nfull * _CHUNK
    pltpu.sync_copy(agg_ref.at[pl.ds(r0, tail), :], zb.at[pl.ds(0, tail), :])
    pltpu.sync_copy(zb.at[pl.ds(0, tail), :],
                    out_hbm.at[cid, pl.ds(r0, tail), :])


def _post_body(pp_ref, h_ref, wagg_ref, wself_ref, wp_ref, bp_ref, batch_ref,
               o_ref):
    i = pl.program_id(0)
    agg = pp_ref[0] + pp_ref[1]
    h2 = jnp.maximum(
        jnp.dot(agg, wagg_ref[...], preferred_element_type=jnp.float32)
        + jnp.dot(h_ref[...], wself_ref[...],
                  preferred_element_type=jnp.float32),
        0.0,
    )
    p = jnp.dot(h2, wp_ref[...], preferred_element_type=jnp.float32) \
        + bp_ref[0, 0]
    b_row = batch_ref[0]
    gids_t = lax.broadcasted_iota(jnp.int32, (64, b_row.shape[1]), 0)
    onehot_t = (gids_t == b_row).astype(jnp.float32)

    @pl.when(i == 0)
    def _init():
        o_ref[...] = jnp.zeros_like(o_ref)

    o_ref[...] += jnp.dot(onehot_t, p, preferred_element_type=jnp.float32)


def kernel(x, edge_index, edge_attr, batch, W_emb, b_emb, W_edge, W_self,
           W_agg, W_prop, b_prop):
    N, D = x.shape
    E = edge_index.shape[1]
    G = 64
    BLK = 1000
    nblk = N // BLK
    BLKE = 4000
    nblke = E // BLKE

    h = pl.pallas_call(
        _emb_body,
        grid=(nblk,),
        in_specs=[
            pl.BlockSpec((BLK, D), lambda i: (i, 0)),
            pl.BlockSpec((D, D), lambda i: (0, 0)),
            pl.BlockSpec((1, D), lambda i: (0, 0)),
        ],
        out_specs=pl.BlockSpec((BLK, D), lambda i: (i, 0)),
        out_shape=jax.ShapeDtypeStruct((N, D), jnp.float32),
    )(x, W_emb, b_emb.reshape(1, D))

    gate = pl.pallas_call(
        _gate_body,
        grid=(nblke,),
        in_specs=[
            pl.BlockSpec((BLKE, 4), lambda i: (i, 0)),
            pl.BlockSpec((4, D), lambda i: (0, 0)),
        ],
        out_specs=pl.BlockSpec((BLKE, D // 2), lambda i: (i, 0)),
        out_shape=jax.ShapeDtypeStruct((E, D // 2), jnp.int32),
    )(edge_attr, W_edge)

    edges_per_tile = E // (_NC * _NS)
    nchunks = edges_per_tile // _CHUNK
    partials = pl.kernel(
        _edge_sc_body,
        out_type=jax.ShapeDtypeStruct((_NC, _NPAD, D), jnp.float32),
        mesh=plsc.VectorSubcoreMesh(
            core_axis_name="c", subcore_axis_name="s",
            num_cores=_NC, num_subcores=_NS),
        scratch_types=[
            pltpu.VMEM((4, _CHUNK), jnp.int32),
            pltpu.VMEM((4, _CHUNK), jnp.int32),
            pltpu.VMEM((2, _CHUNK, D), jnp.float32),
            pltpu.VMEM((2, _CHUNK, D // 2), jnp.int32),
            pltpu.VMEM_SHARED((_NPAD, D), jnp.float32),
        ] + [pltpu.SemaphoreType.DMA] * 10,
    )(h, edge_index.reshape(2 * E), gate)

    batch3 = batch.reshape(nblk, 1, BLK)
    graph_out = pl.pallas_call(
        _post_body,
        grid=(nblk,),
        in_specs=[
            pl.BlockSpec((_NC, BLK, D), lambda i: (0, i, 0)),
            pl.BlockSpec((BLK, D), lambda i: (i, 0)),
            pl.BlockSpec((D, D), lambda i: (0, 0)),
            pl.BlockSpec((D, D), lambda i: (0, 0)),
            pl.BlockSpec((D, 1), lambda i: (0, 0)),
            pl.BlockSpec((1, 1), lambda i: (0, 0)),
            pl.BlockSpec((1, 1, BLK), lambda i: (i, 0, 0)),
        ],
        out_specs=pl.BlockSpec((G, 1), lambda i: (0, 0)),
        out_shape=jax.ShapeDtypeStruct((G, 1), jnp.float32),
    )(partials, h, W_agg, W_self, W_prop, b_prop.reshape(1, 1), batch3)

    return jnp.squeeze(graph_out, axis=1)

# --- scband reference (transcript-rebuilt; emitter-appended) ---
"""Pipeline reference for scband-graph-convolution-model-88794153877683 (READ-ONLY COPY).

The authoritative reference and input builder live on the scoring server;
editing this copy changes nothing except your own understanding.
"""

import jax, jax.numpy as jnp
import numpy as np

N = 10000      # nodes
E = 320000     # edges
D = 128        # d_feat / hidden
DE = 4         # edge feature dim
G = 64         # number of graphs in the batch


def setup_inputs(seed: int = 0) -> dict:
    key = jax.random.key(seed)
    ks = jax.random.split(key, 12)
    x = jax.random.normal(ks[0], (N, D), dtype=jnp.float32)
    edge_index = jax.random.randint(ks[1], (2, E), 0, N, dtype=jnp.int32)
    edge_attr = jax.random.normal(ks[2], (E, DE), dtype=jnp.float32)
    batch = jnp.sort(jax.random.randint(ks[3], (N,), 0, G, dtype=jnp.int32))
    s = 1.0 / np.sqrt(D)
    W_emb = jax.random.normal(ks[4], (D, D), dtype=jnp.float32) * s
    b_emb = jnp.zeros((D,), dtype=jnp.float32)
    W_edge = jax.random.normal(ks[5], (DE, D), dtype=jnp.float32) * (1.0 / np.sqrt(DE))
    W_self = jax.random.normal(ks[6], (D, D), dtype=jnp.float32) * s
    W_agg = jax.random.normal(ks[7], (D, D), dtype=jnp.float32) * s
    W_prop = jax.random.normal(ks[8], (D, 1), dtype=jnp.float32) * s
    b_prop = jnp.zeros((1,), dtype=jnp.float32)
    return {
        "x": x, "edge_index": edge_index, "edge_attr": edge_attr, "batch": batch,
        "W_emb": W_emb, "b_emb": b_emb, "W_edge": W_edge, "W_self": W_self,
        "W_agg": W_agg, "W_prop": W_prop, "b_prop": b_prop,
    }


def reference(x, edge_index, edge_attr, batch, W_emb, b_emb, W_edge, W_self, W_agg, W_prop, b_prop):
    # emb: Linear d_feat -> hidden
    h = x @ W_emb + b_emb
    # conv_block: one edge-conditioned message-passing layer
    src = edge_index[0]
    dst = edge_index[1]
    gate = jax.nn.sigmoid(edge_attr @ W_edge)          # [E, D]
    msgs = jnp.take(h, src, axis=0) * gate             # gather + elementwise
    agg = jax.ops.segment_sum(msgs, dst, num_segments=N)  # scatter-add
    h = jax.nn.relu(agg @ W_agg + h @ W_self)
    # prop_dnn: Linear hidden -> 1 (per-node property)
    node_feature = h @ W_prop + b_prop                 # [N, 1]
    # torch_scatter.scatter_sum(node_feature, batch, dim=0).squeeze(1)
    graph_out = jax.ops.segment_sum(node_feature, batch, num_segments=G)
    return jnp.squeeze(graph_out, axis=1)              # [G]

if __name__ == "__main__":
    import jax
    _d = setup_inputs()
    print(jax.jit(kernel)(*tuple(_d.values())))

</pallas_src>

<mosaic_0001>
#map = affine_map<(d0, d1) -> (0, 0)>
#map1 = affine_map<(d0, d1) -> (0)>
#map2 = affine_map<(d0, d1) -> (0, 0, 0)>
module attributes {stable_mosaic.version = 14 : i64} {
  func.func @_edge_sc_body(%arg0: i32, %arg1: i32, %arg2: memref<10000x128xf32, #tpu.memory_space<hbm>>, %arg3: memref<640000xi32, #tpu.memory_space<hbm>>, %arg4: memref<320000x64xi32, #tpu.memory_space<hbm>>, %arg5: memref<2x10112x128xf32, #tpu.memory_space<hbm>>, %arg6: memref<4x80xi32, #tpu.memory_space<vmem>>, %arg7: memref<4x80xi32, #tpu.memory_space<vmem>>, %arg8: memref<2x80x128xf32, #tpu.memory_space<vmem>>, %arg9: memref<2x80x64xi32, #tpu.memory_space<vmem>>, %arg10: memref<10112x128xf32, #tpu.memory_space<vmem_shared>>, %arg11: memref<!tpu.dma_semaphore, #tpu.memory_space<semaphore_mem>>, %arg12: memref<!tpu.dma_semaphore, #tpu.memory_space<semaphore_mem>>, %arg13: memref<!tpu.dma_semaphore, #tpu.memory_space<semaphore_mem>>, %arg14: memref<!tpu.dma_semaphore, #tpu.memory_space<semaphore_mem>>, %arg15: memref<!tpu.dma_semaphore, #tpu.memory_space<semaphore_mem>>, %arg16: memref<!tpu.dma_semaphore, #tpu.memory_space<semaphore_mem>>, %arg17: memref<!tpu.dma_semaphore, #tpu.memory_space<semaphore_mem>>, %arg18: memref<!tpu.dma_semaphore, #tpu.memory_space<semaphore_mem>>, %arg19: memref<!tpu.dma_semaphore, #tpu.memory_space<semaphore_mem>>, %arg20: memref<!tpu.dma_semaphore, #tpu.memory_space<semaphore_mem>>) attributes {dimension_semantics = [#tpu.dimension_semantics<core_parallel>, #tpu.dimension_semantics<subcore_parallel>], iteration_bounds = array<i64: 2, 16>, scalar_prefetch = 0 : i64, scratch_operands = 15 : i64, tpu.core_type = #tpu.core_type<sc_vector_subcore>, window_params = [{transform_indices = #map}, {transform_indices = #map1}, {transform_indices = #map}, {transform_indices = #map2}]} {
    %mul3A = arith.constant 16 : i32
    %mul3A_0 = arith.muli %arg0, %mul3A : i32
    %add3A = arith.addi %mul3A_0, %arg1 : i32
    %mul3A_1 = arith.constant 10000 : i32
    %mul3A_2 = arith.muli %add3A, %mul3A_1 : i32
    %broadcast_in_dim3A = arith.constant 0.000000e+00 : f32
    %broadcast_in_dim3A_3 = vector.broadcast %broadcast_in_dim3A : f32 to vector<16xf32>
    %scan3A = arith.constant 0 : i32
    %scan3A_4 = arith.constant 0 : i32
    %scan3A_5 = arith.constant 0 : i32
    %scan3A_6 = arith.constant 80 : i32
    %scan3A_7 = arith.addi %scan3A_5, %scan3A_6 : i32
    %scan3A_8 = arith.constant 1 : i32
    scf.for %scan3A_244 = %scan3A_5 to %scan3A_7 step %scan3A_8  : i32 {
      %swap3A = arith.constant 0 : i32
      %swap3A_245 = arith.constant 0 : i32
      %swap3A_246 = tpu.memref_slice %arg8[%scan3A_4, %swap3A, %swap3A_245] : memref<2x80x128xf32, #tpu.memory_space<vmem>> -> memref<1x80x128xf32, #tpu.memory_space<vmem>>
      %swap3A_247 = tpu.memref_squeeze %swap3A_246 : memref<1x80x128xf32, #tpu.memory_space<vmem>> -> memref<80x128xf32, #tpu.memory_space<vmem>>
      %swap3A_248 = arith.index_cast %scan3A_244 : i32 to index
      %swap3A_249 = arith.constant 0 : index
      %swap3A_250 = tpu.vector_load %swap3A_247[%swap3A_248, %swap3A_249] {strides = array<i32>} : memref<80x128xf32, #tpu.memory_space<vmem>>, vector<1x16xf32>,
      %swap3A_251 = vector.shape_cast %swap3A_250 : vector<1x16xf32> to vector<16xf32>
      %swap3A_252 = vector.shape_cast %broadcast_in_dim3A_3 : vector<16xf32> to vector<1x16xf32>
      tpu.vector_store %swap3A_247[%swap3A_248, %swap3A_249], %swap3A_252 {strides = array<i32>} : memref<80x128xf32, #tpu.memory_space<vmem>>, vector<1x16xf32>,
      %swap3A_253 = arith.constant 0 : i32
      %swap3A_254 = arith.constant 0 : i32
      %swap3A_255 = tpu.memref_slice %arg8[%scan3A_4, %swap3A_253, %swap3A_254] : memref<2x80x128xf32, #tpu.memory_space<vmem>> -> memref<1x80x128xf32, #tpu.memory_space<vmem>>
      %swap3A_256 = tpu.memref_squeeze %swap3A_255 : memref<1x80x128xf32, #tpu.memory_space<vmem>> -> memref<80x128xf32, #tpu.memory_space<vmem>>
      %swap3A_257 = arith.index_cast %scan3A_244 : i32 to index
      %swap3A_258 = arith.constant 16 : index
      %swap3A_259 = tpu.vector_load %swap3A_256[%swap3A_257, %swap3A_258] {strides = array<i32>} : memref<80x128xf32, #tpu.memory_space<vmem>>, vector<1x16xf32>,
      %swap3A_260 = vector.shape_cast %swap3A_259 : vector<1x16xf32> to vector<16xf32>
      %swap3A_261 = vector.shape_cast %broadcast_in_dim3A_3 : vector<16xf32> to vector<1x16xf32>
      tpu.vector_store %swap3A_256[%swap3A_257, %swap3A_258], %swap3A_261 {strides = array<i32>} : memref<80x128xf32, #tpu.memory_space<vmem>>, vector<1x16xf32>,
      %swap3A_262 = arith.constant 0 : i32
      %swap3A_263 = arith.constant 0 : i32
      %swap3A_264 = tpu.memref_slice %arg8[%scan3A_4, %swap3A_262, %swap3A_263] : memref<2x80x128xf32, #tpu.memory_space<vmem>> -> memref<1x80x128xf32, #tpu.memory_space<vmem>>
      %swap3A_265 = tpu.memref_squeeze %swap3A_264 : memref<1x80x128xf32, #tpu.memory_space<vmem>> -> memref<80x128xf32, #tpu.memory_space<vmem>>
      %swap3A_266 = arith.index_cast %scan3A_244 : i32 to index
      %swap3A_267 = arith.constant 32 : index
      %swap3A_268 = tpu.vector_load %swap3A_265[%swap3A_266, %swap3A_267] {strides = array<i32>} : memref<80x128xf32, #tpu.memory_space<vmem>>, vector<1x16xf32>,
      %swap3A_269 = vector.shape_cast %swap3A_268 : vector<1x16xf32> to vector<16xf32>
      %swap3A_270 = vector.shape_cast %broadcast_in_dim3A_3 : vector<16xf32> to vector<1x16xf32>
      tpu.vector_store %swap3A_265[%swap3A_266, %swap3A_267], %swap3A_270 {strides = array<i32>} : memref<80x128xf32, #tpu.memory_space<vmem>>, vector<1x16xf32>,
      %swap3A_271 = arith.constant 0 : i32
      %swap3A_272 = arith.constant 0 : i32
      %swap3A_273 = tpu.memref_slice %arg8[%scan3A_4, %swap3A_271, %swap3A_272] : memref<2x80x128xf32, #tpu.memory_space<vmem>> -> memref<1x80x128xf32, #tpu.memory_space<vmem>>
      %swap3A_274 = tpu.memref_squeeze %swap3A_273 : memref<1x80x128xf32, #tpu.memory_space<vmem>> -> memref<80x128xf32, #tpu.memory_space<vmem>>
      %swap3A_275 = arith.index_cast %scan3A_244 : i32 to index
      %swap3A_276 = arith.constant 48 : index
      %swap3A_277 = tpu.vector_load %swap3A_274[%swap3A_275, %swap3A_276] {strides = array<i32>} : memref<80x128xf32, #tpu.memory_space<vmem>>, vector<1x16xf32>,
      %swap3A_278 = vector.shape_cast %swap3A_277 : vector<1x16xf32> to vector<16xf32>
      %swap3A_279 = vector.shape_cast %broadcast_in_dim3A_3 : vector<16xf32> to vector<1x16xf32>
      tpu.vector_store %swap3A_274[%swap3A_275, %swap3A_276], %swap3A_279 {strides = array<i32>} : memref<80x128xf32, #tpu.memory_space<vmem>>, vector<1x16xf32>,
      %swap3A_280 = arith.constant 0 : i32
      %swap3A_281 = arith.constant 0 : i32
      %swap3A_282 = tpu.memref_slice %arg8[%scan3A_4, %swap3A_280, %swap3A_281] : memref<2x80x128xf32, #tpu.memory_space<vmem>> -> memref<1x80x128xf32, #tpu.memory_space<vmem>>
      %swap3A_283 = tpu.memref_squeeze %swap3A_282 : memref<1x80x128xf32, #tpu.memory_space<vmem>> -> memref<80x128xf32, #tpu.memory_space<vmem>>
      %swap3A_284 = arith.index_cast %scan3A_244 : i32 to index
      %swap3A_285 = arith.constant 64 : index
      %swap3A_286 = tpu.vector_load %swap3A_283[%swap3A_284, %swap3A_285] {strides = array<i32>} : memref<80x128xf32, #tpu.memory_space<vmem>>, vector<1x16xf32>,
      %swap3A_287 = vector.shape_cast %swap3A_286 : vector<1x16xf32> to vector<16xf32>
      %swap3A_288 = vector.shape_cast %broadcast_in_dim3A_3 : vector<16xf32> to vector<1x16xf32>
      tpu.vector_store %swap3A_283[%swap3A_284, %swap3A_285], %swap3A_288 {strides = array<i32>} : memref<80x128xf32, #tpu.memory_space<vmem>>, vector<1x16xf32>,
      %swap3A_289 = arith.constant 0 : i32
      %swap3A_290 = arith.constant 0 : i32
      %swap3A_291 = tpu.memref_slice %arg8[%scan3A_4, %swap3A_289, %swap3A_290] : memref<2x80x128xf32, #tpu.memory_space<vmem>> -> memref<1x80x128xf32, #tpu.memory_space<vmem>>
      %swap3A_292 = tpu.memref_squeeze %swap3A_291 : memref<1x80x128xf32, #tpu.memory_space<vmem>> -> memref<80x128xf32, #tpu.memory_space<vmem>>
      %swap3A_293 = arith.index_cast %scan3A_244 : i32 to index
      %swap3A_294 = arith.constant 80 : index
      %swap3A_295 = tpu.vector_load %swap3A_292[%swap3A_293, %swap3A_294] {strides = array<i32>} : memref<80x128xf32, #tpu.memory_space<vmem>>, vector<1x16xf32>,
      %swap3A_296 = vector.shape_cast %swap3A_295 : vector<1x16xf32> to vector<16xf32>
      %swap3A_297 = vector.shape_cast %broadcast_in_dim3A_3 : vector<16xf32> to vector<1x16xf32>
      tpu.vector_store %swap3A_292[%swap3A_293, %swap3A_294], %swap3A_297 {strides = array<i32>} : memref<80x128xf32, #tpu.memory_space<vmem>>, vector<1x16xf32>,
      %swap3A_298 = arith.constant 0 : i32
      %swap3A_299 = arith.constant 0 : i32
      %swap3A_300 = tpu.memref_slice %arg8[%scan3A_4, %swap3A_298, %swap3A_299] : memref<2x80x128xf32, #tpu.memory_space<vmem>> -> memref<1x80x128xf32, #tpu.memory_space<vmem>>
      %swap3A_301 = tpu.memref_squeeze %swap3A_300 : memref<1x80x128xf32, #tpu.memory_space<vmem>> -> memref<80x128xf32, #tpu.memory_space<vmem>>
      %swap3A_302 = arith.index_cast %scan3A_244 : i32 to index
      %swap3A_303 = arith.constant 96 : index
      %swap3A_304 = tpu.vector_load %swap3A_301[%swap3A_302, %swap3A_303] {strides = array<i32>} : memref<80x128xf32, #tpu.memory_space<vmem>>, vector<1x16xf32>,
      %swap3A_305 = vector.shape_cast %swap3A_304 : vector<1x16xf32> to vector<16xf32>
      %swap3A_306 = vector.shape_cast %broadcast_in_dim3A_3 : vector<16xf32> to vector<1x16xf32>
      tpu.vector_store %swap3A_301[%swap3A_302, %swap3A_303], %swap3A_306 {strides = array<i32>} : memref<80x128xf32, #tpu.memory_space<vmem>>, vector<1x16xf32>,
      %swap3A_307 = arith.constant 0 : i32
      %swap3A_308 = arith.constant 0 : i32
      %swap3A_309 = tpu.memref_slice %arg8[%scan3A_4, %swap3A_307, %swap3A_308] : memref<2x80x128xf32, #tpu.memory_space<vmem>> -> memref<1x80x128xf32, #tpu.memory_space<vmem>>
      %swap3A_310 = tpu.memref_squeeze %swap3A_309 : memref<1x80x128xf32, #tpu.memory_space<vmem>> -> memref<80x128xf32, #tpu.memory_space<vmem>>
      %swap3A_311 = arith.index_cast %scan3A_244 : i32 to index
      %swap3A_312 = arith.constant 112 : index
      %swap3A_313 = tpu.vector_load %swap3A_310[%swap3A_311, %swap3A_312] {strides = array<i32>} : memref<80x128xf32, #tpu.memory_space<vmem>>, vector<1x16xf32>,
      %swap3A_314 = vector.shape_cast %swap3A_313 : vector<1x16xf32> to vector<16xf32>
      %swap3A_315 = vector.shape_cast %broadcast_in_dim3A_3 : vector<16xf32> to vector<1x16xf32>
      tpu.vector_store %swap3A_310[%swap3A_311, %swap3A_312], %swap3A_315 {strides = array<i32>} : memref<80x128xf32, #tpu.memory_space<vmem>>, vector<1x16xf32>,
    }
    %scan3A_9 = arith.constant 80 : i32
    %mul3A_10 = arith.constant 632 : i32
    %mul3A_11 = arith.muli %arg1, %mul3A_10 : i32
    %add3A_12 = arith.constant 0 : i32
    %add3A_13 = arith.addi %mul3A_11, %add3A_12 : i32
    %run_scoped3A = arith.constant 0 : i32
    "tpu.region"() ({
      %run_scoped3A_244 = tpu.sem_alloc : memref<!tpu.dma_semaphore, #tpu.memory_space<semaphore_mem>>
      %dma_start3A_245 = arith.constant 0 : i32
      %dma_start3A_246 = arith.constant 0 : i32
      %dma_start3A_247 = tpu.memref_slice %arg8[%run_scoped3A, %dma_start3A_245, %dma_start3A_246] : memref<2x80x128xf32, #tpu.memory_space<vmem>> -> memref<1x80x128xf32, #tpu.memory_space<vmem>>
      %dma_start3A_248 = tpu.memref_squeeze %dma_start3A_247 : memref<1x80x128xf32, #tpu.memory_space<vmem>> -> memref<80x128xf32, #tpu.memory_space<vmem>>
      %dma_start3A_249 = arith.constant 0 : i32
      %dma_start3A_250 = tpu.memref_slice %arg10[%add3A_13, %dma_start3A_249] : memref<10112x128xf32, #tpu.memory_space<vmem_shared>> -> memref<80x128xf32, #tpu.memory_space<vmem_shared>>
      %dma_start3A_251 = arith.constant 0 : i32
      %dma_start3A_252 = tpu.memref_slice %arg10[%add3A_13, %dma_start3A_251] : memref<10112x128xf32, #tpu.memory_space<vmem_shared>> -> memref<80x128xf32, #tpu.memory_space<vmem_shared>>
      %dma_start3A_253 = arith.constant 0 : i32
      %dma_start3A_254 = arith.constant 0 : i32
      %dma_start3A_255 = tpu.memref_slice %arg8[%run_scoped3A, %dma_start3A_253, %dma_start3A_254] : memref<2x80x128xf32, #tpu.memory_space<vmem>> -> memref<1x80x128xf32, #tpu.memory_space<vmem>>
      %dma_start3A_256 = tpu.memref_squeeze %dma_start3A_255 : memref<1x80x128xf32, #tpu.memory_space<vmem>> -> memref<80x128xf32, #tpu.memory_space<vmem>>
      tpu.enqueue_dma source(%dma_start3A_256 : memref<80x128xf32, #tpu.memory_space<vmem>>) target(%dma_start3A_252 : memref<80x128xf32, #tpu.memory_space<vmem_shared>>) target_semaphore(%run_scoped3A_244 : memref<!tpu.dma_semaphore, #tpu.memory_space<semaphore_mem>>)
      %dma_wait3A_257 = arith.constant 0 : i32
      %dma_wait3A_258 = arith.constant 0 : i32
      %dma_wait3A_259 = tpu.memref_slice %arg8[%run_scoped3A, %dma_wait3A_257, %dma_wait3A_258] : memref<2x80x128xf32, #tpu.memory_space<vmem>> -> memref<1x80x128xf32, #tpu.memory_space<vmem>>
      %dma_wait3A_260 = tpu.memref_squeeze %dma_wait3A_259 : memref<1x80x128xf32, #tpu.memory_space<vmem>> -> memref<80x128xf32, #tpu.memory_space<vmem>>
      %dma_wait3A_261 = arith.constant 0 : i32
      %dma_wait3A_262 = tpu.memref_slice %arg10[%add3A_13, %dma_wait3A_261] : memref<10112x128xf32, #tpu.memory_space<vmem_shared>> -> memref<80x128xf32, #tpu.memory_space<vmem_shared>>
      %dma_wait3A_263 = arith.constant 0 : i32
      %dma_wait3A_264 = tpu.memref_slice %arg10[%add3A_13, %dma_wait3A_263] : memref<10112x128xf32, #tpu.memory_space<vmem_shared>> -> memref<80x128xf32, #tpu.memory_space<vmem_shared>>
      %dma_wait3A_265 = arith.constant 0 : i32
      %dma_wait3A_266 = arith.constant 0 : i32
      %dma_wait3A_267 = tpu.memref_slice %arg8[%run_scoped3A, %dma_wait3A_265, %dma_wait3A_266] : memref<2x80x128xf32, #tpu.memory_space<vmem>> -> memref<1x80x128xf32, #tpu.memory_space<vmem>>
      %dma_wait3A_268 = tpu.memref_squeeze %dma_wait3A_267 : memref<1x80x128xf32, #tpu.memory_space<vmem>> -> memref<80x128xf32, #tpu.memory_space<vmem>>
      tpu.wait_dma2 semaphore(%run_scoped3A_244 : memref<!tpu.dma_semaphore, #tpu.memory_space<semaphore_mem>>) src(%dma_wait3A_268 : memref<80x128xf32, #tpu.memory_space<vmem>>) dst(%dma_wait3A_264 : memref<80x128xf32, #tpu.memory_space<vmem_shared>>)
      tpu.yield
    }) : () -> ()
    %mul3A_14 = arith.constant 632 : i32
    %mul3A_15 = arith.muli %arg1, %mul3A_14 : i32
    %add3A_16 = arith.constant 80 : i32
    %add3A_17 = arith.addi %mul3A_15, %add3A_16 : i32
    %run_scoped3A_18 = arith.constant 0 : i32
    "tpu.region"() ({
      %run_scoped3A_244 = tpu.sem_alloc : memref<!tpu.dma_semaphore, #tpu.memory_space<semaphore_mem>>
      %dma_start3A_245 = arith.constant 0 : i32
      %dma_start3A_246 = arith.constant 0 : i32
      %dma_start3A_247 = tpu.memref_slice %arg8[%run_scoped3A_18, %dma_start3A_245, %dma_start3A_246] : memref<2x80x128xf32, #tpu.memory_space<vmem>> -> memref<1x80x128xf32, #tpu.memory_space<vmem>>
      %dma_start3A_248 = tpu.memref_squeeze %dma_start3A_247 : memref<1x80x128xf32, #tpu.memory_space<vmem>> -> memref<80x128xf32, #tpu.memory_space<vmem>>
      %dma_start3A_249 = arith.constant 0 : i32
      %dma_start3A_250 = tpu.memref_slice %arg10[%add3A_17, %dma_start3A_249] : memref<10112x128xf32, #tpu.memory_space<vmem_shared>> -> memref<80x128xf32, #tpu.memory_space<vmem_shared>>
      %dma_start3A_251 = arith.constant 0 : i32
      %dma_start3A_252 = tpu.memref_slice %arg10[%add3A_17, %dma_start3A_251] : memref<10112x128xf32, #tpu.memory_space<vmem_shared>> -> memref<80x128xf32, #tpu.memory_space<vmem_shared>>
      %dma_start3A_253 = arith.constant 0 : i32
      %dma_start3A_254 = arith.constant 0 : i32
      %dma_start3A_255 = tpu.memref_slice %arg8[%run_scoped3A_18, %dma_start3A_253, %dma_start3A_254] : memref<2x80x128xf32, #tpu.memory_space<vmem>> -> memref<1x80x128xf32, #tpu.memory_space<vmem>>
      %dma_start3A_256 = tpu.memref_squeeze %dma_start3A_255 : memref<1x80x128xf32, #tpu.memory_space<vmem>> -> memref<80x128xf32, #tpu.memory_space<vmem>>
      tpu.enqueue_dma source(%dma_start3A_256 : memref<80x128xf32, #tpu.memory_space<vmem>>) target(%dma_start3A_252 : memref<80x128xf32, #tpu.memory_space<vmem_shared>>) target_semaphore(%run_scoped3A_244 : memref<!tpu.dma_semaphore, #tpu.memory_space<semaphore_mem>>)
      %dma_wait3A_257 = arith.constant 0 : i32
      %dma_wait3A_258 = arith.constant 0 : i32
      %dma_wait3A_259 = tpu.memref_slice %arg8[%run_scoped3A_18, %dma_wait3A_257, %dma_wait3A_258] : memref<2x80x128xf32, #tpu.memory_space<vmem>> -> memref<1x80x128xf32, #tpu.memory_space<vmem>>
      %dma_wait3A_260 = tpu.memref_squeeze %dma_wait3A_259 : memref<1x80x128xf32, #tpu.memory_space<vmem>> -> memref<80x128xf32, #tpu.memory_space<vmem>>
      %dma_wait3A_261 = arith.constant 0 : i32
      %dma_wait3A_262 = tpu.memref_slice %arg10[%add3A_17, %dma_wait3A_261] : memref<10112x128xf32, #tpu.memory_space<vmem_shared>> -> memref<80x128xf32, #tpu.memory_space<vmem_shared>>
      %dma_wait3A_263 = arith.constant 0 : i32
      %dma_wait3A_264 = tpu.memref_slice %arg10[%add3A_17, %dma_wait3A_263] : memref<10112x128xf32, #tpu.memory_space<vmem_shared>> -> memref<80x128xf32, #tpu.memory_space<vmem_shared>>
      %dma_wait3A_265 = arith.constant 0 : i32
      %dma_wait3A_266 = arith.constant 0 : i32
      %dma_wait3A_267 = tpu.memref_slice %arg8[%run_scoped3A_18, %dma_wait3A_265, %dma_wait3A_266] : memref<2x80x128xf32, #tpu.memory_space<vmem>> -> memref<1x80x128xf32, #tpu.memory_space<vmem>>
      %dma_wait3A_268 = tpu.memref_squeeze %dma_wait3A_267 : memref<1x80x128xf32, #tpu.memory_space<vmem>> -> memref<80x128xf32, #tpu.memory_space<vmem>>
      tpu.wait_dma2 semaphore(%run_scoped3A_244 : memref<!tpu.dma_semaphore, #tpu.memory_space<semaphore_mem>>) src(%dma_wait3A_268 : memref<80x128xf32, #tpu.memory_space<vmem>>) dst(%dma_wait3A_264 : memref<80x128xf32, #tpu.memory_space<vmem_shared>>)
      tpu.yield
    }) : () -> ()
    %mul3A_19 = arith.constant 632 : i32
    %mul3A_20 = arith.muli %arg1, %mul3A_19 : i32
    %add3A_21 = arith.constant 160 : i32
    %add3A_22 = arith.addi %mul3A_20, %add3A_21 : i32
    %run_scoped3A_23 = arith.constant 0 : i32
    "tpu.region"() ({
      %run_scoped3A_244 = tpu.sem_alloc : memref<!tpu.dma_semaphore, #tpu.memory_space<semaphore_mem>>
      %dma_start3A_245 = arith.constant 0 : i32
      %dma_start3A_246 = arith.constant 0 : i32
      %dma_start3A_247 = tpu.memref_slice %arg8[%run_scoped3A_23, %dma_start3A_245, %dma_start3A_246] : memref<2x80x128xf32, #tpu.memory_space<vmem>> -> memref<1x80x128xf32, #tpu.memory_space<vmem>>
      %dma_start3A_248 = tpu.memref_squeeze %dma_start3A_247 : memref<1x80x128xf32, #tpu.memory_space<vmem>> -> memref<80x128xf32, #tpu.memory_space<vmem>>
      %dma_start3A_249 = arith.constant 0 : i32
      %dma_start3A_250 = tpu.memref_slice %arg10[%add3A_22, %dma_start3A_249] : memref<10112x128xf32, #tpu.memory_space<vmem_shared>> -> memref<80x128xf32, #tpu.memory_space<vmem_shared>>
      %dma_start3A_251 = arith.constant 0 : i32
      %dma_start3A_252 = tpu.memref_slice %arg10[%add3A_22, %dma_start3A_251] : memref<10112x128xf32, #tpu.memory_space<vmem_shared>> -> memref<80x128xf32, #tpu.memory_space<vmem_shared>>
      %dma_start3A_253 = arith.constant 0 : i32
      %dma_start3A_254 = arith.constant 0 : i32
      %dma_start3A_255 = tpu.memref_slice %arg8[%run_scoped3A_23, %dma_start3A_253, %dma_start3A_254] : memref<2x80x128xf32, #tpu.memory_space<vmem>> -> memref<1x80x128xf32, #tpu.memory_space<vmem>>
      %dma_start3A_256 = tpu.memref_squeeze %dma_start3A_255 : memref<1x80x128xf32, #tpu.memory_space<vmem>> -> memref<80x128xf32, #tpu.memory_space<vmem>>
      tpu.enqueue_dma source(%dma_start3A_256 : memref<80x128xf32, #tpu.memory_space<vmem>>) target(%dma_start3A_252 : memref<80x128xf32, #tpu.memory_space<vmem_shared>>) target_semaphore(%run_scoped3A_244 : memref<!tpu.dma_semaphore, #tpu.memory_space<semaphore_mem>>)
      %dma_wait3A_257 = arith.constant 0 : i32
      %dma_wait3A_258 = arith.constant 0 : i32
      %dma_wait3A_259 = tpu.memref_slice %arg8[%run_scoped3A_23, %dma_wait3A_257, %dma_wait3A_258] : memref<2x80x128xf32, #tpu.memory_space<vmem>> -> memref<1x80x128xf32, #tpu.memory_space<vmem>>
      %dma_wait3A_260 = tpu.memref_squeeze %dma_wait3A_259 : memref<1x80x128xf32, #tpu.memory_space<vmem>> -> memref<80x128xf32, #tpu.memory_space<vmem>>
      %dma_wait3A_261 = arith.constant 0 : i32
      %dma_wait3A_262 = tpu.memref_slice %arg10[%add3A_22, %dma_wait3A_261] : memref<10112x128xf32, #tpu.memory_space<vmem_shared>> -> memref<80x128xf32, #tpu.memory_space<vmem_shared>>
      %dma_wait3A_263 = arith.constant 0 : i32
      %dma_wait3A_264 = tpu.memref_slice %arg10[%add3A_22, %dma_wait3A_263] : memref<10112x128xf32, #tpu.memory_space<vmem_shared>> -> memref<80x128xf32, #tpu.memory_space<vmem_shared>>
      %dma_wait3A_265 = arith.constant 0 : i32
      %dma_wait3A_266 = arith.constant 0 : i32
      %dma_wait3A_267 = tpu.memref_slice %arg8[%run_scoped3A_23, %dma_wait3A_265, %dma_wait3A_266] : memref<2x80x128xf32, #tpu.memory_space<vmem>> -> memref<1x80x128xf32, #tpu.memory_space<vmem>>
      %dma_wait3A_268 = tpu.memref_squeeze %dma_wait3A_267 : memref<1x80x128xf32, #tpu.memory_space<vmem>> -> memref<80x128xf32, #tpu.memory_space<vmem>>
      tpu.wait_dma2 semaphore(%run_scoped3A_244 : memref<!tpu.dma_semaphore, #tpu.memory_space<semaphore_mem>>) src(%dma_wait3A_268 : memref<80x128xf32, #tpu.memory_space<vmem>>) dst(%dma_wait3A_264 : memref<80x128xf32, #tpu.memory_space<vmem_shared>>)
      tpu.yield
    }) : () -> ()
    %mul3A_24 = arith.constant 632 : i32
    %mul3A_25 = arith.muli %arg1, %mul3A_24 : i32
    %add3A_26 = arith.constant 240 : i32
    %add3A_27 = arith.addi %mul3A_25, %add3A_26 : i32
    %run_scoped3A_28 = arith.constant 0 : i32
    "tpu.region"() ({
      %run_scoped3A_244 = tpu.sem_alloc : memref<!tpu.dma_semaphore, #tpu.memory_space<semaphore_mem>>
      %dma_start3A_245 = arith.constant 0 : i32
      %dma_start3A_246 = arith.constant 0 : i32
      %dma_start3A_247 = tpu.memref_slice %arg8[%run_scoped3A_28, %dma_start3A_245, %dma_start3A_246] : memref<2x80x128xf32, #tpu.memory_space<vmem>> -> memref<1x80x128xf32, #tpu.memory_space<vmem>>
      %dma_start3A_248 = tpu.memref_squeeze %dma_start3A_247 : memref<1x80x128xf32, #tpu.memory_space<vmem>> -> memref<80x128xf32, #tpu.memory_space<vmem>>
      %dma_start3A_249 = arith.constant 0 : i32
      %dma_start3A_250 = tpu.memref_slice %arg10[%add3A_27, %dma_start3A_249] : memref<10112x128xf32, #tpu.memory_space<vmem_shared>> -> memref<80x128xf32, #tpu.memory_space<vmem_shared>>
      %dma_start3A_251 = arith.constant 0 : i32
      %dma_start3A_252 = tpu.memref_slice %arg10[%add3A_27, %dma_start3A_251] : memref<10112x128xf32, #tpu.memory_space<vmem_shared>> -> memref<80x128xf32, #tpu.memory_space<vmem_shared>>
      %dma_start3A_253 = arith.constant 0 : i32
      %dma_start3A_254 = arith.constant 0 : i32
      %dma_start3A_255 = tpu.memref_slice %arg8[%run_scoped3A_28, %dma_start3A_253, %dma_start3A_254] : memref<2x80x128xf32, #tpu.memory_space<vmem>> -> memref<1x80x128xf32, #tpu.memory_space<vmem>>
      %dma_start3A_256 = tpu.memref_squeeze %dma_start3A_255 : memref<1x80x128xf32, #tpu.memory_space<vmem>> -> memref<80x128xf32, #tpu.memory_space<vmem>>
      tpu.enqueue_dma source(%dma_start3A_256 : memref<80x128xf32, #tpu.memory_space<vmem>>) target(%dma_start3A_252 : memref<80x128xf32, #tpu.memory_space<vmem_shared>>) target_semaphore(%run_scoped3A_244 : memref<!tpu.dma_semaphore, #tpu.memory_space<semaphore_mem>>)
      %dma_wait3A_257 = arith.constant 0 : i32
      %dma_wait3A_258 = arith.constant 0 : i32
      %dma_wait3A_259 = tpu.memref_slice %arg8[%run_scoped3A_28, %dma_wait3A_257, %dma_wait3A_258] : memref<2x80x128xf32, #tpu.memory_space<vmem>> -> memref<1x80x128xf32, #tpu.memory_space<vmem>>
      %dma_wait3A_260 = tpu.memref_squeeze %dma_wait3A_259 : memref<1x80x128xf32, #tpu.memory_space<vmem>> -> memref<80x128xf32, #tpu.memory_space<vmem>>
      %dma_wait3A_261 = arith.constant 0 : i32
      %dma_wait3A_262 = tpu.memref_slice %arg10[%add3A_27, %dma_wait3A_261] : memref<10112x128xf32, #tpu.memory_space<vmem_shared>> -> memref<80x128xf32, #tpu.memory_space<vmem_shared>>
      %dma_wait3A_263 = arith.constant 0 : i32
      %dma_wait3A_264 = tpu.memref_slice %arg10[%add3A_27, %dma_wait3A_263] : memref<10112x128xf32, #tpu.memory_space<vmem_shared>> -> memref<80x128xf32, #tpu.memory_space<vmem_shared>>
      %dma_wait3A_265 = arith.constant 0 : i32
      %dma_wait3A_266 = arith.constant 0 : i32
      %dma_wait3A_267 = tpu.memref_slice %arg8[%run_scoped3A_28, %dma_wait3A_265, %dma_wait3A_266] : memref<2x80x128xf32, #tpu.memory_space<vmem>> -> memref<1x80x128xf32, #tpu.memory_space<vmem>>
      %dma_wait3A_268 = tpu.memref_squeeze %dma_wait3A_267 : memref<1x80x128xf32, #tpu.memory_space<vmem>> -> memref<80x128xf32, #tpu.memory_space<vmem>>
      tpu.wait_dma2 semaphore(%run_scoped3A_244 : memref<!tpu.dma_semaphore, #tpu.memory_space<semaphore_mem>>) src(%dma_wait3A_268 : memref<80x128xf32, #tpu.memory_space<vmem>>) dst(%dma_wait3A_264 : memref<80x128xf32, #tpu.memory_space<vmem_shared>>)
      tpu.yield
    }) : () -> ()
    %mul3A_29 = arith.constant 632 : i32
    %mul3A_30 = arith.muli %arg1, %mul3A_29 : i32
    %add3A_31 = arith.constant 320 : i32
    %add3A_32 = arith.addi %mul3A_30, %add3A_31 : i32
    %run_scoped3A_33 = arith.constant 0 : i32
    "tpu.region"() ({
      %run_scoped3A_244 = tpu.sem_alloc : memref<!tpu.dma_semaphore, #tpu.memory_space<semaphore_mem>>
      %dma_start3A_245 = arith.constant 0 : i32
      %dma_start3A_246 = arith.constant 0 : i32
      %dma_start3A_247 = tpu.memref_slice %arg8[%run_scoped3A_33, %dma_start3A_245, %dma_start3A_246] : memref<2x80x128xf32, #tpu.memory_space<vmem>> -> memref<1x80x128xf32, #tpu.memory_space<vmem>>
      %dma_start3A_248 = tpu.memref_squeeze %dma_start3A_247 : memref<1x80x128xf32, #tpu.memory_space<vmem>> -> memref<80x128xf32, #tpu.memory_space<vmem>>
      %dma_start3A_249 = arith.constant 0 : i32
      %dma_start3A_250 = tpu.memref_slice %arg10[%add3A_32, %dma_start3A_249] : memref<10112x128xf32, #tpu.memory_space<vmem_shared>> -> memref<80x128xf32, #tpu.memory_space<vmem_shared>>
      %dma_start3A_251 = arith.constant 0 : i32
      %dma_start3A_252 = tpu.memref_slice %arg10[%add3A_32, %dma_start3A_251] : memref<10112x128xf32, #tpu.memory_space<vmem_shared>> -> memref<80x128xf32, #tpu.memory_space<vmem_shared>>
      %dma_start3A_253 = arith.constant 0 : i32
      %dma_start3A_254 = arith.constant 0 : i32
      %dma_start3A_255 = tpu.memref_slice %arg8[%run_scoped3A_33, %dma_start3A_253, %dma_start3A_254] : memref<2x80x128xf32, #tpu.memory_space<vmem>> -> memref<1x80x128xf32, #tpu.memory_space<vmem>>
      %dma_start3A_256 = tpu.memref_squeeze %dma_start3A_255 : memref<1x80x128xf32, #tpu.memory_space<vmem>> -> memref<80x128xf32, #tpu.memory_space<vmem>>
      tpu.enqueue_dma source(%dma_start3A_256 : memref<80x128xf32, #tpu.memory_space<vmem>>) target(%dma_start3A_252 : memref<80x128xf32, #tpu.memory_space<vmem_shared>>) target_semaphore(%run_scoped3A_244 : memref<!tpu.dma_semaphore, #tpu.memory_space<semaphore_mem>>)
      %dma_wait3A_257 = arith.constant 0 : i32
      %dma_wait3A_258 = arith.constant 0 : i32
      %dma_wait3A_259 = tpu.memref_slice %arg8[%run_scoped3A_33, %dma_wait3A_257, %dma_wait3A_258] : memref<2x80x128xf32, #tpu.memory_space<vmem>> -> memref<1x80x128xf32, #tpu.memory_space<vmem>>
      %dma_wait3A_260 = tpu.memref_squeeze %dma_wait3A_259 : memref<1x80x128xf32, #tpu.memory_space<vmem>> -> memref<80x128xf32, #tpu.memory_space<vmem>>
      %dma_wait3A_261 = arith.constant 0 : i32
      %dma_wait3A_262 = tpu.memref_slice %arg10[%add3A_32, %dma_wait3A_261] : memref<10112x128xf32, #tpu.memory_space<vmem_shared>> -> memref<80x128xf32, #tpu.memory_space<vmem_shared>>
      %dma_wait3A_263 = arith.constant 0 : i32
      %dma_wait3A_264 = tpu.memref_slice %arg10[%add3A_32, %dma_wait3A_263] : memref<10112x128xf32, #tpu.memory_space<vmem_shared>> -> memref<80x128xf32, #tpu.memory_space<vmem_shared>>
      %dma_wait3A_265 = arith.constant 0 : i32
      %dma_wait3A_266 = arith.constant 0 : i32
      %dma_wait3A_267 = tpu.memref_slice %arg8[%run_scoped3A_33, %dma_wait3A_265, %dma_wait3A_266] : memref<2x80x128xf32, #tpu.memory_space<vmem>> -> memref<1x80x128xf32, #tpu.memory_space<vmem>>
      %dma_wait3A_268 = tpu.memref_squeeze %dma_wait3A_267 : memref<1x80x128xf32, #tpu.memory_space<vmem>> -> memref<80x128xf32, #tpu.memory_space<vmem>>
      tpu.wait_dma2 semaphore(%run_scoped3A_244 : memref<!tpu.dma_semaphore, #tpu.memory_space<semaphore_mem>>) src(%dma_wait3A_268 : memref<80x128xf32, #tpu.memory_space<vmem>>) dst(%dma_wait3A_264 : memref<80x128xf32, #tpu.memory_space<vmem_shared>>)
      tpu.yield
    }) : () -> ()
    %mul3A_34 = arith.constant 632 : i32
    %mul3A_35 = arith.muli %arg1, %mul3A_34 : i32
    %add3A_36 = arith.constant 400 : i32
    %add3A_37 = arith.addi %mul3A_35, %add3A_36 : i32
    %run_scoped3A_38 = arith.constant 0 : i32
    "tpu.region"() ({
      %run_scoped3A_244 = tpu.sem_alloc : memref<!tpu.dma_semaphore, #tpu.memory_space<semaphore_mem>>
      %dma_start3A_245 = arith.constant 0 : i32
      %dma_start3A_246 = arith.constant 0 : i32
      %dma_start3A_247 = tpu.memref_slice %arg8[%run_scoped3A_38, %dma_start3A_245, %dma_start3A_246] : memref<2x80x128xf32, #tpu.memory_space<vmem>> -> memref<1x80x128xf32, #tpu.memory_space<vmem>>
      %dma_start3A_248 = tpu.memref_squeeze %dma_start3A_247 : memref<1x80x128xf32, #tpu.memory_space<vmem>> -> memref<80x128xf32, #tpu.memory_space<vmem>>
      %dma_start3A_249 = arith.constant 0 : i32
      %dma_start3A_250 = tpu.memref_slice %arg10[%add3A_37, %dma_start3A_249] : memref<10112x128xf32, #tpu.memory_space<vmem_shared>> -> memref<80x128xf32, #tpu.memory_space<vmem_shared>>
      %dma_start3A_251 = arith.constant 0 : i32
      %dma_start3A_252 = tpu.memref_slice %arg10[%add3A_37, %dma_start3A_251] : memref<10112x128xf32, #tpu.memory_space<vmem_shared>> -> memref<80x128xf32, #tpu.memory_space<vmem_shared>>
      %dma_start3A_253 = arith.constant 0 : i32
      %dma_start3A_254 = arith.constant 0 : i32
      %dma_start3A_255 = tpu.memref_slice %arg8[%run_scoped3A_38, %dma_start3A_253, %dma_start3A_254] : memref<2x80x128xf32, #tpu.memory_space<vmem>> -> memref<1x80x128xf32, #tpu.memory_space<vmem>>
      %dma_start3A_256 = tpu.memref_squeeze %dma_start3A_255 : memref<1x80x128xf32, #tpu.memory_space<vmem>> -> memref<80x128xf32, #tpu.memory_space<vmem>>
      tpu.enqueue_dma source(%dma_start3A_256 : memref<80x128xf32, #tpu.memory_space<vmem>>) target(%dma_start3A_252 : memref<80x128xf32, #tpu.memory_space<vmem_shared>>) target_semaphore(%run_scoped3A_244 : memref<!tpu.dma_semaphore, #tpu.memory_space<semaphore_mem>>)
      %dma_wait3A_257 = arith.constant 0 : i32
      %dma_wait3A_258 = arith.constant 0 : i32
      %dma_wait3A_259 = tpu.memref_slice %arg8[%run_scoped3A_38, %dma_wait3A_257, %dma_wait3A_258] : memref<2x80x128xf32, #tpu.memory_space<vmem>> -> memref<1x80x128xf32, #tpu.memory_space<vmem>>
      %dma_wait3A_260 = tpu.memref_squeeze %dma_wait3A_259 : memref<1x80x128xf32, #tpu.memory_space<vmem>> -> memref<80x128xf32, #tpu.memory_space<vmem>>
      %dma_wait3A_261 = arith.constant 0 : i32
      %dma_wait3A_262 = tpu.memref_slice %arg10[%add3A_37, %dma_wait3A_261] : memref<10112x128xf32, #tpu.memory_space<vmem_shared>> -> memref<80x128xf32, #tpu.memory_space<vmem_shared>>
      %dma_wait3A_263 = arith.constant 0 : i32
      %dma_wait3A_264 = tpu.memref_slice %arg10[%add3A_37, %dma_wait3A_263] : memref<10112x128xf32, #tpu.memory_space<vmem_shared>> -> memref<80x128xf32, #tpu.memory_space<vmem_shared>>
      %dma_wait3A_265 = arith.constant 0 : i32
      %dma_wait3A_266 = arith.constant 0 : i32
      %dma_wait3A_267 = tpu.memref_slice %arg8[%run_scoped3A_38, %dma_wait3A_265, %dma_wait3A_266] : memref<2x80x128xf32, #tpu.memory_space<vmem>> -> memref<1x80x128xf32, #tpu.memory_space<vmem>>
      %dma_wait3A_268 = tpu.memref_squeeze %dma_wait3A_267 : memref<1x80x128xf32, #tpu.memory_space<vmem>> -> memref<80x128xf32, #tpu.memory_space<vmem>>
      tpu.wait_dma2 semaphore(%run_scoped3A_244 : memref<!tpu.dma_semaphore, #tpu.memory_space<semaphore_mem>>) src(%dma_wait3A_268 : memref<80x128xf32, #tpu.memory_space<vmem>>) dst(%dma_wait3A_264 : memref<80x128xf32, #tpu.memory_space<vmem_shared>>)
      tpu.yield
    }) : () -> ()
    %mul3A_39 = arith.constant 632 : i32
    %mul3A_40 = arith.muli %arg1, %mul3A_39 : i32
    %add3A_41 = arith.constant 480 : i32
    %add3A_42 = arith.addi %mul3A_40, %add3A_41 : i32
    %run_scoped3A_43 = arith.constant 0 : i32
    "tpu.region"() ({
      %run_scoped3A_244 = tpu.sem_alloc : memref<!tpu.dma_semaphore, #tpu.memory_space<semaphore_mem>>
      %dma_start3A_245 = arith.constant 0 : i32
      %dma_start3A_246 = arith.constant 0 : i32
      %dma_start3A_247 = tpu.memref_slice %arg8[%run_scoped3A_43, %dma_start3A_245, %dma_start3A_246] : memref<2x80x128xf32, #tpu.memory_space<vmem>> -> memref<1x80x128xf32, #tpu.memory_space<vmem>>
      %dma_start3A_248 = tpu.memref_squeeze %dma_start3A_247 : memref<1x80x128xf32, #tpu.memory_space<vmem>> -> memref<80x128xf32, #tpu.memory_space<vmem>>
      %dma_start3A_249 = arith.constant 0 : i32
      %dma_start3A_250 = tpu.memref_slice %arg10[%add3A_42, %dma_start3A_249] : memref<10112x128xf32, #tpu.memory_space<vmem_shared>> -> memref<80x128xf32, #tpu.memory_space<vmem_shared>>
      %dma_start3A_251 = arith.constant 0 : i32
      %dma_start3A_252 = tpu.memref_slice %arg10[%add3A_42, %dma_start3A_251] : memref<10112x128xf32, #tpu.memory_space<vmem_shared>> -> memref<80x128xf32, #tpu.memory_space<vmem_shared>>
      %dma_start3A_253 = arith.constant 0 : i32
      %dma_start3A_254 = arith.constant 0 : i32
      %dma_start3A_255 = tpu.memref_slice %arg8[%run_scoped3A_43, %dma_start3A_253, %dma_start3A_254] : memref<2x80x128xf32, #tpu.memory_space<vmem>> -> memref<1x80x128xf32, #tpu.memory_space<vmem>>
      %dma_start3A_256 = tpu.memref_squeeze %dma_start3A_255 : memref<1x80x128xf32, #tpu.memory_space<vmem>> -> memref<80x128xf32, #tpu.memory_space<vmem>>
      tpu.enqueue_dma source(%dma_start3A_256 : memref<80x128xf32, #tpu.memory_space<vmem>>) target(%dma_start3A_252 : memref<80x128xf32, #tpu.memory_space<vmem_shared>>) target_semaphore(%run_scoped3A_244 : memref<!tpu.dma_semaphore, #tpu.memory_space<semaphore_mem>>)
      %dma_wait3A_257 = arith.constant 0 : i32
      %dma_wait3A_258 = arith.constant 0 : i32
      %dma_wait3A_259 = tpu.memref_slice %arg8[%run_scoped3A_43, %dma_wait3A_257, %dma_wait3A_258] : memref<2x80x128xf32, #tpu.memory_space<vmem>> -> memref<1x80x128xf32, #tpu.memory_space<vmem>>
      %dma_wait3A_260 = tpu.memref_squeeze %dma_wait3A_259 : memref<1x80x128xf32, #tpu.memory_space<vmem>> -> memref<80x128xf32, #tpu.memory_space<vmem>>
      %dma_wait3A_261 = arith.constant 0 : i32
      %dma_wait3A_262 = tpu.memref_slice %arg10[%add3A_42, %dma_wait3A_261] : memref<10112x128xf32, #tpu.memory_space<vmem_shared>> -> memref<80x128xf32, #tpu.memory_space<vmem_shared>>
      %dma_wait3A_263 = arith.constant 0 : i32
      %dma_wait3A_264 = tpu.memref_slice %arg10[%add3A_42, %dma_wait3A_263] : memref<10112x128xf32, #tpu.memory_space<vmem_shared>> -> memref<80x128xf32, #tpu.memory_space<vmem_shared>>
      %dma_wait3A_265 = arith.constant 0 : i32
      %dma_wait3A_266 = arith.constant 0 : i32
      %dma_wait3A_267 = tpu.memref_slice %arg8[%run_scoped3A_43, %dma_wait3A_265, %dma_wait3A_266] : memref<2x80x128xf32, #tpu.memory_space<vmem>> -> memref<1x80x128xf32, #tpu.memory_space<vmem>>
      %dma_wait3A_268 = tpu.memref_squeeze %dma_wait3A_267 : memref<1x80x128xf32, #tpu.memory_space<vmem>> -> memref<80x128xf32, #tpu.memory_space<vmem>>
      tpu.wait_dma2 semaphore(%run_scoped3A_244 : memref<!tpu.dma_semaphore, #tpu.memory_space<semaphore_mem>>) src(%dma_wait3A_268 : memref<80x128xf32, #tpu.memory_space<vmem>>) dst(%dma_wait3A_264 : memref<80x128xf32, #tpu.memory_space<vmem_shared>>)
      tpu.yield
    }) : () -> ()
    %mul3A_44 = arith.constant 632 : i32
    %mul3A_45 = arith.muli %arg1, %mul3A_44 : i32
    %add3A_46 = arith.constant 560 : i32
    %add3A_47 = arith.addi %mul3A_45, %add3A_46 : i32
    %run_scoped3A_48 = arith.constant 0 : i32
    "tpu.region"() ({
      %run_scoped3A_244 = tpu.sem_alloc : memref<!tpu.dma_semaphore, #tpu.memory_space<semaphore_mem>>
      %dma_start3A_245 = arith.constant 0 : i32
      %dma_start3A_246 = arith.constant 0 : i32
      %dma_start3A_247 = tpu.memref_slice %arg8[%run_scoped3A_48, %dma_start3A_245, %dma_start3A_246] : memref<2x80x128xf32, #tpu.memory_space<vmem>> -> memref<1x80x128xf32, #tpu.memory_space<vmem>>
      %dma_start3A_248 = tpu.memref_squeeze %dma_start3A_247 : memref<1x80x128xf32, #tpu.memory_space<vmem>> -> memref<80x128xf32, #tpu.memory_space<vmem>>
      %dma_start3A_249 = arith.constant 0 : i32
      %dma_start3A_250 = arith.constant 0 : i32
      %dma_start3A_251 = tpu.memref_slice %dma_start3A_248[%dma_start3A_249, %dma_start3A_250] : memref<80x128xf32, #tpu.memory_space<vmem>> -> memref<72x128xf32, #tpu.memory_space<vmem>>
      %dma_start3A_252 = arith.constant 0 : i32
      %dma_start3A_253 = tpu.memref_slice %arg10[%add3A_47, %dma_start3A_252] : memref<10112x128xf32, #tpu.memory_space<vmem_shared>> -> memref<72x128xf32, #tpu.memory_space<vmem_shared>>
      %dma_start3A_254 = arith.constant 0 : i32
      %dma_start3A_255 = tpu.memref_slice %arg10[%add3A_47, %dma_start3A_254] : memref<10112x128xf32, #tpu.memory_space<vmem_shared>> -> memref<72x128xf32, #tpu.memory_space<vmem_shared>>
      %dma_start3A_256 = arith.constant 0 : i32
      %dma_start3A_257 = arith.constant 0 : i32
      %dma_start3A_258 = tpu.memref_slice %arg8[%run_scoped3A_48, %dma_start3A_256, %dma_start3A_257] : memref<2x80x128xf32, #tpu.memory_space<vmem>> -> memref<1x80x128xf32, #tpu.memory_space<vmem>>
      %dma_start3A_259 = tpu.memref_squeeze %dma_start3A_258 : memref<1x80x128xf32, #tpu.memory_space<vmem>> -> memref<80x128xf32, #tpu.memory_space<vmem>>
      %dma_start3A_260 = arith.constant 0 : i32
      %dma_start3A_261 = arith.constant 0 : i32
      %dma_start3A_262 = tpu.memref_slice %dma_start3A_259[%dma_start3A_260, %dma_start3A_261] : memref<80x128xf32, #tpu.memory_space<vmem>> -> memref<72x128xf32, #tpu.memory_space<vmem>>
      tpu.enqueue_dma source(%dma_start3A_262 : memref<72x128xf32, #tpu.memory_space<vmem>>) target(%dma_start3A_255 : memref<72x128xf32, #tpu.memory_space<vmem_shared>>) target_semaphore(%run_scoped3A_244 : memref<!tpu.dma_semaphore, #tpu.memory_space<semaphore_mem>>)
      %dma_wait3A_263 = arith.constant 0 : i32
      %dma_wait3A_264 = arith.constant 0 : i32
      %dma_wait3A_265 = tpu.memref_slice %arg8[%run_scoped3A_48, %dma_wait3A_263, %dma_wait3A_264] : memref<2x80x128xf32, #tpu.memory_space<vmem>> -> memref<1x80x128xf32, #tpu.memory_space<vmem>>
      %dma_wait3A_266 = tpu.memref_squeeze %dma_wait3A_265 : memref<1x80x128xf32, #tpu.memory_space<vmem>> -> memref<80x128xf32, #tpu.memory_space<vmem>>
      %dma_wait3A_267 = arith.constant 0 : i32
      %dma_wait3A_268 = arith.constant 0 : i32
      %dma_wait3A_269 = tpu.memref_slice %dma_wait3A_266[%dma_wait3A_267, %dma_wait3A_268] : memref<80x128xf32, #tpu.memory_space<vmem>> -> memref<72x128xf32, #tpu.memory_space<vmem>>
      %dma_wait3A_270 = arith.constant 0 : i32
      %dma_wait3A_271 = tpu.memref_slice %arg10[%add3A_47, %dma_wait3A_270] : memref<10112x128xf32, #tpu.memory_space<vmem_shared>> -> memref<72x128xf32, #tpu.memory_space<vmem_shared>>
      %dma_wait3A_272 = arith.constant 0 : i32
      %dma_wait3A_273 = tpu.memref_slice %arg10[%add3A_47, %dma_wait3A_272] : memref<10112x128xf32, #tpu.memory_space<vmem_shared>> -> memref<72x128xf32, #tpu.memory_space<vmem_shared>>
      %dma_wait3A_274 = arith.constant 0 : i32
      %dma_wait3A_275 = arith.constant 0 : i32
      %dma_wait3A_276 = tpu.memref_slice %arg8[%run_scoped3A_48, %dma_wait3A_274, %dma_wait3A_275] : memref<2x80x128xf32, #tpu.memory_space<vmem>> -> memref<1x80x128xf32, #tpu.memory_space<vmem>>
      %dma_wait3A_277 = tpu.memref_squeeze %dma_wait3A_276 : memref<1x80x128xf32, #tpu.memory_space<vmem>> -> memref<80x128xf32, #tpu.memory_space<vmem>>
      %dma_wait3A_278 = arith.constant 0 : i32
      %dma_wait3A_279 = arith.constant 0 : i32
      %dma_wait3A_280 = tpu.memref_slice %dma_wait3A_277[%dma_wait3A_278, %dma_wait3A_279] : memref<80x128xf32, #tpu.memory_space<vmem>> -> memref<72x128xf32, #tpu.memory_space<vmem>>
      tpu.wait_dma2 semaphore(%run_scoped3A_244 : memref<!tpu.dma_semaphore, #tpu.memory_space<semaphore_mem>>) src(%dma_wait3A_280 : memref<72x128xf32, #tpu.memory_space<vmem>>) dst(%dma_wait3A_273 : memref<72x128xf32, #tpu.memory_space<vmem_shared>>)
      tpu.yield
    }) : () -> ()
    %barrier3A = arith.constant 0 : index
    tpu.barrier barrier_id(%barrier3A)
    %add3A_49 = arith.constant 0 : i32
    %add3A_50 = arith.addi %mul3A_2, %add3A_49 : i32
    %add3A_51 = arith.constant 320000 : i32
    %add3A_52 = arith.addi %add3A_51, %mul3A_2 : i32
    %add3A_53 = arith.constant 0 : i32
    %add3A_54 = arith.addi %add3A_52, %add3A_53 : i32
    %run_scoped3A_55 = arith.constant 0 : i32
    "tpu.region"() ({
      %run_scoped3A_244 = tpu.sem_alloc : memref<!tpu.dma_semaphore, #tpu.memory_space<semaphore_mem>>
      %dma_start3A_245 = arith.constant 0 : i32
      %dma_start3A_246 = tpu.memref_slice %arg6[%run_scoped3A_55, %dma_start3A_245] : memref<4x80xi32, #tpu.memory_space<vmem>> -> memref<1x80xi32, #tpu.memory_space<vmem>>
      %dma_start3A_247 = tpu.memref_squeeze %dma_start3A_246 : memref<1x80xi32, #tpu.memory_space<vmem>> -> memref<80xi32, #tpu.memory_space<vmem>>
      %dma_start3A_248 = tpu.memref_slice %arg3[%add3A_50] : memref<640000xi32, #tpu.memory_space<hbm>> -> memref<80xi32, #tpu.memory_space<hbm>>
      %dma_start3A_249 = arith.constant 0 : i32
      %dma_start3A_250 = tpu.memref_slice %arg6[%run_scoped3A_55, %dma_start3A_249] : memref<4x80xi32, #tpu.memory_space<vmem>> -> memref<1x80xi32, #tpu.memory_space<vmem>>
      %dma_start3A_251 = tpu.memref_squeeze %dma_start3A_250 : memref<1x80xi32, #tpu.memory_space<vmem>> -> memref<80xi32, #tpu.memory_space<vmem>>
      %dma_start3A_252 = tpu.memref_slice %arg3[%add3A_50] : memref<640000xi32, #tpu.memory_space<hbm>> -> memref<80xi32, #tpu.memory_space<hbm>>
      tpu.enqueue_dma source(%dma_start3A_252 : memref<80xi32, #tpu.memory_space<hbm>>) target(%dma_start3A_251 : memref<80xi32, #tpu.memory_space<vmem>>) target_semaphore(%run_scoped3A_244 : memref<!tpu.dma_semaphore, #tpu.memory_space<semaphore_mem>>)
      %dma_wait3A_253 = arith.constant 0 : i32
      %dma_wait3A_254 = tpu.memref_slice %arg6[%run_scoped3A_55, %dma_wait3A_253] : memref<4x80xi32, #tpu.memory_space<vmem>> -> memref<1x80xi32, #tpu.memory_space<vmem>>
      %dma_wait3A_255 = tpu.memref_squeeze %dma_wait3A_254 : memref<1x80xi32, #tpu.memory_space<vmem>> -> memref<80xi32, #tpu.memory_space<vmem>>
      %dma_wait3A_256 = tpu.memref_slice %arg3[%add3A_50] : memref<640000xi32, #tpu.memory_space<hbm>> -> memref<80xi32, #tpu.memory_space<hbm>>
      %dma_wait3A_257 = arith.constant 0 : i32
      %dma_wait3A_258 = tpu.memref_slice %arg6[%run_scoped3A_55, %dma_wait3A_257] : memref<4x80xi32, #tpu.memory_space<vmem>> -> memref<1x80xi32, #tpu.memory_space<vmem>>
      %dma_wait3A_259 = tpu.memref_squeeze %dma_wait3A_258 : memref<1x80xi32, #tpu.memory_space<vmem>> -> memref<80xi32, #tpu.memory_space<vmem>>
      %dma_wait3A_260 = tpu.memref_slice %arg3[%add3A_50] : memref<640000xi32, #tpu.memory_space<hbm>> -> memref<80xi32, #tpu.memory_space<hbm>>
      tpu.wait_dma2 semaphore(%run_scoped3A_244 : memref<!tpu.dma_semaphore, #tpu.memory_space<semaphore_mem>>) src(%dma_wait3A_260 : memref<80xi32, #tpu.memory_space<hbm>>) dst(%dma_wait3A_259 : memref<80xi32, #tpu.memory_space<vmem>>)
      tpu.yield
    }) : () -> ()
    %run_scoped3A_56 = arith.constant 0 : i32
    "tpu.region"() ({
      %run_scoped3A_244 = tpu.sem_alloc : memref<!tpu.dma_semaphore, #tpu.memory_space<semaphore_mem>>
      %dma_start3A_245 = arith.constant 0 : i32
      %dma_start3A_246 = tpu.memref_slice %arg7[%run_scoped3A_56, %dma_start3A_245] : memref<4x80xi32, #tpu.memory_space<vmem>> -> memref<1x80xi32, #tpu.memory_space<vmem>>
      %dma_start3A_247 = tpu.memref_squeeze %dma_start3A_246 : memref<1x80xi32, #tpu.memory_space<vmem>> -> memref<80xi32, #tpu.memory_space<vmem>>
      %dma_start3A_248 = tpu.memref_slice %arg3[%add3A_54] : memref<640000xi32, #tpu.memory_space<hbm>> -> memref<80xi32, #tpu.memory_space<hbm>>
      %dma_start3A_249 = arith.constant 0 : i32
      %dma_start3A_250 = tpu.memref_slice %arg7[%run_scoped3A_56, %dma_start3A_249] : memref<4x80xi32, #tpu.memory_space<vmem>> -> memref<1x80xi32, #tpu.memory_space<vmem>>
      %dma_start3A_251 = tpu.memref_squeeze %dma_start3A_250 : memref<1x80xi32, #tpu.memory_space<vmem>> -> memref<80xi32, #tpu.memory_space<vmem>>
      %dma_start3A_252 = tpu.memref_slice %arg3[%add3A_54] : memref<640000xi32, #tpu.memory_space<hbm>> -> memref<80xi32, #tpu.memory_space<hbm>>
      tpu.enqueue_dma source(%dma_start3A_252 : memref<80xi32, #tpu.memory_space<hbm>>) target(%dma_start3A_251 : memref<80xi32, #tpu.memory_space<vmem>>) target_semaphore(%run_scoped3A_244 : memref<!tpu.dma_semaphore, #tpu.memory_space<semaphore_mem>>)
      %dma_wait3A_253 = arith.constant 0 : i32
      %dma_wait3A_254 = tpu.memref_slice %arg7[%run_scoped3A_56, %dma_wait3A_253] : memref<4x80xi32, #tpu.memory_space<vmem>> -> memref<1x80xi32, #tpu.memory_space<vmem>>
      %dma_wait3A_255 = tpu.memref_squeeze %dma_wait3A_254 : memref<1x80xi32, #tpu.memory_space<vmem>> -> memref<80xi32, #tpu.memory_space<vmem>>
      %dma_wait3A_256 = tpu.memref_slice %arg3[%add3A_54] : memref<640000xi32, #tpu.memory_space<hbm>> -> memref<80xi32, #tpu.memory_space<hbm>>
      %dma_wait3A_257 = arith.constant 0 : i32
      %dma_wait3A_258 = tpu.memref_slice %arg7[%run_scoped3A_56, %dma_wait3A_257] : memref<4x80xi32, #tpu.memory_space<vmem>> -> memref<1x80xi32, #tpu.memory_space<vmem>>
      %dma_wait3A_259 = tpu.memref_squeeze %dma_wait3A_258 : memref<1x80xi32, #tpu.memory_space<vmem>> -> memref<80xi32, #tpu.memory_space<vmem>>
      %dma_wait3A_260 = tpu.memref_slice %arg3[%add3A_54] : memref<640000xi32, #tpu.memory_space<hbm>> -> memref<80xi32, #tpu.memory_space<hbm>>
      tpu.wait_dma2 semaphore(%run_scoped3A_244 : memref<!tpu.dma_semaphore, #tpu.memory_space<semaphore_mem>>) src(%dma_wait3A_260 : memref<80xi32, #tpu.memory_space<hbm>>) dst(%dma_wait3A_259 : memref<80xi32, #tpu.memory_space<vmem>>)
      tpu.yield
    }) : () -> ()
    %add3A_57 = arith.constant 80 : i32
    %add3A_58 = arith.addi %mul3A_2, %add3A_57 : i32
    %add3A_59 = arith.constant 320000 : i32
    %add3A_60 = arith.addi %add3A_59, %mul3A_2 : i32
    %add3A_61 = arith.constant 80 : i32
    %add3A_62 = arith.addi %add3A_60, %add3A_61 : i32
    %run_scoped3A_63 = arith.constant 1 : i32
    "tpu.region"() ({
      %run_scoped3A_244 = tpu.sem_alloc : memref<!tpu.dma_semaphore, #tpu.memory_space<semaphore_mem>>
      %dma_start3A_245 = arith.constant 0 : i32
      %dma_start3A_246 = tpu.memref_slice %arg6[%run_scoped3A_63, %dma_start3A_245] : memref<4x80xi32, #tpu.memory_space<vmem>> -> memref<1x80xi32, #tpu.memory_space<vmem>>
      %dma_start3A_247 = tpu.memref_squeeze %dma_start3A_246 : memref<1x80xi32, #tpu.memory_space<vmem>> -> memref<80xi32, #tpu.memory_space<vmem>>
      %dma_start3A_248 = tpu.memref_slice %arg3[%add3A_58] : memref<640000xi32, #tpu.memory_space<hbm>> -> memref<80xi32, #tpu.memory_space<hbm>>
      %dma_start3A_249 = arith.constant 0 : i32
      %dma_start3A_250 = tpu.memref_slice %arg6[%run_scoped3A_63, %dma_start3A_249] : memref<4x80xi32, #tpu.memory_space<vmem>> -> memref<1x80xi32, #tpu.memory_space<vmem>>
      %dma_start3A_251 = tpu.memref_squeeze %dma_start3A_250 : memref<1x80xi32, #tpu.memory_space<vmem>> -> memref<80xi32, #tpu.memory_space<vmem>>
      %dma_start3A_252 = tpu.memref_slice %arg3[%add3A_58] : memref<640000xi32, #tpu.memory_space<hbm>> -> memref<80xi32, #tpu.memory_space<hbm>>
      tpu.enqueue_dma source(%dma_start3A_252 : memref<80xi32, #tpu.memory_space<hbm>>) target(%dma_start3A_251 : memref<80xi32, #tpu.memory_space<vmem>>) target_semaphore(%run_scoped3A_244 : memref<!tpu.dma_semaphore, #tpu.memory_space<semaphore_mem>>)
      %dma_wait3A_253 = arith.constant 0 : i32
      %dma_wait3A_254 = tpu.memref_slice %arg6[%run_scoped3A_63, %dma_wait3A_253] : memref<4x80xi32, #tpu.memory_space<vmem>> -> memref<1x80xi32, #tpu.memory_space<vmem>>
      %dma_wait3A_255 = tpu.memref_squeeze %dma_wait3A_254 : memref<1x80xi32, #tpu.memory_space<vmem>> -> memref<80xi32, #tpu.memory_space<vmem>>
      %dma_wait3A_256 = tpu.memref_slice %arg3[%add3A_58] : memref<640000xi32, #tpu.memory_space<hbm>> -> memref<80xi32, #tpu.memory_space<hbm>>
      %dma_wait3A_257 = arith.constant 0 : i32
      %dma_wait3A_258 = tpu.memref_slice %arg6[%run_scoped3A_63, %dma_wait3A_257] : memref<4x80xi32, #tpu.memory_space<vmem>> -> memref<1x80xi32, #tpu.memory_space<vmem>>
      %dma_wait3A_259 = tpu.memref_squeeze %dma_wait3A_258 : memref<1x80xi32, #tpu.memory_space<vmem>> -> memref<80xi32, #tpu.memory_space<vmem>>
      %dma_wait3A_260 = tpu.memref_slice %arg3[%add3A_58] : memref<640000xi32, #tpu.memory_space<hbm>> -> memref<80xi32, #tpu.memory_space<hbm>>
      tpu.wait_dma2 semaphore(%run_scoped3A_244 : memref<!tpu.dma_semaphore, #tpu.memory_space<semaphore_mem>>) src(%dma_wait3A_260 : memref<80xi32, #tpu.memory_space<hbm>>) dst(%dma_wait3A_259 : memref<80xi32, #tpu.memory_space<vmem>>)
      tpu.yield
    }) : () -> ()
    %run_scoped3A_64 = arith.constant 1 : i32
    "tpu.region"() ({
      %run_scoped3A_244 = tpu.sem_alloc : memref<!tpu.dma_semaphore, #tpu.memory_space<semaphore_mem>>
      %dma_start3A_245 = arith.constant 0 : i32
      %dma_start3A_246 = tpu.memref_slice %arg7[%run_scoped3A_64, %dma_start3A_245] : memref<4x80xi32, #tpu.memory_space<vmem>> -> memref<1x80xi32, #tpu.memory_space<vmem>>
      %dma_start3A_247 = tpu.memref_squeeze %dma_start3A_246 : memref<1x80xi32, #tpu.memory_space<vmem>> -> memref<80xi32, #tpu.memory_space<vmem>>
      %dma_start3A_248 = tpu.memref_slice %arg3[%add3A_62] : memref<640000xi32, #tpu.memory_space<hbm>> -> memref<80xi32, #tpu.memory_space<hbm>>
      %dma_start3A_249 = arith.constant 0 : i32
      %dma_start3A_250 = tpu.memref_slice %arg7[%run_scoped3A_64, %dma_start3A_249] : memref<4x80xi32, #tpu.memory_space<vmem>> -> memref<1x80xi32, #tpu.memory_space<vmem>>
      %dma_start3A_251 = tpu.memref_squeeze %dma_start3A_250 : memref<1x80xi32, #tpu.memory_space<vmem>> -> memref<80xi32, #tpu.memory_space<vmem>>
      %dma_start3A_252 = tpu.memref_slice %arg3[%add3A_62] : memref<640000xi32, #tpu.memory_space<hbm>> -> memref<80xi32, #tpu.memory_space<hbm>>
      tpu.enqueue_dma source(%dma_start3A_252 : memref<80xi32, #tpu.memory_space<hbm>>) target(%dma_start3A_251 : memref<80xi32, #tpu.memory_space<vmem>>) target_semaphore(%run_scoped3A_244 : memref<!tpu.dma_semaphore, #tpu.memory_space<semaphore_mem>>)
      %dma_wait3A_253 = arith.constant 0 : i32
      %dma_wait3A_254 = tpu.memref_slice %arg7[%run_scoped3A_64, %dma_wait3A_253] : memref<4x80xi32, #tpu.memory_space<vmem>> -> memref<1x80xi32, #tpu.memory_space<vmem>>
      %dma_wait3A_255 = tpu.memref_squeeze %dma_wait3A_254 : memref<1x80xi32, #tpu.memory_space<vmem>> -> memref<80xi32, #tpu.memory_space<vmem>>
      %dma_wait3A_256 = tpu.memref_slice %arg3[%add3A_62] : memref<640000xi32, #tpu.memory_space<hbm>> -> memref<80xi32, #tpu.memory_space<hbm>>
      %dma_wait3A_257 = arith.constant 0 : i32
      %dma_wait3A_258 = tpu.memref_slice %arg7[%run_scoped3A_64, %dma_wait3A_257] : memref<4x80xi32, #tpu.memory_space<vmem>> -> memref<1x80xi32, #tpu.memory_space<vmem>>
      %dma_wait3A_259 = tpu.memref_squeeze %dma_wait3A_258 : memref<1x80xi32, #tpu.memory_space<vmem>> -> memref<80xi32, #tpu.memory_space<vmem>>
      %dma_wait3A_260 = tpu.memref_slice %arg3[%add3A_62] : memref<640000xi32, #tpu.memory_space<hbm>> -> memref<80xi32, #tpu.memory_space<hbm>>
      tpu.wait_dma2 semaphore(%run_scoped3A_244 : memref<!tpu.dma_semaphore, #tpu.memory_space<semaphore_mem>>) src(%dma_wait3A_260 : memref<80xi32, #tpu.memory_space<hbm>>) dst(%dma_wait3A_259 : memref<80xi32, #tpu.memory_space<vmem>>)
      tpu.yield
    }) : () -> ()
    %dma_start3A = arith.constant 0 : i32
    %dma_start3A_65 = arith.constant 0 : i32
    %dma_start3A_66 = arith.constant 0 : i32
    %dma_start3A_67 = arith.constant 0 : i32
    %dma_start3A_68 = tpu.memref_slice %arg8[%dma_start3A_65, %dma_start3A_66, %dma_start3A_67] : memref<2x80x128xf32, #tpu.memory_space<vmem>> -> memref<1x80x128xf32, #tpu.memory_space<vmem>>
    %dma_start3A_69 = tpu.memref_squeeze %dma_start3A_68 : memref<1x80x128xf32, #tpu.memory_space<vmem>> -> memref<80x128xf32, #tpu.memory_space<vmem>>
    %dma_start3A_70 = arith.constant 0 : i32
    %dma_start3A_71 = tpu.memref_slice %arg6[%dma_start3A, %dma_start3A_70] : memref<4x80xi32, #tpu.memory_space<vmem>> -> memref<1x80xi32, #tpu.memory_space<vmem>>
    %dma_start3A_72 = tpu.memref_squeeze %dma_start3A_71 : memref<1x80xi32, #tpu.memory_space<vmem>> -> memref<80xi32, #tpu.memory_space<vmem>>
    %dma_start3A_73 = arith.constant 0 : i32
    %dma_start3A_74 = arith.constant 0 : i32
    %dma_start3A_75 = tpu.memref_slice %arg2[%dma_start3A_73, %dma_start3A_74] : memref<10000x128xf32, #tpu.memory_space<hbm>> -> memref<10000x128xf32, #tpu.memory_space<hbm>>
    tpu.enqueue_indirect_dma source(%dma_start3A_75 : memref<10000x128xf32, #tpu.memory_space<hbm>>) target(%dma_start3A_69 : memref<80x128xf32, #tpu.memory_space<vmem>>) offsets(%dma_start3A_72 : memref<80xi32, #tpu.memory_space<vmem>>) semaphore(%arg11 : memref<!tpu.dma_semaphore, #tpu.memory_space<semaphore_mem>>)
    %add3A_76 = arith.constant 0 : i32
    %add3A_77 = arith.addi %mul3A_2, %add3A_76 : i32
    %dma_start3A_78 = arith.constant 0 : i32
    %dma_start3A_79 = arith.constant 0 : i32
    %dma_start3A_80 = arith.constant 0 : i32
    %dma_start3A_81 = tpu.memref_slice %arg9[%dma_start3A_78, %dma_start3A_79, %dma_start3A_80] : memref<2x80x64xi32, #tpu.memory_space<vmem>> -> memref<1x80x64xi32, #tpu.memory_space<vmem>>
    %dma_start3A_82 = tpu.memref_squeeze %dma_start3A_81 : memref<1x80x64xi32, #tpu.memory_space<vmem>> -> memref<80x64xi32, #tpu.memory_space<vmem>>
    %dma_start3A_83 = arith.constant 0 : i32
    %dma_start3A_84 = tpu.memref_slice %arg4[%add3A_77, %dma_start3A_83] : memref<320000x64xi32, #tpu.memory_space<hbm>> -> memref<80x64xi32, #tpu.memory_space<hbm>>
    %dma_start3A_85 = arith.constant 0 : i32
    %dma_start3A_86 = arith.constant 0 : i32
    %dma_start3A_87 = tpu.memref_slice %arg9[%dma_start3A_78, %dma_start3A_85, %dma_start3A_86] : memref<2x80x64xi32, #tpu.memory_space<vmem>> -> memref<1x80x64xi32, #tpu.memory_space<vmem>>
    %dma_start3A_88 = tpu.memref_squeeze %dma_start3A_87 : memref<1x80x64xi32, #tpu.memory_space<vmem>> -> memref<80x64xi32, #tpu.memory_space<vmem>>
    %dma_start3A_89 = arith.constant 0 : i32
    %dma_start3A_90 = tpu.memref_slice %arg4[%add3A_77, %dma_start3A_89] : memref<320000x64xi32, #tpu.memory_space<hbm>> -> memref<80x64xi32, #tpu.memory_space<hbm>>
    tpu.enqueue_dma source(%dma_start3A_90 : memref<80x64xi32, #tpu.memory_space<hbm>>) target(%dma_start3A_88 : memref<80x64xi32, #tpu.memory_space<vmem>>) target_semaphore(%arg13 : memref<!tpu.dma_semaphore, #tpu.memory_space<semaphore_mem>>)
    %scan3A_91 = arith.constant 0 : i32
    %scan3A_92 = arith.constant 0 : i32
    %scan3A_93 = arith.constant 31 : i32
    %scan3A_94 = arith.addi %scan3A_92, %scan3A_93 : i32
    %scan3A_95 = arith.constant 1 : i32
    scf.for %scan3A_244 = %scan3A_92 to %scan3A_94 step %scan3A_95  : i32 {
      %mul3A_245 = arith.constant 4 : i32
      %mul3A_246 = arith.muli %mul3A_245, %scan3A_244 : i32
      %add3A_247 = arith.constant 0 : i32
      %add3A_248 = arith.addi %mul3A_246, %add3A_247 : i32
      %ge3A = arith.constant 1 : i32
      %ge3A_249 = arith.cmpi sge, %scan3A_244, %ge3A : i32
      %convert_element_type3A = arith.extui %ge3A_249 : i1 to i32
      %cond3A = arith.constant 0 : i32
      %cond3A_250 = arith.cmpi ne, %convert_element_type3A, %cond3A : i32
      scf.if %cond3A_250 {
        %dma_wait3A_805 = arith.constant 1 : i32
        %dma_wait3A_806 = arith.constant 0 : i32
        %dma_wait3A_807 = arith.constant 0 : i32
        %dma_wait3A_808 = tpu.memref_slice %arg8[%dma_wait3A_805, %dma_wait3A_806, %dma_wait3A_807] : memref<2x80x128xf32, #tpu.memory_space<vmem>> -> memref<1x80x128xf32, #tpu.memory_space<vmem>>
        %dma_wait3A_809 = tpu.memref_squeeze %dma_wait3A_808 : memref<1x80x128xf32, #tpu.memory_space<vmem>> -> memref<80x128xf32, #tpu.memory_space<vmem>>
        %dma_wait3A_810 = arith.constant 0 : i32
        %dma_wait3A_811 = arith.constant 0 : i32
        %dma_wait3A_812 = tpu.memref_slice %arg10[%dma_wait3A_810, %dma_wait3A_811] : memref<10112x128xf32, #tpu.memory_space<vmem_shared>> -> memref<80x128xf32, #tpu.memory_space<vmem_shared>>
        %dma_wait3A_813 = arith.constant 0 : i32
        %dma_wait3A_814 = arith.constant 0 : i32
        %dma_wait3A_815 = tpu.memref_slice %arg10[%dma_wait3A_813, %dma_wait3A_814] : memref<10112x128xf32, #tpu.memory_space<vmem_shared>> -> memref<80x128xf32, #tpu.memory_space<vmem_shared>>
        %dma_wait3A_816 = arith.constant 0 : i32
        %dma_wait3A_817 = arith.constant 0 : i32
        %dma_wait3A_818 = tpu.memref_slice %arg8[%dma_wait3A_805, %dma_wait3A_816, %dma_wait3A_817] : memref<2x80x128xf32, #tpu.memory_space<vmem>> -> memref<1x80x128xf32, #tpu.memory_space<vmem>>
        %dma_wait3A_819 = tpu.memref_squeeze %dma_wait3A_818 : memref<1x80x128xf32, #tpu.memory_space<vmem>> -> memref<80x128xf32, #tpu.memory_space<vmem>>
        tpu.wait_dma2 semaphore(%arg16 : memref<!tpu.dma_semaphore, #tpu.memory_space<semaphore_mem>>) src(%dma_wait3A_819 : memref<80x128xf32, #tpu.memory_space<vmem>>) dst(%dma_wait3A_815 : memref<80x128xf32, #tpu.memory_space<vmem_shared>>)
        %dma_wait3A_820 = arith.constant 1 : i32
        %dma_wait3A_821 = arith.constant 0 : i32
        %dma_wait3A_822 = tpu.memref_slice %arg6[%dma_wait3A_820, %dma_wait3A_821] : memref<4x80xi32, #tpu.memory_space<vmem>> -> memref<1x80xi32, #tpu.memory_space<vmem>>
        %dma_wait3A_823 = tpu.memref_squeeze %dma_wait3A_822 : memref<1x80xi32, #tpu.memory_space<vmem>> -> memref<80xi32, #tpu.memory_space<vmem>>
        %dma_wait3A_824 = arith.constant 0 : i32
        %dma_wait3A_825 = tpu.memref_slice %arg3[%dma_wait3A_824] : memref<640000xi32, #tpu.memory_space<hbm>> -> memref<80xi32, #tpu.memory_space<hbm>>
        %dma_wait3A_826 = arith.constant 0 : i32
        %dma_wait3A_827 = tpu.memref_slice %arg6[%dma_wait3A_820, %dma_wait3A_826] : memref<4x80xi32, #tpu.memory_space<vmem>> -> memref<1x80xi32, #tpu.memory_space<vmem>>
        %dma_wait3A_828 = tpu.memref_squeeze %dma_wait3A_827 : memref<1x80xi32, #tpu.memory_space<vmem>> -> memref<80xi32, #tpu.memory_space<vmem>>
        %dma_wait3A_829 = arith.constant 0 : i32
        %dma_wait3A_830 = tpu.memref_slice %arg3[%dma_wait3A_829] : memref<640000xi32, #tpu.memory_space<hbm>> -> memref<80xi32, #tpu.memory_space<hbm>>
        tpu.wait_dma2 semaphore(%arg18 : memref<!tpu.dma_semaphore, #tpu.memory_space<semaphore_mem>>) src(%dma_wait3A_830 : memref<80xi32, #tpu.memory_space<hbm>>) dst(%dma_wait3A_828 : memref<80xi32, #tpu.memory_space<vmem>>)
        %dma_wait3A_831 = arith.constant 1 : i32
        %dma_wait3A_832 = arith.constant 0 : i32
        %dma_wait3A_833 = tpu.memref_slice %arg7[%dma_wait3A_831, %dma_wait3A_832] : memref<4x80xi32, #tpu.memory_space<vmem>> -> memref<1x80xi32, #tpu.memory_space<vmem>>
        %dma_wait3A_834 = tpu.memref_squeeze %dma_wait3A_833 : memref<1x80xi32, #tpu.memory_space<vmem>> -> memref<80xi32, #tpu.memory_space<vmem>>
        %dma_wait3A_835 = arith.constant 0 : i32
        %dma_wait3A_836 = tpu.memref_slice %arg3[%dma_wait3A_835] : memref<640000xi32, #tpu.memory_space<hbm>> -> memref<80xi32, #tpu.memory_space<hbm>>
        %dma_wait3A_837 = arith.constant 0 : i32
        %dma_wait3A_838 = tpu.memref_slice %arg7[%dma_wait3A_831, %dma_wait3A_837] : memref<4x80xi32, #tpu.memory_space<vmem>> -> memref<1x80xi32, #tpu.memory_space<vmem>>
        %dma_wait3A_839 = tpu.memref_squeeze %dma_wait3A_838 : memref<1x80xi32, #tpu.memory_space<vmem>> -> memref<80xi32, #tpu.memory_space<vmem>>
        %dma_wait3A_840 = arith.constant 0 : i32
        %dma_wait3A_841 = tpu.memref_slice %arg3[%dma_wait3A_840] : memref<640000xi32, #tpu.memory_space<hbm>> -> memref<80xi32, #tpu.memory_space<hbm>>
        tpu.wait_dma2 semaphore(%arg18 : memref<!tpu.dma_semaphore, #tpu.memory_space<semaphore_mem>>) src(%dma_wait3A_841 : memref<80xi32, #tpu.memory_space<hbm>>) dst(%dma_wait3A_839 : memref<80xi32, #tpu.memory_space<vmem>>)
      } else {
      }
      %add3A_251 = arith.constant 1 : i32
      %add3A_252 = arith.addi %add3A_248, %add3A_251 : i32
      %dma_start3A_253 = arith.constant 1 : i32
      %dma_start3A_254 = arith.constant 1 : i32
      %dma_start3A_255 = arith.constant 0 : i32
      %dma_start3A_256 = arith.constant 0 : i32
      %dma_start3A_257 = tpu.memref_slice %arg8[%dma_start3A_254, %dma_start3A_255, %dma_start3A_256] : memref<2x80x128xf32, #tpu.memory_space<vmem>> -> memref<1x80x128xf32, #tpu.memory_space<vmem>>
      %dma_start3A_258 = tpu.memref_squeeze %dma_start3A_257 : memref<1x80x128xf32, #tpu.memory_space<vmem>> -> memref<80x128xf32, #tpu.memory_space<vmem>>
      %dma_start3A_259 = arith.constant 0 : i32
      %dma_start3A_260 = tpu.memref_slice %arg6[%dma_start3A_253, %dma_start3A_259] : memref<4x80xi32, #tpu.memory_space<vmem>> -> memref<1x80xi32, #tpu.memory_space<vmem>>
      %dma_start3A_261 = tpu.memref_squeeze %dma_start3A_260 : memref<1x80xi32, #tpu.memory_space<vmem>> -> memref<80xi32, #tpu.memory_space<vmem>>
      %dma_start3A_262 = arith.constant 0 : i32
      %dma_start3A_263 = arith.constant 0 : i32
      %dma_start3A_264 = tpu.memref_slice %arg2[%dma_start3A_262, %dma_start3A_263] : memref<10000x128xf32, #tpu.memory_space<hbm>> -> memref<10000x128xf32, #tpu.memory_space<hbm>>
      tpu.enqueue_indirect_dma source(%dma_start3A_264 : memref<10000x128xf32, #tpu.memory_space<hbm>>) target(%dma_start3A_258 : memref<80x128xf32, #tpu.memory_space<vmem>>) offsets(%dma_start3A_261 : memref<80xi32, #tpu.memory_space<vmem>>) semaphore(%arg12 : memref<!tpu.dma_semaphore, #tpu.memory_space<semaphore_mem>>)
      %mul3A_265 = arith.constant 80 : i32
      %mul3A_266 = arith.muli %add3A_252, %mul3A_265 : i32
      %add3A_267 = arith.addi %mul3A_2, %mul3A_266 : i32
      %dma_start3A_268 = arith.constant 1 : i32
      %dma_start3A_269 = arith.constant 0 : i32
      %dma_start3A_270 = arith.constant 0 : i32
      %dma_start3A_271 = tpu.memref_slice %arg9[%dma_start3A_268, %dma_start3A_269, %dma_start3A_270] : memref<2x80x64xi32, #tpu.memory_space<vmem>> -> memref<1x80x64xi32, #tpu.memory_space<vmem>>
      %dma_start3A_272 = tpu.memref_squeeze %dma_start3A_271 : memref<1x80x64xi32, #tpu.memory_space<vmem>> -> memref<80x64xi32, #tpu.memory_space<vmem>>
      %dma_start3A_273 = arith.constant 0 : i32
      %dma_start3A_274 = tpu.memref_slice %arg4[%add3A_267, %dma_start3A_273] : memref<320000x64xi32, #tpu.memory_space<hbm>> -> memref<80x64xi32, #tpu.memory_space<hbm>>
      %dma_start3A_275 = arith.constant 0 : i32
      %dma_start3A_276 = arith.constant 0 : i32
      %dma_start3A_277 = tpu.memref_slice %arg9[%dma_start3A_268, %dma_start3A_275, %dma_start3A_276] : memref<2x80x64xi32, #tpu.memory_space<vmem>> -> memref<1x80x64xi32, #tpu.memory_space<vmem>>
      %dma_start3A_278 = tpu.memref_squeeze %dma_start3A_277 : memref<1x80x64xi32, #tpu.memory_space<vmem>> -> memref<80x64xi32, #tpu.memory_space<vmem>>
      %dma_start3A_279 = arith.constant 0 : i32
      %dma_start3A_280 = tpu.memref_slice %arg4[%add3A_267, %dma_start3A_279] : memref<320000x64xi32, #tpu.memory_space<hbm>> -> memref<80x64xi32, #tpu.memory_space<hbm>>
      tpu.enqueue_dma source(%dma_start3A_280 : memref<80x64xi32, #tpu.memory_space<hbm>>) target(%dma_start3A_278 : memref<80x64xi32, #tpu.memory_space<vmem>>) target_semaphore(%arg14 : memref<!tpu.dma_semaphore, #tpu.memory_space<semaphore_mem>>)
      %dma_wait3A_281 = arith.constant 0 : i32
      %dma_wait3A_282 = arith.constant 0 : i32
      %dma_wait3A_283 = arith.constant 0 : i32
      %dma_wait3A_284 = tpu.memref_slice %arg8[%dma_wait3A_281, %dma_wait3A_282, %dma_wait3A_283] : memref<2x80x128xf32, #tpu.memory_space<vmem>> -> memref<1x80x128xf32, #tpu.memory_space<vmem>>
      %dma_wait3A_285 = tpu.memref_squeeze %dma_wait3A_284 : memref<1x80x128xf32, #tpu.memory_space<vmem>> -> memref<80x128xf32, #tpu.memory_space<vmem>>
      %dma_wait3A_286 = arith.constant 0 : i32
      %dma_wait3A_287 = arith.constant 0 : i32
      %dma_wait3A_288 = tpu.memref_slice %arg2[%dma_wait3A_286, %dma_wait3A_287] : memref<10000x128xf32, #tpu.memory_space<hbm>> -> memref<80x128xf32, #tpu.memory_space<hbm>>
      %dma_wait3A_289 = arith.constant 0 : i32
      %dma_wait3A_290 = arith.constant 0 : i32
      %dma_wait3A_291 = tpu.memref_slice %arg8[%dma_wait3A_281, %dma_wait3A_289, %dma_wait3A_290] : memref<2x80x128xf32, #tpu.memory_space<vmem>> -> memref<1x80x128xf32, #tpu.memory_space<vmem>>
      %dma_wait3A_292 = tpu.memref_squeeze %dma_wait3A_291 : memref<1x80x128xf32, #tpu.memory_space<vmem>> -> memref<80x128xf32, #tpu.memory_space<vmem>>
      %dma_wait3A_293 = arith.constant 0 : i32
      %dma_wait3A_294 = arith.constant 0 : i32
      %dma_wait3A_295 = tpu.memref_slice %arg2[%dma_wait3A_293, %dma_wait3A_294] : memref<10000x128xf32, #tpu.memory_space<hbm>> -> memref<80x128xf32, #tpu.memory_space<hbm>>
      tpu.wait_dma2 semaphore(%arg11 : memref<!tpu.dma_semaphore, #tpu.memory_space<semaphore_mem>>) src(%dma_wait3A_295 : memref<80x128xf32, #tpu.memory_space<hbm>>) dst(%dma_wait3A_292 : memref<80x128xf32, #tpu.memory_space<vmem>>)
      %dma_wait3A_296 = arith.constant 0 : i32
      %dma_wait3A_297 = arith.constant 0 : i32
      %dma_wait3A_298 = arith.constant 0 : i32
      %dma_wait3A_299 = tpu.memref_slice %arg9[%dma_wait3A_296, %dma_wait3A_297, %dma_wait3A_298] : memref<2x80x64xi32, #tpu.memory_space<vmem>> -> memref<1x80x64xi32, #tpu.memory_space<vmem>>
      %dma_wait3A_300 = tpu.memref_squeeze %dma_wait3A_299 : memref<1x80x64xi32, #tpu.memory_space<vmem>> -> memref<80x64xi32, #tpu.memory_space<vmem>>
      %dma_wait3A_301 = arith.constant 0 : i32
      %dma_wait3A_302 = arith.constant 0 : i32
      %dma_wait3A_303 = tpu.memref_slice %arg4[%dma_wait3A_301, %dma_wait3A_302] : memref<320000x64xi32, #tpu.memory_space<hbm>> -> memref<80x64xi32, #tpu.memory_space<hbm>>
      %dma_wait3A_304 = arith.constant 0 : i32
      %dma_wait3A_305 = arith.constant 0 : i32
      %dma_wait3A_306 = tpu.memref_slice %arg9[%dma_wait3A_296, %dma_wait3A_304, %dma_wait3A_305] : memref<2x80x64xi32, #tpu.memory_space<vmem>> -> memref<1x80x64xi32, #tpu.memory_space<vmem>>
      %dma_wait3A_307 = tpu.memref_squeeze %dma_wait3A_306 : memref<1x80x64xi32, #tpu.memory_space<vmem>> -> memref<80x64xi32, #tpu.memory_space<vmem>>
      %dma_wait3A_308 = arith.constant 0 : i32
      %dma_wait3A_309 = arith.constant 0 : i32
      %dma_wait3A_310 = tpu.memref_slice %arg4[%dma_wait3A_308, %dma_wait3A_309] : memref<320000x64xi32, #tpu.memory_space<hbm>> -> memref<80x64xi32, #tpu.memory_space<hbm>>
      tpu.wait_dma2 semaphore(%arg13 : memref<!tpu.dma_semaphore, #tpu.memory_space<semaphore_mem>>) src(%dma_wait3A_310 : memref<80x64xi32, #tpu.memory_space<hbm>>) dst(%dma_wait3A_307 : memref<80x64xi32, #tpu.memory_space<vmem>>)
      %add3A_311 = arith.constant 2 : i32
      %add3A_312 = arith.addi %add3A_248, %add3A_311 : i32
      %min3A = arith.constant 124 : i32
      %min3A_313 = arith.minsi %add3A_312, %min3A : i32
      %mul3A_314 = arith.constant 80 : i32
      %mul3A_315 = arith.muli %min3A_313, %mul3A_314 : i32
      %add3A_316 = arith.addi %mul3A_2, %mul3A_315 : i32
      %add3A_317 = arith.constant 320000 : i32
      %add3A_318 = arith.addi %add3A_317, %mul3A_2 : i32
      %mul3A_319 = arith.constant 80 : i32
      %mul3A_320 = arith.muli %min3A_313, %mul3A_319 : i32
      %add3A_321 = arith.addi %add3A_318, %mul3A_320 : i32
      %dma_start3A_322 = arith.constant 2 : i32
      %dma_start3A_323 = arith.constant 0 : i32
      %dma_start3A_324 = tpu.memref_slice %arg6[%dma_start3A_322, %dma_start3A_323] : memref<4x80xi32, #tpu.memory_space<vmem>> -> memref<1x80xi32, #tpu.memory_space<vmem>>
      %dma_start3A_325 = tpu.memref_squeeze %dma_start3A_324 : memref<1x80xi32, #tpu.memory_space<vmem>> -> memref<80xi32, #tpu.memory_space<vmem>>
      %dma_start3A_326 = tpu.memref_slice %arg3[%add3A_316] : memref<640000xi32, #tpu.memory_space<hbm>> -> memref<80xi32, #tpu.memory_space<hbm>>
      %dma_start3A_327 = arith.constant 0 : i32
      %dma_start3A_328 = tpu.memref_slice %arg6[%dma_start3A_322, %dma_start3A_327] : memref<4x80xi32, #tpu.memory_space<vmem>> -> memref<1x80xi32, #tpu.memory_space<vmem>>
      %dma_start3A_329 = tpu.memref_squeeze %dma_start3A_328 : memref<1x80xi32, #tpu.memory_space<vmem>> -> memref<80xi32, #tpu.memory_space<vmem>>
      %dma_start3A_330 = tpu.memref_slice %arg3[%add3A_316] : memref<640000xi32, #tpu.memory_space<hbm>> -> memref<80xi32, #tpu.memory_space<hbm>>
      tpu.enqueue_dma source(%dma_start3A_330 : memref<80xi32, #tpu.memory_space<hbm>>) target(%dma_start3A_329 : memref<80xi32, #tpu.memory_space<vmem>>) target_semaphore(%arg19 : memref<!tpu.dma_semaphore, #tpu.memory_space<semaphore_mem>>)
      %dma_start3A_331 = arith.constant 2 : i32
      %dma_start3A_332 = arith.constant 0 : i32
      %dma_start3A_333 = tpu.memref_slice %arg7[%dma_start3A_331, %dma_start3A_332] : memref<4x80xi32, #tpu.memory_space<vmem>> -> memref<1x80xi32, #tpu.memory_space<vmem>>
      %dma_start3A_334 = tpu.memref_squeeze %dma_start3A_333 : memref<1x80xi32, #tpu.memory_space<vmem>> -> memref<80xi32, #tpu.memory_space<vmem>>
      %dma_start3A_335 = tpu.memref_slice %arg3[%add3A_321] : memref<640000xi32, #tpu.memory_space<hbm>> -> memref<80xi32, #tpu.memory_space<hbm>>
      %dma_start3A_336 = arith.constant 0 : i32
      %dma_start3A_337 = tpu.memref_slice %arg7[%dma_start3A_331, %dma_start3A_336] : memref<4x80xi32, #tpu.memory_space<vmem>> -> memref<1x80xi32, #tpu.memory_space<vmem>>
      %dma_start3A_338 = tpu.memref_squeeze %dma_start3A_337 : memref<1x80xi32, #tpu.memory_space<vmem>> -> memref<80xi32, #tpu.memory_space<vmem>>
      %dma_start3A_339 = tpu.memref_slice %arg3[%add3A_321] : memref<640000xi32, #tpu.memory_space<hbm>> -> memref<80xi32, #tpu.memory_space<hbm>>
      tpu.enqueue_dma source(%dma_start3A_339 : memref<80xi32, #tpu.memory_space<hbm>>) target(%dma_start3A_338 : memref<80xi32, #tpu.memory_space<vmem>>) target_semaphore(%arg19 : memref<!tpu.dma_semaphore, #tpu.memory_space<semaphore_mem>>)
      %parallel_loop3A_340 = arith.constant 0 : i32
      %parallel_loop3A_341 = arith.constant 80 : i32
      %parallel_loop3A_342 = arith.constant 1 : i32
      %parallel_loop3A_343 = arith.constant 0 : i32
      %parallel_loop3A_344 = arith.constant -65536 : i32
      %parallel_loop3A_345 = arith.constant 0 : i32
      scf.for %parallel_loop3A_805 = %parallel_loop3A_340 to %parallel_loop3A_341 step %parallel_loop3A_342  : i32 {
        %parallel_loop3A_806 = arith.constant 0 : i32
        %parallel_loop3A_807 = arith.constant 0 : i32
        %parallel_loop3A_808 = tpu.memref_slice %arg9[%parallel_loop3A_343, %parallel_loop3A_806, %parallel_loop3A_807] : memref<2x80x64xi32, #tpu.memory_space<vmem>> -> memref<1x80x64xi32, #tpu.memory_space<vmem>>
        %parallel_loop3A_809 = tpu.memref_squeeze %parallel_loop3A_808 : memref<1x80x64xi32, #tpu.memory_space<vmem>> -> memref<80x64xi32, #tpu.memory_space<vmem>>
        %parallel_loop3A_810 = arith.index_cast %parallel_loop3A_805 : i32 to index
        %parallel_loop3A_811 = arith.constant 0 : index
        %parallel_loop3A_812 = tpu.vector_load %parallel_loop3A_809[%parallel_loop3A_810, %parallel_loop3A_811] {strides = array<i32>} : memref<80x64xi32, #tpu.memory_space<vmem>>, vector<1x16xi32>,
        %parallel_loop3A_813 = vector.shape_cast %parallel_loop3A_812 : vector<1x16xi32> to vector<16xi32>
        %parallel_loop3A_814 = arith.constant 16 : i32
        %parallel_loop3A_815 = vector.broadcast %parallel_loop3A_814 : i32 to vector<16xi32>
        %parallel_loop3A_816 = arith.shli %parallel_loop3A_813, %parallel_loop3A_815 : vector<16xi32>
        %parallel_loop3A_817 = tpu.bitcast %parallel_loop3A_816 : vector<16xi32> -> vector<16xf32>
        %parallel_loop3A_818 = vector.broadcast %parallel_loop3A_344 : i32 to vector<16xi32>
        %parallel_loop3A_819 = arith.andi %parallel_loop3A_813, %parallel_loop3A_818 : vector<16xi32>
        %parallel_loop3A_820 = tpu.bitcast %parallel_loop3A_819 : vector<16xi32> -> vector<16xf32>
        %parallel_loop3A_821 = arith.constant 0 : i32
        %parallel_loop3A_822 = arith.constant 0 : i32
        %parallel_loop3A_823 = tpu.memref_slice %arg8[%parallel_loop3A_345, %parallel_loop3A_821, %parallel_loop3A_822] : memref<2x80x128xf32, #tpu.memory_space<vmem>> -> memref<1x80x128xf32, #tpu.memory_space<vmem>>
        %parallel_loop3A_824 = tpu.memref_squeeze %parallel_loop3A_823 : memref<1x80x128xf32, #tpu.memory_space<vmem>> -> memref<80x128xf32, #tpu.memory_space<vmem>>
        %parallel_loop3A_825 = arith.index_cast %parallel_loop3A_805 : i32 to index
        %parallel_loop3A_826 = arith.constant 0 : index
        %parallel_loop3A_827 = tpu.vector_load %parallel_loop3A_824[%parallel_loop3A_825, %parallel_loop3A_826] {strides = array<i32>} : memref<80x128xf32, #tpu.memory_space<vmem>>, vector<1x16xf32>,
        %parallel_loop3A_828 = vector.shape_cast %parallel_loop3A_827 : vector<1x16xf32> to vector<16xf32>
        %parallel_loop3A_829 = arith.mulf %parallel_loop3A_828, %parallel_loop3A_817 : vector<16xf32>
        %parallel_loop3A_830 = arith.constant 0 : i32
        %parallel_loop3A_831 = arith.constant 0 : i32
        %parallel_loop3A_832 = tpu.memref_slice %arg8[%parallel_loop3A_345, %parallel_loop3A_830, %parallel_loop3A_831] : memref<2x80x128xf32, #tpu.memory_space<vmem>> -> memref<1x80x128xf32, #tpu.memory_space<vmem>>
        %parallel_loop3A_833 = tpu.memref_squeeze %parallel_loop3A_832 : memref<1x80x128xf32, #tpu.memory_space<vmem>> -> memref<80x128xf32, #tpu.memory_space<vmem>>
        %parallel_loop3A_834 = arith.index_cast %parallel_loop3A_805 : i32 to index
        %parallel_loop3A_835 = arith.constant 0 : index
        %parallel_loop3A_836 = tpu.vector_load %parallel_loop3A_833[%parallel_loop3A_834, %parallel_loop3A_835] {strides = array<i32>} : memref<80x128xf32, #tpu.memory_space<vmem>>, vector<1x16xf32>,
        %parallel_loop3A_837 = vector.shape_cast %parallel_loop3A_836 : vector<1x16xf32> to vector<16xf32>
        %parallel_loop3A_838 = vector.shape_cast %parallel_loop3A_829 : vector<16xf32> to vector<1x16xf32>
        tpu.vector_store %parallel_loop3A_833[%parallel_loop3A_834, %parallel_loop3A_835], %parallel_loop3A_838 {strides = array<i32>} : memref<80x128xf32, #tpu.memory_space<vmem>>, vector<1x16xf32>,
        %parallel_loop3A_839 = arith.constant 0 : i32
        %parallel_loop3A_840 = arith.constant 0 : i32
        %parallel_loop3A_841 = tpu.memref_slice %arg8[%parallel_loop3A_345, %parallel_loop3A_839, %parallel_loop3A_840] : memref<2x80x128xf32, #tpu.memory_space<vmem>> -> memref<1x80x128xf32, #tpu.memory_space<vmem>>
        %parallel_loop3A_842 = tpu.memref_squeeze %parallel_loop3A_841 : memref<1x80x128xf32, #tpu.memory_space<vmem>> -> memref<80x128xf32, #tpu.memory_space<vmem>>
        %parallel_loop3A_843 = arith.index_cast %parallel_loop3A_805 : i32 to index
        %parallel_loop3A_844 = arith.constant 64 : index
        %parallel_loop3A_845 = tpu.vector_load %parallel_loop3A_842[%parallel_loop3A_843, %parallel_loop3A_844] {strides = array<i32>} : memref<80x128xf32, #tpu.memory_space<vmem>>, vector<1x16xf32>,
        %parallel_loop3A_846 = vector.shape_cast %parallel_loop3A_845 : vector<1x16xf32> to vector<16xf32>
        %parallel_loop3A_847 = arith.mulf %parallel_loop3A_846, %parallel_loop3A_820 : vector<16xf32>
        %parallel_loop3A_848 = arith.constant 0 : i32
        %parallel_loop3A_849 = arith.constant 0 : i32
        %parallel_loop3A_850 = tpu.memref_slice %arg8[%parallel_loop3A_345, %parallel_loop3A_848, %parallel_loop3A_849] : memref<2x80x128xf32, #tpu.memory_space<vmem>> -> memref<1x80x128xf32, #tpu.memory_space<vmem>>
        %parallel_loop3A_851 = tpu.memref_squeeze %parallel_loop3A_850 : memref<1x80x128xf32, #tpu.memory_space<vmem>> -> memref<80x128xf32, #tpu.memory_space<vmem>>
        %parallel_loop3A_852 = arith.index_cast %parallel_loop3A_805 : i32 to index
        %parallel_loop3A_853 = arith.constant 64 : index
        %parallel_loop3A_854 = tpu.vector_load %parallel_loop3A_851[%parallel_loop3A_852, %parallel_loop3A_853] {strides = array<i32>} : memref<80x128xf32, #tpu.memory_space<vmem>>, vector<1x16xf32>,
        %parallel_loop3A_855 = vector.shape_cast %parallel_loop3A_854 : vector<1x16xf32> to vector<16xf32>
        %parallel_loop3A_856 = vector.shape_cast %parallel_loop3A_847 : vector<16xf32> to vector<1x16xf32>
        tpu.vector_store %parallel_loop3A_851[%parallel_loop3A_852, %parallel_loop3A_853], %parallel_loop3A_856 {strides = array<i32>} : memref<80x128xf32, #tpu.memory_space<vmem>>, vector<1x16xf32>,
        %parallel_loop3A_857 = arith.constant 0 : i32
        %parallel_loop3A_858 = arith.constant 0 : i32
        %parallel_loop3A_859 = tpu.memref_slice %arg9[%parallel_loop3A_343, %parallel_loop3A_857, %parallel_loop3A_858] : memref<2x80x64xi32, #tpu.memory_space<vmem>> -> memref<1x80x64xi32, #tpu.memory_space<vmem>>
        %parallel_loop3A_860 = tpu.memref_squeeze %parallel_loop3A_859 : memref<1x80x64xi32, #tpu.memory_space<vmem>> -> memref<80x64xi32, #tpu.memory_space<vmem>>
        %parallel_loop3A_861 = arith.index_cast %parallel_loop3A_805 : i32 to index
        %parallel_loop3A_862 = arith.constant 16 : index
        %parallel_loop3A_863 = tpu.vector_load %parallel_loop3A_860[%parallel_loop3A_861, %parallel_loop3A_862] {strides = array<i32>} : memref<80x64xi32, #tpu.memory_space<vmem>>, vector<1x16xi32>,
        %parallel_loop3A_864 = vector.shape_cast %parallel_loop3A_863 : vector<1x16xi32> to vector<16xi32>
        %parallel_loop3A_865 = arith.constant 16 : i32
        %parallel_loop3A_866 = vector.broadcast %parallel_loop3A_865 : i32 to vector<16xi32>
        %parallel_loop3A_867 = arith.shli %parallel_loop3A_864, %parallel_loop3A_866 : vector<16xi32>
        %parallel_loop3A_868 = tpu.bitcast %parallel_loop3A_867 : vector<16xi32> -> vector<16xf32>
        %parallel_loop3A_869 = vector.broadcast %parallel_loop3A_344 : i32 to vector<16xi32>
        %parallel_loop3A_870 = arith.andi %parallel_loop3A_864, %parallel_loop3A_869 : vector<16xi32>
        %parallel_loop3A_871 = tpu.bitcast %parallel_loop3A_870 : vector<16xi32> -> vector<16xf32>
        %parallel_loop3A_872 = arith.constant 0 : i32
        %parallel_loop3A_873 = arith.constant 0 : i32
        %parallel_loop3A_874 = tpu.memref_slice %arg8[%parallel_loop3A_345, %parallel_loop3A_872, %parallel_loop3A_873] : memref<2x80x128xf32, #tpu.memory_space<vmem>> -> memref<1x80x128xf32, #tpu.memory_space<vmem>>
        %parallel_loop3A_875 = tpu.memref_squeeze %parallel_loop3A_874 : memref<1x80x128xf32, #tpu.memory_space<vmem>> -> memref<80x128xf32, #tpu.memory_space<vmem>>
        %parallel_loop3A_876 = arith.index_cast %parallel_loop3A_805 : i32 to index
        %parallel_loop3A_877 = arith.constant 16 : index
        %parallel_loop3A_878 = tpu.vector_load %parallel_loop3A_875[%parallel_loop3A_876, %parallel_loop3A_877] {strides = array<i32>} : memref<80x128xf32, #tpu.memory_space<vmem>>, vector<1x16xf32>,
        %parallel_loop3A_879 = vector.shape_cast %parallel_loop3A_878 : vector<1x16xf32> to vector<16xf32>
        %parallel_loop3A_880 = arith.mulf %parallel_loop3A_879, %parallel_loop3A_868 : vector<16xf32>
        %parallel_loop3A_881 = arith.constant 0 : i32
        %parallel_loop3A_882 = arith.constant 0 : i32
        %parallel_loop3A_883 = tpu.memref_slice %arg8[%parallel_loop3A_345, %parallel_loop3A_881, %parallel_loop3A_882] : memref<2x80x128xf32, #tpu.memory_space<vmem>> -> memref<1x80x128xf32, #tpu.memory_space<vmem>>
        %parallel_loop3A_884 = tpu.memref_squeeze %parallel_loop3A_883 : memref<1x80x128xf32, #tpu.memory_space<vmem>> -> memref<80x128xf32, #tpu.memory_space<vmem>>
        %parallel_loop3A_885 = arith.index_cast %parallel_loop3A_805 : i32 to index
        %parallel_loop3A_886 = arith.constant 16 : index
        %parallel_loop3A_887 = tpu.vector_load %parallel_loop3A_884[%parallel_loop3A_885, %parallel_loop3A_886] {strides = array<i32>} : memref<80x128xf32, #tpu.memory_space<vmem>>, vector<1x16xf32>,
        %parallel_loop3A_888 = vector.shape_cast %parallel_loop3A_887 : vector<1x16xf32> to vector<16xf32>
        %parallel_loop3A_889 = vector.shape_cast %parallel_loop3A_880 : vector<16xf32> to vector<1x16xf32>
        tpu.vector_store %parallel_loop3A_884[%parallel_loop3A_885, %parallel_loop3A_886], %parallel_loop3A_889 {strides = array<i32>} : memref<80x128xf32, #tpu.memory_space<vmem>>, vector<1x16xf32>,
        %parallel_loop3A_890 = arith.constant 0 : i32
        %parallel_loop3A_891 = arith.constant 0 : i32
        %parallel_loop3A_892 = tpu.memref_slice %arg8[%parallel_loop3A_345, %parallel_loop3A_890, %parallel_loop3A_891] : memref<2x80x128xf32, #tpu.memory_space<vmem>> -> memref<1x80x128xf32, #tpu.memory_space<vmem>>
        %parallel_loop3A_893 = tpu.memref_squeeze %parallel_loop3A_892 : memref<1x80x128xf32, #tpu.memory_space<vmem>> -> memref<80x128xf32, #tpu.memory_space<vmem>>
        %parallel_loop3A_894 = arith.index_cast %parallel_loop3A_805 : i32 to index
        %parallel_loop3A_895 = arith.constant 80 : index
        %parallel_loop3A_896 = tpu.vector_load %parallel_loop3A_893[%parallel_loop3A_894, %parallel_loop3A_895] {strides = array<i32>} : memref<80x128xf32, #tpu.memory_space<vmem>>, vector<1x16xf32>,
        %parallel_loop3A_897 = vector.shape_cast %parallel_loop3A_896 : vector<1x16xf32> to vector<16xf32>
        %parallel_loop3A_898 = arith.mulf %parallel_loop3A_897, %parallel_loop3A_871 : vector<16xf32>
        %parallel_loop3A_899 = arith.constant 0 : i32
        %parallel_loop3A_900 = arith.constant 0 : i32
        %parallel_loop3A_901 = tpu.memref_slice %arg8[%parallel_loop3A_345, %parallel_loop3A_899, %parallel_loop3A_900] : memref<2x80x128xf32, #tpu.memory_space<vmem>> -> memref<1x80x128xf32, #tpu.memory_space<vmem>>
        %parallel_loop3A_902 = tpu.memref_squeeze %parallel_loop3A_901 : memref<1x80x128xf32, #tpu.memory_space<vmem>> -> memref<80x128xf32, #tpu.memory_space<vmem>>
        %parallel_loop3A_903 = arith.index_cast %parallel_loop3A_805 : i32 to index
        %parallel_loop3A_904 = arith.constant 80 : index
        %parallel_loop3A_905 = tpu.vector_load %parallel_loop3A_902[%parallel_loop3A_903, %parallel_loop3A_904] {strides = array<i32>} : memref<80x128xf32, #tpu.memory_space<vmem>>, vector<1x16xf32>,
        %parallel_loop3A_906 = vector.shape_cast %parallel_loop3A_905 : vector<1x16xf32> to vector<16xf32>
        %parallel_loop3A_907 = vector.shape_cast %parallel_loop3A_898 : vector<16xf32> to vector<1x16xf32>
        tpu.vector_store %parallel_loop3A_902[%parallel_loop3A_903, %parallel_loop3A_904], %parallel_loop3A_907 {strides = array<i32>} : memref<80x128xf32, #tpu.memory_space<vmem>>, vector<1x16xf32>,
        %parallel_loop3A_908 = arith.constant 0 : i32
        %parallel_loop3A_909 = arith.constant 0 : i32
        %parallel_loop3A_910 = tpu.memref_slice %arg9[%parallel_loop3A_343, %parallel_loop3A_908, %parallel_loop3A_909] : memref<2x80x64xi32, #tpu.memory_space<vmem>> -> memref<1x80x64xi32, #tpu.memory_space<vmem>>
        %parallel_loop3A_911 = tpu.memref_squeeze %parallel_loop3A_910 : memref<1x80x64xi32, #tpu.memory_space<vmem>> -> memref<80x64xi32, #tpu.memory_space<vmem>>
        %parallel_loop3A_912 = arith.index_cast %parallel_loop3A_805 : i32 to index
        %parallel_loop3A_913 = arith.constant 32 : index
        %parallel_loop3A_914 = tpu.vector_load %parallel_loop3A_911[%parallel_loop3A_912, %parallel_loop3A_913] {strides = array<i32>} : memref<80x64xi32, #tpu.memory_space<vmem>>, vector<1x16xi32>,
        %parallel_loop3A_915 = vector.shape_cast %parallel_loop3A_914 : vector<1x16xi32> to vector<16xi32>
        %parallel_loop3A_916 = arith.constant 16 : i32
        %parallel_loop3A_917 = vector.broadcast %parallel_loop3A_916 : i32 to vector<16xi32>
        %parallel_loop3A_918 = arith.shli %parallel_loop3A_915, %parallel_loop3A_917 : vector<16xi32>
        %parallel_loop3A_919 = tpu.bitcast %parallel_loop3A_918 : vector<16xi32> -> vector<16xf32>
        %parallel_loop3A_920 = vector.broadcast %parallel_loop3A_344 : i32 to vector<16xi32>
        %parallel_loop3A_921 = arith.andi %parallel_loop3A_915, %parallel_loop3A_920 : vector<16xi32>
        %parallel_loop3A_922 = tpu.bitcast %parallel_loop3A_921 : vector<16xi32> -> vector<16xf32>
        %parallel_loop3A_923 = arith.constant 0 : i32
        %parallel_loop3A_924 = arith.constant 0 : i32
        %parallel_loop3A_925 = tpu.memref_slice %arg8[%parallel_loop3A_345, %parallel_loop3A_923, %parallel_loop3A_924] : memref<2x80x128xf32, #tpu.memory_space<vmem>> -> memref<1x80x128xf32, #tpu.memory_space<vmem>>
        %parallel_loop3A_926 = tpu.memref_squeeze %parallel_loop3A_925 : memref<1x80x128xf32, #tpu.memory_space<vmem>> -> memref<80x128xf32, #tpu.memory_space<vmem>>
        %parallel_loop3A_927 = arith.index_cast %parallel_loop3A_805 : i32 to index
        %parallel_loop3A_928 = arith.constant 32 : index
        %parallel_loop3A_929 = tpu.vector_load %parallel_loop3A_926[%parallel_loop3A_927, %parallel_loop3A_928] {strides = array<i32>} : memref<80x128xf32, #tpu.memory_space<vmem>>, vector<1x16xf32>,
        %parallel_loop3A_930 = vector.shape_cast %parallel_loop3A_929 : vector<1x16xf32> to vector<16xf32>
        %parallel_loop3A_931 = arith.mulf %parallel_loop3A_930, %parallel_loop3A_919 : vector<16xf32>
        %parallel_loop3A_932 = arith.constant 0 : i32
        %parallel_loop3A_933 = arith.constant 0 : i32
        %parallel_loop3A_934 = tpu.memref_slice %arg8[%parallel_loop3A_345, %parallel_loop3A_932, %parallel_loop3A_933] : memref<2x80x128xf32, #tpu.memory_space<vmem>> -> memref<1x80x128xf32, #tpu.memory_space<vmem>>
        %parallel_loop3A_935 = tpu.memref_squeeze %parallel_loop3A_934 : memref<1x80x128xf32, #tpu.memory_space<vmem>> -> memref<80x128xf32, #tpu.memory_space<vmem>>
        %parallel_loop3A_936 = arith.index_cast %parallel_loop3A_805 : i32 to index
        %parallel_loop3A_937 = arith.constant 32 : index
        %parallel_loop3A_938 = tpu.vector_load %parallel_loop3A_935[%parallel_loop3A_936, %parallel_loop3A_937] {strides = array<i32>} : memref<80x128xf32, #tpu.memory_space<vmem>>, vector<1x16xf32>,
        %parallel_loop3A_939 = vector.shape_cast %parallel_loop3A_938 : vector<1x16xf32> to vector<16xf32>
        %parallel_loop3A_940 = vector.shape_cast %parallel_loop3A_931 : vector<16xf32> to vector<1x16xf32>
        tpu.vector_store %parallel_loop3A_935[%parallel_loop3A_936, %parallel_loop3A_937], %parallel_loop3A_940 {strides = array<i32>} : memref<80x128xf32, #tpu.memory_space<vmem>>, vector<1x16xf32>,
        %parallel_loop3A_941 = arith.constant 0 : i32
        %parallel_loop3A_942 = arith.constant 0 : i32
        %parallel_loop3A_943 = tpu.memref_slice %arg8[%parallel_loop3A_345, %parallel_loop3A_941, %parallel_loop3A_942] : memref<2x80x128xf32, #tpu.memory_space<vmem>> -> memref<1x80x128xf32, #tpu.memory_space<vmem>>
        %parallel_loop3A_944 = tpu.memref_squeeze %parallel_loop3A_943 : memref<1x80x128xf32, #tpu.memory_space<vmem>> -> memref<80x128xf32, #tpu.memory_space<vmem>>
        %parallel_loop3A_945 = arith.index_cast %parallel_loop3A_805 : i32 to index
        %parallel_loop3A_946 = arith.constant 96 : index
        %parallel_loop3A_947 = tpu.vector_load %parallel_loop3A_944[%parallel_loop3A_945, %parallel_loop3A_946] {strides = array<i32>} : memref<80x128xf32, #tpu.memory_space<vmem>>, vector<1x16xf32>,
        %parallel_loop3A_948 = vector.shape_cast %parallel_loop3A_947 : vector<1x16xf32> to vector<16xf32>
        %parallel_loop3A_949 = arith.mulf %parallel_loop3A_948, %parallel_loop3A_922 : vector<16xf32>
        %parallel_loop3A_950 = arith.constant 0 : i32
        %parallel_loop3A_951 = arith.constant 0 : i32
        %parallel_loop3A_952 = tpu.memref_slice %arg8[%parallel_loop3A_345, %parallel_loop3A_950, %parallel_loop3A_951] : memref<2x80x128xf32, #tpu.memory_space<vmem>> -> memref<1x80x128xf32, #tpu.memory_space<vmem>>
        %parallel_loop3A_953 = tpu.memref_squeeze %parallel_loop3A_952 : memref<1x80x128xf32, #tpu.memory_space<vmem>> -> memref<80x128xf32, #tpu.memory_space<vmem>>
        %parallel_loop3A_954 = arith.index_cast %parallel_loop3A_805 : i32 to index
        %parallel_loop3A_955 = arith.constant 96 : index
        %parallel_loop3A_956 = tpu.vector_load %parallel_loop3A_953[%parallel_loop3A_954, %parallel_loop3A_955] {strides = array<i32>} : memref<80x128xf32, #tpu.memory_space<vmem>>, vector<1x16xf32>,
        %parallel_loop3A_957 = vector.shape_cast %parallel_loop3A_956 : vector<1x16xf32> to vector<16xf32>
        %parallel_loop3A_958 = vector.shape_cast %parallel_loop3A_949 : vector<16xf32> to vector<1x16xf32>
        tpu.vector_store %parallel_loop3A_953[%parallel_loop3A_954, %parallel_loop3A_955], %parallel_loop3A_958 {strides = array<i32>} : memref<80x128xf32, #tpu.memory_space<vmem>>, vector<1x16xf32>,
        %parallel_loop3A_959 = arith.constant 0 : i32
        %parallel_loop3A_960 = arith.constant 0 : i32
        %parallel_loop3A_961 = tpu.memref_slice %arg9[%parallel_loop3A_343, %parallel_loop3A_959, %parallel_loop3A_960] : memref<2x80x64xi32, #tpu.memory_space<vmem>> -> memref<1x80x64xi32, #tpu.memory_space<vmem>>
        %parallel_loop3A_962 = tpu.memref_squeeze %parallel_loop3A_961 : memref<1x80x64xi32, #tpu.memory_space<vmem>> -> memref<80x64xi32, #tpu.memory_space<vmem>>
        %parallel_loop3A_963 = arith.index_cast %parallel_loop3A_805 : i32 to index
        %parallel_loop3A_964 = arith.constant 48 : index
        %parallel_loop3A_965 = tpu.vector_load %parallel_loop3A_962[%parallel_loop3A_963, %parallel_loop3A_964] {strides = array<i32>} : memref<80x64xi32, #tpu.memory_space<vmem>>, vector<1x16xi32>,
        %parallel_loop3A_966 = vector.shape_cast %parallel_loop3A_965 : vector<1x16xi32> to vector<16xi32>
        %parallel_loop3A_967 = arith.constant 16 : i32
        %parallel_loop3A_968 = vector.broadcast %parallel_loop3A_967 : i32 to vector<16xi32>
        %parallel_loop3A_969 = arith.shli %parallel_loop3A_966, %parallel_loop3A_968 : vector<16xi32>
        %parallel_loop3A_970 = tpu.bitcast %parallel_loop3A_969 : vector<16xi32> -> vector<16xf32>
        %parallel_loop3A_971 = vector.broadcast %parallel_loop3A_344 : i32 to vector<16xi32>
        %parallel_loop3A_972 = arith.andi %parallel_loop3A_966, %parallel_loop3A_971 : vector<16xi32>
        %parallel_loop3A_973 = tpu.bitcast %parallel_loop3A_972 : vector<16xi32> -> vector<16xf32>
        %parallel_loop3A_974 = arith.constant 0 : i32
        %parallel_loop3A_975 = arith.constant 0 : i32
        %parallel_loop3A_976 = tpu.memref_slice %arg8[%parallel_loop3A_345, %parallel_loop3A_974, %parallel_loop3A_975] : memref<2x80x128xf32, #tpu.memory_space<vmem>> -> memref<1x80x128xf32, #tpu.memory_space<vmem>>
        %parallel_loop3A_977 = tpu.memref_squeeze %parallel_loop3A_976 : memref<1x80x128xf32, #tpu.memory_space<vmem>> -> memref<80x128xf32, #tpu.memory_space<vmem>>
        %parallel_loop3A_978 = arith.index_cast %parallel_loop3A_805 : i32 to index
        %parallel_loop3A_979 = arith.constant 48 : index
        %parallel_loop3A_980 = tpu.vector_load %parallel_loop3A_977[%parallel_loop3A_978, %parallel_loop3A_979] {strides = array<i32>} : memref<80x128xf32, #tpu.memory_space<vmem>>, vector<1x16xf32>,
        %parallel_loop3A_981 = vector.shape_cast %parallel_loop3A_980 : vector<1x16xf32> to vector<16xf32>
        %parallel_loop3A_982 = arith.mulf %parallel_loop3A_981, %parallel_loop3A_970 : vector<16xf32>
        %parallel_loop3A_983 = arith.constant 0 : i32
        %parallel_loop3A_984 = arith.constant 0 : i32
        %parallel_loop3A_985 = tpu.memref_slice %arg8[%parallel_loop3A_345, %parallel_loop3A_983, %parallel_loop3A_984] : memref<2x80x128xf32, #tpu.memory_space<vmem>> -> memref<1x80x128xf32, #tpu.memory_space<vmem>>
        %parallel_loop3A_986 = tpu.memref_squeeze %parallel_loop3A_985 : memref<1x80x128xf32, #tpu.memory_space<vmem>> -> memref<80x128xf32, #tpu.memory_space<vmem>>
        %parallel_loop3A_987 = arith.index_cast %parallel_loop3A_805 : i32 to index
        %parallel_loop3A_988 = arith.constant 48 : index
        %parallel_loop3A_989 = tpu.vector_load %parallel_loop3A_986[%parallel_loop3A_987, %parallel_loop3A_988] {strides = array<i32>} : memref<80x128xf32, #tpu.memory_space<vmem>>, vector<1x16xf32>,
        %parallel_loop3A_990 = vector.shape_cast %parallel_loop3A_989 : vector<1x16xf32> to vector<16xf32>
        %parallel_loop3A_991 = vector.shape_cast %parallel_loop3A_982 : vector<16xf32> to vector<1x16xf32>
        tpu.vector_store %parallel_loop3A_986[%parallel_loop3A_987, %parallel_loop3A_988], %parallel_loop3A_991 {strides = array<i32>} : memref<80x128xf32, #tpu.memory_space<vmem>>, vector<1x16xf32>,
        %parallel_loop3A_992 = arith.constant 0 : i32
        %parallel_loop3A_993 = arith.constant 0 : i32
        %parallel_loop3A_994 = tpu.memref_slice %arg8[%parallel_loop3A_345, %parallel_loop3A_992, %parallel_loop3A_993] : memref<2x80x128xf32, #tpu.memory_space<vmem>> -> memref<1x80x128xf32, #tpu.memory_space<vmem>>
        %parallel_loop3A_995 = tpu.memref_squeeze %parallel_loop3A_994 : memref<1x80x128xf32, #tpu.memory_space<vmem>> -> memref<80x128xf32, #tpu.memory_space<vmem>>
        %parallel_loop3A_996 = arith.index_cast %parallel_loop3A_805 : i32 to index
        %parallel_loop3A_997 = arith.constant 112 : index
        %parallel_loop3A_998 = tpu.vector_load %parallel_loop3A_995[%parallel_loop3A_996, %parallel_loop3A_997] {strides = array<i32>} : memref<80x128xf32, #tpu.memory_space<vmem>>, vector<1x16xf32>,
        %parallel_loop3A_999 = vector.shape_cast %parallel_loop3A_998 : vector<1x16xf32> to vector<16xf32>
        %parallel_loop3A_1000 = arith.mulf %parallel_loop3A_999, %parallel_loop3A_973 : vector<16xf32>
        %parallel_loop3A_1001 = arith.constant 0 : i32
        %parallel_loop3A_1002 = arith.constant 0 : i32
        %parallel_loop3A_1003 = tpu.memref_slice %arg8[%parallel_loop3A_345, %parallel_loop3A_1001, %parallel_loop3A_1002] : memref<2x80x128xf32, #tpu.memory_space<vmem>> -> memref<1x80x128xf32, #tpu.memory_space<vmem>>
        %parallel_loop3A_1004 = tpu.memref_squeeze %parallel_loop3A_1003 : memref<1x80x128xf32, #tpu.memory_space<vmem>> -> memref<80x128xf32, #tpu.memory_space<vmem>>
        %parallel_loop3A_1005 = arith.index_cast %parallel_loop3A_805 : i32 to index
        %parallel_loop3A_1006 = arith.constant 112 : index
        %parallel_loop3A_1007 = tpu.vector_load %parallel_loop3A_1004[%parallel_loop3A_1005, %parallel_loop3A_1006] {strides = array<i32>} : memref<80x128xf32, #tpu.memory_space<vmem>>, vector<1x16xf32>,
        %parallel_loop3A_1008 = vector.shape_cast %parallel_loop3A_1007 : vector<1x16xf32> to vector<16xf32>
        %parallel_loop3A_1009 = vector.shape_cast %parallel_loop3A_1000 : vector<16xf32> to vector<1x16xf32>
        tpu.vector_store %parallel_loop3A_1004[%parallel_loop3A_1005, %parallel_loop3A_1006], %parallel_loop3A_1009 {strides = array<i32>} : memref<80x128xf32, #tpu.memory_space<vmem>>, vector<1x16xf32>,
      } {sc.loop_unroll_factor = 2 : i64, sc.parallel_access}
      %dma_start3A_346 = arith.constant 0 : i32
      %dma_start3A_347 = arith.constant 0 : i32
      %dma_start3A_348 = arith.constant 0 : i32
      %dma_start3A_349 = arith.constant 0 : i32
      %dma_start3A_350 = tpu.memref_slice %arg8[%dma_start3A_346, %dma_start3A_348, %dma_start3A_349] : memref<2x80x128xf32, #tpu.memory_space<vmem>> -> memref<1x80x128xf32, #tpu.memory_space<vmem>>
      %dma_start3A_351 = tpu.memref_squeeze %dma_start3A_350 : memref<1x80x128xf32, #tpu.memory_space<vmem>> -> memref<80x128xf32, #tpu.memory_space<vmem>>
      %dma_start3A_352 = arith.constant 0 : i32
      %dma_start3A_353 = tpu.memref_slice %arg7[%dma_start3A_347, %dma_start3A_352] : memref<4x80xi32, #tpu.memory_space<vmem>> -> memref<1x80xi32, #tpu.memory_space<vmem>>
      %dma_start3A_354 = tpu.memref_squeeze %dma_start3A_353 : memref<1x80xi32, #tpu.memory_space<vmem>> -> memref<80xi32, #tpu.memory_space<vmem>>
      %dma_start3A_355 = arith.constant 0 : i32
      %dma_start3A_356 = arith.constant 0 : i32
      %dma_start3A_357 = tpu.memref_slice %arg10[%dma_start3A_355, %dma_start3A_356] : memref<10112x128xf32, #tpu.memory_space<vmem_shared>> -> memref<10112x128xf32, #tpu.memory_space<vmem_shared>>
      tpu.enqueue_indirect_dma source(%dma_start3A_351 : memref<80x128xf32, #tpu.memory_space<vmem>>) target(%dma_start3A_357 : memref<10112x128xf32, #tpu.memory_space<vmem_shared>>) offsets(%dma_start3A_354 : memref<80xi32, #tpu.memory_space<vmem>>) semaphore(%arg15 : memref<!tpu.dma_semaphore, #tpu.memory_space<semaphore_mem>>) {add = true}
      %mul3A_358 = arith.constant 4 : i32
      %mul3A_359 = arith.muli %mul3A_358, %scan3A_244 : i32
      %add3A_360 = arith.constant 1 : i32
      %add3A_361 = arith.addi %mul3A_359, %add3A_360 : i32
      %dma_wait3A_362 = arith.constant 0 : i32
      %dma_wait3A_363 = arith.constant 0 : i32
      %dma_wait3A_364 = arith.constant 0 : i32
      %dma_wait3A_365 = tpu.memref_slice %arg8[%dma_wait3A_362, %dma_wait3A_363, %dma_wait3A_364] : memref<2x80x128xf32, #tpu.memory_space<vmem>> -> memref<1x80x128xf32, #tpu.memory_space<vmem>>
      %dma_wait3A_366 = tpu.memref_squeeze %dma_wait3A_365 : memref<1x80x128xf32, #tpu.memory_space<vmem>> -> memref<80x128xf32, #tpu.memory_space<vmem>>
      %dma_wait3A_367 = arith.constant 0 : i32
      %dma_wait3A_368 = arith.constant 0 : i32
      %dma_wait3A_369 = tpu.memref_slice %arg10[%dma_wait3A_367, %dma_wait3A_368] : memref<10112x128xf32, #tpu.memory_space<vmem_shared>> -> memref<80x128xf32, #tpu.memory_space<vmem_shared>>
      %dma_wait3A_370 = arith.constant 0 : i32
      %dma_wait3A_371 = arith.constant 0 : i32
      %dma_wait3A_372 = tpu.memref_slice %arg10[%dma_wait3A_370, %dma_wait3A_371] : memref<10112x128xf32, #tpu.memory_space<vmem_shared>> -> memref<80x128xf32, #tpu.memory_space<vmem_shared>>
      %dma_wait3A_373 = arith.constant 0 : i32
      %dma_wait3A_374 = arith.constant 0 : i32
      %dma_wait3A_375 = tpu.memref_slice %arg8[%dma_wait3A_362, %dma_wait3A_373, %dma_wait3A_374] : memref<2x80x128xf32, #tpu.memory_space<vmem>> -> memref<1x80x128xf32, #tpu.memory_space<vmem>>
      %dma_wait3A_376 = tpu.memref_squeeze %dma_wait3A_375 : memref<1x80x128xf32, #tpu.memory_space<vmem>> -> memref<80x128xf32, #tpu.memory_space<vmem>>
      tpu.wait_dma2 semaphore(%arg15 : memref<!tpu.dma_semaphore, #tpu.memory_space<semaphore_mem>>) src(%dma_wait3A_376 : memref<80x128xf32, #tpu.memory_space<vmem>>) dst(%dma_wait3A_372 : memref<80x128xf32, #tpu.memory_space<vmem_shared>>)
      %dma_wait3A_377 = arith.constant 2 : i32
      %dma_wait3A_378 = arith.constant 0 : i32
      %dma_wait3A_379 = tpu.memref_slice %arg6[%dma_wait3A_377, %dma_wait3A_378] : memref<4x80xi32, #tpu.memory_space<vmem>> -> memref<1x80xi32, #tpu.memory_space<vmem>>
      %dma_wait3A_380 = tpu.memref_squeeze %dma_wait3A_379 : memref<1x80xi32, #tpu.memory_space<vmem>> -> memref<80xi32, #tpu.memory_space<vmem>>
      %dma_wait3A_381 = arith.constant 0 : i32
      %dma_wait3A_382 = tpu.memref_slice %arg3[%dma_wait3A_381] : memref<640000xi32, #tpu.memory_space<hbm>> -> memref<80xi32, #tpu.memory_space<hbm>>
      %dma_wait3A_383 = arith.constant 0 : i32
      %dma_wait3A_384 = tpu.memref_slice %arg6[%dma_wait3A_377, %dma_wait3A_383] : memref<4x80xi32, #tpu.memory_space<vmem>> -> memref<1x80xi32, #tpu.memory_space<vmem>>
      %dma_wait3A_385 = tpu.memref_squeeze %dma_wait3A_384 : memref<1x80xi32, #tpu.memory_space<vmem>> -> memref<80xi32, #tpu.memory_space<vmem>>
      %dma_wait3A_386 = arith.constant 0 : i32
      %dma_wait3A_387 = tpu.memref_slice %arg3[%dma_wait3A_386] : memref<640000xi32, #tpu.memory_space<hbm>> -> memref<80xi32, #tpu.memory_space<hbm>>
      tpu.wait_dma2 semaphore(%arg19 : memref<!tpu.dma_semaphore, #tpu.memory_space<semaphore_mem>>) src(%dma_wait3A_387 : memref<80xi32, #tpu.memory_space<hbm>>) dst(%dma_wait3A_385 : memref<80xi32, #tpu.memory_space<vmem>>)
      %dma_wait3A_388 = arith.constant 2 : i32
      %dma_wait3A_389 = arith.constant 0 : i32
      %dma_wait3A_390 = tpu.memref_slice %arg7[%dma_wait3A_388, %dma_wait3A_389] : memref<4x80xi32, #tpu.memory_space<vmem>> -> memref<1x80xi32, #tpu.memory_space<vmem>>
      %dma_wait3A_391 = tpu.memref_squeeze %dma_wait3A_390 : memref<1x80xi32, #tpu.memory_space<vmem>> -> memref<80xi32, #tpu.memory_space<vmem>>
      %dma_wait3A_392 = arith.constant 0 : i32
      %dma_wait3A_393 = tpu.memref_slice %arg3[%dma_wait3A_392] : memref<640000xi32, #tpu.memory_space<hbm>> -> memref<80xi32, #tpu.memory_space<hbm>>
      %dma_wait3A_394 = arith.constant 0 : i32
      %dma_wait3A_395 = tpu.memref_slice %arg7[%dma_wait3A_388, %dma_wait3A_394] : memref<4x80xi32, #tpu.memory_space<vmem>> -> memref<1x80xi32, #tpu.memory_space<vmem>>
      %dma_wait3A_396 = tpu.memref_squeeze %dma_wait3A_395 : memref<1x80xi32, #tpu.memory_space<vmem>> -> memref<80xi32, #tpu.memory_space<vmem>>
      %dma_wait3A_397 = arith.constant 0 : i32
      %dma_wait3A_398 = tpu.memref_slice %arg3[%dma_wait3A_397] : memref<640000xi32, #tpu.memory_space<hbm>> -> memref<80xi32, #tpu.memory_space<hbm>>
      tpu.wait_dma2 semaphore(%arg19 : memref<!tpu.dma_semaphore, #tpu.memory_space<semaphore_mem>>) src(%dma_wait3A_398 : memref<80xi32, #tpu.memory_space<hbm>>) dst(%dma_wait3A_396 : memref<80xi32, #tpu.memory_space<vmem>>)
      %add3A_399 = arith.constant 1 : i32
      %add3A_400 = arith.addi %add3A_361, %add3A_399 : i32
      %dma_start3A_401 = arith.constant 2 : i32
      %dma_start3A_402 = arith.constant 0 : i32
      %dma_start3A_403 = arith.constant 0 : i32
      %dma_start3A_404 = arith.constant 0 : i32
      %dma_start3A_405 = tpu.memref_slice %arg8[%dma_start3A_402, %dma_start3A_403, %dma_start3A_404] : memref<2x80x128xf32, #tpu.memory_space<vmem>> -> memref<1x80x128xf32, #tpu.memory_space<vmem>>
      %dma_start3A_406 = tpu.memref_squeeze %dma_start3A_405 : memref<1x80x128xf32, #tpu.memory_space<vmem>> -> memref<80x128xf32, #tpu.memory_space<vmem>>
      %dma_start3A_407 = arith.constant 0 : i32
      %dma_start3A_408 = tpu.memref_slice %arg6[%dma_start3A_401, %dma_start3A_407] : memref<4x80xi32, #tpu.memory_space<vmem>> -> memref<1x80xi32, #tpu.memory_space<vmem>>
      %dma_start3A_409 = tpu.memref_squeeze %dma_start3A_408 : memref<1x80xi32, #tpu.memory_space<vmem>> -> memref<80xi32, #tpu.memory_space<vmem>>
      %dma_start3A_410 = arith.constant 0 : i32
      %dma_start3A_411 = arith.constant 0 : i32
      %dma_start3A_412 = tpu.memref_slice %arg2[%dma_start3A_410, %dma_start3A_411] : memref<10000x128xf32, #tpu.memory_space<hbm>> -> memref<10000x128xf32, #tpu.memory_space<hbm>>
      tpu.enqueue_indirect_dma source(%dma_start3A_412 : memref<10000x128xf32, #tpu.memory_space<hbm>>) target(%dma_start3A_406 : memref<80x128xf32, #tpu.memory_space<vmem>>) offsets(%dma_start3A_409 : memref<80xi32, #tpu.memory_space<vmem>>) semaphore(%arg11 : memref<!tpu.dma_semaphore, #tpu.memory_space<semaphore_mem>>)
      %mul3A_413 = arith.constant 80 : i32
      %mul3A_414 = arith.muli %add3A_400, %mul3A_413 : i32
      %add3A_415 = arith.addi %mul3A_2, %mul3A_414 : i32
      %dma_start3A_416 = arith.constant 0 : i32
      %dma_start3A_417 = arith.constant 0 : i32
      %dma_start3A_418 = arith.constant 0 : i32
      %dma_start3A_419 = tpu.memref_slice %arg9[%dma_start3A_416, %dma_start3A_417, %dma_start3A_418] : memref<2x80x64xi32, #tpu.memory_space<vmem>> -> memref<1x80x64xi32, #tpu.memory_space<vmem>>
      %dma_start3A_420 = tpu.memref_squeeze %dma_start3A_419 : memref<1x80x64xi32, #tpu.memory_space<vmem>> -> memref<80x64xi32, #tpu.memory_space<vmem>>
      %dma_start3A_421 = arith.constant 0 : i32
      %dma_start3A_422 = tpu.memref_slice %arg4[%add3A_415, %dma_start3A_421] : memref<320000x64xi32, #tpu.memory_space<hbm>> -> memref<80x64xi32, #tpu.memory_space<hbm>>
      %dma_start3A_423 = arith.constant 0 : i32
      %dma_start3A_424 = arith.constant 0 : i32
      %dma_start3A_425 = tpu.memref_slice %arg9[%dma_start3A_416, %dma_start3A_423, %dma_start3A_424] : memref<2x80x64xi32, #tpu.memory_space<vmem>> -> memref<1x80x64xi32, #tpu.memory_space<vmem>>
      %dma_start3A_426 = tpu.memref_squeeze %dma_start3A_425 : memref<1x80x64xi32, #tpu.memory_space<vmem>> -> memref<80x64xi32, #tpu.memory_space<vmem>>
      %dma_start3A_427 = arith.constant 0 : i32
      %dma_start3A_428 = tpu.memref_slice %arg4[%add3A_415, %dma_start3A_427] : memref<320000x64xi32, #tpu.memory_space<hbm>> -> memref<80x64xi32, #tpu.memory_space<hbm>>
      tpu.enqueue_dma source(%dma_start3A_428 : memref<80x64xi32, #tpu.memory_space<hbm>>) target(%dma_start3A_426 : memref<80x64xi32, #tpu.memory_space<vmem>>) target_semaphore(%arg13 : memref<!tpu.dma_semaphore, #tpu.memory_space<semaphore_mem>>)
      %dma_wait3A_429 = arith.constant 1 : i32
      %dma_wait3A_430 = arith.constant 0 : i32
      %dma_wait3A_431 = arith.constant 0 : i32
      %dma_wait3A_432 = tpu.memref_slice %arg8[%dma_wait3A_429, %dma_wait3A_430, %dma_wait3A_431] : memref<2x80x128xf32, #tpu.memory_space<vmem>> -> memref<1x80x128xf32, #tpu.memory_space<vmem>>
      %dma_wait3A_433 = tpu.memref_squeeze %dma_wait3A_432 : memref<1x80x128xf32, #tpu.memory_space<vmem>> -> memref<80x128xf32, #tpu.memory_space<vmem>>
      %dma_wait3A_434 = arith.constant 0 : i32
      %dma_wait3A_435 = arith.constant 0 : i32
      %dma_wait3A_436 = tpu.memref_slice %arg2[%dma_wait3A_434, %dma_wait3A_435] : memref<10000x128xf32, #tpu.memory_space<hbm>> -> memref<80x128xf32, #tpu.memory_space<hbm>>
      %dma_wait3A_437 = arith.constant 0 : i32
      %dma_wait3A_438 = arith.constant 0 : i32
      %dma_wait3A_439 = tpu.memref_slice %arg8[%dma_wait3A_429, %dma_wait3A_437, %dma_wait3A_438] : memref<2x80x128xf32, #tpu.memory_space<vmem>> -> memref<1x80x128xf32, #tpu.memory_space<vmem>>
      %dma_wait3A_440 = tpu.memref_squeeze %dma_wait3A_439 : memref<1x80x128xf32, #tpu.memory_space<vmem>> -> memref<80x128xf32, #tpu.memory_space<vmem>>
      %dma_wait3A_441 = arith.constant 0 : i32
      %dma_wait3A_442 = arith.constant 0 : i32
      %dma_wait3A_443 = tpu.memref_slice %arg2[%dma_wait3A_441, %dma_wait3A_442] : memref<10000x128xf32, #tpu.memory_space<hbm>> -> memref<80x128xf32, #tpu.memory_space<hbm>>
      tpu.wait_dma2 semaphore(%arg12 : memref<!tpu.dma_semaphore, #tpu.memory_space<semaphore_mem>>) src(%dma_wait3A_443 : memref<80x128xf32, #tpu.memory_space<hbm>>) dst(%dma_wait3A_440 : memref<80x128xf32, #tpu.memory_space<vmem>>)
      %dma_wait3A_444 = arith.constant 1 : i32
      %dma_wait3A_445 = arith.constant 0 : i32
      %dma_wait3A_446 = arith.constant 0 : i32
      %dma_wait3A_447 = tpu.memref_slice %arg9[%dma_wait3A_444, %dma_wait3A_445, %dma_wait3A_446] : memref<2x80x64xi32, #tpu.memory_space<vmem>> -> memref<1x80x64xi32, #tpu.memory_space<vmem>>
      %dma_wait3A_448 = tpu.memref_squeeze %dma_wait3A_447 : memref<1x80x64xi32, #tpu.memory_space<vmem>> -> memref<80x64xi32, #tpu.memory_space<vmem>>
      %dma_wait3A_449 = arith.constant 0 : i32
      %dma_wait3A_450 = arith.constant 0 : i32
      %dma_wait3A_451 = tpu.memref_slice %arg4[%dma_wait3A_449, %dma_wait3A_450] : memref<320000x64xi32, #tpu.memory_space<hbm>> -> memref<80x64xi32, #tpu.memory_space<hbm>>
      %dma_wait3A_452 = arith.constant 0 : i32
      %dma_wait3A_453 = arith.constant 0 : i32
      %dma_wait3A_454 = tpu.memref_slice %arg9[%dma_wait3A_444, %dma_wait3A_452, %dma_wait3A_453] : memref<2x80x64xi32, #tpu.memory_space<vmem>> -> memref<1x80x64xi32, #tpu.memory_space<vmem>>
      %dma_wait3A_455 = tpu.memref_squeeze %dma_wait3A_454 : memref<1x80x64xi32, #tpu.memory_space<vmem>> -> memref<80x64xi32, #tpu.memory_space<vmem>>
      %dma_wait3A_456 = arith.constant 0 : i32
      %dma_wait3A_457 = arith.constant 0 : i32
      %dma_wait3A_458 = tpu.memref_slice %arg4[%dma_wait3A_456, %dma_wait3A_457] : memref<320000x64xi32, #tpu.memory_space<hbm>> -> memref<80x64xi32, #tpu.memory_space<hbm>>
      tpu.wait_dma2 semaphore(%arg14 : memref<!tpu.dma_semaphore, #tpu.memory_space<semaphore_mem>>) src(%dma_wait3A_458 : memref<80x64xi32, #tpu.memory_space<hbm>>) dst(%dma_wait3A_455 : memref<80x64xi32, #tpu.memory_space<vmem>>)
      %add3A_459 = arith.constant 2 : i32
      %add3A_460 = arith.addi %add3A_361, %add3A_459 : i32
      %min3A_461 = arith.constant 124 : i32
      %min3A_462 = arith.minsi %add3A_460, %min3A_461 : i32
      %mul3A_463 = arith.constant 80 : i32
      %mul3A_464 = arith.muli %min3A_462, %mul3A_463 : i32
      %add3A_465 = arith.addi %mul3A_2, %mul3A_464 : i32
      %add3A_466 = arith.constant 320000 : i32
      %add3A_467 = arith.addi %add3A_466, %mul3A_2 : i32
      %mul3A_468 = arith.constant 80 : i32
      %mul3A_469 = arith.muli %min3A_462, %mul3A_468 : i32
      %add3A_470 = arith.addi %add3A_467, %mul3A_469 : i32
      %dma_start3A_471 = arith.constant 3 : i32
      %dma_start3A_472 = arith.constant 0 : i32
      %dma_start3A_473 = tpu.memref_slice %arg6[%dma_start3A_471, %dma_start3A_472] : memref<4x80xi32, #tpu.memory_space<vmem>> -> memref<1x80xi32, #tpu.memory_space<vmem>>
      %dma_start3A_474 = tpu.memref_squeeze %dma_start3A_473 : memref<1x80xi32, #tpu.memory_space<vmem>> -> memref<80xi32, #tpu.memory_space<vmem>>
      %dma_start3A_475 = tpu.memref_slice %arg3[%add3A_465] : memref<640000xi32, #tpu.memory_space<hbm>> -> memref<80xi32, #tpu.memory_space<hbm>>
      %dma_start3A_476 = arith.constant 0 : i32
      %dma_start3A_477 = tpu.memref_slice %arg6[%dma_start3A_471, %dma_start3A_476] : memref<4x80xi32, #tpu.memory_space<vmem>> -> memref<1x80xi32, #tpu.memory_space<vmem>>
      %dma_start3A_478 = tpu.memref_squeeze %dma_start3A_477 : memref<1x80xi32, #tpu.memory_space<vmem>> -> memref<80xi32, #tpu.memory_space<vmem>>
      %dma_start3A_479 = tpu.memref_slice %arg3[%add3A_465] : memref<640000xi32, #tpu.memory_space<hbm>> -> memref<80xi32, #tpu.memory_space<hbm>>
      tpu.enqueue_dma source(%dma_start3A_479 : memref<80xi32, #tpu.memory_space<hbm>>) target(%dma_start3A_478 : memref<80xi32, #tpu.memory_space<vmem>>) target_semaphore(%arg20 : memref<!tpu.dma_semaphore, #tpu.memory_space<semaphore_mem>>)
      %dma_start3A_480 = arith.constant 3 : i32
      %dma_start3A_481 = arith.constant 0 : i32
      %dma_start3A_482 = tpu.memref_slice %arg7[%dma_start3A_480, %dma_start3A_481] : memref<4x80xi32, #tpu.memory_space<vmem>> -> memref<1x80xi32, #tpu.memory_space<vmem>>
      %dma_start3A_483 = tpu.memref_squeeze %dma_start3A_482 : memref<1x80xi32, #tpu.memory_space<vmem>> -> memref<80xi32, #tpu.memory_space<vmem>>
      %dma_start3A_484 = tpu.memref_slice %arg3[%add3A_470] : memref<640000xi32, #tpu.memory_space<hbm>> -> memref<80xi32, #tpu.memory_space<hbm>>
      %dma_start3A_485 = arith.constant 0 : i32
      %dma_start3A_486 = tpu.memref_slice %arg7[%dma_start3A_480, %dma_start3A_485] : memref<4x80xi32, #tpu.memory_space<vmem>> -> memref<1x80xi32, #tpu.memory_space<vmem>>
      %dma_start3A_487 = tpu.memref_squeeze %dma_start3A_486 : memref<1x80xi32, #tpu.memory_space<vmem>> -> memref<80xi32, #tpu.memory_space<vmem>>
      %dma_start3A_488 = tpu.memref_slice %arg3[%add3A_470] : memref<640000xi32, #tpu.memory_space<hbm>> -> memref<80xi32, #tpu.memory_space<hbm>>
      tpu.enqueue_dma source(%dma_start3A_488 : memref<80xi32, #tpu.memory_space<hbm>>) target(%dma_start3A_487 : memref<80xi32, #tpu.memory_space<vmem>>) target_semaphore(%arg20 : memref<!tpu.dma_semaphore, #tpu.memory_space<semaphore_mem>>)
      %parallel_loop3A_489 = arith.constant 0 : i32
      %parallel_loop3A_490 = arith.constant 80 : i32
      %parallel_loop3A_491 = arith.constant 1 : i32
      %parallel_loop3A_492 = arith.constant 1 : i32
      %parallel_loop3A_493 = arith.constant -65536 : i32
      %parallel_loop3A_494 = arith.constant 1 : i32
      scf.for %parallel_loop3A_805 = %parallel_loop3A_489 to %parallel_loop3A_490 step %parallel_loop3A_491  : i32 {
        %parallel_loop3A_806 = arith.constant 0 : i32
        %parallel_loop3A_807 = arith.constant 0 : i32
        %parallel_loop3A_808 = tpu.memref_slice %arg9[%parallel_loop3A_492, %parallel_loop3A_806, %parallel_loop3A_807] : memref<2x80x64xi32, #tpu.memory_space<vmem>> -> memref<1x80x64xi32, #tpu.memory_space<vmem>>
        %parallel_loop3A_809 = tpu.memref_squeeze %parallel_loop3A_808 : memref<1x80x64xi32, #tpu.memory_space<vmem>> -> memref<80x64xi32, #tpu.memory_space<vmem>>
        %parallel_loop3A_810 = arith.index_cast %parallel_loop3A_805 : i32 to index
        %parallel_loop3A_811 = arith.constant 0 : index
        %parallel_loop3A_812 = tpu.vector_load %parallel_loop3A_809[%parallel_loop3A_810, %parallel_loop3A_811] {strides = array<i32>} : memref<80x64xi32, #tpu.memory_space<vmem>>, vector<1x16xi32>,
        %parallel_loop3A_813 = vector.shape_cast %parallel_loop3A_812 : vector<1x16xi32> to vector<16xi32>
        %parallel_loop3A_814 = arith.constant 16 : i32
        %parallel_loop3A_815 = vector.broadcast %parallel_loop3A_814 : i32 to vector<16xi32>
        %parallel_loop3A_816 = arith.shli %parallel_loop3A_813, %parallel_loop3A_815 : vector<16xi32>
        %parallel_loop3A_817 = tpu.bitcast %parallel_loop3A_816 : vector<16xi32> -> vector<16xf32>
        %parallel_loop3A_818 = vector.broadcast %parallel_loop3A_493 : i32 to vector<16xi32>
        %parallel_loop3A_819 = arith.andi %parallel_loop3A_813, %parallel_loop3A_818 : vector<16xi32>
        %parallel_loop3A_820 = tpu.bitcast %parallel_loop3A_819 : vector<16xi32> -> vector<16xf32>
        %parallel_loop3A_821 = arith.constant 0 : i32
        %parallel_loop3A_822 = arith.constant 0 : i32
        %parallel_loop3A_823 = tpu.memref_slice %arg8[%parallel_loop3A_494, %parallel_loop3A_821, %parallel_loop3A_822] : memref<2x80x128xf32, #tpu.memory_space<vmem>> -> memref<1x80x128xf32, #tpu.memory_space<vmem>>
        %parallel_loop3A_824 = tpu.memref_squeeze %parallel_loop3A_823 : memref<1x80x128xf32, #tpu.memory_space<vmem>> -> memref<80x128xf32, #tpu.memory_space<vmem>>
        %parallel_loop3A_825 = arith.index_cast %parallel_loop3A_805 : i32 to index
        %parallel_loop3A_826 = arith.constant 0 : index
        %parallel_loop3A_827 = tpu.vector_load %parallel_loop3A_824[%parallel_loop3A_825, %parallel_loop3A_826] {strides = array<i32>} : memref<80x128xf32, #tpu.memory_space<vmem>>, vector<1x16xf32>,
        %parallel_loop3A_828 = vector.shape_cast %parallel_loop3A_827 : vector<1x16xf32> to vector<16xf32>
        %parallel_loop3A_829 = arith.mulf %parallel_loop3A_828, %parallel_loop3A_817 : vector<16xf32>
        %parallel_loop3A_830 = arith.constant 0 : i32
        %parallel_loop3A_831 = arith.constant 0 : i32
        %parallel_loop3A_832 = tpu.memref_slice %arg8[%parallel_loop3A_494, %parallel_loop3A_830, %parallel_loop3A_831] : memref<2x80x128xf32, #tpu.memory_space<vmem>> -> memref<1x80x128xf32, #tpu.memory_space<vmem>>
        %parallel_loop3A_833 = tpu.memref_squeeze %parallel_loop3A_832 : memref<1x80x128xf32, #tpu.memory_space<vmem>> -> memref<80x128xf32, #tpu.memory_space<vmem>>
        %parallel_loop3A_834 = arith.index_cast %parallel_loop3A_805 : i32 to index
        %parallel_loop3A_835 = arith.constant 0 : index
        %parallel_loop3A_836 = tpu.vector_load %parallel_loop3A_833[%parallel_loop3A_834, %parallel_loop3A_835] {strides = array<i32>} : memref<80x128xf32, #tpu.memory_space<vmem>>, vector<1x16xf32>,
        %parallel_loop3A_837 = vector.shape_cast %parallel_loop3A_836 : vector<1x16xf32> to vector<16xf32>
        %parallel_loop3A_838 = vector.shape_cast %parallel_loop3A_829 : vector<16xf32> to vector<1x16xf32>
        tpu.vector_store %parallel_loop3A_833[%parallel_loop3A_834, %parallel_loop3A_835], %parallel_loop3A_838 {strides = array<i32>} : memref<80x128xf32, #tpu.memory_space<vmem>>, vector<1x16xf32>,
        %parallel_loop3A_839 = arith.constant 0 : i32
        %parallel_loop3A_840 = arith.constant 0 : i32
        %parallel_loop3A_841 = tpu.memref_slice %arg8[%parallel_loop3A_494, %parallel_loop3A_839, %parallel_loop3A_840] : memref<2x80x128xf32, #tpu.memory_space<vmem>> -> memref<1x80x128xf32, #tpu.memory_space<vmem>>
        %parallel_loop3A_842 = tpu.memref_squeeze %parallel_loop3A_841 : memref<1x80x128xf32, #tpu.memory_space<vmem>> -> memref<80x128xf32, #tpu.memory_space<vmem>>
        %parallel_loop3A_843 = arith.index_cast %parallel_loop3A_805 : i32 to index
        %parallel_loop3A_844 = arith.constant 64 : index
        %parallel_loop3A_845 = tpu.vector_load %parallel_loop3A_842[%parallel_loop3A_843, %parallel_loop3A_844] {strides = array<i32>} : memref<80x128xf32, #tpu.memory_space<vmem>>, vector<1x16xf32>,
        %parallel_loop3A_846 = vector.shape_cast %parallel_loop3A_845 : vector<1x16xf32> to vector<16xf32>
        %parallel_loop3A_847 = arith.mulf %parallel_loop3A_846, %parallel_loop3A_820 : vector<16xf32>
        %parallel_loop3A_848 = arith.constant 0 : i32
        %parallel_loop3A_849 = arith.constant 0 : i32
        %parallel_loop3A_850 = tpu.memref_slice %arg8[%parallel_loop3A_494, %parallel_loop3A_848, %parallel_loop3A_849] : memref<2x80x128xf32, #tpu.memory_space<vmem>> -> memref<1x80x128xf32, #tpu.memory_space<vmem>>
        %parallel_loop3A_851 = tpu.memref_squeeze %parallel_loop3A_850 : memref<1x80x128xf32, #tpu.memory_space<vmem>> -> memref<80x128xf32, #tpu.memory_space<vmem>>
        %parallel_loop3A_852 = arith.index_cast %parallel_loop3A_805 : i32 to index
        %parallel_loop3A_853 = arith.constant 64 : index
        %parallel_loop3A_854 = tpu.vector_load %parallel_loop3A_851[%parallel_loop3A_852, %parallel_loop3A_853] {strides = array<i32>} : memref<80x128xf32, #tpu.memory_space<vmem>>, vector<1x16xf32>,
        %parallel_loop3A_855 = vector.shape_cast %parallel_loop3A_854 : vector<1x16xf32> to vector<16xf32>
        %parallel_loop3A_856 = vector.shape_cast %parallel_loop3A_847 : vector<16xf32> to vector<1x16xf32>
        tpu.vector_store %parallel_loop3A_851[%parallel_loop3A_852, %parallel_loop3A_853], %parallel_loop3A_856 {strides = array<i32>} : memref<80x128xf32, #tpu.memory_space<vmem>>, vector<1x16xf32>,
        %parallel_loop3A_857 = arith.constant 0 : i32
        %parallel_loop3A_858 = arith.constant 0 : i32
        %parallel_loop3A_859 = tpu.memref_slice %arg9[%parallel_loop3A_492, %parallel_loop3A_857, %parallel_loop3A_858] : memref<2x80x64xi32, #tpu.memory_space<vmem>> -> memref<1x80x64xi32, #tpu.memory_space<vmem>>
        %parallel_loop3A_860 = tpu.memref_squeeze %parallel_loop3A_859 : memref<1x80x64xi32, #tpu.memory_space<vmem>> -> memref<80x64xi32, #tpu.memory_space<vmem>>
        %parallel_loop3A_861 = arith.index_cast %parallel_loop3A_805 : i32 to index
        %parallel_loop3A_862 = arith.constant 16 : index
        %parallel_loop3A_863 = tpu.vector_load %parallel_loop3A_860[%parallel_loop3A_861, %parallel_loop3A_862] {strides = array<i32>} : memref<80x64xi32, #tpu.memory_space<vmem>>, vector<1x16xi32>,
        %parallel_loop3A_864 = vector.shape_cast %parallel_loop3A_863 : vector<1x16xi32> to vector<16xi32>
        %parallel_loop3A_865 = arith.constant 16 : i32
        %parallel_loop3A_866 = vector.broadcast %parallel_loop3A_865 : i32 to vector<16xi32>
        %parallel_loop3A_867 = arith.shli %parallel_loop3A_864, %parallel_loop3A_866 : vector<16xi32>
        %parallel_loop3A_868 = tpu.bitcast %parallel_loop3A_867 : vector<16xi32> -> vector<16xf32>
        %parallel_loop3A_869 = vector.broadcast %parallel_loop3A_493 : i32 to vector<16xi32>
        %parallel_loop3A_870 = arith.andi %parallel_loop3A_864, %parallel_loop3A_869 : vector<16xi32>
        %parallel_loop3A_871 = tpu.bitcast %parallel_loop3A_870 : vector<16xi32> -> vector<16xf32>
        %parallel_loop3A_872 = arith.constant 0 : i32
        %parallel_loop3A_873 = arith.constant 0 : i32
        %parallel_loop3A_874 = tpu.memref_slice %arg8[%parallel_loop3A_494, %parallel_loop3A_872, %parallel_loop3A_873] : memref<2x80x128xf32, #tpu.memory_space<vmem>> -> memref<1x80x128xf32, #tpu.memory_space<vmem>>
        %parallel_loop3A_875 = tpu.memref_squeeze %parallel_loop3A_874 : memref<1x80x128xf32, #tpu.memory_space<vmem>> -> memref<80x128xf32, #tpu.memory_space<vmem>>
        %parallel_loop3A_876 = arith.index_cast %parallel_loop3A_805 : i32 to index
        %parallel_loop3A_877 = arith.constant 16 : index
        %parallel_loop3A_878 = tpu.vector_load %parallel_loop3A_875[%parallel_loop3A_876, %parallel_loop3A_877] {strides = array<i32>} : memref<80x128xf32, #tpu.memory_space<vmem>>, vector<1x16xf32>,
        %parallel_loop3A_879 = vector.shape_cast %parallel_loop3A_878 : vector<1x16xf32> to vector<16xf32>
        %parallel_loop3A_880 = arith.mulf %parallel_loop3A_879, %parallel_loop3A_868 : vector<16xf32>
        %parallel_loop3A_881 = arith.constant 0 : i32
        %parallel_loop3A_882 = arith.constant 0 : i32
        %parallel_loop3A_883 = tpu.memref_slice %arg8[%parallel_loop3A_494, %parallel_loop3A_881, %parallel_loop3A_882] : memref<2x80x128xf32, #tpu.memory_space<vmem>> -> memref<1x80x128xf32, #tpu.memory_space<vmem>>
        %parallel_loop3A_884 = tpu.memref_squeeze %parallel_loop3A_883 : memref<1x80x128xf32, #tpu.memory_space<vmem>> -> memref<80x128xf32, #tpu.memory_space<vmem>>
        %parallel_loop3A_885 = arith.index_cast %parallel_loop3A_805 : i32 to index
        %parallel_loop3A_886 = arith.constant 16 : index
        %parallel_loop3A_887 = tpu.vector_load %parallel_loop3A_884[%parallel_loop3A_885, %parallel_loop3A_886] {strides = array<i32>} : memref<80x128xf32, #tpu.memory_space<vmem>>, vector<1x16xf32>,
        %parallel_loop3A_888 = vector.shape_cast %parallel_loop3A_887 : vector<1x16xf32> to vector<16xf32>
        %parallel_loop3A_889 = vector.shape_cast %parallel_loop3A_880 : vector<16xf32> to vector<1x16xf32>
        tpu.vector_store %parallel_loop3A_884[%parallel_loop3A_885, %parallel_loop3A_886], %parallel_loop3A_889 {strides = array<i32>} : memref<80x128xf32, #tpu.memory_space<vmem>>, vector<1x16xf32>,
        %parallel_loop3A_890 = arith.constant 0 : i32
        %parallel_loop3A_891 = arith.constant 0 : i32
        %parallel_loop3A_892 = tpu.memref_slice %arg8[%parallel_loop3A_494, %parallel_loop3A_890, %parallel_loop3A_891] : memref<2x80x128xf32, #tpu.memory_space<vmem>> -> memref<1x80x128xf32, #tpu.memory_space<vmem>>
        %parallel_loop3A_893 = tpu.memref_squeeze %parallel_loop3A_892 : memref<1x80x128xf32, #tpu.memory_space<vmem>> -> memref<80x128xf32, #tpu.memory_space<vmem>>
        %parallel_loop3A_894 = arith.index_cast %parallel_loop3A_805 : i32 to index
        %parallel_loop3A_895 = arith.constant 80 : index
        %parallel_loop3A_896 = tpu.vector_load %parallel_loop3A_893[%parallel_loop3A_894, %parallel_loop3A_895] {strides = array<i32>} : memref<80x128xf32, #tpu.memory_space<vmem>>, vector<1x16xf32>,
        %parallel_loop3A_897 = vector.shape_cast %parallel_loop3A_896 : vector<1x16xf32> to vector<16xf32>
        %parallel_loop3A_898 = arith.mulf %parallel_loop3A_897, %parallel_loop3A_871 : vector<16xf32>
        %parallel_loop3A_899 = arith.constant 0 : i32
        %parallel_loop3A_900 = arith.constant 0 : i32
        %parallel_loop3A_901 = tpu.memref_slice %arg8[%parallel_loop3A_494, %parallel_loop3A_899, %parallel_loop3A_900] : memref<2x80x128xf32, #tpu.memory_space<vmem>> -> memref<1x80x128xf32, #tpu.memory_space<vmem>>
        %parallel_loop3A_902 = tpu.memref_squeeze %parallel_loop3A_901 : memref<1x80x128xf32, #tpu.memory_space<vmem>> -> memref<80x128xf32, #tpu.memory_space<vmem>>
        %parallel_loop3A_903 = arith.index_cast %parallel_loop3A_805 : i32 to index
        %parallel_loop3A_904 = arith.constant 80 : index
        %parallel_loop3A_905 = tpu.vector_load %parallel_loop3A_902[%parallel_loop3A_903, %parallel_loop3A_904] {strides = array<i32>} : memref<80x128xf32, #tpu.memory_space<vmem>>, vector<1x16xf32>,
        %parallel_loop3A_906 = vector.shape_cast %parallel_loop3A_905 : vector<1x16xf32> to vector<16xf32>
        %parallel_loop3A_907 = vector.shape_cast %parallel_loop3A_898 : vector<16xf32> to vector<1x16xf32>
        tpu.vector_store %parallel_loop3A_902[%parallel_loop3A_903, %parallel_loop3A_904], %parallel_loop3A_907 {strides = array<i32>} : memref<80x128xf32, #tpu.memory_space<vmem>>, vector<1x16xf32>,
        %parallel_loop3A_908 = arith.constant 0 : i32
        %parallel_loop3A_909 = arith.constant 0 : i32
        %parallel_loop3A_910 = tpu.memref_slice %arg9[%parallel_loop3A_492, %parallel_loop3A_908, %parallel_loop3A_909] : memref<2x80x64xi32, #tpu.memory_space<vmem>> -> memref<1x80x64xi32, #tpu.memory_space<vmem>>
        %parallel_loop3A_911 = tpu.memref_squeeze %parallel_loop3A_910 : memref<1x80x64xi32, #tpu.memory_space<vmem>> -> memref<80x64xi32, #tpu.memory_space<vmem>>
        %parallel_loop3A_912 = arith.index_cast %parallel_loop3A_805 : i32 to index
        %parallel_loop3A_913 = arith.constant 32 : index
        %parallel_loop3A_914 = tpu.vector_load %parallel_loop3A_911[%parallel_loop3A_912, %parallel_loop3A_913] {strides = array<i32>} : memref<80x64xi32, #tpu.memory_space<vmem>>, vector<1x16xi32>,
        %parallel_loop3A_915 = vector.shape_cast %parallel_loop3A_914 : vector<1x16xi32> to vector<16xi32>
        %parallel_loop3A_916 = arith.constant 16 : i32
        %parallel_loop3A_917 = vector.broadcast %parallel_loop3A_916 : i32 to vector<16xi32>
        %parallel_loop3A_918 = arith.shli %parallel_loop3A_915, %parallel_loop3A_917 : vector<16xi32>
        %parallel_loop3A_919 = tpu.bitcast %parallel_loop3A_918 : vector<16xi32> -> vector<16xf32>
        %parallel_loop3A_920 = vector.broadcast %parallel_loop3A_493 : i32 to vector<16xi32>
        %parallel_loop3A_921 = arith.andi %parallel_loop3A_915, %parallel_loop3A_920 : vector<16xi32>
        %parallel_loop3A_922 = tpu.bitcast %parallel_loop3A_921 : vector<16xi32> -> vector<16xf32>
        %parallel_loop3A_923 = arith.constant 0 : i32
        %parallel_loop3A_924 = arith.constant 0 : i32
        %parallel_loop3A_925 = tpu.memref_slice %arg8[%parallel_loop3A_494, %parallel_loop3A_923, %parallel_loop3A_924] : memref<2x80x128xf32, #tpu.memory_space<vmem>> -> memref<1x80x128xf32, #tpu.memory_space<vmem>>
        %parallel_loop3A_926 = tpu.memref_squeeze %parallel_loop3A_925 : memref<1x80x128xf32, #tpu.memory_space<vmem>> -> memref<80x128xf32, #tpu.memory_space<vmem>>
        %parallel_loop3A_927 = arith.index_cast %parallel_loop3A_805 : i32 to index
        %parallel_loop3A_928 = arith.constant 32 : index
        %parallel_loop3A_929 = tpu.vector_load %parallel_loop3A_926[%parallel_loop3A_927, %parallel_loop3A_928] {strides = array<i32>} : memref<80x128xf32, #tpu.memory_space<vmem>>, vector<1x16xf32>,
        %parallel_loop3A_930 = vector.shape_cast %parallel_loop3A_929 : vector<1x16xf32> to vector<16xf32>
        %parallel_loop3A_931 = arith.mulf %parallel_loop3A_930, %parallel_loop3A_919 : vector<16xf32>
        %parallel_loop3A_932 = arith.constant 0 : i32
        %parallel_loop3A_933 = arith.constant 0 : i32
        %parallel_loop3A_934 = tpu.memref_slice %arg8[%parallel_loop3A_494, %parallel_loop3A_932, %parallel_loop3A_933] : memref<2x80x128xf32, #tpu.memory_space<vmem>> -> memref<1x80x128xf32, #tpu.memory_space<vmem>>
        %parallel_loop3A_935 = tpu.memref_squeeze %parallel_loop3A_934 : memref<1x80x128xf32, #tpu.memory_space<vmem>> -> memref<80x128xf32, #tpu.memory_space<vmem>>
        %parallel_loop3A_936 = arith.index_cast %parallel_loop3A_805 : i32 to index
        %parallel_loop3A_937 = arith.constant 32 : index
        %parallel_loop3A_938 = tpu.vector_load %parallel_loop3A_935[%parallel_loop3A_936, %parallel_loop3A_937] {strides = array<i32>} : memref<80x128xf32, #tpu.memory_space<vmem>>, vector<1x16xf32>,
        %parallel_loop3A_939 = vector.shape_cast %parallel_loop3A_938 : vector<1x16xf32> to vector<16xf32>
        %parallel_loop3A_940 = vector.shape_cast %parallel_loop3A_931 : vector<16xf32> to vector<1x16xf32>
        tpu.vector_store %parallel_loop3A_935[%parallel_loop3A_936, %parallel_loop3A_937], %parallel_loop3A_940 {strides = array<i32>} : memref<80x128xf32, #tpu.memory_space<vmem>>, vector<1x16xf32>,
        %parallel_loop3A_941 = arith.constant 0 : i32
        %parallel_loop3A_942 = arith.constant 0 : i32
        %parallel_loop3A_943 = tpu.memref_slice %arg8[%parallel_loop3A_494, %parallel_loop3A_941, %parallel_loop3A_942] : memref<2x80x128xf32, #tpu.memory_space<vmem>> -> memref<1x80x128xf32, #tpu.memory_space<vmem>>
        %parallel_loop3A_944 = tpu.memref_squeeze %parallel_loop3A_943 : memref<1x80x128xf32, #tpu.memory_space<vmem>> -> memref<80x128xf32, #tpu.memory_space<vmem>>
        %parallel_loop3A_945 = arith.index_cast %parallel_loop3A_805 : i32 to index
        %parallel_loop3A_946 = arith.constant 96 : index
        %parallel_loop3A_947 = tpu.vector_load %parallel_loop3A_944[%parallel_loop3A_945, %parallel_loop3A_946] {strides = array<i32>} : memref<80x128xf32, #tpu.memory_space<vmem>>, vector<1x16xf32>,
        %parallel_loop3A_948 = vector.shape_cast %parallel_loop3A_947 : vector<1x16xf32> to vector<16xf32>
        %parallel_loop3A_949 = arith.mulf %parallel_loop3A_948, %parallel_loop3A_922 : vector<16xf32>
        %parallel_loop3A_950 = arith.constant 0 : i32
        %parallel_loop3A_951 = arith.constant 0 : i32
        %parallel_loop3A_952 = tpu.memref_slice %arg8[%parallel_loop3A_494, %parallel_loop3A_950, %parallel_loop3A_951] : memref<2x80x128xf32, #tpu.memory_space<vmem>> -> memref<1x80x128xf32, #tpu.memory_space<vmem>>
        %parallel_loop3A_953 = tpu.memref_squeeze %parallel_loop3A_952 : memref<1x80x128xf32, #tpu.memory_space<vmem>> -> memref<80x128xf32, #tpu.memory_space<vmem>>
        %parallel_loop3A_954 = arith.index_cast %parallel_loop3A_805 : i32 to index
        %parallel_loop3A_955 = arith.constant 96 : index
        %parallel_loop3A_956 = tpu.vector_load %parallel_loop3A_953[%parallel_loop3A_954, %parallel_loop3A_955] {strides = array<i32>} : memref<80x128xf32, #tpu.memory_space<vmem>>, vector<1x16xf32>,
        %parallel_loop3A_957 = vector.shape_cast %parallel_loop3A_956 : vector<1x16xf32> to vector<16xf32>
        %parallel_loop3A_958 = vector.shape_cast %parallel_loop3A_949 : vector<16xf32> to vector<1x16xf32>
        tpu.vector_store %parallel_loop3A_953[%parallel_loop3A_954, %parallel_loop3A_955], %parallel_loop3A_958 {strides = array<i32>} : memref<80x128xf32, #tpu.memory_space<vmem>>, vector<1x16xf32>,
        %parallel_loop3A_959 = arith.constant 0 : i32
        %parallel_loop3A_960 = arith.constant 0 : i32
        %parallel_loop3A_961 = tpu.memref_slice %arg9[%parallel_loop3A_492, %parallel_loop3A_959, %parallel_loop3A_960] : memref<2x80x64xi32, #tpu.memory_space<vmem>> -> memref<1x80x64xi32, #tpu.memory_space<vmem>>
        %parallel_loop3A_962 = tpu.memref_squeeze %parallel_loop3A_961 : memref<1x80x64xi32, #tpu.memory_space<vmem>> -> memref<80x64xi32, #tpu.memory_space<vmem>>
        %parallel_loop3A_963 = arith.index_cast %parallel_loop3A_805 : i32 to index
        %parallel_loop3A_964 = arith.constant 48 : index
        %parallel_loop3A_965 = tpu.vector_load %parallel_loop3A_962[%parallel_loop3A_963, %parallel_loop3A_964] {strides = array<i32>} : memref<80x64xi32, #tpu.memory_space<vmem>>, vector<1x16xi32>,
        %parallel_loop3A_966 = vector.shape_cast %parallel_loop3A_965 : vector<1x16xi32> to vector<16xi32>
        %parallel_loop3A_967 = arith.constant 16 : i32
        %parallel_loop3A_968 = vector.broadcast %parallel_loop3A_967 : i32 to vector<16xi32>
        %parallel_loop3A_969 = arith.shli %parallel_loop3A_966, %parallel_loop3A_968 : vector<16xi32>
        %parallel_loop3A_970 = tpu.bitcast %parallel_loop3A_969 : vector<16xi32> -> vector<16xf32>
        %parallel_loop3A_971 = vector.broadcast %parallel_loop3A_493 : i32 to vector<16xi32>
        %parallel_loop3A_972 = arith.andi %parallel_loop3A_966, %parallel_loop3A_971 : vector<16xi32>
        %parallel_loop3A_973 = tpu.bitcast %parallel_loop3A_972 : vector<16xi32> -> vector<16xf32>
        %parallel_loop3A_974 = arith.constant 0 : i32
        %parallel_loop3A_975 = arith.constant 0 : i32
        %parallel_loop3A_976 = tpu.memref_slice %arg8[%parallel_loop3A_494, %parallel_loop3A_974, %parallel_loop3A_975] : memref<2x80x128xf32, #tpu.memory_space<vmem>> -> memref<1x80x128xf32, #tpu.memory_space<vmem>>
        %parallel_loop3A_977 = tpu.memref_squeeze %parallel_loop3A_976 : memref<1x80x128xf32, #tpu.memory_space<vmem>> -> memref<80x128xf32, #tpu.memory_space<vmem>>
        %parallel_loop3A_978 = arith.index_cast %parallel_loop3A_805 : i32 to index
        %parallel_loop3A_979 = arith.constant 48 : index
        %parallel_loop3A_980 = tpu.vector_load %parallel_loop3A_977[%parallel_loop3A_978, %parallel_loop3A_979] {strides = array<i32>} : memref<80x128xf32, #tpu.memory_space<vmem>>, vector<1x16xf32>,
        %parallel_loop3A_981 = vector.shape_cast %parallel_loop3A_980 : vector<1x16xf32> to vector<16xf32>
        %parallel_loop3A_982 = arith.mulf %parallel_loop3A_981, %parallel_loop3A_970 : vector<16xf32>
        %parallel_loop3A_983 = arith.constant 0 : i32
        %parallel_loop3A_984 = arith.constant 0 : i32
        %parallel_loop3A_985 = tpu.memref_slice %arg8[%parallel_loop3A_494, %parallel_loop3A_983, %parallel_loop3A_984] : memref<2x80x128xf32, #tpu.memory_space<vmem>> -> memref<1x80x128xf32, #tpu.memory_space<vmem>>
        %parallel_loop3A_986 = tpu.memref_squeeze %parallel_loop3A_985 : memref<1x80x128xf32, #tpu.memory_space<vmem>> -> memref<80x128xf32, #tpu.memory_space<vmem>>
        %parallel_loop3A_987 = arith.index_cast %parallel_loop3A_805 : i32 to index
        %parallel_loop3A_988 = arith.constant 48 : index
        %parallel_loop3A_989 = tpu.vector_load %parallel_loop3A_986[%parallel_loop3A_987, %parallel_loop3A_988] {strides = array<i32>} : memref<80x128xf32, #tpu.memory_space<vmem>>, vector<1x16xf32>,
        %parallel_loop3A_990 = vector.shape_cast %parallel_loop3A_989 : vector<1x16xf32> to vector<16xf32>
        %parallel_loop3A_991 = vector.shape_cast %parallel_loop3A_982 : vector<16xf32> to vector<1x16xf32>
        tpu.vector_store %parallel_loop3A_986[%parallel_loop3A_987, %parallel_loop3A_988], %parallel_loop3A_991 {strides = array<i32>} : memref<80x128xf32, #tpu.memory_space<vmem>>, vector<1x16xf32>,
        %parallel_loop3A_992 = arith.constant 0 : i32
        %parallel_loop3A_993 = arith.constant 0 : i32
        %parallel_loop3A_994 = tpu.memref_slice %arg8[%parallel_loop3A_494, %parallel_loop3A_992, %parallel_loop3A_993] : memref<2x80x128xf32, #tpu.memory_space<vmem>> -> memref<1x80x128xf32, #tpu.memory_space<vmem>>
        %parallel_loop3A_995 = tpu.memref_squeeze %parallel_loop3A_994 : memref<1x80x128xf32, #tpu.memory_space<vmem>> -> memref<80x128xf32, #tpu.memory_space<vmem>>
        %parallel_loop3A_996 = arith.index_cast %parallel_loop3A_805 : i32 to index
        %parallel_loop3A_997 = arith.constant 112 : index
        %parallel_loop3A_998 = tpu.vector_load %parallel_loop3A_995[%parallel_loop3A_996, %parallel_loop3A_997] {strides = array<i32>} : memref<80x128xf32, #tpu.memory_space<vmem>>, vector<1x16xf32>,
        %parallel_loop3A_999 = vector.shape_cast %parallel_loop3A_998 : vector<1x16xf32> to vector<16xf32>
        %parallel_loop3A_1000 = arith.mulf %parallel_loop3A_999, %parallel_loop3A_973 : vector<16xf32>
        %parallel_loop3A_1001 = arith.constant 0 : i32
        %parallel_loop3A_1002 = arith.constant 0 : i32
        %parallel_loop3A_1003 = tpu.memref_slice %arg8[%parallel_loop3A_494, %parallel_loop3A_1001, %parallel_loop3A_1002] : memref<2x80x128xf32, #tpu.memory_space<vmem>> -> memref<1x80x128xf32, #tpu.memory_space<vmem>>
        %parallel_loop3A_1004 = tpu.memref_squeeze %parallel_loop3A_1003 : memref<1x80x128xf32, #tpu.memory_space<vmem>> -> memref<80x128xf32, #tpu.memory_space<vmem>>
        %parallel_loop3A_1005 = arith.index_cast %parallel_loop3A_805 : i32 to index
        %parallel_loop3A_1006 = arith.constant 112 : index
        %parallel_loop3A_1007 = tpu.vector_load %parallel_loop3A_1004[%parallel_loop3A_1005, %parallel_loop3A_1006] {strides = array<i32>} : memref<80x128xf32, #tpu.memory_space<vmem>>, vector<1x16xf32>,
        %parallel_loop3A_1008 = vector.shape_cast %parallel_loop3A_1007 : vector<1x16xf32> to vector<16xf32>
        %parallel_loop3A_1009 = vector.shape_cast %parallel_loop3A_1000 : vector<16xf32> to vector<1x16xf32>
        tpu.vector_store %parallel_loop3A_1004[%parallel_loop3A_1005, %parallel_loop3A_1006], %parallel_loop3A_1009 {strides = array<i32>} : memref<80x128xf32, #tpu.memory_space<vmem>>, vector<1x16xf32>,
      } {sc.loop_unroll_factor = 2 : i64, sc.parallel_access}
      %dma_start3A_495 = arith.constant 1 : i32
      %dma_start3A_496 = arith.constant 1 : i32
      %dma_start3A_497 = arith.constant 0 : i32
      %dma_start3A_498 = arith.constant 0 : i32
      %dma_start3A_499 = tpu.memref_slice %arg8[%dma_start3A_495, %dma_start3A_497, %dma_start3A_498] : memref<2x80x128xf32, #tpu.memory_space<vmem>> -> memref<1x80x128xf32, #tpu.memory_space<vmem>>
      %dma_start3A_500 = tpu.memref_squeeze %dma_start3A_499 : memref<1x80x128xf32, #tpu.memory_space<vmem>> -> memref<80x128xf32, #tpu.memory_space<vmem>>
      %dma_start3A_501 = arith.constant 0 : i32
      %dma_start3A_502 = tpu.memref_slice %arg7[%dma_start3A_496, %dma_start3A_501] : memref<4x80xi32, #tpu.memory_space<vmem>> -> memref<1x80xi32, #tpu.memory_space<vmem>>
      %dma_start3A_503 = tpu.memref_squeeze %dma_start3A_502 : memref<1x80xi32, #tpu.memory_space<vmem>> -> memref<80xi32, #tpu.memory_space<vmem>>
      %dma_start3A_504 = arith.constant 0 : i32
      %dma_start3A_505 = arith.constant 0 : i32
      %dma_start3A_506 = tpu.memref_slice %arg10[%dma_start3A_504, %dma_start3A_505] : memref<10112x128xf32, #tpu.memory_space<vmem_shared>> -> memref<10112x128xf32, #tpu.memory_space<vmem_shared>>
      tpu.enqueue_indirect_dma source(%dma_start3A_500 : memref<80x128xf32, #tpu.memory_space<vmem>>) target(%dma_start3A_506 : memref<10112x128xf32, #tpu.memory_space<vmem_shared>>) offsets(%dma_start3A_503 : memref<80xi32, #tpu.memory_space<vmem>>) semaphore(%arg16 : memref<!tpu.dma_semaphore, #tpu.memory_space<semaphore_mem>>) {add = true}
      %mul3A_507 = arith.constant 4 : i32
      %mul3A_508 = arith.muli %mul3A_507, %scan3A_244 : i32
      %add3A_509 = arith.constant 2 : i32
      %add3A_510 = arith.addi %mul3A_508, %add3A_509 : i32
      %dma_wait3A_511 = arith.constant 1 : i32
      %dma_wait3A_512 = arith.constant 0 : i32
      %dma_wait3A_513 = arith.constant 0 : i32
      %dma_wait3A_514 = tpu.memref_slice %arg8[%dma_wait3A_511, %dma_wait3A_512, %dma_wait3A_513] : memref<2x80x128xf32, #tpu.memory_space<vmem>> -> memref<1x80x128xf32, #tpu.memory_space<vmem>>
      %dma_wait3A_515 = tpu.memref_squeeze %dma_wait3A_514 : memref<1x80x128xf32, #tpu.memory_space<vmem>> -> memref<80x128xf32, #tpu.memory_space<vmem>>
      %dma_wait3A_516 = arith.constant 0 : i32
      %dma_wait3A_517 = arith.constant 0 : i32
      %dma_wait3A_518 = tpu.memref_slice %arg10[%dma_wait3A_516, %dma_wait3A_517] : memref<10112x128xf32, #tpu.memory_space<vmem_shared>> -> memref<80x128xf32, #tpu.memory_space<vmem_shared>>
      %dma_wait3A_519 = arith.constant 0 : i32
      %dma_wait3A_520 = arith.constant 0 : i32
      %dma_wait3A_521 = tpu.memref_slice %arg10[%dma_wait3A_519, %dma_wait3A_520] : memref<10112x128xf32, #tpu.memory_space<vmem_shared>> -> memref<80x128xf32, #tpu.memory_space<vmem_shared>>
      %dma_wait3A_522 = arith.constant 0 : i32
      %dma_wait3A_523 = arith.constant 0 : i32
      %dma_wait3A_524 = tpu.memref_slice %arg8[%dma_wait3A_511, %dma_wait3A_522, %dma_wait3A_523] : memref<2x80x128xf32, #tpu.memory_space<vmem>> -> memref<1x80x128xf32, #tpu.memory_space<vmem>>
      %dma_wait3A_525 = tpu.memref_squeeze %dma_wait3A_524 : memref<1x80x128xf32, #tpu.memory_space<vmem>> -> memref<80x128xf32, #tpu.memory_space<vmem>>
      tpu.wait_dma2 semaphore(%arg16 : memref<!tpu.dma_semaphore, #tpu.memory_space<semaphore_mem>>) src(%dma_wait3A_525 : memref<80x128xf32, #tpu.memory_space<vmem>>) dst(%dma_wait3A_521 : memref<80x128xf32, #tpu.memory_space<vmem_shared>>)
      %dma_wait3A_526 = arith.constant 3 : i32
      %dma_wait3A_527 = arith.constant 0 : i32
      %dma_wait3A_528 = tpu.memref_slice %arg6[%dma_wait3A_526, %dma_wait3A_527] : memref<4x80xi32, #tpu.memory_space<vmem>> -> memref<1x80xi32, #tpu.memory_space<vmem>>
      %dma_wait3A_529 = tpu.memref_squeeze %dma_wait3A_528 : memref<1x80xi32, #tpu.memory_space<vmem>> -> memref<80xi32, #tpu.memory_space<vmem>>
      %dma_wait3A_530 = arith.constant 0 : i32
      %dma_wait3A_531 = tpu.memref_slice %arg3[%dma_wait3A_530] : memref<640000xi32, #tpu.memory_space<hbm>> -> memref<80xi32, #tpu.memory_space<hbm>>
      %dma_wait3A_532 = arith.constant 0 : i32
      %dma_wait3A_533 = tpu.memref_slice %arg6[%dma_wait3A_526, %dma_wait3A_532] : memref<4x80xi32, #tpu.memory_space<vmem>> -> memref<1x80xi32, #tpu.memory_space<vmem>>
      %dma_wait3A_534 = tpu.memref_squeeze %dma_wait3A_533 : memref<1x80xi32, #tpu.memory_space<vmem>> -> memref<80xi32, #tpu.memory_space<vmem>>
      %dma_wait3A_535 = arith.constant 0 : i32
      %dma_wait3A_536 = tpu.memref_slice %arg3[%dma_wait3A_535] : memref<640000xi32, #tpu.memory_space<hbm>> -> memref<80xi32, #tpu.memory_space<hbm>>
      tpu.wait_dma2 semaphore(%arg20 : memref<!tpu.dma_semaphore, #tpu.memory_space<semaphore_mem>>) src(%dma_wait3A_536 : memref<80xi32, #tpu.memory_space<hbm>>) dst(%dma_wait3A_534 : memref<80xi32, #tpu.memory_space<vmem>>)
      %dma_wait3A_537 = arith.constant 3 : i32
      %dma_wait3A_538 = arith.constant 0 : i32
      %dma_wait3A_539 = tpu.memref_slice %arg7[%dma_wait3A_537, %dma_wait3A_538] : memref<4x80xi32, #tpu.memory_space<vmem>> -> memref<1x80xi32, #tpu.memory_space<vmem>>
      %dma_wait3A_540 = tpu.memref_squeeze %dma_wait3A_539 : memref<1x80xi32, #tpu.memory_space<vmem>> -> memref<80xi32, #tpu.memory_space<vmem>>
      %dma_wait3A_541 = arith.constant 0 : i32
      %dma_wait3A_542 = tpu.memref_slice %arg3[%dma_wait3A_541] : memref<640000xi32, #tpu.memory_space<hbm>> -> memref<80xi32, #tpu.memory_space<hbm>>
      %dma_wait3A_543 = arith.constant 0 : i32
      %dma_wait3A_544 = tpu.memref_slice %arg7[%dma_wait3A_537, %dma_wait3A_543] : memref<4x80xi32, #tpu.memory_space<vmem>> -> memref<1x80xi32, #tpu.memory_space<vmem>>
      %dma_wait3A_545 = tpu.memref_squeeze %dma_wait3A_544 : memref<1x80xi32, #tpu.memory_space<vmem>> -> memref<80xi32, #tpu.memory_space<vmem>>
      %dma_wait3A_546 = arith.constant 0 : i32
      %dma_wait3A_547 = tpu.memref_slice %arg3[%dma_wait3A_546] : memref<640000xi32, #tpu.memory_space<hbm>> -> memref<80xi32, #tpu.memory_space<hbm>>
      tpu.wait_dma2 semaphore(%arg20 : memref<!tpu.dma_semaphore, #tpu.memory_space<semaphore_mem>>) src(%dma_wait3A_547 : memref<80xi32, #tpu.memory_space<hbm>>) dst(%dma_wait3A_545 : memref<80xi32, #tpu.memory_space<vmem>>)
      %add3A_548 = arith.constant 1 : i32
      %add3A_549 = arith.addi %add3A_510, %add3A_548 : i32
      %dma_start3A_550 = arith.constant 3 : i32
      %dma_start3A_551 = arith.constant 1 : i32
      %dma_start3A_552 = arith.constant 0 : i32
      %dma_start3A_553 = arith.constant 0 : i32
      %dma_start3A_554 = tpu.memref_slice %arg8[%dma_start3A_551, %dma_start3A_552, %dma_start3A_553] : memref<2x80x128xf32, #tpu.memory_space<vmem>> -> memref<1x80x128xf32, #tpu.memory_space<vmem>>
      %dma_start3A_555 = tpu.memref_squeeze %dma_start3A_554 : memref<1x80x128xf32, #tpu.memory_space<vmem>> -> memref<80x128xf32, #tpu.memory_space<vmem>>
      %dma_start3A_556 = arith.constant 0 : i32
      %dma_start3A_557 = tpu.memref_slice %arg6[%dma_start3A_550, %dma_start3A_556] : memref<4x80xi32, #tpu.memory_space<vmem>> -> memref<1x80xi32, #tpu.memory_space<vmem>>
      %dma_start3A_558 = tpu.memref_squeeze %dma_start3A_557 : memref<1x80xi32, #tpu.memory_space<vmem>> -> memref<80xi32, #tpu.memory_space<vmem>>
      %dma_start3A_559 = arith.constant 0 : i32
      %dma_start3A_560 = arith.constant 0 : i32
      %dma_start3A_561 = tpu.memref_slice %arg2[%dma_start3A_559, %dma_start3A_560] : memref<10000x128xf32, #tpu.memory_space<hbm>> -> memref<10000x128xf32, #tpu.memory_space<hbm>>
      tpu.enqueue_indirect_dma source(%dma_start3A_561 : memref<10000x128xf32, #tpu.memory_space<hbm>>) target(%dma_start3A_555 : memref<80x128xf32, #tpu.memory_space<vmem>>) offsets(%dma_start3A_558 : memref<80xi32, #tpu.memory_space<vmem>>) semaphore(%arg12 : memref<!tpu.dma_semaphore, #tpu.memory_space<semaphore_mem>>)
      %mul3A_562 = arith.constant 80 : i32
      %mul3A_563 = arith.muli %add3A_549, %mul3A_562 : i32
      %add3A_564 = arith.addi %mul3A_2, %mul3A_563 : i32
      %dma_start3A_565 = arith.constant 1 : i32
      %dma_start3A_566 = arith.constant 0 : i32
      %dma_start3A_567 = arith.constant 0 : i32
      %dma_start3A_568 = tpu.memref_slice %arg9[%dma_start3A_565, %dma_start3A_566, %dma_start3A_567] : memref<2x80x64xi32, #tpu.memory_space<vmem>> -> memref<1x80x64xi32, #tpu.memory_space<vmem>>
      %dma_start3A_569 = tpu.memref_squeeze %dma_start3A_568 : memref<1x80x64xi32, #tpu.memory_space<vmem>> -> memref<80x64xi32, #tpu.memory_space<vmem>>
      %dma_start3A_570 = arith.constant 0 : i32
      %dma_start3A_571 = tpu.memref_slice %arg4[%add3A_564, %dma_start3A_570] : memref<320000x64xi32, #tpu.memory_space<hbm>> -> memref<80x64xi32, #tpu.memory_space<hbm>>
      %dma_start3A_572 = arith.constant 0 : i32
      %dma_start3A_573 = arith.constant 0 : i32
      %dma_start3A_574 = tpu.memref_slice %arg9[%dma_start3A_565, %dma_start3A_572, %dma_start3A_573] : memref<2x80x64xi32, #tpu.memory_space<vmem>> -> memref<1x80x64xi32, #tpu.memory_space<vmem>>
      %dma_start3A_575 = tpu.memref_squeeze %dma_start3A_574 : memref<1x80x64xi32, #tpu.memory_space<vmem>> -> memref<80x64xi32, #tpu.memory_space<vmem>>
      %dma_start3A_576 = arith.constant 0 : i32
      %dma_start3A_577 = tpu.memref_slice %arg4[%add3A_564, %dma_start3A_576] : memref<320000x64xi32, #tpu.memory_space<hbm>> -> memref<80x64xi32, #tpu.memory_space<hbm>>
      tpu.enqueue_dma source(%dma_start3A_577 : memref<80x64xi32, #tpu.memory_space<hbm>>) target(%dma_start3A_575 : memref<80x64xi32, #tpu.memory_space<vmem>>) target_semaphore(%arg14 : memref<!tpu.dma_semaphore, #tpu.memory_space<semaphore_mem>>)
      %dma_wait3A_578 = arith.constant 0 : i32
      %dma_wait3A_579 = arith.constant 0 : i32
      %dma_wait3A_580 = arith.constant 0 : i32
      %dma_wait3A_581 = tpu.memref_slice %arg8[%dma_wait3A_578, %dma_wait3A_579, %dma_wait3A_580] : memref<2x80x128xf32, #tpu.memory_space<vmem>> -> memref<1x80x128xf32, #tpu.memory_space<vmem>>
      %dma_wait3A_582 = tpu.memref_squeeze %dma_wait3A_581 : memref<1x80x128xf32, #tpu.memory_space<vmem>> -> memref<80x128xf32, #tpu.memory_space<vmem>>
      %dma_wait3A_583 = arith.constant 0 : i32
      %dma_wait3A_584 = arith.constant 0 : i32
      %dma_wait3A_585 = tpu.memref_slice %arg2[%dma_wait3A_583, %dma_wait3A_584] : memref<10000x128xf32, #tpu.memory_space<hbm>> -> memref<80x128xf32, #tpu.memory_space<hbm>>
      %dma_wait3A_586 = arith.constant 0 : i32
      %dma_wait3A_587 = arith.constant 0 : i32
      %dma_wait3A_588 = tpu.memref_slice %arg8[%dma_wait3A_578, %dma_wait3A_586, %dma_wait3A_587] : memref<2x80x128xf32, #tpu.memory_space<vmem>> -> memref<1x80x128xf32, #tpu.memory_space<vmem>>
      %dma_wait3A_589 = tpu.memref_squeeze %dma_wait3A_588 : memref<1x80x128xf32, #tpu.memory_space<vmem>> -> memref<80x128xf32, #tpu.memory_space<vmem>>
      %dma_wait3A_590 = arith.constant 0 : i32
      %dma_wait3A_591 = arith.constant 0 : i32
      %dma_wait3A_592 = tpu.memref_slice %arg2[%dma_wait3A_590, %dma_wait3A_591] : memref<10000x128xf32, #tpu.memory_space<hbm>> -> memref<80x128xf32, #tpu.memory_space<hbm>>
      tpu.wait_dma2 semaphore(%arg11 : memref<!tpu.dma_semaphore, #tpu.memory_space<semaphore_mem>>) src(%dma_wait3A_592 : memref<80x128xf32, #tpu.memory_space<hbm>>) dst(%dma_wait3A_589 : memref<80x128xf32, #tpu.memory_space<vmem>>)
      %dma_wait3A_593 = arith.constant 0 : i32
      %dma_wait3A_594 = arith.constant 0 : i32
      %dma_wait3A_595 = arith.constant 0 : i32
      %dma_wait3A_596 = tpu.memref_slice %arg9[%dma_wait3A_593, %dma_wait3A_594, %dma_wait3A_595] : memref<2x80x64xi32, #tpu.memory_space<vmem>> -> memref<1x80x64xi32, #tpu.memory_space<vmem>>
      %dma_wait3A_597 = tpu.memref_squeeze %dma_wait3A_596 : memref<1x80x64xi32, #tpu.memory_space<vmem>> -> memref<80x64xi32, #tpu.memory_space<vmem>>
      %dma_wait3A_598 = arith.constant 0 : i32
      %dma_wait3A_599 = arith.constant 0 : i32
      %dma_wait3A_600 = tpu.memref_slice %arg4[%dma_wait3A_598, %dma_wait3A_599] : memref<320000x64xi32, #tpu.memory_space<hbm>> -> memref<80x64xi32, #tpu.memory_space<hbm>>
      %dma_wait3A_601 = arith.constant 0 : i32
      %dma_wait3A_602 = arith.constant 0 : i32
      %dma_wait3A_603 = tpu.memref_slice %arg9[%dma_wait3A_593, %dma_wait3A_601, %dma_wait3A_602] : memref<2x80x64xi32, #tpu.memory_space<vmem>> -> memref<1x80x64xi32, #tpu.memory_space<vmem>>
      %dma_wait3A_604 = tpu.memref_squeeze %dma_wait3A_603 : memref<1x80x64xi32, #tpu.memory_space<vmem>> -> memref<80x64xi32, #tpu.memory_space<vmem>>
      %dma_wait3A_605 = arith.constant 0 : i32
      %dma_wait3A_606 = arith.constant 0 : i32
      %dma_wait3A_607 = tpu.memref_slice %arg4[%dma_wait3A_605, %dma_wait3A_606] : memref<320000x64xi32, #tpu.memory_space<hbm>> -> memref<80x64xi32, #tpu.memory_space<hbm>>
      tpu.wait_dma2 semaphore(%arg13 : memref<!tpu.dma_semaphore, #tpu.memory_space<semaphore_mem>>) src(%dma_wait3A_607 : memref<80x64xi32, #tpu.memory_space<hbm>>) dst(%dma_wait3A_604 : memref<80x64xi32, #tpu.memory_space<vmem>>)
      %add3A_608 = arith.constant 2 : i32
      %add3A_609 = arith.addi %add3A_510, %add3A_608 : i32
      %min3A_610 = arith.constant 124 : i32
      %min3A_611 = arith.minsi %add3A_609, %min3A_610 : i32
      %mul3A_612 = arith.constant 80 : i32
      %mul3A_613 = arith.muli %min3A_611, %mul3A_612 : i32
      %add3A_614 = arith.addi %mul3A_2, %mul3A_613 : i32
      %add3A_615 = arith.constant 320000 : i32
      %add3A_616 = arith.addi %add3A_615, %mul3A_2 : i32
      %mul3A_617 = arith.constant 80 : i32
      %mul3A_618 = arith.muli %min3A_611, %mul3A_617 : i32
      %add3A_619 = arith.addi %add3A_616, %mul3A_618 : i32
      %dma_start3A_620 = arith.constant 0 : i32
      %dma_start3A_621 = arith.constant 0 : i32
      %dma_start3A_622 = tpu.memref_slice %arg6[%dma_start3A_620, %dma_start3A_621] : memref<4x80xi32, #tpu.memory_space<vmem>> -> memref<1x80xi32, #tpu.memory_space<vmem>>
      %dma_start3A_623 = tpu.memref_squeeze %dma_start3A_622 : memref<1x80xi32, #tpu.memory_space<vmem>> -> memref<80xi32, #tpu.memory_space<vmem>>
      %dma_start3A_624 = tpu.memref_slice %arg3[%add3A_614] : memref<640000xi32, #tpu.memory_space<hbm>> -> memref<80xi32, #tpu.memory_space<hbm>>
      %dma_start3A_625 = arith.constant 0 : i32
      %dma_start3A_626 = tpu.memref_slice %arg6[%dma_start3A_620, %dma_start3A_625] : memref<4x80xi32, #tpu.memory_space<vmem>> -> memref<1x80xi32, #tpu.memory_space<vmem>>
      %dma_start3A_627 = tpu.memref_squeeze %dma_start3A_626 : memref<1x80xi32, #tpu.memory_space<vmem>> -> memref<80xi32, #tpu.memory_space<vmem>>
      %dma_start3A_628 = tpu.memref_slice %arg3[%add3A_614] : memref<640000xi32, #tpu.memory_space<hbm>> -> memref<80xi32, #tpu.memory_space<hbm>>
      tpu.enqueue_dma source(%dma_start3A_628 : memref<80xi32, #tpu.memory_space<hbm>>) target(%dma_start3A_627 : memref<80xi32, #tpu.memory_space<vmem>>) target_semaphore(%arg17 : memref<!tpu.dma_semaphore, #tpu.memory_space<semaphore_mem>>)
      %dma_start3A_629 = arith.constant 0 : i32
      %dma_start3A_630 = arith.constant 0 : i32
      %dma_start3A_631 = tpu.memref_slice %arg7[%dma_start3A_629, %dma_start3A_630] : memref<4x80xi32, #tpu.memory_space<vmem>> -> memref<1x80xi32, #tpu.memory_space<vmem>>
      %dma_start3A_632 = tpu.memref_squeeze %dma_start3A_631 : memref<1x80xi32, #tpu.memory_space<vmem>> -> memref<80xi32, #tpu.memory_space<vmem>>
      %dma_start3A_633 = tpu.memref_slice %arg3[%add3A_619] : memref<640000xi32, #tpu.memory_space<hbm>> -> memref<80xi32, #tpu.memory_space<hbm>>
      %dma_start3A_634 = arith.constant 0 : i32
      %dma_start3A_635 = tpu.memref_slice %arg7[%dma_start3A_629, %dma_start3A_634] : memref<4x80xi32, #tpu.memory_space<vmem>> -> memref<1x80xi32, #tpu.memory_space<vmem>>
      %dma_start3A_636 = tpu.memref_squeeze %dma_start3A_635 : memref<1x80xi32, #tpu.memory_space<vmem>> -> memref<80xi32, #tpu.memory_space<vmem>>
      %dma_start3A_637 = tpu.memref_slice %arg3[%add3A_619] : memref<640000xi32, #tpu.memory_space<hbm>> -> memref<80xi32, #tpu.memory_space<hbm>>
      tpu.enqueue_dma source(%dma_start3A_637 : memref<80xi32, #tpu.memory_space<hbm>>) target(%dma_start3A_636 : memref<80xi32, #tpu.memory_space<vmem>>) target_semaphore(%arg17 : memref<!tpu.dma_semaphore, #tpu.memory_space<semaphore_mem>>)
      %parallel_loop3A_638 = arith.constant 0 : i32
      %parallel_loop3A_639 = arith.constant 80 : i32
      %parallel_loop3A_640 = arith.constant 1 : i32
      %parallel_loop3A_641 = arith.constant 0 : i32
      %parallel_loop3A_642 = arith.constant -65536 : i32
      %parallel_loop3A_643 = arith.constant 0 : i32
      scf.for %parallel_loop3A_805 = %parallel_loop3A_638 to %parallel_loop3A_639 step %parallel_loop3A_640  : i32 {
        %parallel_loop3A_806 = arith.constant 0 : i32
        %parallel_loop3A_807 = arith.constant 0 : i32
        %parallel_loop3A_808 = tpu.memref_slice %arg9[%parallel_loop3A_641, %parallel_loop3A_806, %parallel_loop3A_807] : memref<2x80x64xi32, #tpu.memory_space<vmem>> -> memref<1x80x64xi32, #tpu.memory_space<vmem>>
        %parallel_loop3A_809 = tpu.memref_squeeze %parallel_loop3A_808 : memref<1x80x64xi32, #tpu.memory_space<vmem>> -> memref<80x64xi32, #tpu.memory_space<vmem>>
        %parallel_loop3A_810 = arith.index_cast %parallel_loop3A_805 : i32 to index
        %parallel_loop3A_811 = arith.constant 0 : index
        %parallel_loop3A_812 = tpu.vector_load %parallel_loop3A_809[%parallel_loop3A_810, %parallel_loop3A_811] {strides = array<i32>} : memref<80x64xi32, #tpu.memory_space<vmem>>, vector<1x16xi32>,
        %parallel_loop3A_813 = vector.shape_cast %parallel_loop3A_812 : vector<1x16xi32> to vector<16xi32>
        %parallel_loop3A_814 = arith.constant 16 : i32
        %parallel_loop3A_815 = vector.broadcast %parallel_loop3A_814 : i32 to vector<16xi32>
        %parallel_loop3A_816 = arith.shli %parallel_loop3A_813, %parallel_loop3A_815 : vector<16xi32>
        %parallel_loop3A_817 = tpu.bitcast %parallel_loop3A_816 : vector<16xi32> -> vector<16xf32>
        %parallel_loop3A_818 = vector.broadcast %parallel_loop3A_642 : i32 to vector<16xi32>
        %parallel_loop3A_819 = arith.andi %parallel_loop3A_813, %parallel_loop3A_818 : vector<16xi32>
        %parallel_loop3A_820 = tpu.bitcast %parallel_loop3A_819 : vector<16xi32> -> vector<16xf32>
        %parallel_loop3A_821 = arith.constant 0 : i32
        %parallel_loop3A_822 = arith.constant 0 : i32
        %parallel_loop3A_823 = tpu.memref_slice %arg8[%parallel_loop3A_643, %parallel_loop3A_821, %parallel_loop3A_822] : memref<2x80x128xf32, #tpu.memory_space<vmem>> -> memref<1x80x128xf32, #tpu.memory_space<vmem>>
        %parallel_loop3A_824 = tpu.memref_squeeze %parallel_loop3A_823 : memref<1x80x128xf32, #tpu.memory_space<vmem>> -> memref<80x128xf32, #tpu.memory_space<vmem>>
        %parallel_loop3A_825 = arith.index_cast %parallel_loop3A_805 : i32 to index
        %parallel_loop3A_826 = arith.constant 0 : index
        %parallel_loop3A_827 = tpu.vector_load %parallel_loop3A_824[%parallel_loop3A_825, %parallel_loop3A_826] {strides = array<i32>} : memref<80x128xf32, #tpu.memory_space<vmem>>, vector<1x16xf32>,
        %parallel_loop3A_828 = vector.shape_cast %parallel_loop3A_827 : vector<1x16xf32> to vector<16xf32>
        %parallel_loop3A_829 = arith.mulf %parallel_loop3A_828, %parallel_loop3A_817 : vector<16xf32>
        %parallel_loop3A_830 = arith.constant 0 : i32
        %parallel_loop3A_831 = arith.constant 0 : i32
        %parallel_loop3A_832 = tpu.memref_slice %arg8[%parallel_loop3A_643, %parallel_loop3A_830, %parallel_loop3A_831] : memref<2x80x128xf32, #tpu.memory_space<vmem>> -> memref<1x80x128xf32, #tpu.memory_space<vmem>>
        %parallel_loop3A_833 = tpu.memref_squeeze %parallel_loop3A_832 : memref<1x80x128xf32, #tpu.memory_space<vmem>> -> memref<80x128xf32, #tpu.memory_space<vmem>>
        %parallel_loop3A_834 = arith.index_cast %parallel_loop3A_805 : i32 to index
        %parallel_loop3A_835 = arith.constant 0 : index
        %parallel_loop3A_836 = tpu.vector_load %parallel_loop3A_833[%parallel_loop3A_834, %parallel_loop3A_835] {strides = array<i32>} : memref<80x128xf32, #tpu.memory_space<vmem>>, vector<1x16xf32>,
        %parallel_loop3A_837 = vector.shape_cast %parallel_loop3A_836 : vector<1x16xf32> to vector<16xf32>
        %parallel_loop3A_838 = vector.shape_cast %parallel_loop3A_829 : vector<16xf32> to vector<1x16xf32>
        tpu.vector_store %parallel_loop3A_833[%parallel_loop3A_834, %parallel_loop3A_835], %parallel_loop3A_838 {strides = array<i32>} : memref<80x128xf32, #tpu.memory_space<vmem>>, vector<1x16xf32>,
        %parallel_loop3A_839 = arith.constant 0 : i32
        %parallel_loop3A_840 = arith.constant 0 : i32
        %parallel_loop3A_841 = tpu.memref_slice %arg8[%parallel_loop3A_643, %parallel_loop3A_839, %parallel_loop3A_840] : memref<2x80x128xf32, #tpu.memory_space<vmem>> -> memref<1x80x128xf32, #tpu.memory_space<vmem>>
        %parallel_loop3A_842 = tpu.memref_squeeze %parallel_loop3A_841 : memref<1x80x128xf32, #tpu.memory_space<vmem>> -> memref<80x128xf32, #tpu.memory_space<vmem>>
        %parallel_loop3A_843 = arith.index_cast %parallel_loop3A_805 : i32 to index
        %parallel_loop3A_844 = arith.constant 64 : index
        %parallel_loop3A_845 = tpu.vector_load %parallel_loop3A_842[%parallel_loop3A_843, %parallel_loop3A_844] {strides = array<i32>} : memref<80x128xf32, #tpu.memory_space<vmem>>, vector<1x16xf32>,
        %parallel_loop3A_846 = vector.shape_cast %parallel_loop3A_845 : vector<1x16xf32> to vector<16xf32>
        %parallel_loop3A_847 = arith.mulf %parallel_loop3A_846, %parallel_loop3A_820 : vector<16xf32>
        %parallel_loop3A_848 = arith.constant 0 : i32
        %parallel_loop3A_849 = arith.constant 0 : i32
        %parallel_loop3A_850 = tpu.memref_slice %arg8[%parallel_loop3A_643, %parallel_loop3A_848, %parallel_loop3A_849] : memref<2x80x128xf32, #tpu.memory_space<vmem>> -> memref<1x80x128xf32, #tpu.memory_space<vmem>>
        %parallel_loop3A_851 = tpu.memref_squeeze %parallel_loop3A_850 : memref<1x80x128xf32, #tpu.memory_space<vmem>> -> memref<80x128xf32, #tpu.memory_space<vmem>>
        %parallel_loop3A_852 = arith.index_cast %parallel_loop3A_805 : i32 to index
        %parallel_loop3A_853 = arith.constant 64 : index
        %parallel_loop3A_854 = tpu.vector_load %parallel_loop3A_851[%parallel_loop3A_852, %parallel_loop3A_853] {strides = array<i32>} : memref<80x128xf32, #tpu.memory_space<vmem>>, vector<1x16xf32>,
        %parallel_loop3A_855 = vector.shape_cast %parallel_loop3A_854 : vector<1x16xf32> to vector<16xf32>
        %parallel_loop3A_856 = vector.shape_cast %parallel_loop3A_847 : vector<16xf32> to vector<1x16xf32>
        tpu.vector_store %parallel_loop3A_851[%parallel_loop3A_852, %parallel_loop3A_853], %parallel_loop3A_856 {strides = array<i32>} : memref<80x128xf32, #tpu.memory_space<vmem>>, vector<1x16xf32>,
        %parallel_loop3A_857 = arith.constant 0 : i32
        %parallel_loop3A_858 = arith.constant 0 : i32
        %parallel_loop3A_859 = tpu.memref_slice %arg9[%parallel_loop3A_641, %parallel_loop3A_857, %parallel_loop3A_858] : memref<2x80x64xi32, #tpu.memory_space<vmem>> -> memref<1x80x64xi32, #tpu.memory_space<vmem>>
        %parallel_loop3A_860 = tpu.memref_squeeze %parallel_loop3A_859 : memref<1x80x64xi32, #tpu.memory_space<vmem>> -> memref<80x64xi32, #tpu.memory_space<vmem>>
        %parallel_loop3A_861 = arith.index_cast %parallel_loop3A_805 : i32 to index
        %parallel_loop3A_862 = arith.constant 16 : index
        %parallel_loop3A_863 = tpu.vector_load %parallel_loop3A_860[%parallel_loop3A_861, %parallel_loop3A_862] {strides = array<i32>} : memref<80x64xi32, #tpu.memory_space<vmem>>, vector<1x16xi32>,
        %parallel_loop3A_864 = vector.shape_cast %parallel_loop3A_863 : vector<1x16xi32> to vector<16xi32>
        %parallel_loop3A_865 = arith.constant 16 : i32
        %parallel_loop3A_866 = vector.broadcast %parallel_loop3A_865 : i32 to vector<16xi32>
        %parallel_loop3A_867 = arith.shli %parallel_loop3A_864, %parallel_loop3A_866 : vector<16xi32>
        %parallel_loop3A_868 = tpu.bitcast %parallel_loop3A_867 : vector<16xi32> -> vector<16xf32>
        %parallel_loop3A_869 = vector.broadcast %parallel_loop3A_642 : i32 to vector<16xi32>
        %parallel_loop3A_870 = arith.andi %parallel_loop3A_864, %parallel_loop3A_869 : vector<16xi32>
        %parallel_loop3A_871 = tpu.bitcast %parallel_loop3A_870 : vector<16xi32> -> vector<16xf32>
        %parallel_loop3A_872 = arith.constant 0 : i32
        %parallel_loop3A_873 = arith.constant 0 : i32
        %parallel_loop3A_874 = tpu.memref_slice %arg8[%parallel_loop3A_643, %parallel_loop3A_872, %parallel_loop3A_873] : memref<2x80x128xf32, #tpu.memory_space<vmem>> -> memref<1x80x128xf32, #tpu.memory_space<vmem>>
        %parallel_loop3A_875 = tpu.memref_squeeze %parallel_loop3A_874 : memref<1x80x128xf32, #tpu.memory_space<vmem>> -> memref<80x128xf32, #tpu.memory_space<vmem>>
        %parallel_loop3A_876 = arith.index_cast %parallel_loop3A_805 : i32 to index
        %parallel_loop3A_877 = arith.constant 16 : index
        %parallel_loop3A_878 = tpu.vector_load %parallel_loop3A_875[%parallel_loop3A_876, %parallel_loop3A_877] {strides = array<i32>} : memref<80x128xf32, #tpu.memory_space<vmem>>, vector<1x16xf32>,
        %parallel_loop3A_879 = vector.shape_cast %parallel_loop3A_878 : vector<1x16xf32> to vector<16xf32>
        %parallel_loop3A_880 = arith.mulf %parallel_loop3A_879, %parallel_loop3A_868 : vector<16xf32>
        %parallel_loop3A_881 = arith.constant 0 : i32
        %parallel_loop3A_882 = arith.constant 0 : i32
        %parallel_loop3A_883 = tpu.memref_slice %arg8[%parallel_loop3A_643, %parallel_loop3A_881, %parallel_loop3A_882] : memref<2x80x128xf32, #tpu.memory_space<vmem>> -> memref<1x80x128xf32, #tpu.memory_space<vmem>>
        %parallel_loop3A_884 = tpu.memref_squeeze %parallel_loop3A_883 : memref<1x80x128xf32, #tpu.memory_space<vmem>> -> memref<80x128xf32, #tpu.memory_space<vmem>>
        %parallel_loop3A_885 = arith.index_cast %parallel_loop3A_805 : i32 to index
        %parallel_loop3A_886 = arith.constant 16 : index
        %parallel_loop3A_887 = tpu.vector_load %parallel_loop3A_884[%parallel_loop3A_885, %parallel_loop3A_886] {strides = array<i32>} : memref<80x128xf32, #tpu.memory_space<vmem>>, vector<1x16xf32>,
        %parallel_loop3A_888 = vector.shape_cast %parallel_loop3A_887 : vector<1x16xf32> to vector<16xf32>
        %parallel_loop3A_889 = vector.shape_cast %parallel_loop3A_880 : vector<16xf32> to vector<1x16xf32>
        tpu.vector_store %parallel_loop3A_884[%parallel_loop3A_885, %parallel_loop3A_886], %parallel_loop3A_889 {strides = array<i32>} : memref<80x128xf32, #tpu.memory_space<vmem>>, vector<1x16xf32>,
        %parallel_loop3A_890 = arith.constant 0 : i32
        %parallel_loop3A_891 = arith.constant 0 : i32
        %parallel_loop3A_892 = tpu.memref_slice %arg8[%parallel_loop3A_643, %parallel_loop3A_890, %parallel_loop3A_891] : memref<2x80x128xf32, #tpu.memory_space<vmem>> -> memref<1x80x128xf32, #tpu.memory_space<vmem>>
        %parallel_loop3A_893 = tpu.memref_squeeze %parallel_loop3A_892 : memref<1x80x128xf32, #tpu.memory_space<vmem>> -> memref<80x128xf32, #tpu.memory_space<vmem>>
        %parallel_loop3A_894 = arith.index_cast %parallel_loop3A_805 : i32 to index
        %parallel_loop3A_895 = arith.constant 80 : index
        %parallel_loop3A_896 = tpu.vector_load %parallel_loop3A_893[%parallel_loop3A_894, %parallel_loop3A_895] {strides = array<i32>} : memref<80x128xf32, #tpu.memory_space<vmem>>, vector<1x16xf32>,
        %parallel_loop3A_897 = vector.shape_cast %parallel_loop3A_896 : vector<1x16xf32> to vector<16xf32>
        %parallel_loop3A_898 = arith.mulf %parallel_loop3A_897, %parallel_loop3A_871 : vector<16xf32>
        %parallel_loop3A_899 = arith.constant 0 : i32
        %parallel_loop3A_900 = arith.constant 0 : i32
        %parallel_loop3A_901 = tpu.memref_slice %arg8[%parallel_loop3A_643, %parallel_loop3A_899, %parallel_loop3A_900] : memref<2x80x128xf32, #tpu.memory_space<vmem>> -> memref<1x80x128xf32, #tpu.memory_space<vmem>>
        %parallel_loop3A_902 = tpu.memref_squeeze %parallel_loop3A_901 : memref<1x80x128xf32, #tpu.memory_space<vmem>> -> memref<80x128xf32, #tpu.memory_space<vmem>>
        %parallel_loop3A_903 = arith.index_cast %parallel_loop3A_805 : i32 to index
        %parallel_loop3A_904 = arith.constant 80 : index
        %parallel_loop3A_905 = tpu.vector_load %parallel_loop3A_902[%parallel_loop3A_903, %parallel_loop3A_904] {strides = array<i32>} : memref<80x128xf32, #tpu.memory_space<vmem>>, vector<1x16xf32>,
        %parallel_loop3A_906 = vector.shape_cast %parallel_loop3A_905 : vector<1x16xf32> to vector<16xf32>
        %parallel_loop3A_907 = vector.shape_cast %parallel_loop3A_898 : vector<16xf32> to vector<1x16xf32>
        tpu.vector_store %parallel_loop3A_902[%parallel_loop3A_903, %parallel_loop3A_904], %parallel_loop3A_907 {strides = array<i32>} : memref<80x128xf32, #tpu.memory_space<vmem>>, vector<1x16xf32>,
        %parallel_loop3A_908 = arith.constant 0 : i32
        %parallel_loop3A_909 = arith.constant 0 : i32
        %parallel_loop3A_910 = tpu.memref_slice %arg9[%parallel_loop3A_641, %parallel_loop3A_908, %parallel_loop3A_909] : memref<2x80x64xi32, #tpu.memory_space<vmem>> -> memref<1x80x64xi32, #tpu.memory_space<vmem>>
        %parallel_loop3A_911 = tpu.memref_squeeze %parallel_loop3A_910 : memref<1x80x64xi32, #tpu.memory_space<vmem>> -> memref<80x64xi32, #tpu.memory_space<vmem>>
        %parallel_loop3A_912 = arith.index_cast %parallel_loop3A_805 : i32 to index
        %parallel_loop3A_913 = arith.constant 32 : index
        %parallel_loop3A_914 = tpu.vector_load %parallel_loop3A_911[%parallel_loop3A_912, %parallel_loop3A_913] {strides = array<i32>} : memref<80x64xi32, #tpu.memory_space<vmem>>, vector<1x16xi32>,
        %parallel_loop3A_915 = vector.shape_cast %parallel_loop3A_914 : vector<1x16xi32> to vector<16xi32>
        %parallel_loop3A_916 = arith.constant 16 : i32
        %parallel_loop3A_917 = vector.broadcast %parallel_loop3A_916 : i32 to vector<16xi32>
        %parallel_loop3A_918 = arith.shli %parallel_loop3A_915, %parallel_loop3A_917 : vector<16xi32>
        %parallel_loop3A_919 = tpu.bitcast %parallel_loop3A_918 : vector<16xi32> -> vector<16xf32>
        %parallel_loop3A_920 = vector.broadcast %parallel_loop3A_642 : i32 to vector<16xi32>
        %parallel_loop3A_921 = arith.andi %parallel_loop3A_915, %parallel_loop3A_920 : vector<16xi32>
        %parallel_loop3A_922 = tpu.bitcast %parallel_loop3A_921 : vector<16xi32> -> vector<16xf32>
        %parallel_loop3A_923 = arith.constant 0 : i32
        %parallel_loop3A_924 = arith.constant 0 : i32
        %parallel_loop3A_925 = tpu.memref_slice %arg8[%parallel_loop3A_643, %parallel_loop3A_923, %parallel_loop3A_924] : memref<2x80x128xf32, #tpu.memory_space<vmem>> -> memref<1x80x128xf32, #tpu.memory_space<vmem>>
        %parallel_loop3A_926 = tpu.memref_squeeze %parallel_loop3A_925 : memref<1x80x128xf32, #tpu.memory_space<vmem>> -> memref<80x128xf32, #tpu.memory_space<vmem>>
        %parallel_loop3A_927 = arith.index_cast %parallel_loop3A_805 : i32 to index
        %parallel_loop3A_928 = arith.constant 32 : index
        %parallel_loop3A_929 = tpu.vector_load %parallel_loop3A_926[%parallel_loop3A_927, %parallel_loop3A_928] {strides = array<i32>} : memref<80x128xf32, #tpu.memory_space<vmem>>, vector<1x16xf32>,
        %parallel_loop3A_930 = vector.shape_cast %parallel_loop3A_929 : vector<1x16xf32> to vector<16xf32>
        %parallel_loop3A_931 = arith.mulf %parallel_loop3A_930, %parallel_loop3A_919 : vector<16xf32>
        %parallel_loop3A_932 = arith.constant 0 : i32
        %parallel_loop3A_933 = arith.constant 0 : i32
        %parallel_loop3A_934 = tpu.memref_slice %arg8[%parallel_loop3A_643, %parallel_loop3A_932, %parallel_loop3A_933] : memref<2x80x128xf32, #tpu.memory_space<vmem>> -> memref<1x80x128xf32, #tpu.memory_space<vmem>>
        %parallel_loop3A_935 = tpu.memref_squeeze %parallel_loop3A_934 : memref<1x80x128xf32, #tpu.memory_space<vmem>> -> memref<80x128xf32, #tpu.memory_space<vmem>>
        %parallel_loop3A_936 = arith.index_cast %parallel_loop3A_805 : i32 to index
        %parallel_loop3A_937 = arith.constant 32 : index
        %parallel_loop3A_938 = tpu.vector_load %parallel_loop3A_935[%parallel_loop3A_936, %parallel_loop3A_937] {strides = array<i32>} : memref<80x128xf32, #tpu.memory_space<vmem>>, vector<1x16xf32>,
        %parallel_loop3A_939 = vector.shape_cast %parallel_loop3A_938 : vector<1x16xf32> to vector<16xf32>
        %parallel_loop3A_940 = vector.shape_cast %parallel_loop3A_931 : vector<16xf32> to vector<1x16xf32>
        tpu.vector_store %parallel_loop3A_935[%parallel_loop3A_936, %parallel_loop3A_937], %parallel_loop3A_940 {strides = array<i32>} : memref<80x128xf32, #tpu.memory_space<vmem>>, vector<1x16xf32>,
        %parallel_loop3A_941 = arith.constant 0 : i32
        %parallel_loop3A_942 = arith.constant 0 : i32
        %parallel_loop3A_943 = tpu.memref_slice %arg8[%parallel_loop3A_643, %parallel_loop3A_941, %parallel_loop3A_942] : memref<2x80x128xf32, #tpu.memory_space<vmem>> -> memref<1x80x128xf32, #tpu.memory_space<vmem>>
        %parallel_loop3A_944 = tpu.memref_squeeze %parallel_loop3A_943 : memref<1x80x128xf32, #tpu.memory_space<vmem>> -> memref<80x128xf32, #tpu.memory_space<vmem>>
        %parallel_loop3A_945 = arith.index_cast %parallel_loop3A_805 : i32 to index
        %parallel_loop3A_946 = arith.constant 96 : index
        %parallel_loop3A_947 = tpu.vector_load %parallel_loop3A_944[%parallel_loop3A_945, %parallel_loop3A_946] {strides = array<i32>} : memref<80x128xf32, #tpu.memory_space<vmem>>, vector<1x16xf32>,
        %parallel_loop3A_948 = vector.shape_cast %parallel_loop3A_947 : vector<1x16xf32> to vector<16xf32>
        %parallel_loop3A_949 = arith.mulf %parallel_loop3A_948, %parallel_loop3A_922 : vector<16xf32>
        %parallel_loop3A_950 = arith.constant 0 : i32
        %parallel_loop3A_951 = arith.constant 0 : i32
        %parallel_loop3A_952 = tpu.memref_slice %arg8[%parallel_loop3A_643, %parallel_loop3A_950, %parallel_loop3A_951] : memref<2x80x128xf32, #tpu.memory_space<vmem>> -> memref<1x80x128xf32, #tpu.memory_space<vmem>>
        %parallel_loop3A_953 = tpu.memref_squeeze %parallel_loop3A_952 : memref<1x80x128xf32, #tpu.memory_space<vmem>> -> memref<80x128xf32, #tpu.memory_space<vmem>>
        %parallel_loop3A_954 = arith.index_cast %parallel_loop3A_805 : i32 to index
        %parallel_loop3A_955 = arith.constant 96 : index
        %parallel_loop3A_956 = tpu.vector_load %parallel_loop3A_953[%parallel_loop3A_954, %parallel_loop3A_955] {strides = array<i32>} : memref<80x128xf32, #tpu.memory_space<vmem>>, vector<1x16xf32>,
        %parallel_loop3A_957 = vector.shape_cast %parallel_loop3A_956 : vector<1x16xf32> to vector<16xf32>
        %parallel_loop3A_958 = vector.shape_cast %parallel_loop3A_949 : vector<16xf32> to vector<1x16xf32>
        tpu.vector_store %parallel_loop3A_953[%parallel_loop3A_954, %parallel_loop3A_955], %parallel_loop3A_958 {strides = array<i32>} : memref<80x128xf32, #tpu.memory_space<vmem>>, vector<1x16xf32>,
        %parallel_loop3A_959 = arith.constant 0 : i32
        %parallel_loop3A_960 = arith.constant 0 : i32
        %parallel_loop3A_961 = tpu.memref_slice %arg9[%parallel_loop3A_641, %parallel_loop3A_959, %parallel_loop3A_960] : memref<2x80x64xi32, #tpu.memory_space<vmem>> -> memref<1x80x64xi32, #tpu.memory_space<vmem>>
        %parallel_loop3A_962 = tpu.memref_squeeze %parallel_loop3A_961 : memref<1x80x64xi32, #tpu.memory_space<vmem>> -> memref<80x64xi32, #tpu.memory_space<vmem>>
        %parallel_loop3A_963 = arith.index_cast %parallel_loop3A_805 : i32 to index
        %parallel_loop3A_964 = arith.constant 48 : index
        %parallel_loop3A_965 = tpu.vector_load %parallel_loop3A_962[%parallel_loop3A_963, %parallel_loop3A_964] {strides = array<i32>} : memref<80x64xi32, #tpu.memory_space<vmem>>, vector<1x16xi32>,
        %parallel_loop3A_966 = vector.shape_cast %parallel_loop3A_965 : vector<1x16xi32> to vector<16xi32>
        %parallel_loop3A_967 = arith.constant 16 : i32
        %parallel_loop3A_968 = vector.broadcast %parallel_loop3A_967 : i32 to vector<16xi32>
        %parallel_loop3A_969 = arith.shli %parallel_loop3A_966, %parallel_loop3A_968 : vector<16xi32>
        %parallel_loop3A_970 = tpu.bitcast %parallel_loop3A_969 : vector<16xi32> -> vector<16xf32>
        %parallel_loop3A_971 = vector.broadcast %parallel_loop3A_642 : i32 to vector<16xi32>
        %parallel_loop3A_972 = arith.andi %parallel_loop3A_966, %parallel_loop3A_971 : vector<16xi32>
        %parallel_loop3A_973 = tpu.bitcast %parallel_loop3A_972 : vector<16xi32> -> vector<16xf32>
        %parallel_loop3A_974 = arith.constant 0 : i32
        %parallel_loop3A_975 = arith.constant 0 : i32
        %parallel_loop3A_976 = tpu.memref_slice %arg8[%parallel_loop3A_643, %parallel_loop3A_974, %parallel_loop3A_975] : memref<2x80x128xf32, #tpu.memory_space<vmem>> -> memref<1x80x128xf32, #tpu.memory_space<vmem>>
        %parallel_loop3A_977 = tpu.memref_squeeze %parallel_loop3A_976 : memref<1x80x128xf32, #tpu.memory_space<vmem>> -> memref<80x128xf32, #tpu.memory_space<vmem>>
        %parallel_loop3A_978 = arith.index_cast %parallel_loop3A_805 : i32 to index
        %parallel_loop3A_979 = arith.constant 48 : index
        %parallel_loop3A_980 = tpu.vector_load %parallel_loop3A_977[%parallel_loop3A_978, %parallel_loop3A_979] {strides = array<i32>} : memref<80x128xf32, #tpu.memory_space<vmem>>, vector<1x16xf32>,
        %parallel_loop3A_981 = vector.shape_cast %parallel_loop3A_980 : vector<1x16xf32> to vector<16xf32>
        %parallel_loop3A_982 = arith.mulf %parallel_loop3A_981, %parallel_loop3A_970 : vector<16xf32>
        %parallel_loop3A_983 = arith.constant 0 : i32
        %parallel_loop3A_984 = arith.constant 0 : i32
        %parallel_loop3A_985 = tpu.memref_slice %arg8[%parallel_loop3A_643, %parallel_loop3A_983, %parallel_loop3A_984] : memref<2x80x128xf32, #tpu.memory_space<vmem>> -> memref<1x80x128xf32, #tpu.memory_space<vmem>>
        %parallel_loop3A_986 = tpu.memref_squeeze %parallel_loop3A_985 : memref<1x80x128xf32, #tpu.memory_space<vmem>> -> memref<80x128xf32, #tpu.memory_space<vmem>>
        %parallel_loop3A_987 = arith.index_cast %parallel_loop3A_805 : i32 to index
        %parallel_loop3A_988 = arith.constant 48 : index
        %parallel_loop3A_989 = tpu.vector_load %parallel_loop3A_986[%parallel_loop3A_987, %parallel_loop3A_988] {strides = array<i32>} : memref<80x128xf32, #tpu.memory_space<vmem>>, vector<1x16xf32>,
        %parallel_loop3A_990 = vector.shape_cast %parallel_loop3A_989 : vector<1x16xf32> to vector<16xf32>
        %parallel_loop3A_991 = vector.shape_cast %parallel_loop3A_982 : vector<16xf32> to vector<1x16xf32>
        tpu.vector_store %parallel_loop3A_986[%parallel_loop3A_987, %parallel_loop3A_988], %parallel_loop3A_991 {strides = array<i32>} : memref<80x128xf32, #tpu.memory_space<vmem>>, vector<1x16xf32>,
        %parallel_loop3A_992 = arith.constant 0 : i32
        %parallel_loop3A_993 = arith.constant 0 : i32
        %parallel_loop3A_994 = tpu.memref_slice %arg8[%parallel_loop3A_643, %parallel_loop3A_992, %parallel_loop3A_993] : memref<2x80x128xf32, #tpu.memory_space<vmem>> -> memref<1x80x128xf32, #tpu.memory_space<vmem>>
        %parallel_loop3A_995 = tpu.memref_squeeze %parallel_loop3A_994 : memref<1x80x128xf32, #tpu.memory_space<vmem>> -> memref<80x128xf32, #tpu.memory_space<vmem>>
        %parallel_loop3A_996 = arith.index_cast %parallel_loop3A_805 : i32 to index
        %parallel_loop3A_997 = arith.constant 112 : index
        %parallel_loop3A_998 = tpu.vector_load %parallel_loop3A_995[%parallel_loop3A_996, %parallel_loop3A_997] {strides = array<i32>} : memref<80x128xf32, #tpu.memory_space<vmem>>, vector<1x16xf32>,
        %parallel_loop3A_999 = vector.shape_cast %parallel_loop3A_998 : vector<1x16xf32> to vector<16xf32>
        %parallel_loop3A_1000 = arith.mulf %parallel_loop3A_999, %parallel_loop3A_973 : vector<16xf32>
        %parallel_loop3A_1001 = arith.constant 0 : i32
        %parallel_loop3A_1002 = arith.constant 0 : i32
        %parallel_loop3A_1003 = tpu.memref_slice %arg8[%parallel_loop3A_643, %parallel_loop3A_1001, %parallel_loop3A_1002] : memref<2x80x128xf32, #tpu.memory_space<vmem>> -> memref<1x80x128xf32, #tpu.memory_space<vmem>>
        %parallel_loop3A_1004 = tpu.memref_squeeze %parallel_loop3A_1003 : memref<1x80x128xf32, #tpu.memory_space<vmem>> -> memref<80x128xf32, #tpu.memory_space<vmem>>
        %parallel_loop3A_1005 = arith.index_cast %parallel_loop3A_805 : i32 to index
        %parallel_loop3A_1006 = arith.constant 112 : index
        %parallel_loop3A_1007 = tpu.vector_load %parallel_loop3A_1004[%parallel_loop3A_1005, %parallel_loop3A_1006] {strides = array<i32>} : memref<80x128xf32, #tpu.memory_space<vmem>>, vector<1x16xf32>,
        %parallel_loop3A_1008 = vector.shape_cast %parallel_loop3A_1007 : vector<1x16xf32> to vector<16xf32>
        %parallel_loop3A_1009 = vector.shape_cast %parallel_loop3A_1000 : vector<16xf32> to vector<1x16xf32>
        tpu.vector_store %parallel_loop3A_1004[%parallel_loop3A_1005, %parallel_loop3A_1006], %parallel_loop3A_1009 {strides = array<i32>} : memref<80x128xf32, #tpu.memory_space<vmem>>, vector<1x16xf32>,
      } {sc.loop_unroll_factor = 2 : i64, sc.parallel_access}
      %dma_start3A_644 = arith.constant 0 : i32
      %dma_start3A_645 = arith.constant 2 : i32
      %dma_start3A_646 = arith.constant 0 : i32
      %dma_start3A_647 = arith.constant 0 : i32
      %dma_start3A_648 = tpu.memref_slice %arg8[%dma_start3A_644, %dma_start3A_646, %dma_start3A_647] : memref<2x80x128xf32, #tpu.memory_space<vmem>> -> memref<1x80x128xf32, #tpu.memory_space<vmem>>
      %dma_start3A_649 = tpu.memref_squeeze %dma_start3A_648 : memref<1x80x128xf32, #tpu.memory_space<vmem>> -> memref<80x128xf32, #tpu.memory_space<vmem>>
      %dma_start3A_650 = arith.constant 0 : i32
      %dma_start3A_651 = tpu.memref_slice %arg7[%dma_start3A_645, %dma_start3A_650] : memref<4x80xi32, #tpu.memory_space<vmem>> -> memref<1x80xi32, #tpu.memory_space<vmem>>
      %dma_start3A_652 = tpu.memref_squeeze %dma_start3A_651 : memref<1x80xi32, #tpu.memory_space<vmem>> -> memref<80xi32, #tpu.memory_space<vmem>>
      %dma_start3A_653 = arith.constant 0 : i32
      %dma_start3A_654 = arith.constant 0 : i32
      %dma_start3A_655 = tpu.memref_slice %arg10[%dma_start3A_653, %dma_start3A_654] : memref<10112x128xf32, #tpu.memory_space<vmem_shared>> -> memref<10112x128xf32, #tpu.memory_space<vmem_shared>>
      tpu.enqueue_indirect_dma source(%dma_start3A_649 : memref<80x128xf32, #tpu.memory_space<vmem>>) target(%dma_start3A_655 : memref<10112x128xf32, #tpu.memory_space<vmem_shared>>) offsets(%dma_start3A_652 : memref<80xi32, #tpu.memory_space<vmem>>) semaphore(%arg15 : memref<!tpu.dma_semaphore, #tpu.memory_space<semaphore_mem>>) {add = true}
      %mul3A_656 = arith.constant 4 : i32
      %mul3A_657 = arith.muli %mul3A_656, %scan3A_244 : i32
      %add3A_658 = arith.constant 3 : i32
      %add3A_659 = arith.addi %mul3A_657, %add3A_658 : i32
      %dma_wait3A_660 = arith.constant 0 : i32
      %dma_wait3A_661 = arith.constant 0 : i32
      %dma_wait3A_662 = arith.constant 0 : i32
      %dma_wait3A_663 = tpu.memref_slice %arg8[%dma_wait3A_660, %dma_wait3A_661, %dma_wait3A_662] : memref<2x80x128xf32, #tpu.memory_space<vmem>> -> memref<1x80x128xf32, #tpu.memory_space<vmem>>
      %dma_wait3A_664 = tpu.memref_squeeze %dma_wait3A_663 : memref<1x80x128xf32, #tpu.memory_space<vmem>> -> memref<80x128xf32, #tpu.memory_space<vmem>>
      %dma_wait3A_665 = arith.constant 0 : i32
      %dma_wait3A_666 = arith.constant 0 : i32
      %dma_wait3A_667 = tpu.memref_slice %arg10[%dma_wait3A_665, %dma_wait3A_666] : memref<10112x128xf32, #tpu.memory_space<vmem_shared>> -> memref<80x128xf32, #tpu.memory_space<vmem_shared>>
      %dma_wait3A_668 = arith.constant 0 : i32
      %dma_wait3A_669 = arith.constant 0 : i32
      %dma_wait3A_670 = tpu.memref_slice %arg10[%dma_wait3A_668, %dma_wait3A_669] : memref<10112x128xf32, #tpu.memory_space<vmem_shared>> -> memref<80x128xf32, #tpu.memory_space<vmem_shared>>
      %dma_wait3A_671 = arith.constant 0 : i32
      %dma_wait3A_672 = arith.constant 0 : i32
      %dma_wait3A_673 = tpu.memref_slice %arg8[%dma_wait3A_660, %dma_wait3A_671, %dma_wait3A_672] : memref<2x80x128xf32, #tpu.memory_space<vmem>> -> memref<1x80x128xf32, #tpu.memory_space<vmem>>
      %dma_wait3A_674 = tpu.memref_squeeze %dma_wait3A_673 : memref<1x80x128xf32, #tpu.memory_space<vmem>> -> memref<80x128xf32, #tpu.memory_space<vmem>>
      tpu.wait_dma2 semaphore(%arg15 : memref<!tpu.dma_semaphore, #tpu.memory_space<semaphore_mem>>) src(%dma_wait3A_674 : memref<80x128xf32, #tpu.memory_space<vmem>>) dst(%dma_wait3A_670 : memref<80x128xf32, #tpu.memory_space<vmem_shared>>)
      %dma_wait3A_675 = arith.constant 0 : i32
      %dma_wait3A_676 = arith.constant 0 : i32
      %dma_wait3A_677 = tpu.memref_slice %arg6[%dma_wait3A_675, %dma_wait3A_676] : memref<4x80xi32, #tpu.memory_space<vmem>> -> memref<1x80xi32, #tpu.memory_space<vmem>>
      %dma_wait3A_678 = tpu.memref_squeeze %dma_wait3A_677 : memref<1x80xi32, #tpu.memory_space<vmem>> -> memref<80xi32, #tpu.memory_space<vmem>>
      %dma_wait3A_679 = arith.constant 0 : i32
      %dma_wait3A_680 = tpu.memref_slice %arg3[%dma_wait3A_679] : memref<640000xi32, #tpu.memory_space<hbm>> -> memref<80xi32, #tpu.memory_space<hbm>>
      %dma_wait3A_681 = arith.constant 0 : i32
      %dma_wait3A_682 = tpu.memref_slice %arg6[%dma_wait3A_675, %dma_wait3A_681] : memref<4x80xi32, #tpu.memory_space<vmem>> -> memref<1x80xi32, #tpu.memory_space<vmem>>
      %dma_wait3A_683 = tpu.memref_squeeze %dma_wait3A_682 : memref<1x80xi32, #tpu.memory_space<vmem>> -> memref<80xi32, #tpu.memory_space<vmem>>
      %dma_wait3A_684 = arith.constant 0 : i32
      %dma_wait3A_685 = tpu.memref_slice %arg3[%dma_wait3A_684] : memref<640000xi32, #tpu.memory_space<hbm>> -> memref<80xi32, #tpu.memory_space<hbm>>
      tpu.wait_dma2 semaphore(%arg17 : memref<!tpu.dma_semaphore, #tpu.memory_space<semaphore_mem>>) src(%dma_wait3A_685 : memref<80xi32, #tpu.memory_space<hbm>>) dst(%dma_wait3A_683 : memref<80xi32, #tpu.memory_space<vmem>>)
      %dma_wait3A_686 = arith.constant 0 : i32
      %dma_wait3A_687 = arith.constant 0 : i32
      %dma_wait3A_688 = tpu.memref_slice %arg7[%dma_wait3A_686, %dma_wait3A_687] : memref<4x80xi32, #tpu.memory_space<vmem>> -> memref<1x80xi32, #tpu.memory_space<vmem>>
      %dma_wait3A_689 = tpu.memref_squeeze %dma_wait3A_688 : memref<1x80xi32, #tpu.memory_space<vmem>> -> memref<80xi32, #tpu.memory_space<vmem>>
      %dma_wait3A_690 = arith.constant 0 : i32
      %dma_wait3A_691 = tpu.memref_slice %arg3[%dma_wait3A_690] : memref<640000xi32, #tpu.memory_space<hbm>> -> memref<80xi32, #tpu.memory_space<hbm>>
      %dma_wait3A_692 = arith.constant 0 : i32
      %dma_wait3A_693 = tpu.memref_slice %arg7[%dma_wait3A_686, %dma_wait3A_692] : memref<4x80xi32, #tpu.memory_space<vmem>> -> memref<1x80xi32, #tpu.memory_space<vmem>>
      %dma_wait3A_694 = tpu.memref_squeeze %dma_wait3A_693 : memref<1x80xi32, #tpu.memory_space<vmem>> -> memref<80xi32, #tpu.memory_space<vmem>>
      %dma_wait3A_695 = arith.constant 0 : i32
      %dma_wait3A_696 = tpu.memref_slice %arg3[%dma_wait3A_695] : memref<640000xi32, #tpu.memory_space<hbm>> -> memref<80xi32, #tpu.memory_space<hbm>>
      tpu.wait_dma2 semaphore(%arg17 : memref<!tpu.dma_semaphore, #tpu.memory_space<semaphore_mem>>) src(%dma_wait3A_696 : memref<80xi32, #tpu.memory_space<hbm>>) dst(%dma_wait3A_694 : memref<80xi32, #tpu.memory_space<vmem>>)
      %add3A_697 = arith.constant 1 : i32
      %add3A_698 = arith.addi %add3A_659, %add3A_697 : i32
      %dma_start3A_699 = arith.constant 0 : i32
      %dma_start3A_700 = arith.constant 0 : i32
      %dma_start3A_701 = arith.constant 0 : i32
      %dma_start3A_702 = arith.constant 0 : i32
      %dma_start3A_703 = tpu.memref_slice %arg8[%dma_start3A_700, %dma_start3A_701, %dma_start3A_702] : memref<2x80x128xf32, #tpu.memory_space<vmem>> -> memref<1x80x128xf32, #tpu.memory_space<vmem>>
      %dma_start3A_704 = tpu.memref_squeeze %dma_start3A_703 : memref<1x80x128xf32, #tpu.memory_space<vmem>> -> memref<80x128xf32, #tpu.memory_space<vmem>>
      %dma_start3A_705 = arith.constant 0 : i32
      %dma_start3A_706 = tpu.memref_slice %arg6[%dma_start3A_699, %dma_start3A_705] : memref<4x80xi32, #tpu.memory_space<vmem>> -> memref<1x80xi32, #tpu.memory_space<vmem>>
      %dma_start3A_707 = tpu.memref_squeeze %dma_start3A_706 : memref<1x80xi32, #tpu.memory_space<vmem>> -> memref<80xi32, #tpu.memory_space<vmem>>
      %dma_start3A_708 = arith.constant 0 : i32
      %dma_start3A_709 = arith.constant 0 : i32
      %dma_start3A_710 = tpu.memref_slice %arg2[%dma_start3A_708, %dma_start3A_709] : memref<10000x128xf32, #tpu.memory_space<hbm>> -> memref<10000x128xf32, #tpu.memory_space<hbm>>
      tpu.enqueue_indirect_dma source(%dma_start3A_710 : memref<10000x128xf32, #tpu.memory_space<hbm>>) target(%dma_start3A_704 : memref<80x128xf32, #tpu.memory_space<vmem>>) offsets(%dma_start3A_707 : memref<80xi32, #tpu.memory_space<vmem>>) semaphore(%arg11 : memref<!tpu.dma_semaphore, #tpu.memory_space<semaphore_mem>>)
      %mul3A_711 = arith.constant 80 : i32
      %mul3A_712 = arith.muli %add3A_698, %mul3A_711 : i32
      %add3A_713 = arith.addi %mul3A_2, %mul3A_712 : i32
      %dma_start3A_714 = arith.constant 0 : i32
      %dma_start3A_715 = arith.constant 0 : i32
      %dma_start3A_716 = arith.constant 0 : i32
      %dma_start3A_717 = tpu.memref_slice %arg9[%dma_start3A_714, %dma_start3A_715, %dma_start3A_716] : memref<2x80x64xi32, #tpu.memory_space<vmem>> -> memref<1x80x64xi32, #tpu.memory_space<vmem>>
      %dma_start3A_718 = tpu.memref_squeeze %dma_start3A_717 : memref<1x80x64xi32, #tpu.memory_space<vmem>> -> memref<80x64xi32, #tpu.memory_space<vmem>>
      %dma_start3A_719 = arith.constant 0 : i32
      %dma_start3A_720 = tpu.memref_slice %arg4[%add3A_713, %dma_start3A_719] : memref<320000x64xi32, #tpu.memory_space<hbm>> -> memref<80x64xi32, #tpu.memory_space<hbm>>
      %dma_start3A_721 = arith.constant 0 : i32
      %dma_start3A_722 = arith.constant 0 : i32
      %dma_start3A_723 = tpu.memref_slice %arg9[%dma_start3A_714, %dma_start3A_721, %dma_start3A_722] : memref<2x80x64xi32, #tpu.memory_space<vmem>> -> memref<1x80x64xi32, #tpu.memory_space<vmem>>
      %dma_start3A_724 = tpu.memref_squeeze %dma_start3A_723 : memref<1x80x64xi32, #tpu.memory_space<vmem>> -> memref<80x64xi32, #tpu.memory_space<vmem>>
      %dma_start3A_725 = arith.constant 0 : i32
      %dma_start3A_726 = tpu.memref_slice %arg4[%add3A_713, %dma_start3A_725] : memref<320000x64xi32, #tpu.memory_space<hbm>> -> memref<80x64xi32, #tpu.memory_space<hbm>>
      tpu.enqueue_dma source(%dma_start3A_726 : memref<80x64xi32, #tpu.memory_space<hbm>>) target(%dma_start3A_724 : memref<80x64xi32, #tpu.memory_space<vmem>>) target_semaphore(%arg13 : memref<!tpu.dma_semaphore, #tpu.memory_space<semaphore_mem>>)
      %dma_wait3A_727 = arith.constant 1 : i32
      %dma_wait3A_728 = arith.constant 0 : i32
      %dma_wait3A_729 = arith.constant 0 : i32
      %dma_wait3A_730 = tpu.memref_slice %arg8[%dma_wait3A_727, %dma_wait3A_728, %dma_wait3A_729] : memref<2x80x128xf32, #tpu.memory_space<vmem>> -> memref<1x80x128xf32, #tpu.memory_space<vmem>>
      %dma_wait3A_731 = tpu.memref_squeeze %dma_wait3A_730 : memref<1x80x128xf32, #tpu.memory_space<vmem>> -> memref<80x128xf32, #tpu.memory_space<vmem>>
      %dma_wait3A_732 = arith.constant 0 : i32
      %dma_wait3A_733 = arith.constant 0 : i32
      %dma_wait3A_734 = tpu.memref_slice %arg2[%dma_wait3A_732, %dma_wait3A_733] : memref<10000x128xf32, #tpu.memory_space<hbm>> -> memref<80x128xf32, #tpu.memory_space<hbm>>
      %dma_wait3A_735 = arith.constant 0 : i32
      %dma_wait3A_736 = arith.constant 0 : i32
      %dma_wait3A_737 = tpu.memref_slice %arg8[%dma_wait3A_727, %dma_wait3A_735, %dma_wait3A_736] : memref<2x80x128xf32, #tpu.memory_space<vmem>> -> memref<1x80x128xf32, #tpu.memory_space<vmem>>
      %dma_wait3A_738 = tpu.memref_squeeze %dma_wait3A_737 : memref<1x80x128xf32, #tpu.memory_space<vmem>> -> memref<80x128xf32, #tpu.memory_space<vmem>>
      %dma_wait3A_739 = arith.constant 0 : i32
      %dma_wait3A_740 = arith.constant 0 : i32
      %dma_wait3A_741 = tpu.memref_slice %arg2[%dma_wait3A_739, %dma_wait3A_740] : memref<10000x128xf32, #tpu.memory_space<hbm>> -> memref<80x128xf32, #tpu.memory_space<hbm>>
      tpu.wait_dma2 semaphore(%arg12 : memref<!tpu.dma_semaphore, #tpu.memory_space<semaphore_mem>>) src(%dma_wait3A_741 : memref<80x128xf32, #tpu.memory_space<hbm>>) dst(%dma_wait3A_738 : memref<80x128xf32, #tpu.memory_space<vmem>>)
      %dma_wait3A_742 = arith.constant 1 : i32
      %dma_wait3A_743 = arith.constant 0 : i32
      %dma_wait3A_744 = arith.constant 0 : i32
      %dma_wait3A_745 = tpu.memref_slice %arg9[%dma_wait3A_742, %dma_wait3A_743, %dma_wait3A_744] : memref<2x80x64xi32, #tpu.memory_space<vmem>> -> memref<1x80x64xi32, #tpu.memory_space<vmem>>
      %dma_wait3A_746 = tpu.memref_squeeze %dma_wait3A_745 : memref<1x80x64xi32, #tpu.memory_space<vmem>> -> memref<80x64xi32, #tpu.memory_space<vmem>>
      %dma_wait3A_747 = arith.constant 0 : i32
      %dma_wait3A_748 = arith.constant 0 : i32
      %dma_wait3A_749 = tpu.memref_slice %arg4[%dma_wait3A_747, %dma_wait3A_748] : memref<320000x64xi32, #tpu.memory_space<hbm>> -> memref<80x64xi32, #tpu.memory_space<hbm>>
      %dma_wait3A_750 = arith.constant 0 : i32
      %dma_wait3A_751 = arith.constant 0 : i32
      %dma_wait3A_752 = tpu.memref_slice %arg9[%dma_wait3A_742, %dma_wait3A_750, %dma_wait3A_751] : memref<2x80x64xi32, #tpu.memory_space<vmem>> -> memref<1x80x64xi32, #tpu.memory_space<vmem>>
      %dma_wait3A_753 = tpu.memref_squeeze %dma_wait3A_752 : memref<1x80x64xi32, #tpu.memory_space<vmem>> -> memref<80x64xi32, #tpu.memory_space<vmem>>
      %dma_wait3A_754 = arith.constant 0 : i32
      %dma_wait3A_755 = arith.constant 0 : i32
      %dma_wait3A_756 = tpu.memref_slice %arg4[%dma_wait3A_754, %dma_wait3A_755] : memref<320000x64xi32, #tpu.memory_space<hbm>> -> memref<80x64xi32, #tpu.memory_space<hbm>>
      tpu.wait_dma2 semaphore(%arg14 : memref<!tpu.dma_semaphore, #tpu.memory_space<semaphore_mem>>) src(%dma_wait3A_756 : memref<80x64xi32, #tpu.memory_space<hbm>>) dst(%dma_wait3A_753 : memref<80x64xi32, #tpu.memory_space<vmem>>)
      %add3A_757 = arith.constant 2 : i32
      %add3A_758 = arith.addi %add3A_659, %add3A_757 : i32
      %min3A_759 = arith.constant 124 : i32
      %min3A_760 = arith.minsi %add3A_758, %min3A_759 : i32
      %mul3A_761 = arith.constant 80 : i32
      %mul3A_762 = arith.muli %min3A_760, %mul3A_761 : i32
      %add3A_763 = arith.addi %mul3A_2, %mul3A_762 : i32
      %add3A_764 = arith.constant 320000 : i32
      %add3A_765 = arith.addi %add3A_764, %mul3A_2 : i32
      %mul3A_766 = arith.constant 80 : i32
      %mul3A_767 = arith.muli %min3A_760, %mul3A_766 : i32
      %add3A_768 = arith.addi %add3A_765, %mul3A_767 : i32
      %dma_start3A_769 = arith.constant 1 : i32
      %dma_start3A_770 = arith.constant 0 : i32
      %dma_start3A_771 = tpu.memref_slice %arg6[%dma_start3A_769, %dma_start3A_770] : memref<4x80xi32, #tpu.memory_space<vmem>> -> memref<1x80xi32, #tpu.memory_space<vmem>>
      %dma_start3A_772 = tpu.memref_squeeze %dma_start3A_771 : memref<1x80xi32, #tpu.memory_space<vmem>> -> memref<80xi32, #tpu.memory_space<vmem>>
      %dma_start3A_773 = tpu.memref_slice %arg3[%add3A_763] : memref<640000xi32, #tpu.memory_space<hbm>> -> memref<80xi32, #tpu.memory_space<hbm>>
      %dma_start3A_774 = arith.constant 0 : i32
      %dma_start3A_775 = tpu.memref_slice %arg6[%dma_start3A_769, %dma_start3A_774] : memref<4x80xi32, #tpu.memory_space<vmem>> -> memref<1x80xi32, #tpu.memory_space<vmem>>
      %dma_start3A_776 = tpu.memref_squeeze %dma_start3A_775 : memref<1x80xi32, #tpu.memory_space<vmem>> -> memref<80xi32, #tpu.memory_space<vmem>>
      %dma_start3A_777 = tpu.memref_slice %arg3[%add3A_763] : memref<640000xi32, #tpu.memory_space<hbm>> -> memref<80xi32, #tpu.memory_space<hbm>>
      tpu.enqueue_dma source(%dma_start3A_777 : memref<80xi32, #tpu.memory_space<hbm>>) target(%dma_start3A_776 : memref<80xi32, #tpu.memory_space<vmem>>) target_semaphore(%arg18 : memref<!tpu.dma_semaphore, #tpu.memory_space<semaphore_mem>>)
      %dma_start3A_778 = arith.constant 1 : i32
      %dma_start3A_779 = arith.constant 0 : i32
      %dma_start3A_780 = tpu.memref_slice %arg7[%dma_start3A_778, %dma_start3A_779] : memref<4x80xi32, #tpu.memory_space<vmem>> -> memref<1x80xi32, #tpu.memory_space<vmem>>
      %dma_start3A_781 = tpu.memref_squeeze %dma_start3A_780 : memref<1x80xi32, #tpu.memory_space<vmem>> -> memref<80xi32, #tpu.memory_space<vmem>>
      %dma_start3A_782 = tpu.memref_slice %arg3[%add3A_768] : memref<640000xi32, #tpu.memory_space<hbm>> -> memref<80xi32, #tpu.memory_space<hbm>>
      %dma_start3A_783 = arith.constant 0 : i32
      %dma_start3A_784 = tpu.memref_slice %arg7[%dma_start3A_778, %dma_start3A_783] : memref<4x80xi32, #tpu.memory_space<vmem>> -> memref<1x80xi32, #tpu.memory_space<vmem>>
      %dma_start3A_785 = tpu.memref_squeeze %dma_start3A_784 : memref<1x80xi32, #tpu.memory_space<vmem>> -> memref<80xi32, #tpu.memory_space<vmem>>
      %dma_start3A_786 = tpu.memref_slice %arg3[%add3A_768] : memref<640000xi32, #tpu.memory_space<hbm>> -> memref<80xi32, #tpu.memory_space<hbm>>
      tpu.enqueue_dma source(%dma_start3A_786 : memref<80xi32, #tpu.memory_space<hbm>>) target(%dma_start3A_785 : memref<80xi32, #tpu.memory_space<vmem>>) target_semaphore(%arg18 : memref<!tpu.dma_semaphore, #tpu.memory_space<semaphore_mem>>)
      %parallel_loop3A_787 = arith.constant 0 : i32
      %parallel_loop3A_788 = arith.constant 80 : i32
      %parallel_loop3A_789 = arith.constant 1 : i32
      %parallel_loop3A_790 = arith.constant 1 : i32
      %parallel_loop3A_791 = arith.constant -65536 : i32
      %parallel_loop3A_792 = arith.constant 1 : i32
      scf.for %parallel_loop3A_805 = %parallel_loop3A_787 to %parallel_loop3A_788 step %parallel_loop3A_789  : i32 {
        %parallel_loop3A_806 = arith.constant 0 : i32
        %parallel_loop3A_807 = arith.constant 0 : i32
        %parallel_loop3A_808 = tpu.memref_slice %arg9[%parallel_loop3A_790, %parallel_loop3A_806, %parallel_loop3A_807] : memref<2x80x64xi32, #tpu.memory_space<vmem>> -> memref<1x80x64xi32, #tpu.memory_space<vmem>>
        %parallel_loop3A_809 = tpu.memref_squeeze %parallel_loop3A_808 : memref<1x80x64xi32, #tpu.memory_space<vmem>> -> memref<80x64xi32, #tpu.memory_space<vmem>>
        %parallel_loop3A_810 = arith.index_cast %parallel_loop3A_805 : i32 to index
        %parallel_loop3A_811 = arith.constant 0 : index
        %parallel_loop3A_812 = tpu.vector_load %parallel_loop3A_809[%parallel_loop3A_810, %parallel_loop3A_811] {strides = array<i32>} : memref<80x64xi32, #tpu.memory_space<vmem>>, vector<1x16xi32>,
        %parallel_loop3A_813 = vector.shape_cast %parallel_loop3A_812 : vector<1x16xi32> to vector<16xi32>
        %parallel_loop3A_814 = arith.constant 16 : i32
        %parallel_loop3A_815 = vector.broadcast %parallel_loop3A_814 : i32 to vector<16xi32>
        %parallel_loop3A_816 = arith.shli %parallel_loop3A_813, %parallel_loop3A_815 : vector<16xi32>
        %parallel_loop3A_817 = tpu.bitcast %parallel_loop3A_816 : vector<16xi32> -> vector<16xf32>
        %parallel_loop3A_818 = vector.broadcast %parallel_loop3A_791 : i32 to vector<16xi32>
        %parallel_loop3A_819 = arith.andi %parallel_loop3A_813, %parallel_loop3A_818 : vector<16xi32>
        %parallel_loop3A_820 = tpu.bitcast %parallel_loop3A_819 : vector<16xi32> -> vector<16xf32>
        %parallel_loop3A_821 = arith.constant 0 : i32
        %parallel_loop3A_822 = arith.constant 0 : i32
        %parallel_loop3A_823 = tpu.memref_slice %arg8[%parallel_loop3A_792, %parallel_loop3A_821, %parallel_loop3A_822] : memref<2x80x128xf32, #tpu.memory_space<vmem>> -> memref<1x80x128xf32, #tpu.memory_space<vmem>>
        %parallel_loop3A_824 = tpu.memref_squeeze %parallel_loop3A_823 : memref<1x80x128xf32, #tpu.memory_space<vmem>> -> memref<80x128xf32, #tpu.memory_space<vmem>>
        %parallel_loop3A_825 = arith.index_cast %parallel_loop3A_805 : i32 to index
        %parallel_loop3A_826 = arith.constant 0 : index
        %parallel_loop3A_827 = tpu.vector_load %parallel_loop3A_824[%parallel_loop3A_825, %parallel_loop3A_826] {strides = array<i32>} : memref<80x128xf32, #tpu.memory_space<vmem>>, vector<1x16xf32>,
        %parallel_loop3A_828 = vector.shape_cast %parallel_loop3A_827 : vector<1x16xf32> to vector<16xf32>
        %parallel_loop3A_829 = arith.mulf %parallel_loop3A_828, %parallel_loop3A_817 : vector<16xf32>
        %parallel_loop3A_830 = arith.constant 0 : i32
        %parallel_loop3A_831 = arith.constant 0 : i32
        %parallel_loop3A_832 = tpu.memref_slice %arg8[%parallel_loop3A_792, %parallel_loop3A_830, %parallel_loop3A_831] : memref<2x80x128xf32, #tpu.memory_space<vmem>> -> memref<1x80x128xf32, #tpu.memory_space<vmem>>
        %parallel_loop3A_833 = tpu.memref_squeeze %parallel_loop3A_832 : memref<1x80x128xf32, #tpu.memory_space<vmem>> -> memref<80x128xf32, #tpu.memory_space<vmem>>
        %parallel_loop3A_834 = arith.index_cast %parallel_loop3A_805 : i32 to index
        %parallel_loop3A_835 = arith.constant 0 : index
        %parallel_loop3A_836 = tpu.vector_load %parallel_loop3A_833[%parallel_loop3A_834, %parallel_loop3A_835] {strides = array<i32>} : memref<80x128xf32, #tpu.memory_space<vmem>>, vector<1x16xf32>,
        %parallel_loop3A_837 = vector.shape_cast %parallel_loop3A_836 : vector<1x16xf32> to vector<16xf32>
        %parallel_loop3A_838 = vector.shape_cast %parallel_loop3A_829 : vector<16xf32> to vector<1x16xf32>
        tpu.vector_store %parallel_loop3A_833[%parallel_loop3A_834, %parallel_loop3A_835], %parallel_loop3A_838 {strides = array<i32>} : memref<80x128xf32, #tpu.memory_space<vmem>>, vector<1x16xf32>,
        %parallel_loop3A_839 = arith.constant 0 : i32
        %parallel_loop3A_840 = arith.constant 0 : i32
        %parallel_loop3A_841 = tpu.memref_slice %arg8[%parallel_loop3A_792, %parallel_loop3A_839, %parallel_loop3A_840] : memref<2x80x128xf32, #tpu.memory_space<vmem>> -> memref<1x80x128xf32, #tpu.memory_space<vmem>>
        %parallel_loop3A_842 = tpu.memref_squeeze %parallel_loop3A_841 : memref<1x80x128xf32, #tpu.memory_space<vmem>> -> memref<80x128xf32, #tpu.memory_space<vmem>>
        %parallel_loop3A_843 = arith.index_cast %parallel_loop3A_805 : i32 to index
        %parallel_loop3A_844 = arith.constant 64 : index
        %parallel_loop3A_845 = tpu.vector_load %parallel_loop3A_842[%parallel_loop3A_843, %parallel_loop3A_844] {strides = array<i32>} : memref<80x128xf32, #tpu.memory_space<vmem>>, vector<1x16xf32>,
        %parallel_loop3A_846 = vector.shape_cast %parallel_loop3A_845 : vector<1x16xf32> to vector<16xf32>
        %parallel_loop3A_847 = arith.mulf %parallel_loop3A_846, %parallel_loop3A_820 : vector<16xf32>
        %parallel_loop3A_848 = arith.constant 0 : i32
        %parallel_loop3A_849 = arith.constant 0 : i32
        %parallel_loop3A_850 = tpu.memref_slice %arg8[%parallel_loop3A_792, %parallel_loop3A_848, %parallel_loop3A_849] : memref<2x80x128xf32, #tpu.memory_space<vmem>> -> memref<1x80x128xf32, #tpu.memory_space<vmem>>
        %parallel_loop3A_851 = tpu.memref_squeeze %parallel_loop3A_850 : memref<1x80x128xf32, #tpu.memory_space<vmem>> -> memref<80x128xf32, #tpu.memory_space<vmem>>
        %parallel_loop3A_852 = arith.index_cast %parallel_loop3A_805 : i32 to index
        %parallel_loop3A_853 = arith.constant 64 : index
        %parallel_loop3A_854 = tpu.vector_load %parallel_loop3A_851[%parallel_loop3A_852, %parallel_loop3A_853] {strides = array<i32>} : memref<80x128xf32, #tpu.memory_space<vmem>>, vector<1x16xf32>,
        %parallel_loop3A_855 = vector.shape_cast %parallel_loop3A_854 : vector<1x16xf32> to vector<16xf32>
        %parallel_loop3A_856 = vector.shape_cast %parallel_loop3A_847 : vector<16xf32> to vector<1x16xf32>
        tpu.vector_store %parallel_loop3A_851[%parallel_loop3A_852, %parallel_loop3A_853], %parallel_loop3A_856 {strides = array<i32>} : memref<80x128xf32, #tpu.memory_space<vmem>>, vector<1x16xf32>,
        %parallel_loop3A_857 = arith.constant 0 : i32
        %parallel_loop3A_858 = arith.constant 0 : i32
        %parallel_loop3A_859 = tpu.memref_slice %arg9[%parallel_loop3A_790, %parallel_loop3A_857, %parallel_loop3A_858] : memref<2x80x64xi32, #tpu.memory_space<vmem>> -> memref<1x80x64xi32, #tpu.memory_space<vmem>>
        %parallel_loop3A_860 = tpu.memref_squeeze %parallel_loop3A_859 : memref<1x80x64xi32, #tpu.memory_space<vmem>> -> memref<80x64xi32, #tpu.memory_space<vmem>>
        %parallel_loop3A_861 = arith.index_cast %parallel_loop3A_805 : i32 to index
        %parallel_loop3A_862 = arith.constant 16 : index
        %parallel_loop3A_863 = tpu.vector_load %parallel_loop3A_860[%parallel_loop3A_861, %parallel_loop3A_862] {strides = array<i32>} : memref<80x64xi32, #tpu.memory_space<vmem>>, vector<1x16xi32>,
        %parallel_loop3A_864 = vector.shape_cast %parallel_loop3A_863 : vector<1x16xi32> to vector<16xi32>
        %parallel_loop3A_865 = arith.constant 16 : i32
        %parallel_loop3A_866 = vector.broadcast %parallel_loop3A_865 : i32 to vector<16xi32>
        %parallel_loop3A_867 = arith.shli %parallel_loop3A_864, %parallel_loop3A_866 : vector<16xi32>
        %parallel_loop3A_868 = tpu.bitcast %parallel_loop3A_867 : vector<16xi32> -> vector<16xf32>
        %parallel_loop3A_869 = vector.broadcast %parallel_loop3A_791 : i32 to vector<16xi32>
        %parallel_loop3A_870 = arith.andi %parallel_loop3A_864, %parallel_loop3A_869 : vector<16xi32>
        %parallel_loop3A_871 = tpu.bitcast %parallel_loop3A_870 : vector<16xi32> -> vector<16xf32>
        %parallel_loop3A_872 = arith.constant 0 : i32
        %parallel_loop3A_873 = arith.constant 0 : i32
        %parallel_loop3A_874 = tpu.memref_slice %arg8[%parallel_loop3A_792, %parallel_loop3A_872, %parallel_loop3A_873] : memref<2x80x128xf32, #tpu.memory_space<vmem>> -> memref<1x80x128xf32, #tpu.memory_space<vmem>>
        %parallel_loop3A_875 = tpu.memref_squeeze %parallel_loop3A_874 : memref<1x80x128xf32, #tpu.memory_space<vmem>> -> memref<80x128xf32, #tpu.memory_space<vmem>>
        %parallel_loop3A_876 = arith.index_cast %parallel_loop3A_805 : i32 to index
        %parallel_loop3A_877 = arith.constant 16 : index
        %parallel_loop3A_878 = tpu.vector_load %parallel_loop3A_875[%parallel_loop3A_876, %parallel_loop3A_877] {strides = array<i32>} : memref<80x128xf32, #tpu.memory_space<vmem>>, vector<1x16xf32>,
        %parallel_loop3A_879 = vector.shape_cast %parallel_loop3A_878 : vector<1x16xf32> to vector<16xf32>
        %parallel_loop3A_880 = arith.mulf %parallel_loop3A_879, %parallel_loop3A_868 : vector<16xf32>
        %parallel_loop3A_881 = arith.constant 0 : i32
        %parallel_loop3A_882 = arith.constant 0 : i32
        %parallel_loop3A_883 = tpu.memref_slice %arg8[%parallel_loop3A_792, %parallel_loop3A_881, %parallel_loop3A_882] : memref<2x80x128xf32, #tpu.memory_space<vmem>> -> memref<1x80x128xf32, #tpu.memory_space<vmem>>
        %parallel_loop3A_884 = tpu.memref_squeeze %parallel_loop3A_883 : memref<1x80x128xf32, #tpu.memory_space<vmem>> -> memref<80x128xf32, #tpu.memory_space<vmem>>
        %parallel_loop3A_885 = arith.index_cast %parallel_loop3A_805 : i32 to index
        %parallel_loop3A_886 = arith.constant 16 : index
        %parallel_loop3A_887 = tpu.vector_load %parallel_loop3A_884[%parallel_loop3A_885, %parallel_loop3A_886] {strides = array<i32>} : memref<80x128xf32, #tpu.memory_space<vmem>>, vector<1x16xf32>,
        %parallel_loop3A_888 = vector.shape_cast %parallel_loop3A_887 : vector<1x16xf32> to vector<16xf32>
        %parallel_loop3A_889 = vector.shape_cast %parallel_loop3A_880 : vector<16xf32> to vector<1x16xf32>
        tpu.vector_store %parallel_loop3A_884[%parallel_loop3A_885, %parallel_loop3A_886], %parallel_loop3A_889 {strides = array<i32>} : memref<80x128xf32, #tpu.memory_space<vmem>>, vector<1x16xf32>,
        %parallel_loop3A_890 = arith.constant 0 : i32
        %parallel_loop3A_891 = arith.constant 0 : i32
        %parallel_loop3A_892 = tpu.memref_slice %arg8[%parallel_loop3A_792, %parallel_loop3A_890, %parallel_loop3A_891] : memref<2x80x128xf32, #tpu.memory_space<vmem>> -> memref<1x80x128xf32, #tpu.memory_space<vmem>>
        %parallel_loop3A_893 = tpu.memref_squeeze %parallel_loop3A_892 : memref<1x80x128xf32, #tpu.memory_space<vmem>> -> memref<80x128xf32, #tpu.memory_space<vmem>>
        %parallel_loop3A_894 = arith.index_cast %parallel_loop3A_805 : i32 to index
        %parallel_loop3A_895 = arith.constant 80 : index
        %parallel_loop3A_896 = tpu.vector_load %parallel_loop3A_893[%parallel_loop3A_894, %parallel_loop3A_895] {strides = array<i32>} : memref<80x128xf32, #tpu.memory_space<vmem>>, vector<1x16xf32>,
        %parallel_loop3A_897 = vector.shape_cast %parallel_loop3A_896 : vector<1x16xf32> to vector<16xf32>
        %parallel_loop3A_898 = arith.mulf %parallel_loop3A_897, %parallel_loop3A_871 : vector<16xf32>
        %parallel_loop3A_899 = arith.constant 0 : i32
        %parallel_loop3A_900 = arith.constant 0 : i32
        %parallel_loop3A_901 = tpu.memref_slice %arg8[%parallel_loop3A_792, %parallel_loop3A_899, %parallel_loop3A_900] : memref<2x80x128xf32, #tpu.memory_space<vmem>> -> memref<1x80x128xf32, #tpu.memory_space<vmem>>
        %parallel_loop3A_902 = tpu.memref_squeeze %parallel_loop3A_901 : memref<1x80x128xf32, #tpu.memory_space<vmem>> -> memref<80x128xf32, #tpu.memory_space<vmem>>
        %parallel_loop3A_903 = arith.index_cast %parallel_loop3A_805 : i32 to index
        %parallel_loop3A_904 = arith.constant 80 : index
        %parallel_loop3A_905 = tpu.vector_load %parallel_loop3A_902[%parallel_loop3A_903, %parallel_loop3A_904] {strides = array<i32>} : memref<80x128xf32, #tpu.memory_space<vmem>>, vector<1x16xf32>,
        %parallel_loop3A_906 = vector.shape_cast %parallel_loop3A_905 : vector<1x16xf32> to vector<16xf32>
        %parallel_loop3A_907 = vector.shape_cast %parallel_loop3A_898 : vector<16xf32> to vector<1x16xf32>
        tpu.vector_store %parallel_loop3A_902[%parallel_loop3A_903, %parallel_loop3A_904], %parallel_loop3A_907 {strides = array<i32>} : memref<80x128xf32, #tpu.memory_space<vmem>>, vector<1x16xf32>,
        %parallel_loop3A_908 = arith.constant 0 : i32
        %parallel_loop3A_909 = arith.constant 0 : i32
        %parallel_loop3A_910 = tpu.memref_slice %arg9[%parallel_loop3A_790, %parallel_loop3A_908, %parallel_loop3A_909] : memref<2x80x64xi32, #tpu.memory_space<vmem>> -> memref<1x80x64xi32, #tpu.memory_space<vmem>>
        %parallel_loop3A_911 = tpu.memref_squeeze %parallel_loop3A_910 : memref<1x80x64xi32, #tpu.memory_space<vmem>> -> memref<80x64xi32, #tpu.memory_space<vmem>>
        %parallel_loop3A_912 = arith.index_cast %parallel_loop3A_805 : i32 to index
        %parallel_loop3A_913 = arith.constant 32 : index
        %parallel_loop3A_914 = tpu.vector_load %parallel_loop3A_911[%parallel_loop3A_912, %parallel_loop3A_913] {strides = array<i32>} : memref<80x64xi32, #tpu.memory_space<vmem>>, vector<1x16xi32>,
        %parallel_loop3A_915 = vector.shape_cast %parallel_loop3A_914 : vector<1x16xi32> to vector<16xi32>
        %parallel_loop3A_916 = arith.constant 16 : i32
        %parallel_loop3A_917 = vector.broadcast %parallel_loop3A_916 : i32 to vector<16xi32>
        %parallel_loop3A_918 = arith.shli %parallel_loop3A_915, %parallel_loop3A_917 : vector<16xi32>
        %parallel_loop3A_919 = tpu.bitcast %parallel_loop3A_918 : vector<16xi32> -> vector<16xf32>
        %parallel_loop3A_920 = vector.broadcast %parallel_loop3A_791 : i32 to vector<16xi32>
        %parallel_loop3A_921 = arith.andi %parallel_loop3A_915, %parallel_loop3A_920 : vector<16xi32>
        %parallel_loop3A_922 = tpu.bitcast %parallel_loop3A_921 : vector<16xi32> -> vector<16xf32>
        %parallel_loop3A_923 = arith.constant 0 : i32
        %parallel_loop3A_924 = arith.constant 0 : i32
        %parallel_loop3A_925 = tpu.memref_slice %arg8[%parallel_loop3A_792, %parallel_loop3A_923, %parallel_loop3A_924] : memref<2x80x128xf32, #tpu.memory_space<vmem>> -> memref<1x80x128xf32, #tpu.memory_space<vmem>>
        %parallel_loop3A_926 = tpu.memref_squeeze %parallel_loop3A_925 : memref<1x80x128xf32, #tpu.memory_space<vmem>> -> memref<80x128xf32, #tpu.memory_space<vmem>>
        %parallel_loop3A_927 = arith.index_cast %parallel_loop3A_805 : i32 to index
        %parallel_loop3A_928 = arith.constant 32 : index
        %parallel_loop3A_929 = tpu.vector_load %parallel_loop3A_926[%parallel_loop3A_927, %parallel_loop3A_928] {strides = array<i32>} : memref<80x128xf32, #tpu.memory_space<vmem>>, vector<1x16xf32>,
        %parallel_loop3A_930 = vector.shape_cast %parallel_loop3A_929 : vector<1x16xf32> to vector<16xf32>
        %parallel_loop3A_931 = arith.mulf %parallel_loop3A_930, %parallel_loop3A_919 : vector<16xf32>
        %parallel_loop3A_932 = arith.constant 0 : i32
        %parallel_loop3A_933 = arith.constant 0 : i32
        %parallel_loop3A_934 = tpu.memref_slice %arg8[%parallel_loop3A_792, %parallel_loop3A_932, %parallel_loop3A_933] : memref<2x80x128xf32, #tpu.memory_space<vmem>> -> memref<1x80x128xf32, #tpu.memory_space<vmem>>
        %parallel_loop3A_935 = tpu.memref_squeeze %parallel_loop3A_934 : memref<1x80x128xf32, #tpu.memory_space<vmem>> -> memref<80x128xf32, #tpu.memory_space<vmem>>
        %parallel_loop3A_936 = arith.index_cast %parallel_loop3A_805 : i32 to index
        %parallel_loop3A_937 = arith.constant 32 : index
        %parallel_loop3A_938 = tpu.vector_load %parallel_loop3A_935[%parallel_loop3A_936, %parallel_loop3A_937] {strides = array<i32>} : memref<80x128xf32, #tpu.memory_space<vmem>>, vector<1x16xf32>,
        %parallel_loop3A_939 = vector.shape_cast %parallel_loop3A_938 : vector<1x16xf32> to vector<16xf32>
        %parallel_loop3A_940 = vector.shape_cast %parallel_loop3A_931 : vector<16xf32> to vector<1x16xf32>
        tpu.vector_store %parallel_loop3A_935[%parallel_loop3A_936, %parallel_loop3A_937], %parallel_loop3A_940 {strides = array<i32>} : memref<80x128xf32, #tpu.memory_space<vmem>>, vector<1x16xf32>,
        %parallel_loop3A_941 = arith.constant 0 : i32
        %parallel_loop3A_942 = arith.constant 0 : i32
        %parallel_loop3A_943 = tpu.memref_slice %arg8[%parallel_loop3A_792, %parallel_loop3A_941, %parallel_loop3A_942] : memref<2x80x128xf32, #tpu.memory_space<vmem>> -> memref<1x80x128xf32, #tpu.memory_space<vmem>>
        %parallel_loop3A_944 = tpu.memref_squeeze %parallel_loop3A_943 : memref<1x80x128xf32, #tpu.memory_space<vmem>> -> memref<80x128xf32, #tpu.memory_space<vmem>>
        %parallel_loop3A_945 = arith.index_cast %parallel_loop3A_805 : i32 to index
        %parallel_loop3A_946 = arith.constant 96 : index
        %parallel_loop3A_947 = tpu.vector_load %parallel_loop3A_944[%parallel_loop3A_945, %parallel_loop3A_946] {strides = array<i32>} : memref<80x128xf32, #tpu.memory_space<vmem>>, vector<1x16xf32>,
        %parallel_loop3A_948 = vector.shape_cast %parallel_loop3A_947 : vector<1x16xf32> to vector<16xf32>
        %parallel_loop3A_949 = arith.mulf %parallel_loop3A_948, %parallel_loop3A_922 : vector<16xf32>
        %parallel_loop3A_950 = arith.constant 0 : i32
        %parallel_loop3A_951 = arith.constant 0 : i32
        %parallel_loop3A_952 = tpu.memref_slice %arg8[%parallel_loop3A_792, %parallel_loop3A_950, %parallel_loop3A_951] : memref<2x80x128xf32, #tpu.memory_space<vmem>> -> memref<1x80x128xf32, #tpu.memory_space<vmem>>
        %parallel_loop3A_953 = tpu.memref_squeeze %parallel_loop3A_952 : memref<1x80x128xf32, #tpu.memory_space<vmem>> -> memref<80x128xf32, #tpu.memory_space<vmem>>
        %parallel_loop3A_954 = arith.index_cast %parallel_loop3A_805 : i32 to index
        %parallel_loop3A_955 = arith.constant 96 : index
        %parallel_loop3A_956 = tpu.vector_load %parallel_loop3A_953[%parallel_loop3A_954, %parallel_loop3A_955] {strides = array<i32>} : memref<80x128xf32, #tpu.memory_space<vmem>>, vector<1x16xf32>,
        %parallel_loop3A_957 = vector.shape_cast %parallel_loop3A_956 : vector<1x16xf32> to vector<16xf32>
        %parallel_loop3A_958 = vector.shape_cast %parallel_loop3A_949 : vector<16xf32> to vector<1x16xf32>
        tpu.vector_store %parallel_loop3A_953[%parallel_loop3A_954, %parallel_loop3A_955], %parallel_loop3A_958 {strides = array<i32>} : memref<80x128xf32, #tpu.memory_space<vmem>>, vector<1x16xf32>,
        %parallel_loop3A_959 = arith.constant 0 : i32
        %parallel_loop3A_960 = arith.constant 0 : i32
        %parallel_loop3A_961 = tpu.memref_slice %arg9[%parallel_loop3A_790, %parallel_loop3A_959, %parallel_loop3A_960] : memref<2x80x64xi32, #tpu.memory_space<vmem>> -> memref<1x80x64xi32, #tpu.memory_space<vmem>>
        %parallel_loop3A_962 = tpu.memref_squeeze %parallel_loop3A_961 : memref<1x80x64xi32, #tpu.memory_space<vmem>> -> memref<80x64xi32, #tpu.memory_space<vmem>>
        %parallel_loop3A_963 = arith.index_cast %parallel_loop3A_805 : i32 to index
        %parallel_loop3A_964 = arith.constant 48 : index
        %parallel_loop3A_965 = tpu.vector_load %parallel_loop3A_962[%parallel_loop3A_963, %parallel_loop3A_964] {strides = array<i32>} : memref<80x64xi32, #tpu.memory_space<vmem>>, vector<1x16xi32>,
        %parallel_loop3A_966 = vector.shape_cast %parallel_loop3A_965 : vector<1x16xi32> to vector<16xi32>
        %parallel_loop3A_967 = arith.constant 16 : i32
        %parallel_loop3A_968 = vector.broadcast %parallel_loop3A_967 : i32 to vector<16xi32>
        %parallel_loop3A_969 = arith.shli %parallel_loop3A_966, %parallel_loop3A_968 : vector<16xi32>
        %parallel_loop3A_970 = tpu.bitcast %parallel_loop3A_969 : vector<16xi32> -> vector<16xf32>
        %parallel_loop3A_971 = vector.broadcast %parallel_loop3A_791 : i32 to vector<16xi32>
        %parallel_loop3A_972 = arith.andi %parallel_loop3A_966, %parallel_loop3A_971 : vector<16xi32>
        %parallel_loop3A_973 = tpu.bitcast %parallel_loop3A_972 : vector<16xi32> -> vector<16xf32>
        %parallel_loop3A_974 = arith.constant 0 : i32
        %parallel_loop3A_975 = arith.constant 0 : i32
        %parallel_loop3A_976 = tpu.memref_slice %arg8[%parallel_loop3A_792, %parallel_loop3A_974, %parallel_loop3A_975] : memref<2x80x128xf32, #tpu.memory_space<vmem>> -> memref<1x80x128xf32, #tpu.memory_space<vmem>>
        %parallel_loop3A_977 = tpu.memref_squeeze %parallel_loop3A_976 : memref<1x80x128xf32, #tpu.memory_space<vmem>> -> memref<80x128xf32, #tpu.memory_space<vmem>>
        %parallel_loop3A_978 = arith.index_cast %parallel_loop3A_805 : i32 to index
        %parallel_loop3A_979 = arith.constant 48 : index
        %parallel_loop3A_980 = tpu.vector_load %parallel_loop3A_977[%parallel_loop3A_978, %parallel_loop3A_979] {strides = array<i32>} : memref<80x128xf32, #tpu.memory_space<vmem>>, vector<1x16xf32>,
        %parallel_loop3A_981 = vector.shape_cast %parallel_loop3A_980 : vector<1x16xf32> to vector<16xf32>
        %parallel_loop3A_982 = arith.mulf %parallel_loop3A_981, %parallel_loop3A_970 : vector<16xf32>
        %parallel_loop3A_983 = arith.constant 0 : i32
        %parallel_loop3A_984 = arith.constant 0 : i32
        %parallel_loop3A_985 = tpu.memref_slice %arg8[%parallel_loop3A_792, %parallel_loop3A_983, %parallel_loop3A_984] : memref<2x80x128xf32, #tpu.memory_space<vmem>> -> memref<1x80x128xf32, #tpu.memory_space<vmem>>
        %parallel_loop3A_986 = tpu.memref_squeeze %parallel_loop3A_985 : memref<1x80x128xf32, #tpu.memory_space<vmem>> -> memref<80x128xf32, #tpu.memory_space<vmem>>
        %parallel_loop3A_987 = arith.index_cast %parallel_loop3A_805 : i32 to index
        %parallel_loop3A_988 = arith.constant 48 : index
        %parallel_loop3A_989 = tpu.vector_load %parallel_loop3A_986[%parallel_loop3A_987, %parallel_loop3A_988] {strides = array<i32>} : memref<80x128xf32, #tpu.memory_space<vmem>>, vector<1x16xf32>,
        %parallel_loop3A_990 = vector.shape_cast %parallel_loop3A_989 : vector<1x16xf32> to vector<16xf32>
        %parallel_loop3A_991 = vector.shape_cast %parallel_loop3A_982 : vector<16xf32> to vector<1x16xf32>
        tpu.vector_store %parallel_loop3A_986[%parallel_loop3A_987, %parallel_loop3A_988], %parallel_loop3A_991 {strides = array<i32>} : memref<80x128xf32, #tpu.memory_space<vmem>>, vector<1x16xf32>,
        %parallel_loop3A_992 = arith.constant 0 : i32
        %parallel_loop3A_993 = arith.constant 0 : i32
        %parallel_loop3A_994 = tpu.memref_slice %arg8[%parallel_loop3A_792, %parallel_loop3A_992, %parallel_loop3A_993] : memref<2x80x128xf32, #tpu.memory_space<vmem>> -> memref<1x80x128xf32, #tpu.memory_space<vmem>>
        %parallel_loop3A_995 = tpu.memref_squeeze %parallel_loop3A_994 : memref<1x80x128xf32, #tpu.memory_space<vmem>> -> memref<80x128xf32, #tpu.memory_space<vmem>>
        %parallel_loop3A_996 = arith.index_cast %parallel_loop3A_805 : i32 to index
        %parallel_loop3A_997 = arith.constant 112 : index
        %parallel_loop3A_998 = tpu.vector_load %parallel_loop3A_995[%parallel_loop3A_996, %parallel_loop3A_997] {strides = array<i32>} : memref<80x128xf32, #tpu.memory_space<vmem>>, vector<1x16xf32>,
        %parallel_loop3A_999 = vector.shape_cast %parallel_loop3A_998 : vector<1x16xf32> to vector<16xf32>
        %parallel_loop3A_1000 = arith.mulf %parallel_loop3A_999, %parallel_loop3A_973 : vector<16xf32>
        %parallel_loop3A_1001 = arith.constant 0 : i32
        %parallel_loop3A_1002 = arith.constant 0 : i32
        %parallel_loop3A_1003 = tpu.memref_slice %arg8[%parallel_loop3A_792, %parallel_loop3A_1001, %parallel_loop3A_1002] : memref<2x80x128xf32, #tpu.memory_space<vmem>> -> memref<1x80x128xf32, #tpu.memory_space<vmem>>
        %parallel_loop3A_1004 = tpu.memref_squeeze %parallel_loop3A_1003 : memref<1x80x128xf32, #tpu.memory_space<vmem>> -> memref<80x128xf32, #tpu.memory_space<vmem>>
        %parallel_loop3A_1005 = arith.index_cast %parallel_loop3A_805 : i32 to index
        %parallel_loop3A_1006 = arith.constant 112 : index
        %parallel_loop3A_1007 = tpu.vector_load %parallel_loop3A_1004[%parallel_loop3A_1005, %parallel_loop3A_1006] {strides = array<i32>} : memref<80x128xf32, #tpu.memory_space<vmem>>, vector<1x16xf32>,
        %parallel_loop3A_1008 = vector.shape_cast %parallel_loop3A_1007 : vector<1x16xf32> to vector<16xf32>
        %parallel_loop3A_1009 = vector.shape_cast %parallel_loop3A_1000 : vector<16xf32> to vector<1x16xf32>
        tpu.vector_store %parallel_loop3A_1004[%parallel_loop3A_1005, %parallel_loop3A_1006], %parallel_loop3A_1009 {strides = array<i32>} : memref<80x128xf32, #tpu.memory_space<vmem>>, vector<1x16xf32>,
      } {sc.loop_unroll_factor = 2 : i64, sc.parallel_access}
      %dma_start3A_793 = arith.constant 1 : i32
      %dma_start3A_794 = arith.constant 3 : i32
      %dma_start3A_795 = arith.constant 0 : i32
      %dma_start3A_796 = arith.constant 0 : i32
      %dma_start3A_797 = tpu.memref_slice %arg8[%dma_start3A_793, %dma_start3A_795, %dma_start3A_796] : memref<2x80x128xf32, #tpu.memory_space<vmem>> -> memref<1x80x128xf32, #tpu.memory_space<vmem>>
      %dma_start3A_798 = tpu.memref_squeeze %dma_start3A_797 : memref<1x80x128xf32, #tpu.memory_space<vmem>> -> memref<80x128xf32, #tpu.memory_space<vmem>>
      %dma_start3A_799 = arith.constant 0 : i32
      %dma_start3A_800 = tpu.memref_slice %arg7[%dma_start3A_794, %dma_start3A_799] : memref<4x80xi32, #tpu.memory_space<vmem>> -> memref<1x80xi32, #tpu.memory_space<vmem>>
      %dma_start3A_801 = tpu.memref_squeeze %dma_start3A_800 : memref<1x80xi32, #tpu.memory_space<vmem>> -> memref<80xi32, #tpu.memory_space<vmem>>
      %dma_start3A_802 = arith.constant 0 : i32
      %dma_start3A_803 = arith.constant 0 : i32
      %dma_start3A_804 = tpu.memref_slice %arg10[%dma_start3A_802, %dma_start3A_803] : memref<10112x128xf32, #tpu.memory_space<vmem_shared>> -> memref<10112x128xf32, #tpu.memory_space<vmem_shared>>
      tpu.enqueue_indirect_dma source(%dma_start3A_798 : memref<80x128xf32, #tpu.memory_space<vmem>>) target(%dma_start3A_804 : memref<10112x128xf32, #tpu.memory_space<vmem_shared>>) offsets(%dma_start3A_801 : memref<80xi32, #tpu.memory_space<vmem>>) semaphore(%arg16 : memref<!tpu.dma_semaphore, #tpu.memory_space<semaphore_mem>>) {add = true}
    }
    %scan3A_96 = arith.constant 31 : i32
    %dma_wait3A = arith.constant 1 : i32
    %dma_wait3A_97 = arith.constant 0 : i32
    %dma_wait3A_98 = arith.constant 0 : i32
    %dma_wait3A_99 = tpu.memref_slice %arg8[%dma_wait3A, %dma_wait3A_97, %dma_wait3A_98] : memref<2x80x128xf32, #tpu.memory_space<vmem>> -> memref<1x80x128xf32, #tpu.memory_space<vmem>>
    %dma_wait3A_100 = tpu.memref_squeeze %dma_wait3A_99 : memref<1x80x128xf32, #tpu.memory_space<vmem>> -> memref<80x128xf32, #tpu.memory_space<vmem>>
    %dma_wait3A_101 = arith.constant 0 : i32
    %dma_wait3A_102 = arith.constant 0 : i32
    %dma_wait3A_103 = tpu.memref_slice %arg10[%dma_wait3A_101, %dma_wait3A_102] : memref<10112x128xf32, #tpu.memory_space<vmem_shared>> -> memref<80x128xf32, #tpu.memory_space<vmem_shared>>
    %dma_wait3A_104 = arith.constant 0 : i32
    %dma_wait3A_105 = arith.constant 0 : i32
    %dma_wait3A_106 = tpu.memref_slice %arg10[%dma_wait3A_104, %dma_wait3A_105] : memref<10112x128xf32, #tpu.memory_space<vmem_shared>> -> memref<80x128xf32, #tpu.memory_space<vmem_shared>>
    %dma_wait3A_107 = arith.constant 0 : i32
    %dma_wait3A_108 = arith.constant 0 : i32
    %dma_wait3A_109 = tpu.memref_slice %arg8[%dma_wait3A, %dma_wait3A_107, %dma_wait3A_108] : memref<2x80x128xf32, #tpu.memory_space<vmem>> -> memref<1x80x128xf32, #tpu.memory_space<vmem>>
    %dma_wait3A_110 = tpu.memref_squeeze %dma_wait3A_109 : memref<1x80x128xf32, #tpu.memory_space<vmem>> -> memref<80x128xf32, #tpu.memory_space<vmem>>
    tpu.wait_dma2 semaphore(%arg16 : memref<!tpu.dma_semaphore, #tpu.memory_space<semaphore_mem>>) src(%dma_wait3A_110 : memref<80x128xf32, #tpu.memory_space<vmem>>) dst(%dma_wait3A_106 : memref<80x128xf32, #tpu.memory_space<vmem_shared>>)
    %dma_wait3A_111 = arith.constant 1 : i32
    %dma_wait3A_112 = arith.constant 0 : i32
    %dma_wait3A_113 = tpu.memref_slice %arg6[%dma_wait3A_111, %dma_wait3A_112] : memref<4x80xi32, #tpu.memory_space<vmem>> -> memref<1x80xi32, #tpu.memory_space<vmem>>
    %dma_wait3A_114 = tpu.memref_squeeze %dma_wait3A_113 : memref<1x80xi32, #tpu.memory_space<vmem>> -> memref<80xi32, #tpu.memory_space<vmem>>
    %dma_wait3A_115 = arith.constant 0 : i32
    %dma_wait3A_116 = tpu.memref_slice %arg3[%dma_wait3A_115] : memref<640000xi32, #tpu.memory_space<hbm>> -> memref<80xi32, #tpu.memory_space<hbm>>
    %dma_wait3A_117 = arith.constant 0 : i32
    %dma_wait3A_118 = tpu.memref_slice %arg6[%dma_wait3A_111, %dma_wait3A_117] : memref<4x80xi32, #tpu.memory_space<vmem>> -> memref<1x80xi32, #tpu.memory_space<vmem>>
    %dma_wait3A_119 = tpu.memref_squeeze %dma_wait3A_118 : memref<1x80xi32, #tpu.memory_space<vmem>> -> memref<80xi32, #tpu.memory_space<vmem>>
    %dma_wait3A_120 = arith.constant 0 : i32
    %dma_wait3A_121 = tpu.memref_slice %arg3[%dma_wait3A_120] : memref<640000xi32, #tpu.memory_space<hbm>> -> memref<80xi32, #tpu.memory_space<hbm>>
    tpu.wait_dma2 semaphore(%arg18 : memref<!tpu.dma_semaphore, #tpu.memory_space<semaphore_mem>>) src(%dma_wait3A_121 : memref<80xi32, #tpu.memory_space<hbm>>) dst(%dma_wait3A_119 : memref<80xi32, #tpu.memory_space<vmem>>)
    %dma_wait3A_122 = arith.constant 1 : i32
    %dma_wait3A_123 = arith.constant 0 : i32
    %dma_wait3A_124 = tpu.memref_slice %arg7[%dma_wait3A_122, %dma_wait3A_123] : memref<4x80xi32, #tpu.memory_space<vmem>> -> memref<1x80xi32, #tpu.memory_space<vmem>>
    %dma_wait3A_125 = tpu.memref_squeeze %dma_wait3A_124 : memref<1x80xi32, #tpu.memory_space<vmem>> -> memref<80xi32, #tpu.memory_space<vmem>>
    %dma_wait3A_126 = arith.constant 0 : i32
    %dma_wait3A_127 = tpu.memref_slice %arg3[%dma_wait3A_126] : memref<640000xi32, #tpu.memory_space<hbm>> -> memref<80xi32, #tpu.memory_space<hbm>>
    %dma_wait3A_128 = arith.constant 0 : i32
    %dma_wait3A_129 = tpu.memref_slice %arg7[%dma_wait3A_122, %dma_wait3A_128] : memref<4x80xi32, #tpu.memory_space<vmem>> -> memref<1x80xi32, #tpu.memory_space<vmem>>
    %dma_wait3A_130 = tpu.memref_squeeze %dma_wait3A_129 : memref<1x80xi32, #tpu.memory_space<vmem>> -> memref<80xi32, #tpu.memory_space<vmem>>
    %dma_wait3A_131 = arith.constant 0 : i32
    %dma_wait3A_132 = tpu.memref_slice %arg3[%dma_wait3A_131] : memref<640000xi32, #tpu.memory_space<hbm>> -> memref<80xi32, #tpu.memory_space<hbm>>
    tpu.wait_dma2 semaphore(%arg18 : memref<!tpu.dma_semaphore, #tpu.memory_space<semaphore_mem>>) src(%dma_wait3A_132 : memref<80xi32, #tpu.memory_space<hbm>>) dst(%dma_wait3A_130 : memref<80xi32, #tpu.memory_space<vmem>>)
    %dma_wait3A_133 = arith.constant 0 : i32
    %dma_wait3A_134 = arith.constant 0 : i32
    %dma_wait3A_135 = arith.constant 0 : i32
    %dma_wait3A_136 = tpu.memref_slice %arg8[%dma_wait3A_133, %dma_wait3A_134, %dma_wait3A_135] : memref<2x80x128xf32, #tpu.memory_space<vmem>> -> memref<1x80x128xf32, #tpu.memory_space<vmem>>
    %dma_wait3A_137 = tpu.memref_squeeze %dma_wait3A_136 : memref<1x80x128xf32, #tpu.memory_space<vmem>> -> memref<80x128xf32, #tpu.memory_space<vmem>>
    %dma_wait3A_138 = arith.constant 0 : i32
    %dma_wait3A_139 = arith.constant 0 : i32
    %dma_wait3A_140 = tpu.memref_slice %arg2[%dma_wait3A_138, %dma_wait3A_139] : memref<10000x128xf32, #tpu.memory_space<hbm>> -> memref<80x128xf32, #tpu.memory_space<hbm>>
    %dma_wait3A_141 = arith.constant 0 : i32
    %dma_wait3A_142 = arith.constant 0 : i32
    %dma_wait3A_143 = tpu.memref_slice %arg8[%dma_wait3A_133, %dma_wait3A_141, %dma_wait3A_142] : memref<2x80x128xf32, #tpu.memory_space<vmem>> -> memref<1x80x128xf32, #tpu.memory_space<vmem>>
    %dma_wait3A_144 = tpu.memref_squeeze %dma_wait3A_143 : memref<1x80x128xf32, #tpu.memory_space<vmem>> -> memref<80x128xf32, #tpu.memory_space<vmem>>
    %dma_wait3A_145 = arith.constant 0 : i32
    %dma_wait3A_146 = arith.constant 0 : i32
    %dma_wait3A_147 = tpu.memref_slice %arg2[%dma_wait3A_145, %dma_wait3A_146] : memref<10000x128xf32, #tpu.memory_space<hbm>> -> memref<80x128xf32, #tpu.memory_space<hbm>>
    tpu.wait_dma2 semaphore(%arg11 : memref<!tpu.dma_semaphore, #tpu.memory_space<semaphore_mem>>) src(%dma_wait3A_147 : memref<80x128xf32, #tpu.memory_space<hbm>>) dst(%dma_wait3A_144 : memref<80x128xf32, #tpu.memory_space<vmem>>)
    %dma_wait3A_148 = arith.constant 0 : i32
    %dma_wait3A_149 = arith.constant 0 : i32
    %dma_wait3A_150 = arith.constant 0 : i32
    %dma_wait3A_151 = tpu.memref_slice %arg9[%dma_wait3A_148, %dma_wait3A_149, %dma_wait3A_150] : memref<2x80x64xi32, #tpu.memory_space<vmem>> -> memref<1x80x64xi32, #tpu.memory_space<vmem>>
    %dma_wait3A_152 = tpu.memref_squeeze %dma_wait3A_151 : memref<1x80x64xi32, #tpu.memory_space<vmem>> -> memref<80x64xi32, #tpu.memory_space<vmem>>
    %dma_wait3A_153 = arith.constant 0 : i32
    %dma_wait3A_154 = arith.constant 0 : i32
    %dma_wait3A_155 = tpu.memref_slice %arg4[%dma_wait3A_153, %dma_wait3A_154] : memref<320000x64xi32, #tpu.memory_space<hbm>> -> memref<80x64xi32, #tpu.memory_space<hbm>>
    %dma_wait3A_156 = arith.constant 0 : i32
    %dma_wait3A_157 = arith.constant 0 : i32
    %dma_wait3A_158 = tpu.memref_slice %arg9[%dma_wait3A_148, %dma_wait3A_156, %dma_wait3A_157] : memref<2x80x64xi32, #tpu.memory_space<vmem>> -> memref<1x80x64xi32, #tpu.memory_space<vmem>>
    %dma_wait3A_159 = tpu.memref_squeeze %dma_wait3A_158 : memref<1x80x64xi32, #tpu.memory_space<vmem>> -> memref<80x64xi32, #tpu.memory_space<vmem>>
    %dma_wait3A_160 = arith.constant 0 : i32
    %dma_wait3A_161 = arith.constant 0 : i32
    %dma_wait3A_162 = tpu.memref_slice %arg4[%dma_wait3A_160, %dma_wait3A_161] : memref<320000x64xi32, #tpu.memory_space<hbm>> -> memref<80x64xi32, #tpu.memory_space<hbm>>
    tpu.wait_dma2 semaphore(%arg13 : memref<!tpu.dma_semaphore, #tpu.memory_space<semaphore_mem>>) src(%dma_wait3A_162 : memref<80x64xi32, #tpu.memory_space<hbm>>) dst(%dma_wait3A_159 : memref<80x64xi32, #tpu.memory_space<vmem>>)
    %parallel_loop3A = arith.constant 0 : i32
    %parallel_loop3A_163 = arith.constant 80 : i32
    %parallel_loop3A_164 = arith.constant 1 : i32
    %parallel_loop3A_165 = arith.constant 0 : i32
    %parallel_loop3A_166 = arith.constant -65536 : i32
    %parallel_loop3A_167 = arith.constant 0 : i32
    scf.for %parallel_loop3A_244 = %parallel_loop3A to %parallel_loop3A_163 step %parallel_loop3A_164  : i32 {
      %parallel_loop3A_245 = arith.constant 0 : i32
      %parallel_loop3A_246 = arith.constant 0 : i32
      %parallel_loop3A_247 = tpu.memref_slice %arg9[%parallel_loop3A_165, %parallel_loop3A_245, %parallel_loop3A_246] : memref<2x80x64xi32, #tpu.memory_space<vmem>> -> memref<1x80x64xi32, #tpu.memory_space<vmem>>
      %parallel_loop3A_248 = tpu.memref_squeeze %parallel_loop3A_247 : memref<1x80x64xi32, #tpu.memory_space<vmem>> -> memref<80x64xi32, #tpu.memory_space<vmem>>
      %parallel_loop3A_249 = arith.index_cast %parallel_loop3A_244 : i32 to index
      %parallel_loop3A_250 = arith.constant 0 : index
      %parallel_loop3A_251 = tpu.vector_load %parallel_loop3A_248[%parallel_loop3A_249, %parallel_loop3A_250] {strides = array<i32>} : memref<80x64xi32, #tpu.memory_space<vmem>>, vector<1x16xi32>,
      %parallel_loop3A_252 = vector.shape_cast %parallel_loop3A_251 : vector<1x16xi32> to vector<16xi32>
      %parallel_loop3A_253 = arith.constant 16 : i32
      %parallel_loop3A_254 = vector.broadcast %parallel_loop3A_253 : i32 to vector<16xi32>
      %parallel_loop3A_255 = arith.shli %parallel_loop3A_252, %parallel_loop3A_254 : vector<16xi32>
      %parallel_loop3A_256 = tpu.bitcast %parallel_loop3A_255 : vector<16xi32> -> vector<16xf32>
      %parallel_loop3A_257 = vector.broadcast %parallel_loop3A_166 : i32 to vector<16xi32>
      %parallel_loop3A_258 = arith.andi %parallel_loop3A_252, %parallel_loop3A_257 : vector<16xi32>
      %parallel_loop3A_259 = tpu.bitcast %parallel_loop3A_258 : vector<16xi32> -> vector<16xf32>
      %parallel_loop3A_260 = arith.constant 0 : i32
      %parallel_loop3A_261 = arith.constant 0 : i32
      %parallel_loop3A_262 = tpu.memref_slice %arg8[%parallel_loop3A_167, %parallel_loop3A_260, %parallel_loop3A_261] : memref<2x80x128xf32, #tpu.memory_space<vmem>> -> memref<1x80x128xf32, #tpu.memory_space<vmem>>
      %parallel_loop3A_263 = tpu.memref_squeeze %parallel_loop3A_262 : memref<1x80x128xf32, #tpu.memory_space<vmem>> -> memref<80x128xf32, #tpu.memory_space<vmem>>
      %parallel_loop3A_264 = arith.index_cast %parallel_loop3A_244 : i32 to index
      %parallel_loop3A_265 = arith.constant 0 : index
      %parallel_loop3A_266 = tpu.vector_load %parallel_loop3A_263[%parallel_loop3A_264, %parallel_loop3A_265] {strides = array<i32>} : memref<80x128xf32, #tpu.memory_space<vmem>>, vector<1x16xf32>,
      %parallel_loop3A_267 = vector.shape_cast %parallel_loop3A_266 : vector<1x16xf32> to vector<16xf32>
      %parallel_loop3A_268 = arith.mulf %parallel_loop3A_267, %parallel_loop3A_256 : vector<16xf32>
      %parallel_loop3A_269 = arith.constant 0 : i32
      %parallel_loop3A_270 = arith.constant 0 : i32
      %parallel_loop3A_271 = tpu.memref_slice %arg8[%parallel_loop3A_167, %parallel_loop3A_269, %parallel_loop3A_270] : memref<2x80x128xf32, #tpu.memory_space<vmem>> -> memref<1x80x128xf32, #tpu.memory_space<vmem>>
      %parallel_loop3A_272 = tpu.memref_squeeze %parallel_loop3A_271 : memref<1x80x128xf32, #tpu.memory_space<vmem>> -> memref<80x128xf32, #tpu.memory_space<vmem>>
      %parallel_loop3A_273 = arith.index_cast %parallel_loop3A_244 : i32 to index
      %parallel_loop3A_274 = arith.constant 0 : index
      %parallel_loop3A_275 = tpu.vector_load %parallel_loop3A_272[%parallel_loop3A_273, %parallel_loop3A_274] {strides = array<i32>} : memref<80x128xf32, #tpu.memory_space<vmem>>, vector<1x16xf32>,
      %parallel_loop3A_276 = vector.shape_cast %parallel_loop3A_275 : vector<1x16xf32> to vector<16xf32>
      %parallel_loop3A_277 = vector.shape_cast %parallel_loop3A_268 : vector<16xf32> to vector<1x16xf32>
      tpu.vector_store %parallel_loop3A_272[%parallel_loop3A_273, %parallel_loop3A_274], %parallel_loop3A_277 {strides = array<i32>} : memref<80x128xf32, #tpu.memory_space<vmem>>, vector<1x16xf32>,
      %parallel_loop3A_278 = arith.constant 0 : i32
      %parallel_loop3A_279 = arith.constant 0 : i32
      %parallel_loop3A_280 = tpu.memref_slice %arg8[%parallel_loop3A_167, %parallel_loop3A_278, %parallel_loop3A_279] : memref<2x80x128xf32, #tpu.memory_space<vmem>> -> memref<1x80x128xf32, #tpu.memory_space<vmem>>
      %parallel_loop3A_281 = tpu.memref_squeeze %parallel_loop3A_280 : memref<1x80x128xf32, #tpu.memory_space<vmem>> -> memref<80x128xf32, #tpu.memory_space<vmem>>
      %parallel_loop3A_282 = arith.index_cast %parallel_loop3A_244 : i32 to index
      %parallel_loop3A_283 = arith.constant 64 : index
      %parallel_loop3A_284 = tpu.vector_load %parallel_loop3A_281[%parallel_loop3A_282, %parallel_loop3A_283] {strides = array<i32>} : memref<80x128xf32, #tpu.memory_space<vmem>>, vector<1x16xf32>,
      %parallel_loop3A_285 = vector.shape_cast %parallel_loop3A_284 : vector<1x16xf32> to vector<16xf32>
      %parallel_loop3A_286 = arith.mulf %parallel_loop3A_285, %parallel_loop3A_259 : vector<16xf32>
      %parallel_loop3A_287 = arith.constant 0 : i32
      %parallel_loop3A_288 = arith.constant 0 : i32
      %parallel_loop3A_289 = tpu.memref_slice %arg8[%parallel_loop3A_167, %parallel_loop3A_287, %parallel_loop3A_288] : memref<2x80x128xf32, #tpu.memory_space<vmem>> -> memref<1x80x128xf32, #tpu.memory_space<vmem>>
      %parallel_loop3A_290 = tpu.memref_squeeze %parallel_loop3A_289 : memref<1x80x128xf32, #tpu.memory_space<vmem>> -> memref<80x128xf32, #tpu.memory_space<vmem>>
      %parallel_loop3A_291 = arith.index_cast %parallel_loop3A_244 : i32 to index
      %parallel_loop3A_292 = arith.constant 64 : index
      %parallel_loop3A_293 = tpu.vector_load %parallel_loop3A_290[%parallel_loop3A_291, %parallel_loop3A_292] {strides = array<i32>} : memref<80x128xf32, #tpu.memory_space<vmem>>, vector<1x16xf32>,
      %parallel_loop3A_294 = vector.shape_cast %parallel_loop3A_293 : vector<1x16xf32> to vector<16xf32>
      %parallel_loop3A_295 = vector.shape_cast %parallel_loop3A_286 : vector<16xf32> to vector<1x16xf32>
      tpu.vector_store %parallel_loop3A_290[%parallel_loop3A_291, %parallel_loop3A_292], %parallel_loop3A_295 {strides = array<i32>} : memref<80x128xf32, #tpu.memory_space<vmem>>, vector<1x16xf32>,
      %parallel_loop3A_296 = arith.constant 0 : i32
      %parallel_loop3A_297 = arith.constant 0 : i32
      %parallel_loop3A_298 = tpu.memref_slice %arg9[%parallel_loop3A_165, %parallel_loop3A_296, %parallel_loop3A_297] : memref<2x80x64xi32, #tpu.memory_space<vmem>> -> memref<1x80x64xi32, #tpu.memory_space<vmem>>
      %parallel_loop3A_299 = tpu.memref_squeeze %parallel_loop3A_298 : memref<1x80x64xi32, #tpu.memory_space<vmem>> -> memref<80x64xi32, #tpu.memory_space<vmem>>
      %parallel_loop3A_300 = arith.index_cast %parallel_loop3A_244 : i32 to index
      %parallel_loop3A_301 = arith.constant 16 : index
      %parallel_loop3A_302 = tpu.vector_load %parallel_loop3A_299[%parallel_loop3A_300, %parallel_loop3A_301] {strides = array<i32>} : memref<80x64xi32, #tpu.memory_space<vmem>>, vector<1x16xi32>,
      %parallel_loop3A_303 = vector.shape_cast %parallel_loop3A_302 : vector<1x16xi32> to vector<16xi32>
      %parallel_loop3A_304 = arith.constant 16 : i32
      %parallel_loop3A_305 = vector.broadcast %parallel_loop3A_304 : i32 to vector<16xi32>
      %parallel_loop3A_306 = arith.shli %parallel_loop3A_303, %parallel_loop3A_305 : vector<16xi32>
      %parallel_loop3A_307 = tpu.bitcast %parallel_loop3A_306 : vector<16xi32> -> vector<16xf32>
      %parallel_loop3A_308 = vector.broadcast %parallel_loop3A_166 : i32 to vector<16xi32>
      %parallel_loop3A_309 = arith.andi %parallel_loop3A_303, %parallel_loop3A_308 : vector<16xi32>
      %parallel_loop3A_310 = tpu.bitcast %parallel_loop3A_309 : vector<16xi32> -> vector<16xf32>
      %parallel_loop3A_311 = arith.constant 0 : i32
      %parallel_loop3A_312 = arith.constant 0 : i32
      %parallel_loop3A_313 = tpu.memref_slice %arg8[%parallel_loop3A_167, %parallel_loop3A_311, %parallel_loop3A_312] : memref<2x80x128xf32, #tpu.memory_space<vmem>> -> memref<1x80x128xf32, #tpu.memory_space<vmem>>
      %parallel_loop3A_314 = tpu.memref_squeeze %parallel_loop3A_313 : memref<1x80x128xf32, #tpu.memory_space<vmem>> -> memref<80x128xf32, #tpu.memory_space<vmem>>
      %parallel_loop3A_315 = arith.index_cast %parallel_loop3A_244 : i32 to index
      %parallel_loop3A_316 = arith.constant 16 : index
      %parallel_loop3A_317 = tpu.vector_load %parallel_loop3A_314[%parallel_loop3A_315, %parallel_loop3A_316] {strides = array<i32>} : memref<80x128xf32, #tpu.memory_space<vmem>>, vector<1x16xf32>,
      %parallel_loop3A_318 = vector.shape_cast %parallel_loop3A_317 : vector<1x16xf32> to vector<16xf32>
      %parallel_loop3A_319 = arith.mulf %parallel_loop3A_318, %parallel_loop3A_307 : vector<16xf32>
      %parallel_loop3A_320 = arith.constant 0 : i32
      %parallel_loop3A_321 = arith.constant 0 : i32
      %parallel_loop3A_322 = tpu.memref_slice %arg8[%parallel_loop3A_167, %parallel_loop3A_320, %parallel_loop3A_321] : memref<2x80x128xf32, #tpu.memory_space<vmem>> -> memref<1x80x128xf32, #tpu.memory_space<vmem>>
      %parallel_loop3A_323 = tpu.memref_squeeze %parallel_loop3A_322 : memref<1x80x128xf32, #tpu.memory_space<vmem>> -> memref<80x128xf32, #tpu.memory_space<vmem>>
      %parallel_loop3A_324 = arith.index_cast %parallel_loop3A_244 : i32 to index
      %parallel_loop3A_325 = arith.constant 16 : index
      %parallel_loop3A_326 = tpu.vector_load %parallel_loop3A_323[%parallel_loop3A_324, %parallel_loop3A_325] {strides = array<i32>} : memref<80x128xf32, #tpu.memory_space<vmem>>, vector<1x16xf32>,
      %parallel_loop3A_327 = vector.shape_cast %parallel_loop3A_326 : vector<1x16xf32> to vector<16xf32>
      %parallel_loop3A_328 = vector.shape_cast %parallel_loop3A_319 : vector<16xf32> to vector<1x16xf32>
      tpu.vector_store %parallel_loop3A_323[%parallel_loop3A_324, %parallel_loop3A_325], %parallel_loop3A_328 {strides = array<i32>} : memref<80x128xf32, #tpu.memory_space<vmem>>, vector<1x16xf32>,
      %parallel_loop3A_329 = arith.constant 0 : i32
      %parallel_loop3A_330 = arith.constant 0 : i32
      %parallel_loop3A_331 = tpu.memref_slice %arg8[%parallel_loop3A_167, %parallel_loop3A_329, %parallel_loop3A_330] : memref<2x80x128xf32, #tpu.memory_space<vmem>> -> memref<1x80x128xf32, #tpu.memory_space<vmem>>
      %parallel_loop3A_332 = tpu.memref_squeeze %parallel_loop3A_331 : memref<1x80x128xf32, #tpu.memory_space<vmem>> -> memref<80x128xf32, #tpu.memory_space<vmem>>
      %parallel_loop3A_333 = arith.index_cast %parallel_loop3A_244 : i32 to index
      %parallel_loop3A_334 = arith.constant 80 : index
      %parallel_loop3A_335 = tpu.vector_load %parallel_loop3A_332[%parallel_loop3A_333, %parallel_loop3A_334] {strides = array<i32>} : memref<80x128xf32, #tpu.memory_space<vmem>>, vector<1x16xf32>,
      %parallel_loop3A_336 = vector.shape_cast %parallel_loop3A_335 : vector<1x16xf32> to vector<16xf32>
      %parallel_loop3A_337 = arith.mulf %parallel_loop3A_336, %parallel_loop3A_310 : vector<16xf32>
      %parallel_loop3A_338 = arith.constant 0 : i32
      %parallel_loop3A_339 = arith.constant 0 : i32
      %parallel_loop3A_340 = tpu.memref_slice %arg8[%parallel_loop3A_167, %parallel_loop3A_338, %parallel_loop3A_339] : memref<2x80x128xf32, #tpu.memory_space<vmem>> -> memref<1x80x128xf32, #tpu.memory_space<vmem>>
      %parallel_loop3A_341 = tpu.memref_squeeze %parallel_loop3A_340 : memref<1x80x128xf32, #tpu.memory_space<vmem>> -> memref<80x128xf32, #tpu.memory_space<vmem>>
      %parallel_loop3A_342 = arith.index_cast %parallel_loop3A_244 : i32 to index
      %parallel_loop3A_343 = arith.constant 80 : index
      %parallel_loop3A_344 = tpu.vector_load %parallel_loop3A_341[%parallel_loop3A_342, %parallel_loop3A_343] {strides = array<i32>} : memref<80x128xf32, #tpu.memory_space<vmem>>, vector<1x16xf32>,
      %parallel_loop3A_345 = vector.shape_cast %parallel_loop3A_344 : vector<1x16xf32> to vector<16xf32>
      %parallel_loop3A_346 = vector.shape_cast %parallel_loop3A_337 : vector<16xf32> to vector<1x16xf32>
      tpu.vector_store %parallel_loop3A_341[%parallel_loop3A_342, %parallel_loop3A_343], %parallel_loop3A_346 {strides = array<i32>} : memref<80x128xf32, #tpu.memory_space<vmem>>, vector<1x16xf32>,
      %parallel_loop3A_347 = arith.constant 0 : i32
      %parallel_loop3A_348 = arith.constant 0 : i32
      %parallel_loop3A_349 = tpu.memref_slice %arg9[%parallel_loop3A_165, %parallel_loop3A_347, %parallel_loop3A_348] : memref<2x80x64xi32, #tpu.memory_space<vmem>> -> memref<1x80x64xi32, #tpu.memory_space<vmem>>
      %parallel_loop3A_350 = tpu.memref_squeeze %parallel_loop3A_349 : memref<1x80x64xi32, #tpu.memory_space<vmem>> -> memref<80x64xi32, #tpu.memory_space<vmem>>
      %parallel_loop3A_351 = arith.index_cast %parallel_loop3A_244 : i32 to index
      %parallel_loop3A_352 = arith.constant 32 : index
      %parallel_loop3A_353 = tpu.vector_load %parallel_loop3A_350[%parallel_loop3A_351, %parallel_loop3A_352] {strides = array<i32>} : memref<80x64xi32, #tpu.memory_space<vmem>>, vector<1x16xi32>,
      %parallel_loop3A_354 = vector.shape_cast %parallel_loop3A_353 : vector<1x16xi32> to vector<16xi32>
      %parallel_loop3A_355 = arith.constant 16 : i32
      %parallel_loop3A_356 = vector.broadcast %parallel_loop3A_355 : i32 to vector<16xi32>
      %parallel_loop3A_357 = arith.shli %parallel_loop3A_354, %parallel_loop3A_356 : vector<16xi32>
      %parallel_loop3A_358 = tpu.bitcast %parallel_loop3A_357 : vector<16xi32> -> vector<16xf32>
      %parallel_loop3A_359 = vector.broadcast %parallel_loop3A_166 : i32 to vector<16xi32>
      %parallel_loop3A_360 = arith.andi %parallel_loop3A_354, %parallel_loop3A_359 : vector<16xi32>
      %parallel_loop3A_361 = tpu.bitcast %parallel_loop3A_360 : vector<16xi32> -> vector<16xf32>
      %parallel_loop3A_362 = arith.constant 0 : i32
      %parallel_loop3A_363 = arith.constant 0 : i32
      %parallel_loop3A_364 = tpu.memref_slice %arg8[%parallel_loop3A_167, %parallel_loop3A_362, %parallel_loop3A_363] : memref<2x80x128xf32, #tpu.memory_space<vmem>> -> memref<1x80x128xf32, #tpu.memory_space<vmem>>
      %parallel_loop3A_365 = tpu.memref_squeeze %parallel_loop3A_364 : memref<1x80x128xf32, #tpu.memory_space<vmem>> -> memref<80x128xf32, #tpu.memory_space<vmem>>
      %parallel_loop3A_366 = arith.index_cast %parallel_loop3A_244 : i32 to index
      %parallel_loop3A_367 = arith.constant 32 : index
      %parallel_loop3A_368 = tpu.vector_load %parallel_loop3A_365[%parallel_loop3A_366, %parallel_loop3A_367] {strides = array<i32>} : memref<80x128xf32, #tpu.memory_space<vmem>>, vector<1x16xf32>,
      %parallel_loop3A_369 = vector.shape_cast %parallel_loop3A_368 : vector<1x16xf32> to vector<16xf32>
      %parallel_loop3A_370 = arith.mulf %parallel_loop3A_369, %parallel_loop3A_358 : vector<16xf32>
      %parallel_loop3A_371 = arith.constant 0 : i32
      %parallel_loop3A_372 = arith.constant 0 : i32
      %parallel_loop3A_373 = tpu.memref_slice %arg8[%parallel_loop3A_167, %parallel_loop3A_371, %parallel_loop3A_372] : memref<2x80x128xf32, #tpu.memory_space<vmem>> -> memref<1x80x128xf32, #tpu.memory_space<vmem>>
      %parallel_loop3A_374 = tpu.memref_squeeze %parallel_loop3A_373 : memref<1x80x128xf32, #tpu.memory_space<vmem>> -> memref<80x128xf32, #tpu.memory_space<vmem>>
      %parallel_loop3A_375 = arith.index_cast %parallel_loop3A_244 : i32 to index
      %parallel_loop3A_376 = arith.constant 32 : index
      %parallel_loop3A_377 = tpu.vector_load %parallel_loop3A_374[%parallel_loop3A_375, %parallel_loop3A_376] {strides = array<i32>} : memref<80x128xf32, #tpu.memory_space<vmem>>, vector<1x16xf32>,
      %parallel_loop3A_378 = vector.shape_cast %parallel_loop3A_377 : vector<1x16xf32> to vector<16xf32>
      %parallel_loop3A_379 = vector.shape_cast %parallel_loop3A_370 : vector<16xf32> to vector<1x16xf32>
      tpu.vector_store %parallel_loop3A_374[%parallel_loop3A_375, %parallel_loop3A_376], %parallel_loop3A_379 {strides = array<i32>} : memref<80x128xf32, #tpu.memory_space<vmem>>, vector<1x16xf32>,
      %parallel_loop3A_380 = arith.constant 0 : i32
      %parallel_loop3A_381 = arith.constant 0 : i32
      %parallel_loop3A_382 = tpu.memref_slice %arg8[%parallel_loop3A_167, %parallel_loop3A_380, %parallel_loop3A_381] : memref<2x80x128xf32, #tpu.memory_space<vmem>> -> memref<1x80x128xf32, #tpu.memory_space<vmem>>
      %parallel_loop3A_383 = tpu.memref_squeeze %parallel_loop3A_382 : memref<1x80x128xf32, #tpu.memory_space<vmem>> -> memref<80x128xf32, #tpu.memory_space<vmem>>
      %parallel_loop3A_384 = arith.index_cast %parallel_loop3A_244 : i32 to index
      %parallel_loop3A_385 = arith.constant 96 : index
      %parallel_loop3A_386 = tpu.vector_load %parallel_loop3A_383[%parallel_loop3A_384, %parallel_loop3A_385] {strides = array<i32>} : memref<80x128xf32, #tpu.memory_space<vmem>>, vector<1x16xf32>,
      %parallel_loop3A_387 = vector.shape_cast %parallel_loop3A_386 : vector<1x16xf32> to vector<16xf32>
      %parallel_loop3A_388 = arith.mulf %parallel_loop3A_387, %parallel_loop3A_361 : vector<16xf32>
      %parallel_loop3A_389 = arith.constant 0 : i32
      %parallel_loop3A_390 = arith.constant 0 : i32
      %parallel_loop3A_391 = tpu.memref_slice %arg8[%parallel_loop3A_167, %parallel_loop3A_389, %parallel_loop3A_390] : memref<2x80x128xf32, #tpu.memory_space<vmem>> -> memref<1x80x128xf32, #tpu.memory_space<vmem>>
      %parallel_loop3A_392 = tpu.memref_squeeze %parallel_loop3A_391 : memref<1x80x128xf32, #tpu.memory_space<vmem>> -> memref<80x128xf32, #tpu.memory_space<vmem>>
      %parallel_loop3A_393 = arith.index_cast %parallel_loop3A_244 : i32 to index
      %parallel_loop3A_394 = arith.constant 96 : index
      %parallel_loop3A_395 = tpu.vector_load %parallel_loop3A_392[%parallel_loop3A_393, %parallel_loop3A_394] {strides = array<i32>} : memref<80x128xf32, #tpu.memory_space<vmem>>, vector<1x16xf32>,
      %parallel_loop3A_396 = vector.shape_cast %parallel_loop3A_395 : vector<1x16xf32> to vector<16xf32>
      %parallel_loop3A_397 = vector.shape_cast %parallel_loop3A_388 : vector<16xf32> to vector<1x16xf32>
      tpu.vector_store %parallel_loop3A_392[%parallel_loop3A_393, %parallel_loop3A_394], %parallel_loop3A_397 {strides = array<i32>} : memref<80x128xf32, #tpu.memory_space<vmem>>, vector<1x16xf32>,
      %parallel_loop3A_398 = arith.constant 0 : i32
      %parallel_loop3A_399 = arith.constant 0 : i32
      %parallel_loop3A_400 = tpu.memref_slice %arg9[%parallel_loop3A_165, %parallel_loop3A_398, %parallel_loop3A_399] : memref<2x80x64xi32, #tpu.memory_space<vmem>> -> memref<1x80x64xi32, #tpu.memory_space<vmem>>
      %parallel_loop3A_401 = tpu.memref_squeeze %parallel_loop3A_400 : memref<1x80x64xi32, #tpu.memory_space<vmem>> -> memref<80x64xi32, #tpu.memory_space<vmem>>
      %parallel_loop3A_402 = arith.index_cast %parallel_loop3A_244 : i32 to index
      %parallel_loop3A_403 = arith.constant 48 : index
      %parallel_loop3A_404 = tpu.vector_load %parallel_loop3A_401[%parallel_loop3A_402, %parallel_loop3A_403] {strides = array<i32>} : memref<80x64xi32, #tpu.memory_space<vmem>>, vector<1x16xi32>,
      %parallel_loop3A_405 = vector.shape_cast %parallel_loop3A_404 : vector<1x16xi32> to vector<16xi32>
      %parallel_loop3A_406 = arith.constant 16 : i32
      %parallel_loop3A_407 = vector.broadcast %parallel_loop3A_406 : i32 to vector<16xi32>
      %parallel_loop3A_408 = arith.shli %parallel_loop3A_405, %parallel_loop3A_407 : vector<16xi32>
      %parallel_loop3A_409 = tpu.bitcast %parallel_loop3A_408 : vector<16xi32> -> vector<16xf32>
      %parallel_loop3A_410 = vector.broadcast %parallel_loop3A_166 : i32 to vector<16xi32>
      %parallel_loop3A_411 = arith.andi %parallel_loop3A_405, %parallel_loop3A_410 : vector<16xi32>
      %parallel_loop3A_412 = tpu.bitcast %parallel_loop3A_411 : vector<16xi32> -> vector<16xf32>
      %parallel_loop3A_413 = arith.constant 0 : i32
      %parallel_loop3A_414 = arith.constant 0 : i32
      %parallel_loop3A_415 = tpu.memref_slice %arg8[%parallel_loop3A_167, %parallel_loop3A_413, %parallel_loop3A_414] : memref<2x80x128xf32, #tpu.memory_space<vmem>> -> memref<1x80x128xf32, #tpu.memory_space<vmem>>
      %parallel_loop3A_416 = tpu.memref_squeeze %parallel_loop3A_415 : memref<1x80x128xf32, #tpu.memory_space<vmem>> -> memref<80x128xf32, #tpu.memory_space<vmem>>
      %parallel_loop3A_417 = arith.index_cast %parallel_loop3A_244 : i32 to index
      %parallel_loop3A_418 = arith.constant 48 : index
      %parallel_loop3A_419 = tpu.vector_load %parallel_loop3A_416[%parallel_loop3A_417, %parallel_loop3A_418] {strides = array<i32>} : memref<80x128xf32, #tpu.memory_space<vmem>>, vector<1x16xf32>,
      %parallel_loop3A_420 = vector.shape_cast %parallel_loop3A_419 : vector<1x16xf32> to vector<16xf32>
      %parallel_loop3A_421 = arith.mulf %parallel_loop3A_420, %parallel_loop3A_409 : vector<16xf32>
      %parallel_loop3A_422 = arith.constant 0 : i32
      %parallel_loop3A_423 = arith.constant 0 : i32
      %parallel_loop3A_424 = tpu.memref_slice %arg8[%parallel_loop3A_167, %parallel_loop3A_422, %parallel_loop3A_423] : memref<2x80x128xf32, #tpu.memory_space<vmem>> -> memref<1x80x128xf32, #tpu.memory_space<vmem>>
      %parallel_loop3A_425 = tpu.memref_squeeze %parallel_loop3A_424 : memref<1x80x128xf32, #tpu.memory_space<vmem>> -> memref<80x128xf32, #tpu.memory_space<vmem>>
      %parallel_loop3A_426 = arith.index_cast %parallel_loop3A_244 : i32 to index
      %parallel_loop3A_427 = arith.constant 48 : index
      %parallel_loop3A_428 = tpu.vector_load %parallel_loop3A_425[%parallel_loop3A_426, %parallel_loop3A_427] {strides = array<i32>} : memref<80x128xf32, #tpu.memory_space<vmem>>, vector<1x16xf32>,
      %parallel_loop3A_429 = vector.shape_cast %parallel_loop3A_428 : vector<1x16xf32> to vector<16xf32>
      %parallel_loop3A_430 = vector.shape_cast %parallel_loop3A_421 : vector<16xf32> to vector<1x16xf32>
      tpu.vector_store %parallel_loop3A_425[%parallel_loop3A_426, %parallel_loop3A_427], %parallel_loop3A_430 {strides = array<i32>} : memref<80x128xf32, #tpu.memory_space<vmem>>, vector<1x16xf32>,
      %parallel_loop3A_431 = arith.constant 0 : i32
      %parallel_loop3A_432 = arith.constant 0 : i32
      %parallel_loop3A_433 = tpu.memref_slice %arg8[%parallel_loop3A_167, %parallel_loop3A_431, %parallel_loop3A_432] : memref<2x80x128xf32, #tpu.memory_space<vmem>> -> memref<1x80x128xf32, #tpu.memory_space<vmem>>
      %parallel_loop3A_434 = tpu.memref_squeeze %parallel_loop3A_433 : memref<1x80x128xf32, #tpu.memory_space<vmem>> -> memref<80x128xf32, #tpu.memory_space<vmem>>
      %parallel_loop3A_435 = arith.index_cast %parallel_loop3A_244 : i32 to index
      %parallel_loop3A_436 = arith.constant 112 : index
      %parallel_loop3A_437 = tpu.vector_load %parallel_loop3A_434[%parallel_loop3A_435, %parallel_loop3A_436] {strides = array<i32>} : memref<80x128xf32, #tpu.memory_space<vmem>>, vector<1x16xf32>,
      %parallel_loop3A_438 = vector.shape_cast %parallel_loop3A_437 : vector<1x16xf32> to vector<16xf32>
      %parallel_loop3A_439 = arith.mulf %parallel_loop3A_438, %parallel_loop3A_412 : vector<16xf32>
      %parallel_loop3A_440 = arith.constant 0 : i32
      %parallel_loop3A_441 = arith.constant 0 : i32
      %parallel_loop3A_442 = tpu.memref_slice %arg8[%parallel_loop3A_167, %parallel_loop3A_440, %parallel_loop3A_441] : memref<2x80x128xf32, #tpu.memory_space<vmem>> -> memref<1x80x128xf32, #tpu.memory_space<vmem>>
      %parallel_loop3A_443 = tpu.memref_squeeze %parallel_loop3A_442 : memref<1x80x128xf32, #tpu.memory_space<vmem>> -> memref<80x128xf32, #tpu.memory_space<vmem>>
      %parallel_loop3A_444 = arith.index_cast %parallel_loop3A_244 : i32 to index
      %parallel_loop3A_445 = arith.constant 112 : index
      %parallel_loop3A_446 = tpu.vector_load %parallel_loop3A_443[%parallel_loop3A_444, %parallel_loop3A_445] {strides = array<i32>} : memref<80x128xf32, #tpu.memory_space<vmem>>, vector<1x16xf32>,
      %parallel_loop3A_447 = vector.shape_cast %parallel_loop3A_446 : vector<1x16xf32> to vector<16xf32>
      %parallel_loop3A_448 = vector.shape_cast %parallel_loop3A_439 : vector<16xf32> to vector<1x16xf32>
      tpu.vector_store %parallel_loop3A_443[%parallel_loop3A_444, %parallel_loop3A_445], %parallel_loop3A_448 {strides = array<i32>} : memref<80x128xf32, #tpu.memory_space<vmem>>, vector<1x16xf32>,
    } {sc.loop_unroll_factor = 2 : i64, sc.parallel_access}
    %dma_start3A_168 = arith.constant 0 : i32
    %dma_start3A_169 = arith.constant 0 : i32
    %dma_start3A_170 = arith.constant 0 : i32
    %dma_start3A_171 = arith.constant 0 : i32
    %dma_start3A_172 = tpu.memref_slice %arg8[%dma_start3A_168, %dma_start3A_170, %dma_start3A_171] : memref<2x80x128xf32, #tpu.memory_space<vmem>> -> memref<1x80x128xf32, #tpu.memory_space<vmem>>
    %dma_start3A_173 = tpu.memref_squeeze %dma_start3A_172 : memref<1x80x128xf32, #tpu.memory_space<vmem>> -> memref<80x128xf32, #tpu.memory_space<vmem>>
    %dma_start3A_174 = arith.constant 0 : i32
    %dma_start3A_175 = tpu.memref_slice %arg7[%dma_start3A_169, %dma_start3A_174] : memref<4x80xi32, #tpu.memory_space<vmem>> -> memref<1x80xi32, #tpu.memory_space<vmem>>
    %dma_start3A_176 = tpu.memref_squeeze %dma_start3A_175 : memref<1x80xi32, #tpu.memory_space<vmem>> -> memref<80xi32, #tpu.memory_space<vmem>>
    %dma_start3A_177 = arith.constant 0 : i32
    %dma_start3A_178 = arith.constant 0 : i32
    %dma_start3A_179 = tpu.memref_slice %arg10[%dma_start3A_177, %dma_start3A_178] : memref<10112x128xf32, #tpu.memory_space<vmem_shared>> -> memref<10112x128xf32, #tpu.memory_space<vmem_shared>>
    tpu.enqueue_indirect_dma source(%dma_start3A_173 : memref<80x128xf32, #tpu.memory_space<vmem>>) target(%dma_start3A_179 : memref<10112x128xf32, #tpu.memory_space<vmem_shared>>) offsets(%dma_start3A_176 : memref<80xi32, #tpu.memory_space<vmem>>) semaphore(%arg15 : memref<!tpu.dma_semaphore, #tpu.memory_space<semaphore_mem>>) {add = true}
    %dma_wait3A_180 = arith.constant 0 : i32
    %dma_wait3A_181 = arith.constant 0 : i32
    %dma_wait3A_182 = arith.constant 0 : i32
    %dma_wait3A_183 = tpu.memref_slice %arg8[%dma_wait3A_180, %dma_wait3A_181, %dma_wait3A_182] : memref<2x80x128xf32, #tpu.memory_space<vmem>> -> memref<1x80x128xf32, #tpu.memory_space<vmem>>
    %dma_wait3A_184 = tpu.memref_squeeze %dma_wait3A_183 : memref<1x80x128xf32, #tpu.memory_space<vmem>> -> memref<80x128xf32, #tpu.memory_space<vmem>>
    %dma_wait3A_185 = arith.constant 0 : i32
    %dma_wait3A_186 = arith.constant 0 : i32
    %dma_wait3A_187 = tpu.memref_slice %arg10[%dma_wait3A_185, %dma_wait3A_186] : memref<10112x128xf32, #tpu.memory_space<vmem_shared>> -> memref<80x128xf32, #tpu.memory_space<vmem_shared>>
    %dma_wait3A_188 = arith.constant 0 : i32
    %dma_wait3A_189 = arith.constant 0 : i32
    %dma_wait3A_190 = tpu.memref_slice %arg10[%dma_wait3A_188, %dma_wait3A_189] : memref<10112x128xf32, #tpu.memory_space<vmem_shared>> -> memref<80x128xf32, #tpu.memory_space<vmem_shared>>
    %dma_wait3A_191 = arith.constant 0 : i32
    %dma_wait3A_192 = arith.constant 0 : i32
    %dma_wait3A_193 = tpu.memref_slice %arg8[%dma_wait3A_180, %dma_wait3A_191, %dma_wait3A_192] : memref<2x80x128xf32, #tpu.memory_space<vmem>> -> memref<1x80x128xf32, #tpu.memory_space<vmem>>
    %dma_wait3A_194 = tpu.memref_squeeze %dma_wait3A_193 : memref<1x80x128xf32, #tpu.memory_space<vmem>> -> memref<80x128xf32, #tpu.memory_space<vmem>>
    tpu.wait_dma2 semaphore(%arg15 : memref<!tpu.dma_semaphore, #tpu.memory_space<semaphore_mem>>) src(%dma_wait3A_194 : memref<80x128xf32, #tpu.memory_space<vmem>>) dst(%dma_wait3A_190 : memref<80x128xf32, #tpu.memory_space<vmem_shared>>)
    %barrier3A_195 = arith.constant 0 : index
    tpu.barrier barrier_id(%barrier3A_195)
    %mul3A_196 = arith.constant 632 : i32
    %mul3A_197 = arith.muli %arg1, %mul3A_196 : i32
    %add3A_198 = arith.constant 0 : i32
    %add3A_199 = arith.addi %mul3A_197, %add3A_198 : i32
    %run_scoped3A_200 = arith.constant 0 : i32
    "tpu.region"() ({
      %run_scoped3A_244 = tpu.sem_alloc : memref<!tpu.dma_semaphore, #tpu.memory_space<semaphore_mem>>
      %dma_start3A_245 = arith.constant 0 : i32
      %dma_start3A_246 = arith.constant 0 : i32
      %dma_start3A_247 = tpu.memref_slice %arg8[%run_scoped3A_200, %dma_start3A_245, %dma_start3A_246] : memref<2x80x128xf32, #tpu.memory_space<vmem>> -> memref<1x80x128xf32, #tpu.memory_space<vmem>>
      %dma_start3A_248 = tpu.memref_squeeze %dma_start3A_247 : memref<1x80x128xf32, #tpu.memory_space<vmem>> -> memref<80x128xf32, #tpu.memory_space<vmem>>
      %dma_start3A_249 = arith.constant 0 : i32
      %dma_start3A_250 = tpu.memref_slice %arg10[%add3A_199, %dma_start3A_249] : memref<10112x128xf32, #tpu.memory_space<vmem_shared>> -> memref<80x128xf32, #tpu.memory_space<vmem_shared>>
      %dma_start3A_251 = arith.constant 0 : i32
      %dma_start3A_252 = arith.constant 0 : i32
      %dma_start3A_253 = tpu.memref_slice %arg8[%run_scoped3A_200, %dma_start3A_251, %dma_start3A_252] : memref<2x80x128xf32, #tpu.memory_space<vmem>> -> memref<1x80x128xf32, #tpu.memory_space<vmem>>
      %dma_start3A_254 = tpu.memref_squeeze %dma_start3A_253 : memref<1x80x128xf32, #tpu.memory_space<vmem>> -> memref<80x128xf32, #tpu.memory_space<vmem>>
      %dma_start3A_255 = arith.constant 0 : i32
      %dma_start3A_256 = tpu.memref_slice %arg10[%add3A_199, %dma_start3A_255] : memref<10112x128xf32, #tpu.memory_space<vmem_shared>> -> memref<80x128xf32, #tpu.memory_space<vmem_shared>>
      tpu.enqueue_dma source(%dma_start3A_256 : memref<80x128xf32, #tpu.memory_space<vmem_shared>>) target(%dma_start3A_254 : memref<80x128xf32, #tpu.memory_space<vmem>>) target_semaphore(%run_scoped3A_244 : memref<!tpu.dma_semaphore, #tpu.memory_space<semaphore_mem>>)
      %dma_wait3A_257 = arith.constant 0 : i32
      %dma_wait3A_258 = arith.constant 0 : i32
      %dma_wait3A_259 = tpu.memref_slice %arg8[%run_scoped3A_200, %dma_wait3A_257, %dma_wait3A_258] : memref<2x80x128xf32, #tpu.memory_space<vmem>> -> memref<1x80x128xf32, #tpu.memory_space<vmem>>
      %dma_wait3A_260 = tpu.memref_squeeze %dma_wait3A_259 : memref<1x80x128xf32, #tpu.memory_space<vmem>> -> memref<80x128xf32, #tpu.memory_space<vmem>>
      %dma_wait3A_261 = arith.constant 0 : i32
      %dma_wait3A_262 = tpu.memref_slice %arg10[%add3A_199, %dma_wait3A_261] : memref<10112x128xf32, #tpu.memory_space<vmem_shared>> -> memref<80x128xf32, #tpu.memory_space<vmem_shared>>
      %dma_wait3A_263 = arith.constant 0 : i32
      %dma_wait3A_264 = arith.constant 0 : i32
      %dma_wait3A_265 = tpu.memref_slice %arg8[%run_scoped3A_200, %dma_wait3A_263, %dma_wait3A_264] : memref<2x80x128xf32, #tpu.memory_space<vmem>> -> memref<1x80x128xf32, #tpu.memory_space<vmem>>
      %dma_wait3A_266 = tpu.memref_squeeze %dma_wait3A_265 : memref<1x80x128xf32, #tpu.memory_space<vmem>> -> memref<80x128xf32, #tpu.memory_space<vmem>>
      %dma_wait3A_267 = arith.constant 0 : i32
      %dma_wait3A_268 = tpu.memref_slice %arg10[%add3A_199, %dma_wait3A_267] : memref<10112x128xf32, #tpu.memory_space<vmem_shared>> -> memref<80x128xf32, #tpu.memory_space<vmem_shared>>
      tpu.wait_dma2 semaphore(%run_scoped3A_244 : memref<!tpu.dma_semaphore, #tpu.memory_space<semaphore_mem>>) src(%dma_wait3A_268 : memref<80x128xf32, #tpu.memory_space<vmem_shared>>) dst(%dma_wait3A_266 : memref<80x128xf32, #tpu.memory_space<vmem>>)
      tpu.yield
    }) : () -> ()
    %run_scoped3A_201 = arith.constant 0 : i32
    "tpu.region"() ({
      %run_scoped3A_244 = tpu.sem_alloc : memref<!tpu.dma_semaphore, #tpu.memory_space<semaphore_mem>>
      %dma_start3A_245 = arith.constant 0 : i32
      %dma_start3A_246 = arith.constant 0 : i32
      %dma_start3A_247 = tpu.memref_slice %arg8[%run_scoped3A_201, %dma_start3A_245, %dma_start3A_246] : memref<2x80x128xf32, #tpu.memory_space<vmem>> -> memref<1x80x128xf32, #tpu.memory_space<vmem>>
      %dma_start3A_248 = tpu.memref_squeeze %dma_start3A_247 : memref<1x80x128xf32, #tpu.memory_space<vmem>> -> memref<80x128xf32, #tpu.memory_space<vmem>>
      %dma_start3A_249 = arith.constant 0 : i32
      %dma_start3A_250 = tpu.memref_slice %arg5[%arg0, %add3A_199, %dma_start3A_249] : memref<2x10112x128xf32, #tpu.memory_space<hbm>> -> memref<1x80x128xf32, #tpu.memory_space<hbm>>
      %dma_start3A_251 = tpu.memref_squeeze %dma_start3A_250 : memref<1x80x128xf32, #tpu.memory_space<hbm>> -> memref<80x128xf32, #tpu.memory_space<hbm>>
      %dma_start3A_252 = arith.constant 0 : i32
      %dma_start3A_253 = tpu.memref_slice %arg5[%arg0, %add3A_199, %dma_start3A_252] : memref<2x10112x128xf32, #tpu.memory_space<hbm>> -> memref<1x80x128xf32, #tpu.memory_space<hbm>>
      %dma_start3A_254 = tpu.memref_squeeze %dma_start3A_253 : memref<1x80x128xf32, #tpu.memory_space<hbm>> -> memref<80x128xf32, #tpu.memory_space<hbm>>
      %dma_start3A_255 = arith.constant 0 : i32
      %dma_start3A_256 = arith.constant 0 : i32
      %dma_start3A_257 = tpu.memref_slice %arg8[%run_scoped3A_201, %dma_start3A_255, %dma_start3A_256] : memref<2x80x128xf32, #tpu.memory_space<vmem>> -> memref<1x80x128xf32, #tpu.memory_space<vmem>>
      %dma_start3A_258 = tpu.memref_squeeze %dma_start3A_257 : memref<1x80x128xf32, #tpu.memory_space<vmem>> -> memref<80x128xf32, #tpu.memory_space<vmem>>
      tpu.enqueue_dma source(%dma_start3A_258 : memref<80x128xf32, #tpu.memory_space<vmem>>) target(%dma_start3A_254 : memref<80x128xf32, #tpu.memory_space<hbm>>) target_semaphore(%run_scoped3A_244 : memref<!tpu.dma_semaphore, #tpu.memory_space<semaphore_mem>>)
      %dma_wait3A_259 = arith.constant 0 : i32
      %dma_wait3A_260 = arith.constant 0 : i32
      %dma_wait3A_261 = tpu.memref_slice %arg8[%run_scoped3A_201, %dma_wait3A_259, %dma_wait3A_260] : memref<2x80x128xf32, #tpu.memory_space<vmem>> -> memref<1x80x128xf32, #tpu.memory_space<vmem>>
      %dma_wait3A_262 = tpu.memref_squeeze %dma_wait3A_261 : memref<1x80x128xf32, #tpu.memory_space<vmem>> -> memref<80x128xf32, #tpu.memory_space<vmem>>
      %dma_wait3A_263 = arith.constant 0 : i32
      %dma_wait3A_264 = tpu.memref_slice %arg5[%arg0, %add3A_199, %dma_wait3A_263] : memref<2x10112x128xf32, #tpu.memory_space<hbm>> -> memref<1x80x128xf32, #tpu.memory_space<hbm>>
      %dma_wait3A_265 = tpu.memref_squeeze %dma_wait3A_264 : memref<1x80x128xf32, #tpu.memory_space<hbm>> -> memref<80x128xf32, #tpu.memory_space<hbm>>
      %dma_wait3A_266 = arith.constant 0 : i32
      %dma_wait3A_267 = tpu.memref_slice %arg5[%arg0, %add3A_199, %dma_wait3A_266] : memref<2x10112x128xf32, #tpu.memory_space<hbm>> -> memref<1x80x128xf32, #tpu.memory_space<hbm>>
      %dma_wait3A_268 = tpu.memref_squeeze %dma_wait3A_267 : memref<1x80x128xf32, #tpu.memory_space<hbm>> -> memref<80x128xf32, #tpu.memory_space<hbm>>
      %dma_wait3A_269 = arith.constant 0 : i32
      %dma_wait3A_270 = arith.constant 0 : i32
      %dma_wait3A_271 = tpu.memref_slice %arg8[%run_scoped3A_201, %dma_wait3A_269, %dma_wait3A_270] : memref<2x80x128xf32, #tpu.memory_space<vmem>> -> memref<1x80x128xf32, #tpu.memory_space<vmem>>
      %dma_wait3A_272 = tpu.memref_squeeze %dma_wait3A_271 : memref<1x80x128xf32, #tpu.memory_space<vmem>> -> memref<80x128xf32, #tpu.memory_space<vmem>>
      tpu.wait_dma2 semaphore(%run_scoped3A_244 : memref<!tpu.dma_semaphore, #tpu.memory_space<semaphore_mem>>) src(%dma_wait3A_272 : memref<80x128xf32, #tpu.memory_space<vmem>>) dst(%dma_wait3A_268 : memref<80x128xf32, #tpu.memory_space<hbm>>)
      tpu.yield
    }) : () -> ()
    %mul3A_202 = arith.constant 632 : i32
    %mul3A_203 = arith.muli %arg1, %mul3A_202 : i32
    %add3A_204 = arith.constant 80 : i32
    %add3A_205 = arith.addi %mul3A_203, %add3A_204 : i32
    %run_scoped3A_206 = arith.constant 0 : i32
    "tpu.region"() ({
      %run_scoped3A_244 = tpu.sem_alloc : memref<!tpu.dma_semaphore, #tpu.memory_space<semaphore_mem>>
      %dma_start3A_245 = arith.constant 0 : i32
      %dma_start3A_246 = arith.constant 0 : i32
      %dma_start3A_247 = tpu.memref_slice %arg8[%run_scoped3A_206, %dma_start3A_245, %dma_start3A_246] : memref<2x80x128xf32, #tpu.memory_space<vmem>> -> memref<1x80x128xf32, #tpu.memory_space<vmem>>
      %dma_start3A_248 = tpu.memref_squeeze %dma_start3A_247 : memref<1x80x128xf32, #tpu.memory_space<vmem>> -> memref<80x128xf32, #tpu.memory_space<vmem>>
      %dma_start3A_249 = arith.constant 0 : i32
      %dma_start3A_250 = tpu.memref_slice %arg10[%add3A_205, %dma_start3A_249] : memref<10112x128xf32, #tpu.memory_space<vmem_shared>> -> memref<80x128xf32, #tpu.memory_space<vmem_shared>>
      %dma_start3A_251 = arith.constant 0 : i32
      %dma_start3A_252 = arith.constant 0 : i32
      %dma_start3A_253 = tpu.memref_slice %arg8[%run_scoped3A_206, %dma_start3A_251, %dma_start3A_252] : memref<2x80x128xf32, #tpu.memory_space<vmem>> -> memref<1x80x128xf32, #tpu.memory_space<vmem>>
      %dma_start3A_254 = tpu.memref_squeeze %dma_start3A_253 : memref<1x80x128xf32, #tpu.memory_space<vmem>> -> memref<80x128xf32, #tpu.memory_space<vmem>>
      %dma_start3A_255 = arith.constant 0 : i32
      %dma_start3A_256 = tpu.memref_slice %arg10[%add3A_205, %dma_start3A_255] : memref<10112x128xf32, #tpu.memory_space<vmem_shared>> -> memref<80x128xf32, #tpu.memory_space<vmem_shared>>
      tpu.enqueue_dma source(%dma_start3A_256 : memref<80x128xf32, #tpu.memory_space<vmem_shared>>) target(%dma_start3A_254 : memref<80x128xf32, #tpu.memory_space<vmem>>) target_semaphore(%run_scoped3A_244 : memref<!tpu.dma_semaphore, #tpu.memory_space<semaphore_mem>>)
      %dma_wait3A_257 = arith.constant 0 : i32
      %dma_wait3A_258 = arith.constant 0 : i32
      %dma_wait3A_259 = tpu.memref_slice %arg8[%run_scoped3A_206, %dma_wait3A_257, %dma_wait3A_258] : memref<2x80x128xf32, #tpu.memory_space<vmem>> -> memref<1x80x128xf32, #tpu.memory_space<vmem>>
      %dma_wait3A_260 = tpu.memref_squeeze %dma_wait3A_259 : memref<1x80x128xf32, #tpu.memory_space<vmem>> -> memref<80x128xf32, #tpu.memory_space<vmem>>
      %dma_wait3A_261 = arith.constant 0 : i32
      %dma_wait3A_262 = tpu.memref_slice %arg10[%add3A_205, %dma_wait3A_261] : memref<10112x128xf32, #tpu.memory_space<vmem_shared>> -> memref<80x128xf32, #tpu.memory_space<vmem_shared>>
      %dma_wait3A_263 = arith.constant 0 : i32
      %dma_wait3A_264 = arith.constant 0 : i32
      %dma_wait3A_265 = tpu.memref_slice %arg8[%run_scoped3A_206, %dma_wait3A_263, %dma_wait3A_264] : memref<2x80x128xf32, #tpu.memory_space<vmem>> -> memref<1x80x128xf32, #tpu.memory_space<vmem>>
      %dma_wait3A_266 = tpu.memref_squeeze %dma_wait3A_265 : memref<1x80x128xf32, #tpu.memory_space<vmem>> -> memref<80x128xf32, #tpu.memory_space<vmem>>
      %dma_wait3A_267 = arith.constant 0 : i32
      %dma_wait3A_268 = tpu.memref_slice %arg10[%add3A_205, %dma_wait3A_267] : memref<10112x128xf32, #tpu.memory_space<vmem_shared>> -> memref<80x128xf32, #tpu.memory_space<vmem_shared>>
      tpu.wait_dma2 semaphore(%run_scoped3A_244 : memref<!tpu.dma_semaphore, #tpu.memory_space<semaphore_mem>>) src(%dma_wait3A_268 : memref<80x128xf32, #tpu.memory_space<vmem_shared>>) dst(%dma_wait3A_266 : memref<80x128xf32, #tpu.memory_space<vmem>>)
      tpu.yield
    }) : () -> ()
    %run_scoped3A_207 = arith.constant 0 : i32
    "tpu.region"() ({
      %run_scoped3A_244 = tpu.sem_alloc : memref<!tpu.dma_semaphore, #tpu.memory_space<semaphore_mem>>
      %dma_start3A_245 = arith.constant 0 : i32
      %dma_start3A_246 = arith.constant 0 : i32
      %dma_start3A_247 = tpu.memref_slice %arg8[%run_scoped3A_207, %dma_start3A_245, %dma_start3A_246] : memref<2x80x128xf32, #tpu.memory_space<vmem>> -> memref<1x80x128xf32, #tpu.memory_space<vmem>>
      %dma_start3A_248 = tpu.memref_squeeze %dma_start3A_247 : memref<1x80x128xf32, #tpu.memory_space<vmem>> -> memref<80x128xf32, #tpu.memory_space<vmem>>
      %dma_start3A_249 = arith.constant 0 : i32
      %dma_start3A_250 = tpu.memref_slice %arg5[%arg0, %add3A_205, %dma_start3A_249] : memref<2x10112x128xf32, #tpu.memory_space<hbm>> -> memref<1x80x128xf32, #tpu.memory_space<hbm>>
      %dma_start3A_251 = tpu.memref_squeeze %dma_start3A_250 : memref<1x80x128xf32, #tpu.memory_space<hbm>> -> memref<80x128xf32, #tpu.memory_space<hbm>>
      %dma_start3A_252 = arith.constant 0 : i32
      %dma_start3A_253 = tpu.memref_slice %arg5[%arg0, %add3A_205, %dma_start3A_252] : memref<2x10112x128xf32, #tpu.memory_space<hbm>> -> memref<1x80x128xf32, #tpu.memory_space<hbm>>
      %dma_start3A_254 = tpu.memref_squeeze %dma_start3A_253 : memref<1x80x128xf32, #tpu.memory_space<hbm>> -> memref<80x128xf32, #tpu.memory_space<hbm>>
      %dma_start3A_255 = arith.constant 0 : i32
      %dma_start3A_256 = arith.constant 0 : i32
      %dma_start3A_257 = tpu.memref_slice %arg8[%run_scoped3A_207, %dma_start3A_255, %dma_start3A_256] : memref<2x80x128xf32, #tpu.memory_space<vmem>> -> memref<1x80x128xf32, #tpu.memory_space<vmem>>
      %dma_start3A_258 = tpu.memref_squeeze %dma_start3A_257 : memref<1x80x128xf32, #tpu.memory_space<vmem>> -> memref<80x128xf32, #tpu.memory_space<vmem>>
      tpu.enqueue_dma source(%dma_start3A_258 : memref<80x128xf32, #tpu.memory_space<vmem>>) target(%dma_start3A_254 : memref<80x128xf32, #tpu.memory_space<hbm>>) target_semaphore(%run_scoped3A_244 : memref<!tpu.dma_semaphore, #tpu.memory_space<semaphore_mem>>)
      %dma_wait3A_259 = arith.constant 0 : i32
      %dma_wait3A_260 = arith.constant 0 : i32
      %dma_wait3A_261 = tpu.memref_slice %arg8[%run_scoped3A_207, %dma_wait3A_259, %dma_wait3A_260] : memref<2x80x128xf32, #tpu.memory_space<vmem>> -> memref<1x80x128xf32, #tpu.memory_space<vmem>>
      %dma_wait3A_262 = tpu.memref_squeeze %dma_wait3A_261 : memref<1x80x128xf32, #tpu.memory_space<vmem>> -> memref<80x128xf32, #tpu.memory_space<vmem>>
      %dma_wait3A_263 = arith.constant 0 : i32
      %dma_wait3A_264 = tpu.memref_slice %arg5[%arg0, %add3A_205, %dma_wait3A_263] : memref<2x10112x128xf32, #tpu.memory_space<hbm>> -> memref<1x80x128xf32, #tpu.memory_space<hbm>>
      %dma_wait3A_265 = tpu.memref_squeeze %dma_wait3A_264 : memref<1x80x128xf32, #tpu.memory_space<hbm>> -> memref<80x128xf32, #tpu.memory_space<hbm>>
      %dma_wait3A_266 = arith.constant 0 : i32
      %dma_wait3A_267 = tpu.memref_slice %arg5[%arg0, %add3A_205, %dma_wait3A_266] : memref<2x10112x128xf32, #tpu.memory_space<hbm>> -> memref<1x80x128xf32, #tpu.memory_space<hbm>>
      %dma_wait3A_268 = tpu.memref_squeeze %dma_wait3A_267 : memref<1x80x128xf32, #tpu.memory_space<hbm>> -> memref<80x128xf32, #tpu.memory_space<hbm>>
      %dma_wait3A_269 = arith.constant 0 : i32
      %dma_wait3A_270 = arith.constant 0 : i32
      %dma_wait3A_271 = tpu.memref_slice %arg8[%run_scoped3A_207, %dma_wait3A_269, %dma_wait3A_270] : memref<2x80x128xf32, #tpu.memory_space<vmem>> -> memref<1x80x128xf32, #tpu.memory_space<vmem>>
      %dma_wait3A_272 = tpu.memref_squeeze %dma_wait3A_271 : memref<1x80x128xf32, #tpu.memory_space<vmem>> -> memref<80x128xf32, #tpu.memory_space<vmem>>
      tpu.wait_dma2 semaphore(%run_scoped3A_244 : memref<!tpu.dma_semaphore, #tpu.memory_space<semaphore_mem>>) src(%dma_wait3A_272 : memref<80x128xf32, #tpu.memory_space<vmem>>) dst(%dma_wait3A_268 : memref<80x128xf32, #tpu.memory_space<hbm>>)
      tpu.yield
    }) : () -> ()
    %mul3A_208 = arith.constant 632 : i32
    %mul3A_209 = arith.muli %arg1, %mul3A_208 : i32
    %add3A_210 = arith.constant 160 : i32
    %add3A_211 = arith.addi %mul3A_209, %add3A_210 : i32
    %run_scoped3A_212 = arith.constant 0 : i32
    "tpu.region"() ({
      %run_scoped3A_244 = tpu.sem_alloc : memref<!tpu.dma_semaphore, #tpu.memory_space<semaphore_mem>>
      %dma_start3A_245 = arith.constant 0 : i32
      %dma_start3A_246 = arith.constant 0 : i32
      %dma_start3A_247 = tpu.memref_slice %arg8[%run_scoped3A_212, %dma_start3A_245, %dma_start3A_246] : memref<2x80x128xf32, #tpu.memory_space<vmem>> -> memref<1x80x128xf32, #tpu.memory_space<vmem>>
      %dma_start3A_248 = tpu.memref_squeeze %dma_start3A_247 : memref<1x80x128xf32, #tpu.memory_space<vmem>> -> memref<80x128xf32, #tpu.memory_space<vmem>>
      %dma_start3A_249 = arith.constant 0 : i32
      %dma_start3A_250 = tpu.memref_slice %arg10[%add3A_211, %dma_start3A_249] : memref<10112x128xf32, #tpu.memory_space<vmem_shared>> -> memref<80x128xf32, #tpu.memory_space<vmem_shared>>
      %dma_start3A_251 = arith.constant 0 : i32
      %dma_start3A_252 = arith.constant 0 : i32
      %dma_start3A_253 = tpu.memref_slice %arg8[%run_scoped3A_212, %dma_start3A_251, %dma_start3A_252] : memref<2x80x128xf32, #tpu.memory_space<vmem>> -> memref<1x80x128xf32, #tpu.memory_space<vmem>>
      %dma_start3A_254 = tpu.memref_squeeze %dma_start3A_253 : memref<1x80x128xf32, #tpu.memory_space<vmem>> -> memref<80x128xf32, #tpu.memory_space<vmem>>
      %dma_start3A_255 = arith.constant 0 : i32
      %dma_start3A_256 = tpu.memref_slice %arg10[%add3A_211, %dma_start3A_255] : memref<10112x128xf32, #tpu.memory_space<vmem_shared>> -> memref<80x128xf32, #tpu.memory_space<vmem_shared>>
      tpu.enqueue_dma source(%dma_start3A_256 : memref<80x128xf32, #tpu.memory_space<vmem_shared>>) target(%dma_start3A_254 : memref<80x128xf32, #tpu.memory_space<vmem>>) target_semaphore(%run_scoped3A_244 : memref<!tpu.dma_semaphore, #tpu.memory_space<semaphore_mem>>)
      %dma_wait3A_257 = arith.constant 0 : i32
      %dma_wait3A_258 = arith.constant 0 : i32
      %dma_wait3A_259 = tpu.memref_slice %arg8[%run_scoped3A_212, %dma_wait3A_257, %dma_wait3A_258] : memref<2x80x128xf32, #tpu.memory_space<vmem>> -> memref<1x80x128xf32, #tpu.memory_space<vmem>>
      %dma_wait3A_260 = tpu.memref_squeeze %dma_wait3A_259 : memref<1x80x128xf32, #tpu.memory_space<vmem>> -> memref<80x128xf32, #tpu.memory_space<vmem>>
      %dma_wait3A_261 = arith.constant 0 : i32
      %dma_wait3A_262 = tpu.memref_slice %arg10[%add3A_211, %dma_wait3A_261] : memref<10112x128xf32, #tpu.memory_space<vmem_shared>> -> memref<80x128xf32, #tpu.memory_space<vmem_shared>>
      %dma_wait3A_263 = arith.constant 0 : i32
      %dma_wait3A_264 = arith.constant 0 : i32
      %dma_wait3A_265 = tpu.memref_slice %arg8[%run_scoped3A_212, %dma_wait3A_263, %dma_wait3A_264] : memref<2x80x128xf32, #tpu.memory_space<vmem>> -> memref<1x80x128xf32, #tpu.memory_space<vmem>>
      %dma_wait3A_266 = tpu.memref_squeeze %dma_wait3A_265 : memref<1x80x128xf32, #tpu.memory_space<vmem>> -> memref<80x128xf32, #tpu.memory_space<vmem>>
      %dma_wait3A_267 = arith.constant 0 : i32
      %dma_wait3A_268 = tpu.memref_slice %arg10[%add3A_211, %dma_wait3A_267] : memref<10112x128xf32, #tpu.memory_space<vmem_shared>> -> memref<80x128xf32, #tpu.memory_space<vmem_shared>>
      tpu.wait_dma2 semaphore(%run_scoped3A_244 : memref<!tpu.dma_semaphore, #tpu.memory_space<semaphore_mem>>) src(%dma_wait3A_268 : memref<80x128xf32, #tpu.memory_space<vmem_shared>>) dst(%dma_wait3A_266 : memref<80x128xf32, #tpu.memory_space<vmem>>)
      tpu.yield
    }) : () -> ()
    %run_scoped3A_213 = arith.constant 0 : i32
    "tpu.region"() ({
      %run_scoped3A_244 = tpu.sem_alloc : memref<!tpu.dma_semaphore, #tpu.memory_space<semaphore_mem>>
      %dma_start3A_245 = arith.constant 0 : i32
      %dma_start3A_246 = arith.constant 0 : i32
      %dma_start3A_247 = tpu.memref_slice %arg8[%run_scoped3A_213, %dma_start3A_245, %dma_start3A_246] : memref<2x80x128xf32, #tpu.memory_space<vmem>> -> memref<1x80x128xf32, #tpu.memory_space<vmem>>
      %dma_start3A_248 = tpu.memref_squeeze %dma_start3A_247 : memref<1x80x128xf32, #tpu.memory_space<vmem>> -> memref<80x128xf32, #tpu.memory_space<vmem>>
      %dma_start3A_249 = arith.constant 0 : i32
      %dma_start3A_250 = tpu.memref_slice %arg5[%arg0, %add3A_211, %dma_start3A_249] : memref<2x10112x128xf32, #tpu.memory_space<hbm>> -> memref<1x80x128xf32, #tpu.memory_space<hbm>>
      %dma_start3A_251 = tpu.memref_squeeze %dma_start3A_250 : memref<1x80x128xf32, #tpu.memory_space<hbm>> -> memref<80x128xf32, #tpu.memory_space<hbm>>
      %dma_start3A_252 = arith.constant 0 : i32
      %dma_start3A_253 = tpu.memref_slice %arg5[%arg0, %add3A_211, %dma_start3A_252] : memref<2x10112x128xf32, #tpu.memory_space<hbm>> -> memref<1x80x128xf32, #tpu.memory_space<hbm>>
      %dma_start3A_254 = tpu.memref_squeeze %dma_start3A_253 : memref<1x80x128xf32, #tpu.memory_space<hbm>> -> memref<80x128xf32, #tpu.memory_space<hbm>>
      %dma_start3A_255 = arith.constant 0 : i32
      %dma_start3A_256 = arith.constant 0 : i32
      %dma_start3A_257 = tpu.memref_slice %arg8[%run_scoped3A_213, %dma_start3A_255, %dma_start3A_256] : memref<2x80x128xf32, #tpu.memory_space<vmem>> -> memref<1x80x128xf32, #tpu.memory_space<vmem>>
      %dma_start3A_258 = tpu.memref_squeeze %dma_start3A_257 : memref<1x80x128xf32, #tpu.memory_space<vmem>> -> memref<80x128xf32, #tpu.memory_space<vmem>>
      tpu.enqueue_dma source(%dma_start3A_258 : memref<80x128xf32, #tpu.memory_space<vmem>>) target(%dma_start3A_254 : memref<80x128xf32, #tpu.memory_space<hbm>>) target_semaphore(%run_scoped3A_244 : memref<!tpu.dma_semaphore, #tpu.memory_space<semaphore_mem>>)
      %dma_wait3A_259 = arith.constant 0 : i32
      %dma_wait3A_260 = arith.constant 0 : i32
      %dma_wait3A_261 = tpu.memref_slice %arg8[%run_scoped3A_213, %dma_wait3A_259, %dma_wait3A_260] : memref<2x80x128xf32, #tpu.memory_space<vmem>> -> memref<1x80x128xf32, #tpu.memory_space<vmem>>
      %dma_wait3A_262 = tpu.memref_squeeze %dma_wait3A_261 : memref<1x80x128xf32, #tpu.memory_space<vmem>> -> memref<80x128xf32, #tpu.memory_space<vmem>>
      %dma_wait3A_263 = arith.constant 0 : i32
      %dma_wait3A_264 = tpu.memref_slice %arg5[%arg0, %add3A_211, %dma_wait3A_263] : memref<2x10112x128xf32, #tpu.memory_space<hbm>> -> memref<1x80x128xf32, #tpu.memory_space<hbm>>
      %dma_wait3A_265 = tpu.memref_squeeze %dma_wait3A_264 : memref<1x80x128xf32, #tpu.memory_space<hbm>> -> memref<80x128xf32, #tpu.memory_space<hbm>>
      %dma_wait3A_266 = arith.constant 0 : i32
      %dma_wait3A_267 = tpu.memref_slice %arg5[%arg0, %add3A_211, %dma_wait3A_266] : memref<2x10112x128xf32, #tpu.memory_space<hbm>> -> memref<1x80x128xf32, #tpu.memory_space<hbm>>
      %dma_wait3A_268 = tpu.memref_squeeze %dma_wait3A_267 : memref<1x80x128xf32, #tpu.memory_space<hbm>> -> memref<80x128xf32, #tpu.memory_space<hbm>>
      %dma_wait3A_269 = arith.constant 0 : i32
      %dma_wait3A_270 = arith.constant 0 : i32
      %dma_wait3A_271 = tpu.memref_slice %arg8[%run_scoped3A_213, %dma_wait3A_269, %dma_wait3A_270] : memref<2x80x128xf32, #tpu.memory_space<vmem>> -> memref<1x80x128xf32, #tpu.memory_space<vmem>>
      %dma_wait3A_272 = tpu.memref_squeeze %dma_wait3A_271 : memref<1x80x128xf32, #tpu.memory_space<vmem>> -> memref<80x128xf32, #tpu.memory_space<vmem>>
      tpu.wait_dma2 semaphore(%run_scoped3A_244 : memref<!tpu.dma_semaphore, #tpu.memory_space<semaphore_mem>>) src(%dma_wait3A_272 : memref<80x128xf32, #tpu.memory_space<vmem>>) dst(%dma_wait3A_268 : memref<80x128xf32, #tpu.memory_space<hbm>>)
      tpu.yield
    }) : () -> ()
    %mul3A_214 = arith.constant 632 : i32
    %mul3A_215 = arith.muli %arg1, %mul3A_214 : i32
    %add3A_216 = arith.constant 240 : i32
    %add3A_217 = arith.addi %mul3A_215, %add3A_216 : i32
    %run_scoped3A_218 = arith.constant 0 : i32
    "tpu.region"() ({
      %run_scoped3A_244 = tpu.sem_alloc : memref<!tpu.dma_semaphore, #tpu.memory_space<semaphore_mem>>
      %dma_start3A_245 = arith.constant 0 : i32
      %dma_start3A_246 = arith.constant 0 : i32
      %dma_start3A_247 = tpu.memref_slice %arg8[%run_scoped3A_218, %dma_start3A_245, %dma_start3A_246] : memref<2x80x128xf32, #tpu.memory_space<vmem>> -> memref<1x80x128xf32, #tpu.memory_space<vmem>>
      %dma_start3A_248 = tpu.memref_squeeze %dma_start3A_247 : memref<1x80x128xf32, #tpu.memory_space<vmem>> -> memref<80x128xf32, #tpu.memory_space<vmem>>
      %dma_start3A_249 = arith.constant 0 : i32
      %dma_start3A_250 = tpu.memref_slice %arg10[%add3A_217, %dma_start3A_249] : memref<10112x128xf32, #tpu.memory_space<vmem_shared>> -> memref<80x128xf32, #tpu.memory_space<vmem_shared>>
      %dma_start3A_251 = arith.constant 0 : i32
      %dma_start3A_252 = arith.constant 0 : i32
      %dma_start3A_253 = tpu.memref_slice %arg8[%run_scoped3A_218, %dma_start3A_251, %dma_start3A_252] : memref<2x80x128xf32, #tpu.memory_space<vmem>> -> memref<1x80x128xf32, #tpu.memory_space<vmem>>
      %dma_start3A_254 = tpu.memref_squeeze %dma_start3A_253 : memref<1x80x128xf32, #tpu.memory_space<vmem>> -> memref<80x128xf32, #tpu.memory_space<vmem>>
      %dma_start3A_255 = arith.constant 0 : i32
      %dma_start3A_256 = tpu.memref_slice %arg10[%add3A_217, %dma_start3A_255] : memref<10112x128xf32, #tpu.memory_space<vmem_shared>> -> memref<80x128xf32, #tpu.memory_space<vmem_shared>>
      tpu.enqueue_dma source(%dma_start3A_256 : memref<80x128xf32, #tpu.memory_space<vmem_shared>>) target(%dma_start3A_254 : memref<80x128xf32, #tpu.memory_space<vmem>>) target_semaphore(%run_scoped3A_244 : memref<!tpu.dma_semaphore, #tpu.memory_space<semaphore_mem>>)
      %dma_wait3A_257 = arith.constant 0 : i32
      %dma_wait3A_258 = arith.constant 0 : i32
      %dma_wait3A_259 = tpu.memref_slice %arg8[%run_scoped3A_218, %dma_wait3A_257, %dma_wait3A_258] : memref<2x80x128xf32, #tpu.memory_space<vmem>> -> memref<1x80x128xf32, #tpu.memory_space<vmem>>
      %dma_wait3A_260 = tpu.memref_squeeze %dma_wait3A_259 : memref<1x80x128xf32, #tpu.memory_space<vmem>> -> memref<80x128xf32, #tpu.memory_space<vmem>>
      %dma_wait3A_261 = arith.constant 0 : i32
      %dma_wait3A_262 = tpu.memref_slice %arg10[%add3A_217, %dma_wait3A_261] : memref<10112x128xf32, #tpu.memory_space<vmem_shared>> -> memref<80x128xf32, #tpu.memory_space<vmem_shared>>
      %dma_wait3A_263 = arith.constant 0 : i32
      %dma_wait3A_264 = arith.constant 0 : i32
      %dma_wait3A_265 = tpu.memref_slice %arg8[%run_scoped3A_218, %dma_wait3A_263, %dma_wait3A_264] : memref<2x80x128xf32, #tpu.memory_space<vmem>> -> memref<1x80x128xf32, #tpu.memory_space<vmem>>
      %dma_wait3A_266 = tpu.memref_squeeze %dma_wait3A_265 : memref<1x80x128xf32, #tpu.memory_space<vmem>> -> memref<80x128xf32, #tpu.memory_space<vmem>>
      %dma_wait3A_267 = arith.constant 0 : i32
      %dma_wait3A_268 = tpu.memref_slice %arg10[%add3A_217, %dma_wait3A_267] : memref<10112x128xf32, #tpu.memory_space<vmem_shared>> -> memref<80x128xf32, #tpu.memory_space<vmem_shared>>
      tpu.wait_dma2 semaphore(%run_scoped3A_244 : memref<!tpu.dma_semaphore, #tpu.memory_space<semaphore_mem>>) src(%dma_wait3A_268 : memref<80x128xf32, #tpu.memory_space<vmem_shared>>) dst(%dma_wait3A_266 : memref<80x128xf32, #tpu.memory_space<vmem>>)
      tpu.yield
    }) : () -> ()
    %run_scoped3A_219 = arith.constant 0 : i32
    "tpu.region"() ({
      %run_scoped3A_244 = tpu.sem_alloc : memref<!tpu.dma_semaphore, #tpu.memory_space<semaphore_mem>>
      %dma_start3A_245 = arith.constant 0 : i32
      %dma_start3A_246 = arith.constant 0 : i32
      %dma_start3A_247 = tpu.memref_slice %arg8[%run_scoped3A_219, %dma_start3A_245, %dma_start3A_246] : memref<2x80x128xf32, #tpu.memory_space<vmem>> -> memref<1x80x128xf32, #tpu.memory_space<vmem>>
      %dma_start3A_248 = tpu.memref_squeeze %dma_start3A_247 : memref<1x80x128xf32, #tpu.memory_space<vmem>> -> memref<80x128xf32, #tpu.memory_space<vmem>>
      %dma_start3A_249 = arith.constant 0 : i32
      %dma_start3A_250 = tpu.memref_slice %arg5[%arg0, %add3A_217, %dma_start3A_249] : memref<2x10112x128xf32, #tpu.memory_space<hbm>> -> memref<1x80x128xf32, #tpu.memory_space<hbm>>
      %dma_start3A_251 = tpu.memref_squeeze %dma_start3A_250 : memref<1x80x128xf32, #tpu.memory_space<hbm>> -> memref<80x128xf32, #tpu.memory_space<hbm>>
      %dma_start3A_252 = arith.constant 0 : i32
      %dma_start3A_253 = tpu.memref_slice %arg5[%arg0, %add3A_217, %dma_start3A_252] : memref<2x10112x128xf32, #tpu.memory_space<hbm>> -> memref<1x80x128xf32, #tpu.memory_space<hbm>>
      %dma_start3A_254 = tpu.memref_squeeze %dma_start3A_253 : memref<1x80x128xf32, #tpu.memory_space<hbm>> -> memref<80x128xf32, #tpu.memory_space<hbm>>
      %dma_start3A_255 = arith.constant 0 : i32
      %dma_start3A_256 = arith.constant 0 : i32
      %dma_start3A_257 = tpu.memref_slice %arg8[%run_scoped3A_219, %dma_start3A_255, %dma_start3A_256] : memref<2x80x128xf32, #tpu.memory_space<vmem>> -> memref<1x80x128xf32, #tpu.memory_space<vmem>>
      %dma_start3A_258 = tpu.memref_squeeze %dma_start3A_257 : memref<1x80x128xf32, #tpu.memory_space<vmem>> -> memref<80x128xf32, #tpu.memory_space<vmem>>
      tpu.enqueue_dma source(%dma_start3A_258 : memref<80x128xf32, #tpu.memory_space<vmem>>) target(%dma_start3A_254 : memref<80x128xf32, #tpu.memory_space<hbm>>) target_semaphore(%run_scoped3A_244 : memref<!tpu.dma_semaphore, #tpu.memory_space<semaphore_mem>>)
      %dma_wait3A_259 = arith.constant 0 : i32
      %dma_wait3A_260 = arith.constant 0 : i32
      %dma_wait3A_261 = tpu.memref_slice %arg8[%run_scoped3A_219, %dma_wait3A_259, %dma_wait3A_260] : memref<2x80x128xf32, #tpu.memory_space<vmem>> -> memref<1x80x128xf32, #tpu.memory_space<vmem>>
      %dma_wait3A_262 = tpu.memref_squeeze %dma_wait3A_261 : memref<1x80x128xf32, #tpu.memory_space<vmem>> -> memref<80x128xf32, #tpu.memory_space<vmem>>
      %dma_wait3A_263 = arith.constant 0 : i32
      %dma_wait3A_264 = tpu.memref_slice %arg5[%arg0, %add3A_217, %dma_wait3A_263] : memref<2x10112x128xf32, #tpu.memory_space<hbm>> -> memref<1x80x128xf32, #tpu.memory_space<hbm>>
      %dma_wait3A_265 = tpu.memref_squeeze %dma_wait3A_264 : memref<1x80x128xf32, #tpu.memory_space<hbm>> -> memref<80x128xf32, #tpu.memory_space<hbm>>
      %dma_wait3A_266 = arith.constant 0 : i32
      %dma_wait3A_267 = tpu.memref_slice %arg5[%arg0, %add3A_217, %dma_wait3A_266] : memref<2x10112x128xf32, #tpu.memory_space<hbm>> -> memref<1x80x128xf32, #tpu.memory_space<hbm>>
      %dma_wait3A_268 = tpu.memref_squeeze %dma_wait3A_267 : memref<1x80x128xf32, #tpu.memory_space<hbm>> -> memref<80x128xf32, #tpu.memory_space<hbm>>
      %dma_wait3A_269 = arith.constant 0 : i32
      %dma_wait3A_270 = arith.constant 0 : i32
      %dma_wait3A_271 = tpu.memref_slice %arg8[%run_scoped3A_219, %dma_wait3A_269, %dma_wait3A_270] : memref<2x80x128xf32, #tpu.memory_space<vmem>> -> memref<1x80x128xf32, #tpu.memory_space<vmem>>
      %dma_wait3A_272 = tpu.memref_squeeze %dma_wait3A_271 : memref<1x80x128xf32, #tpu.memory_space<vmem>> -> memref<80x128xf32, #tpu.memory_space<vmem>>
      tpu.wait_dma2 semaphore(%run_scoped3A_244 : memref<!tpu.dma_semaphore, #tpu.memory_space<semaphore_mem>>) src(%dma_wait3A_272 : memref<80x128xf32, #tpu.memory_space<vmem>>) dst(%dma_wait3A_268 : memref<80x128xf32, #tpu.memory_space<hbm>>)
      tpu.yield
    }) : () -> ()
    %mul3A_220 = arith.constant 632 : i32
    %mul3A_221 = arith.muli %arg1, %mul3A_220 : i32
    %add3A_222 = arith.constant 320 : i32
    %add3A_223 = arith.addi %mul3A_221, %add3A_222 : i32
    %run_scoped3A_224 = arith.constant 0 : i32
    "tpu.region"() ({
      %run_scoped3A_244 = tpu.sem_alloc : memref<!tpu.dma_semaphore, #tpu.memory_space<semaphore_mem>>
      %dma_start3A_245 = arith.constant 0 : i32
      %dma_start3A_246 = arith.constant 0 : i32
      %dma_start3A_247 = tpu.memref_slice %arg8[%run_scoped3A_224, %dma_start3A_245, %dma_start3A_246] : memref<2x80x128xf32, #tpu.memory_space<vmem>> -> memref<1x80x128xf32, #tpu.memory_space<vmem>>
      %dma_start3A_248 = tpu.memref_squeeze %dma_start3A_247 : memref<1x80x128xf32, #tpu.memory_space<vmem>> -> memref<80x128xf32, #tpu.memory_space<vmem>>
      %dma_start3A_249 = arith.constant 0 : i32
      %dma_start3A_250 = tpu.memref_slice %arg10[%add3A_223, %dma_start3A_249] : memref<10112x128xf32, #tpu.memory_space<vmem_shared>> -> memref<80x128xf32, #tpu.memory_space<vmem_shared>>
      %dma_start3A_251 = arith.constant 0 : i32
      %dma_start3A_252 = arith.constant 0 : i32
      %dma_start3A_253 = tpu.memref_slice %arg8[%run_scoped3A_224, %dma_start3A_251, %dma_start3A_252] : memref<2x80x128xf32, #tpu.memory_space<vmem>> -> memref<1x80x128xf32, #tpu.memory_space<vmem>>
      %dma_start3A_254 = tpu.memref_squeeze %dma_start3A_253 : memref<1x80x128xf32, #tpu.memory_space<vmem>> -> memref<80x128xf32, #tpu.memory_space<vmem>>
      %dma_start3A_255 = arith.constant 0 : i32
      %dma_start3A_256 = tpu.memref_slice %arg10[%add3A_223, %dma_start3A_255] : memref<10112x128xf32, #tpu.memory_space<vmem_shared>> -> memref<80x128xf32, #tpu.memory_space<vmem_shared>>
      tpu.enqueue_dma source(%dma_start3A_256 : memref<80x128xf32, #tpu.memory_space<vmem_shared>>) target(%dma_start3A_254 : memref<80x128xf32, #tpu.memory_space<vmem>>) target_semaphore(%run_scoped3A_244 : memref<!tpu.dma_semaphore, #tpu.memory_space<semaphore_mem>>)
      %dma_wait3A_257 = arith.constant 0 : i32
      %dma_wait3A_258 = arith.constant 0 : i32
      %dma_wait3A_259 = tpu.memref_slice %arg8[%run_scoped3A_224, %dma_wait3A_257, %dma_wait3A_258] : memref<2x80x128xf32, #tpu.memory_space<vmem>> -> memref<1x80x128xf32, #tpu.memory_space<vmem>>
      %dma_wait3A_260 = tpu.memref_squeeze %dma_wait3A_259 : memref<1x80x128xf32, #tpu.memory_space<vmem>> -> memref<80x128xf32, #tpu.memory_space<vmem>>
      %dma_wait3A_261 = arith.constant 0 : i32
      %dma_wait3A_262 = tpu.memref_slice %arg10[%add3A_223, %dma_wait3A_261] : memref<10112x128xf32, #tpu.memory_space<vmem_shared>> -> memref<80x128xf32, #tpu.memory_space<vmem_shared>>
      %dma_wait3A_263 = arith.constant 0 : i32
      %dma_wait3A_264 = arith.constant 0 : i32
      %dma_wait3A_265 = tpu.memref_slice %arg8[%run_scoped3A_224, %dma_wait3A_263, %dma_wait3A_264] : memref<2x80x128xf32, #tpu.memory_space<vmem>> -> memref<1x80x128xf32, #tpu.memory_space<vmem>>
      %dma_wait3A_266 = tpu.memref_squeeze %dma_wait3A_265 : memref<1x80x128xf32, #tpu.memory_space<vmem>> -> memref<80x128xf32, #tpu.memory_space<vmem>>
      %dma_wait3A_267 = arith.constant 0 : i32
      %dma_wait3A_268 = tpu.memref_slice %arg10[%add3A_223, %dma_wait3A_267] : memref<10112x128xf32, #tpu.memory_space<vmem_shared>> -> memref<80x128xf32, #tpu.memory_space<vmem_shared>>
      tpu.wait_dma2 semaphore(%run_scoped3A_244 : memref<!tpu.dma_semaphore, #tpu.memory_space<semaphore_mem>>) src(%dma_wait3A_268 : memref<80x128xf32, #tpu.memory_space<vmem_shared>>) dst(%dma_wait3A_266 : memref<80x128xf32, #tpu.memory_space<vmem>>)
      tpu.yield
    }) : () -> ()
    %run_scoped3A_225 = arith.constant 0 : i32
    "tpu.region"() ({
      %run_scoped3A_244 = tpu.sem_alloc : memref<!tpu.dma_semaphore, #tpu.memory_space<semaphore_mem>>
      %dma_start3A_245 = arith.constant 0 : i32
      %dma_start3A_246 = arith.constant 0 : i32
      %dma_start3A_247 = tpu.memref_slice %arg8[%run_scoped3A_225, %dma_start3A_245, %dma_start3A_246] : memref<2x80x128xf32, #tpu.memory_space<vmem>> -> memref<1x80x128xf32, #tpu.memory_space<vmem>>
      %dma_start3A_248 = tpu.memref_squeeze %dma_start3A_247 : memref<1x80x128xf32, #tpu.memory_space<vmem>> -> memref<80x128xf32, #tpu.memory_space<vmem>>
      %dma_start3A_249 = arith.constant 0 : i32
      %dma_start3A_250 = tpu.memref_slice %arg5[%arg0, %add3A_223, %dma_start3A_249] : memref<2x10112x128xf32, #tpu.memory_space<hbm>> -> memref<1x80x128xf32, #tpu.memory_space<hbm>>
      %dma_start3A_251 = tpu.memref_squeeze %dma_start3A_250 : memref<1x80x128xf32, #tpu.memory_space<hbm>> -> memref<80x128xf32, #tpu.memory_space<hbm>>
      %dma_start3A_252 = arith.constant 0 : i32
      %dma_start3A_253 = tpu.memref_slice %arg5[%arg0, %add3A_223, %dma_start3A_252] : memref<2x10112x128xf32, #tpu.memory_space<hbm>> -> memref<1x80x128xf32, #tpu.memory_space<hbm>>
      %dma_start3A_254 = tpu.memref_squeeze %dma_start3A_253 : memref<1x80x128xf32, #tpu.memory_space<hbm>> -> memref<80x128xf32, #tpu.memory_space<hbm>>
      %dma_start3A_255 = arith.constant 0 : i32
      %dma_start3A_256 = arith.constant 0 : i32
      %dma_start3A_257 = tpu.memref_slice %arg8[%run_scoped3A_225, %dma_start3A_255, %dma_start3A_256] : memref<2x80x128xf32, #tpu.memory_space<vmem>> -> memref<1x80x128xf32, #tpu.memory_space<vmem>>
      %dma_start3A_258 = tpu.memref_squeeze %dma_start3A_257 : memref<1x80x128xf32, #tpu.memory_space<vmem>> -> memref<80x128xf32, #tpu.memory_space<vmem>>
      tpu.enqueue_dma source(%dma_start3A_258 : memref<80x128xf32, #tpu.memory_space<vmem>>) target(%dma_start3A_254 : memref<80x128xf32, #tpu.memory_space<hbm>>) target_semaphore(%run_scoped3A_244 : memref<!tpu.dma_semaphore, #tpu.memory_space<semaphore_mem>>)
      %dma_wait3A_259 = arith.constant 0 : i32
      %dma_wait3A_260 = arith.constant 0 : i32
      %dma_wait3A_261 = tpu.memref_slice %arg8[%run_scoped3A_225, %dma_wait3A_259, %dma_wait3A_260] : memref<2x80x128xf32, #tpu.memory_space<vmem>> -> memref<1x80x128xf32, #tpu.memory_space<vmem>>
      %dma_wait3A_262 = tpu.memref_squeeze %dma_wait3A_261 : memref<1x80x128xf32, #tpu.memory_space<vmem>> -> memref<80x128xf32, #tpu.memory_space<vmem>>
      %dma_wait3A_263 = arith.constant 0 : i32
      %dma_wait3A_264 = tpu.memref_slice %arg5[%arg0, %add3A_223, %dma_wait3A_263] : memref<2x10112x128xf32, #tpu.memory_space<hbm>> -> memref<1x80x128xf32, #tpu.memory_space<hbm>>
      %dma_wait3A_265 = tpu.memref_squeeze %dma_wait3A_264 : memref<1x80x128xf32, #tpu.memory_space<hbm>> -> memref<80x128xf32, #tpu.memory_space<hbm>>
      %dma_wait3A_266 = arith.constant 0 : i32
      %dma_wait3A_267 = tpu.memref_slice %arg5[%arg0, %add3A_223, %dma_wait3A_266] : memref<2x10112x128xf32, #tpu.memory_space<hbm>> -> memref<1x80x128xf32, #tpu.memory_space<hbm>>
      %dma_wait3A_268 = tpu.memref_squeeze %dma_wait3A_267 : memref<1x80x128xf32, #tpu.memory_space<hbm>> -> memref<80x128xf32, #tpu.memory_space<hbm>>
      %dma_wait3A_269 = arith.constant 0 : i32
      %dma_wait3A_270 = arith.constant 0 : i32
      %dma_wait3A_271 = tpu.memref_slice %arg8[%run_scoped3A_225, %dma_wait3A_269, %dma_wait3A_270] : memref<2x80x128xf32, #tpu.memory_space<vmem>> -> memref<1x80x128xf32, #tpu.memory_space<vmem>>
      %dma_wait3A_272 = tpu.memref_squeeze %dma_wait3A_271 : memref<1x80x128xf32, #tpu.memory_space<vmem>> -> memref<80x128xf32, #tpu.memory_space<vmem>>
      tpu.wait_dma2 semaphore(%run_scoped3A_244 : memref<!tpu.dma_semaphore, #tpu.memory_space<semaphore_mem>>) src(%dma_wait3A_272 : memref<80x128xf32, #tpu.memory_space<vmem>>) dst(%dma_wait3A_268 : memref<80x128xf32, #tpu.memory_space<hbm>>)
      tpu.yield
    }) : () -> ()
    %mul3A_226 = arith.constant 632 : i32
    %mul3A_227 = arith.muli %arg1, %mul3A_226 : i32
    %add3A_228 = arith.constant 400 : i32
    %add3A_229 = arith.addi %mul3A_227, %add3A_228 : i32
    %run_scoped3A_230 = arith.constant 0 : i32
    "tpu.region"() ({
      %run_scoped3A_244 = tpu.sem_alloc : memref<!tpu.dma_semaphore, #tpu.memory_space<semaphore_mem>>
      %dma_start3A_245 = arith.constant 0 : i32
      %dma_start3A_246 = arith.constant 0 : i32
      %dma_start3A_247 = tpu.memref_slice %arg8[%run_scoped3A_230, %dma_start3A_245, %dma_start3A_246] : memref<2x80x128xf32, #tpu.memory_space<vmem>> -> memref<1x80x128xf32, #tpu.memory_space<vmem>>
      %dma_start3A_248 = tpu.memref_squeeze %dma_start3A_247 : memref<1x80x128xf32, #tpu.memory_space<vmem>> -> memref<80x128xf32, #tpu.memory_space<vmem>>
      %dma_start3A_249 = arith.constant 0 : i32
      %dma_start3A_250 = tpu.memref_slice %arg10[%add3A_229, %dma_start3A_249] : memref<10112x128xf32, #tpu.memory_space<vmem_shared>> -> memref<80x128xf32, #tpu.memory_space<vmem_shared>>
      %dma_start3A_251 = arith.constant 0 : i32
      %dma_start3A_252 = arith.constant 0 : i32
      %dma_start3A_253 = tpu.memref_slice %arg8[%run_scoped3A_230, %dma_start3A_251, %dma_start3A_252] : memref<2x80x128xf32, #tpu.memory_space<vmem>> -> memref<1x80x128xf32, #tpu.memory_space<vmem>>
      %dma_start3A_254 = tpu.memref_squeeze %dma_start3A_253 : memref<1x80x128xf32, #tpu.memory_space<vmem>> -> memref<80x128xf32, #tpu.memory_space<vmem>>
      %dma_start3A_255 = arith.constant 0 : i32
      %dma_start3A_256 = tpu.memref_slice %arg10[%add3A_229, %dma_start3A_255] : memref<10112x128xf32, #tpu.memory_space<vmem_shared>> -> memref<80x128xf32, #tpu.memory_space<vmem_shared>>
      tpu.enqueue_dma source(%dma_start3A_256 : memref<80x128xf32, #tpu.memory_space<vmem_shared>>) target(%dma_start3A_254 : memref<80x128xf32, #tpu.memory_space<vmem>>) target_semaphore(%run_scoped3A_244 : memref<!tpu.dma_semaphore, #tpu.memory_space<semaphore_mem>>)
      %dma_wait3A_257 = arith.constant 0 : i32
      %dma_wait3A_258 = arith.constant 0 : i32
      %dma_wait3A_259 = tpu.memref_slice %arg8[%run_scoped3A_230, %dma_wait3A_257, %dma_wait3A_258] : memref<2x80x128xf32, #tpu.memory_space<vmem>> -> memref<1x80x128xf32, #tpu.memory_space<vmem>>
      %dma_wait3A_260 = tpu.memref_squeeze %dma_wait3A_259 : memref<1x80x128xf32, #tpu.memory_space<vmem>> -> memref<80x128xf32, #tpu.memory_space<vmem>>
      %dma_wait3A_261 = arith.constant 0 : i32
      %dma_wait3A_262 = tpu.memref_slice %arg10[%add3A_229, %dma_wait3A_261] : memref<10112x128xf32, #tpu.memory_space<vmem_shared>> -> memref<80x128xf32, #tpu.memory_space<vmem_shared>>
      %dma_wait3A_263 = arith.constant 0 : i32
      %dma_wait3A_264 = arith.constant 0 : i32
      %dma_wait3A_265 = tpu.memref_slice %arg8[%run_scoped3A_230, %dma_wait3A_263, %dma_wait3A_264] : memref<2x80x128xf32, #tpu.memory_space<vmem>> -> memref<1x80x128xf32, #tpu.memory_space<vmem>>
      %dma_wait3A_266 = tpu.memref_squeeze %dma_wait3A_265 : memref<1x80x128xf32, #tpu.memory_space<vmem>> -> memref<80x128xf32, #tpu.memory_space<vmem>>
      %dma_wait3A_267 = arith.constant 0 : i32
      %dma_wait3A_268 = tpu.memref_slice %arg10[%add3A_229, %dma_wait3A_267] : memref<10112x128xf32, #tpu.memory_space<vmem_shared>> -> memref<80x128xf32, #tpu.memory_space<vmem_shared>>
      tpu.wait_dma2 semaphore(%run_scoped3A_244 : memref<!tpu.dma_semaphore, #tpu.memory_space<semaphore_mem>>) src(%dma_wait3A_268 : memref<80x128xf32, #tpu.memory_space<vmem_shared>>) dst(%dma_wait3A_266 : memref<80x128xf32, #tpu.memory_space<vmem>>)
      tpu.yield
    }) : () -> ()
    %run_scoped3A_231 = arith.constant 0 : i32
    "tpu.region"() ({
      %run_scoped3A_244 = tpu.sem_alloc : memref<!tpu.dma_semaphore, #tpu.memory_space<semaphore_mem>>
      %dma_start3A_245 = arith.constant 0 : i32
      %dma_start3A_246 = arith.constant 0 : i32
      %dma_start3A_247 = tpu.memref_slice %arg8[%run_scoped3A_231, %dma_start3A_245, %dma_start3A_246] : memref<2x80x128xf32, #tpu.memory_space<vmem>> -> memref<1x80x128xf32, #tpu.memory_space<vmem>>
      %dma_start3A_248 = tpu.memref_squeeze %dma_start3A_247 : memref<1x80x128xf32, #tpu.memory_space<vmem>> -> memref<80x128xf32, #tpu.memory_space<vmem>>
      %dma_start3A_249 = arith.constant 0 : i32
      %dma_start3A_250 = tpu.memref_slice %arg5[%arg0, %add3A_229, %dma_start3A_249] : memref<2x10112x128xf32, #tpu.memory_space<hbm>> -> memref<1x80x128xf32, #tpu.memory_space<hbm>>
      %dma_start3A_251 = tpu.memref_squeeze %dma_start3A_250 : memref<1x80x128xf32, #tpu.memory_space<hbm>> -> memref<80x128xf32, #tpu.memory_space<hbm>>
      %dma_start3A_252 = arith.constant 0 : i32
      %dma_start3A_253 = tpu.memref_slice %arg5[%arg0, %add3A_229, %dma_start3A_252] : memref<2x10112x128xf32, #tpu.memory_space<hbm>> -> memref<1x80x128xf32, #tpu.memory_space<hbm>>
      %dma_start3A_254 = tpu.memref_squeeze %dma_start3A_253 : memref<1x80x128xf32, #tpu.memory_space<hbm>> -> memref<80x128xf32, #tpu.memory_space<hbm>>
      %dma_start3A_255 = arith.constant 0 : i32
      %dma_start3A_256 = arith.constant 0 : i32
      %dma_start3A_257 = tpu.memref_slice %arg8[%run_scoped3A_231, %dma_start3A_255, %dma_start3A_256] : memref<2x80x128xf32, #tpu.memory_space<vmem>> -> memref<1x80x128xf32, #tpu.memory_space<vmem>>
      %dma_start3A_258 = tpu.memref_squeeze %dma_start3A_257 : memref<1x80x128xf32, #tpu.memory_space<vmem>> -> memref<80x128xf32, #tpu.memory_space<vmem>>
      tpu.enqueue_dma source(%dma_start3A_258 : memref<80x128xf32, #tpu.memory_space<vmem>>) target(%dma_start3A_254 : memref<80x128xf32, #tpu.memory_space<hbm>>) target_semaphore(%run_scoped3A_244 : memref<!tpu.dma_semaphore, #tpu.memory_space<semaphore_mem>>)
      %dma_wait3A_259 = arith.constant 0 : i32
      %dma_wait3A_260 = arith.constant 0 : i32
      %dma_wait3A_261 = tpu.memref_slice %arg8[%run_scoped3A_231, %dma_wait3A_259, %dma_wait3A_260] : memref<2x80x128xf32, #tpu.memory_space<vmem>> -> memref<1x80x128xf32, #tpu.memory_space<vmem>>
      %dma_wait3A_262 = tpu.memref_squeeze %dma_wait3A_261 : memref<1x80x128xf32, #tpu.memory_space<vmem>> -> memref<80x128xf32, #tpu.memory_space<vmem>>
      %dma_wait3A_263 = arith.constant 0 : i32
      %dma_wait3A_264 = tpu.memref_slice %arg5[%arg0, %add3A_229, %dma_wait3A_263] : memref<2x10112x128xf32, #tpu.memory_space<hbm>> -> memref<1x80x128xf32, #tpu.memory_space<hbm>>
      %dma_wait3A_265 = tpu.memref_squeeze %dma_wait3A_264 : memref<1x80x128xf32, #tpu.memory_space<hbm>> -> memref<80x128xf32, #tpu.memory_space<hbm>>
      %dma_wait3A_266 = arith.constant 0 : i32
      %dma_wait3A_267 = tpu.memref_slice %arg5[%arg0, %add3A_229, %dma_wait3A_266] : memref<2x10112x128xf32, #tpu.memory_space<hbm>> -> memref<1x80x128xf32, #tpu.memory_space<hbm>>
      %dma_wait3A_268 = tpu.memref_squeeze %dma_wait3A_267 : memref<1x80x128xf32, #tpu.memory_space<hbm>> -> memref<80x128xf32, #tpu.memory_space<hbm>>
      %dma_wait3A_269 = arith.constant 0 : i32
      %dma_wait3A_270 = arith.constant 0 : i32
      %dma_wait3A_271 = tpu.memref_slice %arg8[%run_scoped3A_231, %dma_wait3A_269, %dma_wait3A_270] : memref<2x80x128xf32, #tpu.memory_space<vmem>> -> memref<1x80x128xf32, #tpu.memory_space<vmem>>
      %dma_wait3A_272 = tpu.memref_squeeze %dma_wait3A_271 : memref<1x80x128xf32, #tpu.memory_space<vmem>> -> memref<80x128xf32, #tpu.memory_space<vmem>>
      tpu.wait_dma2 semaphore(%run_scoped3A_244 : memref<!tpu.dma_semaphore, #tpu.memory_space<semaphore_mem>>) src(%dma_wait3A_272 : memref<80x128xf32, #tpu.memory_space<vmem>>) dst(%dma_wait3A_268 : memref<80x128xf32, #tpu.memory_space<hbm>>)
      tpu.yield
    }) : () -> ()
    %mul3A_232 = arith.constant 632 : i32
    %mul3A_233 = arith.muli %arg1, %mul3A_232 : i32
    %add3A_234 = arith.constant 480 : i32
    %add3A_235 = arith.addi %mul3A_233, %add3A_234 : i32
    %run_scoped3A_236 = arith.constant 0 : i32
    "tpu.region"() ({
      %run_scoped3A_244 = tpu.sem_alloc : memref<!tpu.dma_semaphore, #tpu.memory_space<semaphore_mem>>
      %dma_start3A_245 = arith.constant 0 : i32
      %dma_start3A_246 = arith.constant 0 : i32
      %dma_start3A_247 = tpu.memref_slice %arg8[%run_scoped3A_236, %dma_start3A_245, %dma_start3A_246] : memref<2x80x128xf32, #tpu.memory_space<vmem>> -> memref<1x80x128xf32, #tpu.memory_space<vmem>>
      %dma_start3A_248 = tpu.memref_squeeze %dma_start3A_247 : memref<1x80x128xf32, #tpu.memory_space<vmem>> -> memref<80x128xf32, #tpu.memory_space<vmem>>
      %dma_start3A_249 = arith.constant 0 : i32
      %dma_start3A_250 = tpu.memref_slice %arg10[%add3A_235, %dma_start3A_249] : memref<10112x128xf32, #tpu.memory_space<vmem_shared>> -> memref<80x128xf32, #tpu.memory_space<vmem_shared>>
      %dma_start3A_251 = arith.constant 0 : i32
      %dma_start3A_252 = arith.constant 0 : i32
      %dma_start3A_253 = tpu.memref_slice %arg8[%run_scoped3A_236, %dma_start3A_251, %dma_start3A_252] : memref<2x80x128xf32, #tpu.memory_space<vmem>> -> memref<1x80x128xf32, #tpu.memory_space<vmem>>
      %dma_start3A_254 = tpu.memref_squeeze %dma_start3A_253 : memref<1x80x128xf32, #tpu.memory_space<vmem>> -> memref<80x128xf32, #tpu.memory_space<vmem>>
      %dma_start3A_255 = arith.constant 0 : i32
      %dma_start3A_256 = tpu.memref_slice %arg10[%add3A_235, %dma_start3A_255] : memref<10112x128xf32, #tpu.memory_space<vmem_shared>> -> memref<80x128xf32, #tpu.memory_space<vmem_shared>>
      tpu.enqueue_dma source(%dma_start3A_256 : memref<80x128xf32, #tpu.memory_space<vmem_shared>>) target(%dma_start3A_254 : memref<80x128xf32, #tpu.memory_space<vmem>>) target_semaphore(%run_scoped3A_244 : memref<!tpu.dma_semaphore, #tpu.memory_space<semaphore_mem>>)
      %dma_wait3A_257 = arith.constant 0 : i32
      %dma_wait3A_258 = arith.constant 0 : i32
      %dma_wait3A_259 = tpu.memref_slice %arg8[%run_scoped3A_236, %dma_wait3A_257, %dma_wait3A_258] : memref<2x80x128xf32, #tpu.memory_space<vmem>> -> memref<1x80x128xf32, #tpu.memory_space<vmem>>
      %dma_wait3A_260 = tpu.memref_squeeze %dma_wait3A_259 : memref<1x80x128xf32, #tpu.memory_space<vmem>> -> memref<80x128xf32, #tpu.memory_space<vmem>>
      %dma_wait3A_261 = arith.constant 0 : i32
      %dma_wait3A_262 = tpu.memref_slice %arg10[%add3A_235, %dma_wait3A_261] : memref<10112x128xf32, #tpu.memory_space<vmem_shared>> -> memref<80x128xf32, #tpu.memory_space<vmem_shared>>
      %dma_wait3A_263 = arith.constant 0 : i32
      %dma_wait3A_264 = arith.constant 0 : i32
      %dma_wait3A_265 = tpu.memref_slice %arg8[%run_scoped3A_236, %dma_wait3A_263, %dma_wait3A_264] : memref<2x80x128xf32, #tpu.memory_space<vmem>> -> memref<1x80x128xf32, #tpu.memory_space<vmem>>
      %dma_wait3A_266 = tpu.memref_squeeze %dma_wait3A_265 : memref<1x80x128xf32, #tpu.memory_space<vmem>> -> memref<80x128xf32, #tpu.memory_space<vmem>>
      %dma_wait3A_267 = arith.constant 0 : i32
      %dma_wait3A_268 = tpu.memref_slice %arg10[%add3A_235, %dma_wait3A_267] : memref<10112x128xf32, #tpu.memory_space<vmem_shared>> -> memref<80x128xf32, #tpu.memory_space<vmem_shared>>
      tpu.wait_dma2 semaphore(%run_scoped3A_244 : memref<!tpu.dma_semaphore, #tpu.memory_space<semaphore_mem>>) src(%dma_wait3A_268 : memref<80x128xf32, #tpu.memory_space<vmem_shared>>) dst(%dma_wait3A_266 : memref<80x128xf32, #tpu.memory_space<vmem>>)
      tpu.yield
    }) : () -> ()
    %run_scoped3A_237 = arith.constant 0 : i32
    "tpu.region"() ({
      %run_scoped3A_244 = tpu.sem_alloc : memref<!tpu.dma_semaphore, #tpu.memory_space<semaphore_mem>>
      %dma_start3A_245 = arith.constant 0 : i32
      %dma_start3A_246 = arith.constant 0 : i32
      %dma_start3A_247 = tpu.memref_slice %arg8[%run_scoped3A_237, %dma_start3A_245, %dma_start3A_246] : memref<2x80x128xf32, #tpu.memory_space<vmem>> -> memref<1x80x128xf32, #tpu.memory_space<vmem>>
      %dma_start3A_248 = tpu.memref_squeeze %dma_start3A_247 : memref<1x80x128xf32, #tpu.memory_space<vmem>> -> memref<80x128xf32, #tpu.memory_space<vmem>>
      %dma_start3A_249 = arith.constant 0 : i32
      %dma_start3A_250 = tpu.memref_slice %arg5[%arg0, %add3A_235, %dma_start3A_249] : memref<2x10112x128xf32, #tpu.memory_space<hbm>> -> memref<1x80x128xf32, #tpu.memory_space<hbm>>
      %dma_start3A_251 = tpu.memref_squeeze %dma_start3A_250 : memref<1x80x128xf32, #tpu.memory_space<hbm>> -> memref<80x128xf32, #tpu.memory_space<hbm>>
      %dma_start3A_252 = arith.constant 0 : i32
      %dma_start3A_253 = tpu.memref_slice %arg5[%arg0, %add3A_235, %dma_start3A_252] : memref<2x10112x128xf32, #tpu.memory_space<hbm>> -> memref<1x80x128xf32, #tpu.memory_space<hbm>>
      %dma_start3A_254 = tpu.memref_squeeze %dma_start3A_253 : memref<1x80x128xf32, #tpu.memory_space<hbm>> -> memref<80x128xf32, #tpu.memory_space<hbm>>
      %dma_start3A_255 = arith.constant 0 : i32
      %dma_start3A_256 = arith.constant 0 : i32
      %dma_start3A_257 = tpu.memref_slice %arg8[%run_scoped3A_237, %dma_start3A_255, %dma_start3A_256] : memref<2x80x128xf32, #tpu.memory_space<vmem>> -> memref<1x80x128xf32, #tpu.memory_space<vmem>>
      %dma_start3A_258 = tpu.memref_squeeze %dma_start3A_257 : memref<1x80x128xf32, #tpu.memory_space<vmem>> -> memref<80x128xf32, #tpu.memory_space<vmem>>
      tpu.enqueue_dma source(%dma_start3A_258 : memref<80x128xf32, #tpu.memory_space<vmem>>) target(%dma_start3A_254 : memref<80x128xf32, #tpu.memory_space<hbm>>) target_semaphore(%run_scoped3A_244 : memref<!tpu.dma_semaphore, #tpu.memory_space<semaphore_mem>>)
      %dma_wait3A_259 = arith.constant 0 : i32
      %dma_wait3A_260 = arith.constant 0 : i32
      %dma_wait3A_261 = tpu.memref_slice %arg8[%run_scoped3A_237, %dma_wait3A_259, %dma_wait3A_260] : memref<2x80x128xf32, #tpu.memory_space<vmem>> -> memref<1x80x128xf32, #tpu.memory_space<vmem>>
      %dma_wait3A_262 = tpu.memref_squeeze %dma_wait3A_261 : memref<1x80x128xf32, #tpu.memory_space<vmem>> -> memref<80x128xf32, #tpu.memory_space<vmem>>
      %dma_wait3A_263 = arith.constant 0 : i32
      %dma_wait3A_264 = tpu.memref_slice %arg5[%arg0, %add3A_235, %dma_wait3A_263] : memref<2x10112x128xf32, #tpu.memory_space<hbm>> -> memref<1x80x128xf32, #tpu.memory_space<hbm>>
      %dma_wait3A_265 = tpu.memref_squeeze %dma_wait3A_264 : memref<1x80x128xf32, #tpu.memory_space<hbm>> -> memref<80x128xf32, #tpu.memory_space<hbm>>
      %dma_wait3A_266 = arith.constant 0 : i32
      %dma_wait3A_267 = tpu.memref_slice %arg5[%arg0, %add3A_235, %dma_wait3A_266] : memref<2x10112x128xf32, #tpu.memory_space<hbm>> -> memref<1x80x128xf32, #tpu.memory_space<hbm>>
      %dma_wait3A_268 = tpu.memref_squeeze %dma_wait3A_267 : memref<1x80x128xf32, #tpu.memory_space<hbm>> -> memref<80x128xf32, #tpu.memory_space<hbm>>
      %dma_wait3A_269 = arith.constant 0 : i32
      %dma_wait3A_270 = arith.constant 0 : i32
      %dma_wait3A_271 = tpu.memref_slice %arg8[%run_scoped3A_237, %dma_wait3A_269, %dma_wait3A_270] : memref<2x80x128xf32, #tpu.memory_space<vmem>> -> memref<1x80x128xf32, #tpu.memory_space<vmem>>
      %dma_wait3A_272 = tpu.memref_squeeze %dma_wait3A_271 : memref<1x80x128xf32, #tpu.memory_space<vmem>> -> memref<80x128xf32, #tpu.memory_space<vmem>>
      tpu.wait_dma2 semaphore(%run_scoped3A_244 : memref<!tpu.dma_semaphore, #tpu.memory_space<semaphore_mem>>) src(%dma_wait3A_272 : memref<80x128xf32, #tpu.memory_space<vmem>>) dst(%dma_wait3A_268 : memref<80x128xf32, #tpu.memory_space<hbm>>)
      tpu.yield
    }) : () -> ()
    %mul3A_238 = arith.constant 632 : i32
    %mul3A_239 = arith.muli %arg1, %mul3A_238 : i32
    %add3A_240 = arith.constant 560 : i32
    %add3A_241 = arith.addi %mul3A_239, %add3A_240 : i32
    %run_scoped3A_242 = arith.constant 0 : i32
    "tpu.region"() ({
      %run_scoped3A_244 = tpu.sem_alloc : memref<!tpu.dma_semaphore, #tpu.memory_space<semaphore_mem>>
      %dma_start3A_245 = arith.constant 0 : i32
      %dma_start3A_246 = arith.constant 0 : i32
      %dma_start3A_247 = tpu.memref_slice %arg8[%run_scoped3A_242, %dma_start3A_245, %dma_start3A_246] : memref<2x80x128xf32, #tpu.memory_space<vmem>> -> memref<1x80x128xf32, #tpu.memory_space<vmem>>
      %dma_start3A_248 = tpu.memref_squeeze %dma_start3A_247 : memref<1x80x128xf32, #tpu.memory_space<vmem>> -> memref<80x128xf32, #tpu.memory_space<vmem>>
      %dma_start3A_249 = arith.constant 0 : i32
      %dma_start3A_250 = arith.constant 0 : i32
      %dma_start3A_251 = tpu.memref_slice %dma_start3A_248[%dma_start3A_249, %dma_start3A_250] : memref<80x128xf32, #tpu.memory_space<vmem>> -> memref<72x128xf32, #tpu.memory_space<vmem>>
      %dma_start3A_252 = arith.constant 0 : i32
      %dma_start3A_253 = tpu.memref_slice %arg10[%add3A_241, %dma_start3A_252] : memref<10112x128xf32, #tpu.memory_space<vmem_shared>> -> memref<72x128xf32, #tpu.memory_space<vmem_shared>>
      %dma_start3A_254 = arith.constant 0 : i32
      %dma_start3A_255 = arith.constant 0 : i32
      %dma_start3A_256 = tpu.memref_slice %arg8[%run_scoped3A_242, %dma_start3A_254, %dma_start3A_255] : memref<2x80x128xf32, #tpu.memory_space<vmem>> -> memref<1x80x128xf32, #tpu.memory_space<vmem>>
      %dma_start3A_257 = tpu.memref_squeeze %dma_start3A_256 : memref<1x80x128xf32, #tpu.memory_space<vmem>> -> memref<80x128xf32, #tpu.memory_space<vmem>>
      %dma_start3A_258 = arith.constant 0 : i32
      %dma_start3A_259 = arith.constant 0 : i32
      %dma_start3A_260 = tpu.memref_slice %dma_start3A_257[%dma_start3A_258, %dma_start3A_259] : memref<80x128xf32, #tpu.memory_space<vmem>> -> memref<72x128xf32, #tpu.memory_space<vmem>>
      %dma_start3A_261 = arith.constant 0 : i32
      %dma_start3A_262 = tpu.memref_slice %arg10[%add3A_241, %dma_start3A_261] : memref<10112x128xf32, #tpu.memory_space<vmem_shared>> -> memref<72x128xf32, #tpu.memory_space<vmem_shared>>
      tpu.enqueue_dma source(%dma_start3A_262 : memref<72x128xf32, #tpu.memory_space<vmem_shared>>) target(%dma_start3A_260 : memref<72x128xf32, #tpu.memory_space<vmem>>) target_semaphore(%run_scoped3A_244 : memref<!tpu.dma_semaphore, #tpu.memory_space<semaphore_mem>>)
      %dma_wait3A_263 = arith.constant 0 : i32
      %dma_wait3A_264 = arith.constant 0 : i32
      %dma_wait3A_265 = tpu.memref_slice %arg8[%run_scoped3A_242, %dma_wait3A_263, %dma_wait3A_264] : memref<2x80x128xf32, #tpu.memory_space<vmem>> -> memref<1x80x128xf32, #tpu.memory_space<vmem>>
      %dma_wait3A_266 = tpu.memref_squeeze %dma_wait3A_265 : memref<1x80x128xf32, #tpu.memory_space<vmem>> -> memref<80x128xf32, #tpu.memory_space<vmem>>
      %dma_wait3A_267 = arith.constant 0 : i32
      %dma_wait3A_268 = arith.constant 0 : i32
      %dma_wait3A_269 = tpu.memref_slice %dma_wait3A_266[%dma_wait3A_267, %dma_wait3A_268] : memref<80x128xf32, #tpu.memory_space<vmem>> -> memref<72x128xf32, #tpu.memory_space<vmem>>
      %dma_wait3A_270 = arith.constant 0 : i32
      %dma_wait3A_271 = tpu.memref_slice %arg10[%add3A_241, %dma_wait3A_270] : memref<10112x128xf32, #tpu.memory_space<vmem_shared>> -> memref<72x128xf32, #tpu.memory_space<vmem_shared>>
      %dma_wait3A_272 = arith.constant 0 : i32
      %dma_wait3A_273 = arith.constant 0 : i32
      %dma_wait3A_274 = tpu.memref_slice %arg8[%run_scoped3A_242, %dma_wait3A_272, %dma_wait3A_273] : memref<2x80x128xf32, #tpu.memory_space<vmem>> -> memref<1x80x128xf32, #tpu.memory_space<vmem>>
      %dma_wait3A_275 = tpu.memref_squeeze %dma_wait3A_274 : memref<1x80x128xf32, #tpu.memory_space<vmem>> -> memref<80x128xf32, #tpu.memory_space<vmem>>
      %dma_wait3A_276 = arith.constant 0 : i32
      %dma_wait3A_277 = arith.constant 0 : i32
      %dma_wait3A_278 = tpu.memref_slice %dma_wait3A_275[%dma_wait3A_276, %dma_wait3A_277] : memref<80x128xf32, #tpu.memory_space<vmem>> -> memref<72x128xf32, #tpu.memory_space<vmem>>
      %dma_wait3A_279 = arith.constant 0 : i32
      %dma_wait3A_280 = tpu.memref_slice %arg10[%add3A_241, %dma_wait3A_279] : memref<10112x128xf32, #tpu.memory_space<vmem_shared>> -> memref<72x128xf32, #tpu.memory_space<vmem_shared>>
      tpu.wait_dma2 semaphore(%run_scoped3A_244 : memref<!tpu.dma_semaphore, #tpu.memory_space<semaphore_mem>>) src(%dma_wait3A_280 : memref<72x128xf32, #tpu.memory_space<vmem_shared>>) dst(%dma_wait3A_278 : memref<72x128xf32, #tpu.memory_space<vmem>>)
      tpu.yield
    }) : () -> ()
    %run_scoped3A_243 = arith.constant 0 : i32
    "tpu.region"() ({
      %run_scoped3A_244 = tpu.sem_alloc : memref<!tpu.dma_semaphore, #tpu.memory_space<semaphore_mem>>
      %dma_start3A_245 = arith.constant 0 : i32
      %dma_start3A_246 = arith.constant 0 : i32
      %dma_start3A_247 = tpu.memref_slice %arg8[%run_scoped3A_243, %dma_start3A_245, %dma_start3A_246] : memref<2x80x128xf32, #tpu.memory_space<vmem>> -> memref<1x80x128xf32, #tpu.memory_space<vmem>>
      %dma_start3A_248 = tpu.memref_squeeze %dma_start3A_247 : memref<1x80x128xf32, #tpu.memory_space<vmem>> -> memref<80x128xf32, #tpu.memory_space<vmem>>
      %dma_start3A_249 = arith.constant 0 : i32
      %dma_start3A_250 = arith.constant 0 : i32
      %dma_start3A_251 = tpu.memref_slice %dma_start3A_248[%dma_start3A_249, %dma_start3A_250] : memref<80x128xf32, #tpu.memory_space<vmem>> -> memref<72x128xf32, #tpu.memory_space<vmem>>
      %dma_start3A_252 = arith.constant 0 : i32
      %dma_start3A_253 = tpu.memref_slice %arg5[%arg0, %add3A_241, %dma_start3A_252] : memref<2x10112x128xf32, #tpu.memory_space<hbm>> -> memref<1x72x128xf32, #tpu.memory_space<hbm>>
      %dma_start3A_254 = tpu.memref_squeeze %dma_start3A_253 : memref<1x72x128xf32, #tpu.memory_space<hbm>> -> memref<72x128xf32, #tpu.memory_space<hbm>>
      %dma_start3A_255 = arith.constant 0 : i32
      %dma_start3A_256 = tpu.memref_slice %arg5[%arg0, %add3A_241, %dma_start3A_255] : memref<2x10112x128xf32, #tpu.memory_space<hbm>> -> memref<1x72x128xf32, #tpu.memory_space<hbm>>
      %dma_start3A_257 = tpu.memref_squeeze %dma_start3A_256 : memref<1x72x128xf32, #tpu.memory_space<hbm>> -> memref<72x128xf32, #tpu.memory_space<hbm>>
      %dma_start3A_258 = arith.constant 0 : i32
      %dma_start3A_259 = arith.constant 0 : i32
      %dma_start3A_260 = tpu.memref_slice %arg8[%run_scoped3A_243, %dma_start3A_258, %dma_start3A_259] : memref<2x80x128xf32, #tpu.memory_space<vmem>> -> memref<1x80x128xf32, #tpu.memory_space<vmem>>
      %dma_start3A_261 = tpu.memref_squeeze %dma_start3A_260 : memref<1x80x128xf32, #tpu.memory_space<vmem>> -> memref<80x128xf32, #tpu.memory_space<vmem>>
      %dma_start3A_262 = arith.constant 0 : i32
      %dma_start3A_263 = arith.constant 0 : i32
      %dma_start3A_264 = tpu.memref_slice %dma_start3A_261[%dma_start3A_262, %dma_start3A_263] : memref<80x128xf32, #tpu.memory_space<vmem>> -> memref<72x128xf32, #tpu.memory_space<vmem>>
      tpu.enqueue_dma source(%dma_start3A_264 : memref<72x128xf32, #tpu.memory_space<vmem>>) target(%dma_start3A_257 : memref<72x128xf32, #tpu.memory_space<hbm>>) target_semaphore(%run_scoped3A_244 : memref<!tpu.dma_semaphore, #tpu.memory_space<semaphore_mem>>)
      %dma_wait3A_265 = arith.constant 0 : i32
      %dma_wait3A_266 = arith.constant 0 : i32
      %dma_wait3A_267 = tpu.memref_slice %arg8[%run_scoped3A_243, %dma_wait3A_265, %dma_wait3A_266] : memref<2x80x128xf32, #tpu.memory_space<vmem>> -> memref<1x80x128xf32, #tpu.memory_space<vmem>>
      %dma_wait3A_268 = tpu.memref_squeeze %dma_wait3A_267 : memref<1x80x128xf32, #tpu.memory_space<vmem>> -> memref<80x128xf32, #tpu.memory_space<vmem>>
      %dma_wait3A_269 = arith.constant 0 : i32
      %dma_wait3A_270 = arith.constant 0 : i32
      %dma_wait3A_271 = tpu.memref_slice %dma_wait3A_268[%dma_wait3A_269, %dma_wait3A_270] : memref<80x128xf32, #tpu.memory_space<vmem>> -> memref<72x128xf32, #tpu.memory_space<vmem>>
      %dma_wait3A_272 = arith.constant 0 : i32
      %dma_wait3A_273 = tpu.memref_slice %arg5[%arg0, %add3A_241, %dma_wait3A_272] : memref<2x10112x128xf32, #tpu.memory_space<hbm>> -> memref<1x72x128xf32, #tpu.memory_space<hbm>>
      %dma_wait3A_274 = tpu.memref_squeeze %dma_wait3A_273 : memref<1x72x128xf32, #tpu.memory_space<hbm>> -> memref<72x128xf32, #tpu.memory_space<hbm>>
      %dma_wait3A_275 = arith.constant 0 : i32
      %dma_wait3A_276 = tpu.memref_slice %arg5[%arg0, %add3A_241, %dma_wait3A_275] : memref<2x10112x128xf32, #tpu.memory_space<hbm>> -> memref<1x72x128xf32, #tpu.memory_space<hbm>>
      %dma_wait3A_277 = tpu.memref_squeeze %dma_wait3A_276 : memref<1x72x128xf32, #tpu.memory_space<hbm>> -> memref<72x128xf32, #tpu.memory_space<hbm>>
      %dma_wait3A_278 = arith.constant 0 : i32
      %dma_wait3A_279 = arith.constant 0 : i32
      %dma_wait3A_280 = tpu.memref_slice %arg8[%run_scoped3A_243, %dma_wait3A_278, %dma_wait3A_279] : memref<2x80x128xf32, #tpu.memory_space<vmem>> -> memref<1x80x128xf32, #tpu.memory_space<vmem>>
      %dma_wait3A_281 = tpu.memref_squeeze %dma_wait3A_280 : memref<1x80x128xf32, #tpu.memory_space<vmem>> -> memref<80x128xf32, #tpu.memory_space<vmem>>
      %dma_wait3A_282 = arith.constant 0 : i32
      %dma_wait3A_283 = arith.constant 0 : i32
      %dma_wait3A_284 = tpu.memref_slice %dma_wait3A_281[%dma_wait3A_282, %dma_wait3A_283] : memref<80x128xf32, #tpu.memory_space<vmem>> -> memref<72x128xf32, #tpu.memory_space<vmem>>
      tpu.wait_dma2 semaphore(%run_scoped3A_244 : memref<!tpu.dma_semaphore, #tpu.memory_space<semaphore_mem>>) src(%dma_wait3A_284 : memref<72x128xf32, #tpu.memory_space<vmem>>) dst(%dma_wait3A_277 : memref<72x128xf32, #tpu.memory_space<hbm>>)
      tpu.yield
    }) : () -> ()
    return
  }
}

module attributes {stable_mosaic.version = 14 : i64} {
  func.func @_gate_body(%arg0: i32, %arg1: memref<4000x4xf32, #tpu.memory_space<vmem>>, %arg2: memref<4x128xf32, #tpu.memory_space<vmem>>, %arg3: memref<4000x64xi32, #tpu.memory_space<vmem>>) attributes {dimension_semantics = [#tpu.dimension_semantics<arbitrary>], iteration_bounds = array<i64: 80>, scalar_prefetch = 0 : i64, scratch_operands = 0 : i64, tpu.core_type = #tpu.core_type<tc>, window_params = [{transform_indices = @transform_0, window_bounds = array<i64: 4000, 4>}, {pipeline_mode = #tpu.pipeline_mode<synchronous>, transform_indices = @transform_1, window_bounds = array<i64: 4, 128>}, {transform_indices = @transform_2, window_bounds = array<i64: 4000, 64>}]} {
    %get3A = arith.constant 0 : index
    %get3A_0 = arith.constant 0 : index
    %get3A_1 = vector.load %arg1[%get3A, %get3A_0] : memref<4000x4xf32, #tpu.memory_space<vmem>>, vector<4000x4xf32>
    %get3A_2 = arith.constant 0 : index
    %get3A_3 = arith.constant 0 : index
    %get3A_4 = vector.load %arg2[%get3A_2, %get3A_3] : memref<4x128xf32, #tpu.memory_space<vmem>>, vector<4x128xf32>
    %dot_general3A = arith.constant dense<0.000000e+00> : vector<4000x128xf32>
    %dot_general3A_5 = tpu.matmul %get3A_1, %get3A_4, %dot_general3A {dimension_numbers = #tpu.dot_dimension_numbers<[1], [0], [0], [1], [0, 0, 1, 1], [], []>, transpose_lhs_hint = false} : vector<4000x4xf32>, vector<4x128xf32>, vector<4000x128xf32> -> vector<4000x128xf32>
    %mul3A = arith.constant 5.000000e-01 : f32
    %mul3A_6 = vector.broadcast %mul3A : f32 to vector<4000x128xf32>
    %mul3A_7 = arith.mulf %mul3A_6, %dot_general3A_5 : vector<4000x128xf32>
    %tanh3A = math.tanh %mul3A_7 : vector<4000x128xf32>
    %mul3A_8 = arith.constant 5.000000e-01 : f32
    %mul3A_9 = vector.broadcast %mul3A_8 : f32 to vector<4000x128xf32>
    %mul3A_10 = arith.mulf %mul3A_9, %tanh3A : vector<4000x128xf32>
    %add3A = arith.constant 5.000000e-01 : f32
    %add3A_11 = vector.broadcast %add3A : f32 to vector<4000x128xf32>
    %add3A_12 = arith.addf %add3A_11, %mul3A_10 : vector<4000x128xf32>
    %slice3A = vector.extract_strided_slice %add3A_12 {offsets = [0, 0], sizes = [4000, 64], strides = [1, 1]} : vector<4000x128xf32> to vector<4000x64xf32>
    %convert_element_type3A = arith.truncf %slice3A : vector<4000x64xf32> to vector<4000x64xbf16>
    %convert_element_type3A_13 = arith.extf %convert_element_type3A : vector<4000x64xbf16> to vector<4000x64xf32>
    %slice3A_14 = vector.extract_strided_slice %add3A_12 {offsets = [0, 64], sizes = [4000, 64], strides = [1, 1]} : vector<4000x128xf32> to vector<4000x64xf32>
    %convert_element_type3A_15 = arith.truncf %slice3A_14 : vector<4000x64xf32> to vector<4000x64xbf16>
    %convert_element_type3A_16 = arith.extf %convert_element_type3A_15 : vector<4000x64xbf16> to vector<4000x64xf32>
    %bitcast_convert_type3A = tpu.bitcast %convert_element_type3A_13 : vector<4000x64xf32> -> vector<4000x64xi32>
    %bitcast_convert_type3A_17 = tpu.bitcast %convert_element_type3A_16 : vector<4000x64xf32> -> vector<4000x64xi32>
    %shift_right_logical3A = arith.constant 16 : i32
    %shift_right_logical3A_18 = vector.broadcast %shift_right_logical3A : i32 to vector<4000x64xi32>
    %shift_right_logical3A_19 = arith.shrui %bitcast_convert_type3A, %shift_right_logical3A_18 : vector<4000x64xi32>
    %or3A = arith.ori %shift_right_logical3A_19, %bitcast_convert_type3A_17 : vector<4000x64xi32>
    %swap3A = arith.constant 0 : index
    %swap3A_20 = arith.constant 0 : index
    %swap3A_21 = vector.load %arg3[%swap3A, %swap3A_20] : memref<4000x64xi32, #tpu.memory_space<vmem>>, vector<4000x64xi32>
    tpu.vector_store %arg3[%swap3A, %swap3A_20], %or3A {strides = array<i32>} : memref<4000x64xi32, #tpu.memory_space<vmem>>, vector<4000x64xi32>,
    return
  }
  func.func @transform_0(%arg0: i32) -> (i32, i32) {
    %c0_i32 = arith.constant 0 : i32
    %c0_i32_0 = arith.constant 0 : i32
    return %arg0, %c0_i32 : i32, i32
  }
  func.func @transform_1(%arg0: i32) -> (i32, i32) {
    %c0_i32 = arith.constant 0 : i32
    %c0_i32_0 = arith.constant 0 : i32
    %c0_i32_1 = arith.constant 0 : i32
    return %c0_i32, %c0_i32_0 : i32, i32
  }
  func.func @transform_2(%arg0: i32) -> (i32, i32) {
    %c0_i32 = arith.constant 0 : i32
    %c0_i32_0 = arith.constant 0 : i32
    return %arg0, %c0_i32 : i32, i32
  }
}

module attributes {stable_mosaic.version = 14 : i64} {
  func.func @_emb_body(%arg0: i32, %arg1: memref<1000x128xf32, #tpu.memory_space<vmem>>, %arg2: memref<128x128xf32, #tpu.memory_space<vmem>>, %arg3: memref<1x128xf32, #tpu.memory_space<vmem>>, %arg4: memref<1000x128xf32, #tpu.memory_space<vmem>>) attributes {dimension_semantics = [#tpu.dimension_semantics<arbitrary>], iteration_bounds = array<i64: 10>, scalar_prefetch = 0 : i64, scratch_operands = 0 : i64, tpu.core_type = #tpu.core_type<tc>, window_params = [{transform_indices = @transform_0, window_bounds = array<i64: 1000, 128>}, {pipeline_mode = #tpu.pipeline_mode<synchronous>, transform_indices = @transform_1, window_bounds = array<i64: 128, 128>}, {pipeline_mode = #tpu.pipeline_mode<synchronous>, transform_indices = @transform_2, window_bounds = array<i64: 1, 128>}, {transform_indices = @transform_3, window_bounds = array<i64: 1000, 128>}]} {
    %get3A = arith.constant 0 : index
    %get3A_0 = arith.constant 0 : index
    %get3A_1 = vector.load %arg1[%get3A, %get3A_0] : memref<1000x128xf32, #tpu.memory_space<vmem>>, vector<1000x128xf32>
    %get3A_2 = arith.constant 0 : index
    %get3A_3 = arith.constant 0 : index
    %get3A_4 = vector.load %arg2[%get3A_2, %get3A_3] : memref<128x128xf32, #tpu.memory_space<vmem>>, vector<128x128xf32>
    %dot_general3A = arith.constant dense<0.000000e+00> : vector<1000x128xf32>
    %dot_general3A_5 = tpu.matmul %get3A_1, %get3A_4, %dot_general3A {dimension_numbers = #tpu.dot_dimension_numbers<[1], [0], [0], [1], [0, 0, 1, 1], [], []>, transpose_lhs_hint = false} : vector<1000x128xf32>, vector<128x128xf32>, vector<1000x128xf32> -> vector<1000x128xf32>
    %get3A_6 = arith.constant 0 : index
    %get3A_7 = arith.constant 0 : index
    %get3A_8 = vector.load %arg3[%get3A_6, %get3A_7] : memref<1x128xf32, #tpu.memory_space<vmem>>, vector<1x128xf32>
    %add3A = vector.broadcast %get3A_8 : vector<1x128xf32> to vector<1000x128xf32>
    %add3A_9 = arith.addf %dot_general3A_5, %add3A : vector<1000x128xf32>
    %swap3A = arith.constant 0 : index
    %swap3A_10 = arith.constant 0 : index
    %swap3A_11 = vector.load %arg4[%swap3A, %swap3A_10] : memref<1000x128xf32, #tpu.memory_space<vmem>>, vector<1000x128xf32>
    tpu.vector_store %arg4[%swap3A, %swap3A_10], %add3A_9 {strides = array<i32>} : memref<1000x128xf32, #tpu.memory_space<vmem>>, vector<1000x128xf32>,
    return
  }
  func.func @transform_0(%arg0: i32) -> (i32, i32) {
    %c0_i32 = arith.constant 0 : i32
    %c0_i32_0 = arith.constant 0 : i32
    return %arg0, %c0_i32 : i32, i32
  }
  func.func @transform_1(%arg0: i32) -> (i32, i32) {
    %c0_i32 = arith.constant 0 : i32
    %c0_i32_0 = arith.constant 0 : i32
    %c0_i32_1 = arith.constant 0 : i32
    return %c0_i32, %c0_i32_0 : i32, i32
  }
  func.func @transform_2(%arg0: i32) -> (i32, i32) {
    %c0_i32 = arith.constant 0 : i32
    %c0_i32_0 = arith.constant 0 : i32
    %c0_i32_1 = arith.constant 0 : i32
    return %c0_i32, %c0_i32_0 : i32, i32
  }
  func.func @transform_3(%arg0: i32) -> (i32, i32) {
    %c0_i32 = arith.constant 0 : i32
    %c0_i32_0 = arith.constant 0 : i32
    return %arg0, %c0_i32 : i32, i32
  }
}

module attributes {stable_mosaic.version = 14 : i64} {
  func.func @_post_body(%arg0: i32, %arg1: memref<2x1000x128xf32, #tpu.memory_space<vmem>>, %arg2: memref<1000x128xf32, #tpu.memory_space<vmem>>, %arg3: memref<128x128xf32, #tpu.memory_space<vmem>>, %arg4: memref<128x128xf32, #tpu.memory_space<vmem>>, %arg5: memref<128x1xf32, #tpu.memory_space<vmem>>, %arg6: memref<1x1xf32, #tpu.memory_space<vmem>>, %arg7: memref<1x1x1000xi32, #tpu.memory_space<vmem>>, %arg8: memref<64x1xf32, #tpu.memory_space<vmem>>) attributes {dimension_semantics = [#tpu.dimension_semantics<arbitrary>], iteration_bounds = array<i64: 10>, scalar_prefetch = 0 : i64, scratch_operands = 0 : i64, tpu.core_type = #tpu.core_type<tc>, window_params = [{transform_indices = @transform_0, window_bounds = array<i64: 2, 1000, 128>}, {transform_indices = @transform_1, window_bounds = array<i64: 1000, 128>}, {pipeline_mode = #tpu.pipeline_mode<synchronous>, transform_indices = @transform_2, window_bounds = array<i64: 128, 128>}, {pipeline_mode = #tpu.pipeline_mode<synchronous>, transform_indices = @transform_3, window_bounds = array<i64: 128, 128>}, {pipeline_mode = #tpu.pipeline_mode<synchronous>, transform_indices = @transform_4, window_bounds = array<i64: 128, 1>}, {pipeline_mode = #tpu.pipeline_mode<synchronous>, transform_indices = @transform_5, window_bounds = array<i64: 1, 1>}, {transform_indices = @transform_6, window_bounds = array<i64: 1, 1, 1000>}, {pipeline_mode = #tpu.pipeline_mode<synchronous>, transform_indices = @transform_7, window_bounds = array<i64: 64, 1>}]} {
    %get3A = arith.constant 0 : index
    %get3A_0 = arith.constant 0 : index
    %get3A_1 = arith.constant 0 : index
    %get3A_2 = vector.load %arg1[%get3A, %get3A_0, %get3A_1] : memref<2x1000x128xf32, #tpu.memory_space<vmem>>, vector<1x1000x128xf32>
    %get3A_3 = vector.shape_cast %get3A_2 : vector<1x1000x128xf32> to vector<1000x128xf32>
    %get3A_4 = arith.constant 1 : index
    %get3A_5 = arith.constant 0 : index
    %get3A_6 = arith.constant 0 : index
    %get3A_7 = vector.load %arg1[%get3A_4, %get3A_5, %get3A_6] : memref<2x1000x128xf32, #tpu.memory_space<vmem>>, vector<1x1000x128xf32>
    %get3A_8 = vector.shape_cast %get3A_7 : vector<1x1000x128xf32> to vector<1000x128xf32>
    %add3A = arith.addf %get3A_3, %get3A_8 : vector<1000x128xf32>
    %get3A_9 = arith.constant 0 : index
    %get3A_10 = arith.constant 0 : index
    %get3A_11 = vector.load %arg3[%get3A_9, %get3A_10] : memref<128x128xf32, #tpu.memory_space<vmem>>, vector<128x128xf32>
    %dot_general3A = arith.constant dense<0.000000e+00> : vector<1000x128xf32>
    %dot_general3A_12 = tpu.matmul %add3A, %get3A_11, %dot_general3A {dimension_numbers = #tpu.dot_dimension_numbers<[1], [0], [0], [1], [0, 0, 1, 1], [], []>, transpose_lhs_hint = false} : vector<1000x128xf32>, vector<128x128xf32>, vector<1000x128xf32> -> vector<1000x128xf32>
    %get3A_13 = arith.constant 0 : index
    %get3A_14 = arith.constant 0 : index
    %get3A_15 = vector.load %arg2[%get3A_13, %get3A_14] : memref<1000x128xf32, #tpu.memory_space<vmem>>, vector<1000x128xf32>
    %get3A_16 = arith.constant 0 : index
    %get3A_17 = arith.constant 0 : index
    %get3A_18 = vector.load %arg4[%get3A_16, %get3A_17] : memref<128x128xf32, #tpu.memory_space<vmem>>, vector<128x128xf32>
    %dot_general3A_19 = arith.constant dense<0.000000e+00> : vector<1000x128xf32>
    %dot_general3A_20 = tpu.matmul %get3A_15, %get3A_18, %dot_general3A_19 {dimension_numbers = #tpu.dot_dimension_numbers<[1], [0], [0], [1], [0, 0, 1, 1], [], []>, transpose_lhs_hint = false} : vector<1000x128xf32>, vector<128x128xf32>, vector<1000x128xf32> -> vector<1000x128xf32>
    %add3A_21 = arith.addf %dot_general3A_12, %dot_general3A_20 : vector<1000x128xf32>
    %max3A = arith.constant 0.000000e+00 : f32
    %max3A_22 = vector.broadcast %max3A : f32 to vector<1000x128xf32>
    %max3A_23 = arith.maximumf %add3A_21, %max3A_22 : vector<1000x128xf32>
    %get3A_24 = arith.constant 0 : index
    %get3A_25 = arith.constant 0 : index
    %get3A_26 = vector.load %arg5[%get3A_24, %get3A_25] : memref<128x1xf32, #tpu.memory_space<vmem>>, vector<128x1xf32>
    %dot_general3A_27 = arith.constant dense<0.000000e+00> : vector<1000x1xf32>
    %dot_general3A_28 = tpu.matmul %max3A_23, %get3A_26, %dot_general3A_27 {dimension_numbers = #tpu.dot_dimension_numbers<[1], [0], [0], [1], [0, 0, 1, 1], [], []>, transpose_lhs_hint = false} : vector<1000x128xf32>, vector<128x1xf32>, vector<1000x1xf32> -> vector<1000x1xf32>
    %get3A_29 = arith.constant 0 : index
    %get3A_30 = arith.constant 0 : index
    %get3A_31 = vector.load %arg6[%get3A_29, %get3A_30] : memref<1x1xf32, #tpu.memory_space<vmem>>, vector<1x1xf32>
    %get3A_32 = vector.extract %get3A_31[0, 0] : f32 from vector<1x1xf32>
    %add3A_33 = vector.broadcast %get3A_32 : f32 to vector<1000x1xf32>
    %add3A_34 = arith.addf %dot_general3A_28, %add3A_33 : vector<1000x1xf32>
    %get3A_35 = arith.constant 0 : index
    %get3A_36 = arith.constant 0 : index
    %get3A_37 = arith.constant 0 : index
    %get3A_38 = vector.load %arg7[%get3A_35, %get3A_36, %get3A_37] : memref<1x1x1000xi32, #tpu.memory_space<vmem>>, vector<1x1x1000xi32>
    %get3A_39 = vector.shape_cast %get3A_38 : vector<1x1x1000xi32> to vector<1x1000xi32>
    %iota3A = tpu.iota {dimensions = array<i32: 0>} : vector<64x1000xi32>
    %eq3A = vector.broadcast %get3A_39 : vector<1x1000xi32> to vector<64x1000xi32>
    %eq3A_40 = arith.cmpi eq, %iota3A, %eq3A : vector<64x1000xi32>
    %convert_element_type3A = arith.extui %eq3A_40 : vector<64x1000xi1> to vector<64x1000xi32>
    %convert_element_type3A_41 = arith.sitofp %convert_element_type3A : vector<64x1000xi32> to vector<64x1000xf32>
    %eq3A_42 = arith.constant 0 : i32
    %eq3A_43 = arith.cmpi eq, %arg0, %eq3A_42 : i32
    %convert_element_type3A_44 = arith.extui %eq3A_43 : i1 to i32
    %cond3A = arith.constant 0 : i32
    %cond3A_45 = arith.cmpi ne, %convert_element_type3A_44, %cond3A : i32
    scf.if %cond3A_45 {
      %broadcast_in_dim3A = arith.constant 0.000000e+00 : f32
      %broadcast_in_dim3A_54 = vector.broadcast %broadcast_in_dim3A : f32 to vector<64x1xf32>
      %swap3A_55 = arith.constant 0 : index
      %swap3A_56 = arith.constant 0 : index
      %swap3A_57 = vector.load %arg8[%swap3A_55, %swap3A_56] : memref<64x1xf32, #tpu.memory_space<vmem>>, vector<64x1xf32>
      tpu.vector_store %arg8[%swap3A_55, %swap3A_56], %broadcast_in_dim3A_54 {strides = array<i32>} : memref<64x1xf32, #tpu.memory_space<vmem>>, vector<64x1xf32>,
    } else {
    }
    %get3A_46 = arith.constant 0 : index
    %get3A_47 = arith.constant 0 : index
    %get3A_48 = vector.load %arg8[%get3A_46, %get3A_47] : memref<64x1xf32, #tpu.memory_space<vmem>>, vector<64x1xf32>
    %dot_general3A_49 = arith.constant dense<0.000000e+00> : vector<64x1xf32>
    %dot_general3A_50 = tpu.matmul %convert_element_type3A_41, %add3A_34, %dot_general3A_49 {dimension_numbers = #tpu.dot_dimension_numbers<[1], [0], [0], [1], [0, 0, 1, 1], [], []>, transpose_lhs_hint = false} : vector<64x1000xf32>, vector<1000x1xf32>, vector<64x1xf32> -> vector<64x1xf32>
    %add3A_51 = arith.addf %get3A_48, %dot_general3A_50 : vector<64x1xf32>
    %swap3A = arith.constant 0 : index
    %swap3A_52 = arith.constant 0 : index
    %swap3A_53 = vector.load %arg8[%swap3A, %swap3A_52] : memref<64x1xf32, #tpu.memory_space<vmem>>, vector<64x1xf32>
    tpu.vector_store %arg8[%swap3A, %swap3A_52], %add3A_51 {strides = array<i32>} : memref<64x1xf32, #tpu.memory_space<vmem>>, vector<64x1xf32>,
    return
  }
  func.func @transform_0(%arg0: i32) -> (i32, i32, i32) {
    %c0_i32 = arith.constant 0 : i32
    %c0_i32_0 = arith.constant 0 : i32
    %c0_i32_1 = arith.constant 0 : i32
    return %c0_i32, %arg0, %c0_i32_0 : i32, i32, i32
  }
  func.func @transform_1(%arg0: i32) -> (i32, i32) {
    %c0_i32 = arith.constant 0 : i32
    %c0_i32_0 = arith.constant 0 : i32
    return %arg0, %c0_i32 : i32, i32
  }
  func.func @transform_2(%arg0: i32) -> (i32, i32) {
    %c0_i32 = arith.constant 0 : i32
    %c0_i32_0 = arith.constant 0 : i32
    %c0_i32_1 = arith.constant 0 : i32
    return %c0_i32, %c0_i32_0 : i32, i32
  }
  func.func @transform_3(%arg0: i32) -> (i32, i32) {
    %c0_i32 = arith.constant 0 : i32
    %c0_i32_0 = arith.constant 0 : i32
    %c0_i32_1 = arith.constant 0 : i32
    return %c0_i32, %c0_i32_0 : i32, i32
  }
  func.func @transform_4(%arg0: i32) -> (i32, i32) {
    %c0_i32 = arith.constant 0 : i32
    %c0_i32_0 = arith.constant 0 : i32
    %c0_i32_1 = arith.constant 0 : i32
    return %c0_i32, %c0_i32_0 : i32, i32
  }
  func.func @transform_5(%arg0: i32) -> (i32, i32) {
    %c0_i32 = arith.constant 0 : i32
    %c0_i32_0 = arith.constant 0 : i32
    %c0_i32_1 = arith.constant 0 : i32
    return %c0_i32, %c0_i32_0 : i32, i32
  }
  func.func @transform_6(%arg0: i32) -> (i32, i32, i32) {
    %c0_i32 = arith.constant 0 : i32
    %c0_i32_0 = arith.constant 0 : i32
    %c0_i32_1 = arith.constant 0 : i32
    return %arg0, %c0_i32, %c0_i32_0 : i32, i32, i32
  }
  func.func @transform_7(%arg0: i32) -> (i32, i32) {
    %c0_i32 = arith.constant 0 : i32
    %c0_i32_0 = arith.constant 0 : i32
    %c0_i32_1 = arith.constant 0 : i32
    return %c0_i32, %c0_i32_0 : i32, i32
  }
}

</mosaic_0001>

<sc_bundles>
// kernel: kernel.6.cloned.1.call-start
scs
__scs_entry_jumppad:
0x0: {  	(pc) =	sbr.rel $0x88, $3  }
0x1: {  	(tag) =	ssettag $0x0;
	lr =	simm.s32 $0x1  }
0x2: {  	[smem:$0x3F96] =	sst lr;
	_ =	strace $0xD0000000  }
0x3: {  	_ = 	snop  }
0x4: {  	_ = 	snop  }
0x5: {  	_ = 	snop  }
0x6: {  	_ = 	snop  }
0x7: {  	_ = 	snop  }
__scs_overlays_trampoline_lowered:
0x8: {  	[smem:$0x3FA5] =	sst s0  }
0x9: {  	[smem:$0x3FA6] =	sst s1  }
0xa: {  	[smem:$0x3FA7] =	sst s2  }
0xb: {  	[smem:$0x3FA8] =	sst s3  }
0xc: {  	[smem:$0x3FA9] =	sst s4  }
0xd: {  	[smem:$0x3FAA] =	sst s5  }
0xe: {  	[smem:$0x3FAB] =	sst s6  }
0xf: {  	[smem:$0x3FAC] =	sst s7  }
0x10: {  	[smem:$0x3FAD] =	sst s8  }
0x11: {  	[smem:$0x3FAE] =	sst s9;
	s0 =	simm.s32 @!p0 $0x0  }
0x12: {  	s1 =	sld [smem:$0x3F94];
	s0 =	simm.s32 @p0 $0x1  }
0x13: {  	[smem:$0x3FAF] =	sst s0;
	s0 =	simm.s32 @!p1 $0x0  }
0x14: {  	s2 =	sld [smem:$0x3F93];
	s0 =	simm.s32 @p1 $0x1  }
0x15: {  	[smem:$0x3FB0] =	sst s0;
	s0 =	simm.s32 @!p2 $0x0  }
0x16: {  	s3 =	sld [smem:$0x3FDB];
	s0 =	simm.s32 @p2 $0x1  }
0x17: {  	s4 =	simm.s32 $0x1BF5;
	[smem:$0x3FB2] =	sst s0  }
0x18: {  	s0 =	sld [smem:$0x3F95];
	_ =	swait.ge [sflag:s4], $0x0  }
0x19: {  	s7 =	sld [smem:$0x3F96]  }
0x1a: {  	s8 =	sadd.s32 $0xFFFFE003, lr  }
0x1b: {  	s9 =	sadd.s32 $0xFFFFFEF7, lr;
	s5 =	simm.s32 $0xFFFFFFFF;
	p2 =	slt.u32 s8, $0xFFFFF086  }
0x1c: {  	p1 =	slt.u32 s9, $0xF7A;
	s5 =	simm.s32 @!p2 $0x0  }
0x1d: {  	s5 =	simm.s32 @p1 $0x1;
	p0 =	seq.s32 s7, s2  }
0x1e: {  	s7 =	smul.u32 @!p0 $0xF7A, s2;
	p2 =	seq.s32 @!p0 s5, $0x0  }
0x1f: {  	s9 =	smul.u32 $0xF7A, s1;
	s8 =	simm.s32 @!p0 $0x1BF5;
	p2 =	por !p2, p0  }
0x20: {  	[sflag:s8] =	ssyncset.s32 @!p0 $0xFFFFF086;
	s6 =	sadd.s32 @!p0 s3, s7;
	s7 =	simm.s32 @!p0 $0x108  }
0x21: {  	s3 =	sadd.s32 s3, s9;
	s6 =	sadd.s32 @!p0 $0x88, s6;
	s7 =	simm.s32 @p2 $0x1082  }
0x22: {  	[simem:s7], [sflag:s8] =	dma.local @!p0 [hbm:s6], $0xF7A  }
0x23: {  	s9 =	sor.u32 $0xD0000000, s2;
	s6 =	simm.s32 $0x108;
	_ =	swait.ge @!p0 [sflag:s8], $0x0  }
0x24: {  	s3 =	sadd.s32 $0x88, s3;
	s6 =	simm.s32 @!p1 $0x1082;
	[sflag:s4] =	ssyncset.s32 $0xFFFFF086  }
0x25: {  	[simem:s6], [sflag:s4] =	dma.local [hbm:s3], $0xF7A  }
0x26: {  	[smem:$0x3F96] =	sst s1;
	(tag) =	ssettag s2;
	_ =	strace s9  }
0x27: {  	s1 =	sld [smem:$0x3FA6]  }
0x28: {  	s2 =	sld [smem:$0x3FA7]  }
0x29: {  	s4 =	sld [smem:$0x3FA9]  }
0x2a: {  	p0 =	seq.s32 s5, $0x0;
	s5 =	sld [smem:$0x3FAA]  }
0x2b: {  	s6 =	sld [smem:$0x3FAB]  }
0x2c: {  	s7 =	sld [smem:$0x3FAC]  }
0x2d: {  	s3 =	simm.s32 $0x108;
	s8 =	sld [smem:$0x3FAD]  }
0x2e: {  	s3 =	simm.s32 @!p0 $0x1082;
	s9 =	sld [smem:$0x3FAE]  }
0x2f: {  	lr =	sadd.s32 s0, s3;
	s0 =	sld [smem:$0x3FA5]  }
0x30: {  	s3 =	sld [smem:$0x3FA8]  }
0x31: {  	[smem:$0x3FB1] =	sst s10  }
0x32: {  	s10 =	sld [smem:$0x3FAF];
	_ =	sdelay $0x3  }
0x33: {  	p0 =	seq.s32 s10, $0x1;
	s10 =	sld [smem:$0x3FB1];
	_ =	sdelay $0x3  }
0x34: {  	[smem:$0x3FB1] =	sst s10  }
0x35: {  	s10 =	sld [smem:$0x3FB0];
	_ =	sdelay $0x3  }
0x36: {  	p1 =	seq.s32 s10, $0x1;
	s10 =	sld [smem:$0x3FB1];
	_ =	sdelay $0x3  }
0x37: {  	[smem:$0x3FB1] =	sst s10  }
0x38: {  	s10 =	sld [smem:$0x3FB2]  }
0x39: {  	_ = 	snop;
	(pc) =	sbr.ind lr, $3  }
0x3a: {  	_ = 	snop  }
0x3b: {  	_ = 	snop  }
0x3c: {  	p2 =	seq.s32 s10, $0x1;
	s10 =	sld [smem:$0x3FB1]  }
0x3d: {  	_ =	shalt  }
0x3e: {  	_ =	shalt  }
0x3f: {  	_ =	shalt  }
0x40: {  	_ =	shalt  }
0x41: {  	_ =	shalt  }
0x42: {  	_ =	shalt  }
0x43: {  	_ =	shalt  }
0x44: {  	_ =	shalt  }
0x45: {  	_ =	shalt  }
0x46: {  	_ =	shalt  }
0x47: {  	_ =	shalt  }
0x48: {  	_ =	shalt  }
0x49: {  	_ =	shalt  }
0x4a: {  	_ =	shalt  }
0x4b: {  	_ =	shalt  }
0x4c: {  	_ =	shalt  }
0x4d: {  	_ =	shalt  }
0x4e: {  	_ =	shalt  }
0x4f: {  	_ =	shalt  }
0x50: {  	_ =	shalt  }
0x51: {  	_ =	shalt  }
0x52: {  	_ =	shalt  }
0x53: {  	_ =	shalt  }
0x54: {  	_ =	shalt  }
0x55: {  	_ =	shalt  }
0x56: {  	_ =	shalt  }
0x57: {  	_ =	shalt  }
0x58: {  	_ =	shalt  }
0x59: {  	_ =	shalt  }
0x5a: {  	_ =	shalt  }
0x5b: {  	_ =	shalt  }
0x5c: {  	_ =	shalt  }
0x5d: {  	_ =	shalt  }
0x5e: {  	_ =	shalt  }
0x5f: {  	_ =	shalt  }
0x60: {  	_ =	shalt  }
0x61: {  	_ =	shalt  }
0x62: {  	_ =	shalt  }
0x63: {  	_ =	shalt  }
0x64: {  	_ =	shalt  }
0x65: {  	_ =	shalt  }
0x66: {  	_ =	shalt  }
0x67: {  	_ =	shalt  }
0x68: {  	_ =	shalt  }
0x69: {  	_ =	shalt  }
0x6a: {  	_ =	shalt  }
0x6b: {  	_ =	shalt  }
0x6c: {  	_ =	shalt  }
0x6d: {  	_ =	shalt  }
0x6e: {  	_ =	shalt  }
0x6f: {  	_ =	shalt  }
0x70: {  	_ =	shalt  }
0x71: {  	_ =	shalt  }
0x72: {  	_ =	shalt  }
0x73: {  	_ =	shalt  }
0x74: {  	_ =	shalt  }
0x75: {  	_ =	shalt  }
0x76: {  	_ =	shalt  }
0x77: {  	_ =	shalt  }
0x78: {  	_ =	shalt  }
0x79: {  	_ =	shalt  }
0x7a: {  	_ =	shalt  }
0x7b: {  	_ =	shalt  }
0x7c: {  	_ =	shalt  }
0x7d: {  	_ =	shalt  }
0x7e: {  	_ =	shalt  }
0x7f: {  	_ =	shalt  }
0x80: {  	_ =	shalt  }
0x81: {  	_ =	shalt  }
0x82: {  	_ =	shalt  }
0x83: {  	_ =	shalt  }
0x84: {  	_ =	shalt  }
0x85: {  	_ =	shalt  }
0x86: {  	_ =	shalt  }
0x87: {  	_ =	shalt  }
.Lfunc_end0:
.L_simem_size_0:
called_computation_lowered:
.L_overlay_start_0:
0x88: {  	s2 =	sld [smem:$0x3FD9]  }
0x89: {  	s3 =	sld [smem:$0x3FFE];
	_ =	sdelay $0x1  }
0x8a: {  	s1 =	srdreg.scid  }
0x8b: {  	s0 =	sand.u32 $0x1, s1  }
0x8c: {  	s16 =	sshll.u32 s0, $0xA;
	s2 =	sadd.s32 s3, s2  }
0x8d: {  	s2 =	sadd.s32 s2, s16  }
0x8e: {  	[smem:$0x3FBD] =	sst s2  }
0x8f: {  	_ = 	snop  }
0x90: {  	(tm) =	ssettm $0x1  }
0x91: {  	s17 =	sld [smem:$0x3FFB];
	_ =	sdelay $0x3  }
0x92: {  	_ =	strace s17  }
0x93: {  	s2 =	sld [smem:$0x3FFC];
	_ =	sdelay $0x3  }
0x94: {  	_ =	strace s2  }
0x95: {  	s2 =	sld [smem:$0x3FFD];
	_ =	sdelay $0x3  }
0x96: {  	_ =	strace s2  }
0x97: {  	_ =	strace $0x8FFFFFFF  }
0x98: {  	s18 =	sld [smem:$0x3FDB];
	_ =	sdelay $0x1  }
0x99: {  	s19 =	simm.s32 $_scs_section_size  }
0x9a: {  	s4 =	simm.s32 $_size__tile_overlayer_lowered;
	s5 =	simm.s32 $_tile_overlayer_lowered  }
0x9b: {  	s22 =	simm.s32 $0x1BFF;
	s21 =	sshll.u32 s5, $0x1;
	s2 =	sadd.s32 s19, s18  }
0x9c: {  	s6 =	simm.s32 $0x0;
	s20 =	sshll.u32 s4, $0x1;
	s4 =	sadd.s32 s21, s2  }
0x9d: {  	[timem:s6], [sflag:s22] =	dma.local [hbm:s4], s20  }
0x9e: {  	_ =	swait.ge [sflag:s22], s20  }
0x9f: {  	s3 =	ssub.s32 $0x0, s20;
	[sflag:s22] =	ssyncset.done $0x0  }
0xa0: {  	[sflag:s22] =	ssyncadd.s32 s3;
	_ =	sdelay $0x1  }
0xa1: {  	s23 =	simm.s32 $0x1B8B  }
0xa2: {  	_ =	swait.ge [sflag:s23], $0x1  }
0xa3: {  	[sflag:s23] =	ssyncset.done $0x0  }
0xa4: {  	s25 =	simm.s32 $0x1B8E;
	s24 =	sld [smem:$0x3FFE];
	[sflag:s23] =	ssyncadd.s32 $0xFFFFFFFF  }
0xa5: {  	s26 =	simm.s32 $execute0_lowered;
	[smem:$0x3FD2] =	sst s25  }
0xa6: {  	s4 =	sshll.u32 s26, $0x1;
	_ =	strace $0x80000046;
	[dreg:$0x1] =	wrdreg $0xFFFFFFFF  }
0xa7: {  	s28 =	simm.s32 $_size_execute0_lowered;
	s2 =	sadd.s32 s2, s4;
	[dreg:$0x0] =	wrdreg $0x0  }
0xa8: {  	s4 =	sshll.u32 s28, $0x1;
	[dreg:$0x2] =	wrdreg s2  }
0xa9: {  	[dreg:$0x3] =	wrdreg s4  }
0xaa: {  	[dreg:$0x4] =	wrdreg $0xC0  }
0xab: {  	_ =	task [dreg:s6], $0x5FFFF  }
0xac: {  	[dreg:$0x1] =	wrdreg $0xFFFFFFFF  }
0xad: {  	[dreg:$0x0] =	wrdreg $0x60  }
0xae: {  	[dreg:$0x2] =	wrdreg s24  }
0xaf: {  	[dreg:$0x3] =	wrdreg $0xA4000  }
0xb0: {  	[dreg:$0x4] =	wrdreg $0x9  }
0xb1: {  	_ =	task.clear_ibuf [dreg:s6], $0x5FFFF;
	_ =	strace $0x90000046  }
0xb2: {  	s29 =	simm.s32 $0x9;
	_ =	strace $0x80000048  }
0xb3: {  	_ =	swait.ge [sflag:s29], $0x1  }
0xb4: {  	[sflag:s29] =	ssyncadd.s32 $0xFFFFFFFF  }
0xb5: {  	_ =	strace $0x90000048  }
0xb6: {  	_ =	sfence  }
0xb7: {  	s30 =	sld [smem:$0x0];
	_ =	sdelay $0x2  }
0xb8: {  	s31 =	sshll.u32 s1, $0xD;
	s1 =	sshrl.u32 s1, $0x2  }
0xb9: {  	s3 =	sand.u32 $0x4000, s31;
	s1 =	sadd.s32 s1, s30  }
0xba: {  	s0 =	sor.u32 s3, s0;
	s1 =	sshll.u32 s1, $0x11  }
0xbb: {  	s0 =	sor.u32 s1, s0  }
0xbc: {  	s0 =	sadd.s32 $0x8F2B, s0  }
0xbd: {  	[sflag:s0] =	ssyncadd.remote.s32 $0x1  }
0xbe: {  	_ =	sfence.sel $0xFFFF  }
0xbf: {  	[dreg:$0x0] =	wrdreg $0xFFFFFFFF;
	(pc) =	sbr.abs _section_cstart, $3  }
0xc0: {  	[dreg:$0x1] =	wrdreg $0xFFFFFFFF  }
0xc1: {  	_ =	task.clear_ibuf [dreg:s6], $0x2FFFF;
	_ =	strace $0x9FFFFFFF  }
0xc2: {  	(tm) =	ssettm $0x7FFFFFFF  }
0xc3: {  	_ =	shalt  }
tec
execute0_lowered:
.L_overlay_start_1:
0x0: {  	(tag) =	ssettag $0x1  }
0x1: {  	s0 =	rddreg [dreg:$0x0]  }
0x2: {  	s1 =	rddreg [dreg:$0x1];
	s2 =	simm.s32 $0x0;
	s3 =	srdreg.scid  }
0x3: {  	s12 =	stileid.u32;
	s31 =	simm.s32 $0x80;
	s28 =	simm.s32 $0x1  }
0x4: {  	s29 =	simm.s32 $0x3;
	[smem:$0x7FF] =	sst s2;
	s4 =	sadd.s32 $0x1E00, s0  }
0x5: {  	s5 =	sadd.s32 $0x4E3E00, s0;
	s3 =	sand.u32 $0x1, s3;
	s8 =	smul.u32 $0x4F000, s12  }
0x6: {  	s6 =	sadd.s32 $0x4F7800, s0;
	s11 =	smul.u32 $0x13C00, s12;
	s0 =	sadd.s32 $0x29000, s0  }
0x7: {  	_ =	strace $0x80000047;
	s7 =	ssub.s32 $0x2, s3;
	s10 =	sshll.u32 s3, $0x4  }
0x8: {  	s3 =	smul.u32 $0x13C000, s3;
	s9 =	sshrl.u32 s7, $0x1;
	s8 =	sshrl.u32 s8, $0x2  }
0x9: {  	s13 =	sadd.s32 $0x7800, s11;
	s14 =	sadd.s32 $0xA000, s11;
	s16 =	sadd.s32 $0xC800, s11  }
0xa: {  	s18 =	sadd.s32 $0xF000, s11;
	s7 =	ssub.s32 s7, s9;
	s9 =	sor.u32 s12, s10  }
0xb: {  	s10 =	sadd.s32 $0x2800, s11;
	s12 =	sadd.s32 $0x5000, s11;
	s15 =	sadd.s32 s11, s3  }
0xc: {  	s11 =	sadd.s32 $0x11800, s11;
	s21 =	sadd.s32 s3, s13;
	s24 =	sadd.s32 s3, s16  }
0xd: {  	s25 =	sadd.s32 s3, s18;
	s30 =	sadd.s32 s16, s1;
	s18 =	sadd.s32 s18, s1  }
0xe: {  	s17 =	sadd.s32 s3, s10;
	s15 =	sshrl.u32 s15, $0x3;
	[dreg:$0x10] =	wrdreg s30  }
0xf: {  	s20 =	sadd.s32 s3, s12;
	s12 =	sadd.s32 s12, s1;
	[dreg:$0x11] =	wrdreg s18  }
0x10: {  	s17 =	sshrl.u32 s17, $0x3;
	s15 =	sadd.s32 s0, s15;
	[dreg:$0xd] =	wrdreg s12  }
0x11: {  	[dreg:$0x3] =	wrdreg s15;
	s19 =	sadd.s32 s0, s17;
	s15 =	sshrl.u32 s20, $0x3  }
0x12: {  	s17 =	sshrl.u32 s21, $0x3;
	[dreg:$0x4] =	wrdreg s19;
	s15 =	sadd.s32 s0, s15  }
0x13: {  	s19 =	sadd.s32 s3, s14;
	s22 =	sadd.s32 s0, s17;
	[dreg:$0x5] =	wrdreg s15  }
0x14: {  	s3 =	sadd.s32 s3, s11;
	s11 =	sadd.s32 s11, s1;
	[dreg:$0x6] =	wrdreg s22  }
0x15: {  	s17 =	sshrl.u32 s25, $0x3;
	s25 =	sadd.s32 s13, s1;
	[dreg:$0x12] =	wrdreg s11  }
0x16: {  	s14 =	sadd.s32 s14, s1;
	s13 =	smul.u32 $0x27100, s9;
	[dreg:$0xe] =	wrdreg s25  }
0x17: {  	s19 =	sshrl.u32 s19, $0x3;
	s26 =	sadd.s32 s0, s17;
	[dreg:$0xf] =	wrdreg s14  }
0x18: {  	s15 =	sshrl.u32 s24, $0x3;
	s22 =	smax.u32 s7, $0x1;
	[dreg:$0x9] =	wrdreg s26  }
0x19: {  	s3 =	sshrl.u32 s3, $0x3;
	s23 =	sadd.s32 s0, s19;
	[dreg:$0x18] =	wrdreg s22  }
0x1a: {  	s7 =	simm.s32 $0xB;
	s15 =	sadd.s32 s0, s15;
	[dreg:$0x7] =	wrdreg s23  }
0x1b: {  	s11 =	simm.s32 $0x50;
	s0 =	sadd.s32 s0, s3;
	[dreg:$0x8] =	wrdreg s15  }
0x1c: {  	s19 =	sadd.s32 s8, s1;
	s22 =	simm.s32 $0x7;
	[dreg:$0xa] =	wrdreg s0  }
0x1d: {  	s15 =	smul.u32 $0x2710, s9;
	s0 =	sadd.s32 s6, s13;
	[dreg:$0xb] =	wrdreg s19  }
0x1e: {  	s23 =	sadd.s32 s10, s1;
	s13 =	simm.s32 $0x2C00;
	[dreg:$0x17] =	wrdreg s0  }
0x1f: {  	s10 =	simm.s32 $0x0;
	s0 =	simm.s32 $0x5;
	[dreg:$0xc] =	wrdreg s23  }
0x20: {  	s24 =	sadd.s32 $0x4E200, s15;
	s16 =	sadd.s32 $0x50, s15;
	s17 =	sshrl.u32 s15, $0x3  }
0x21: {  	s20 =	sshrl.u32 s24, $0x3;
	[dreg:$0x13] =	wrdreg s16;
	s3 =	sadd.s32 s5, s17  }
0x22: {  	s9 =	sshrl.u32 s16, $0x3;
	s8 =	sadd.s32 s5, s20;
	[dreg:$0x14] =	wrdreg s3  }
0x23: {  	s16 =	simm.s32 $0x2;
	s21 =	sadd.s32 s5, s9;
	[dreg:$0x15] =	wrdreg s8  }
0x24: {  	s17 =	simm.s32 $0x4;
	s26 =	sadd.s32 $0x9C4A, s3;
	[dreg:$0x16] =	wrdreg s21  }
0x25: {  	s3 =	simm.s32 $0x400;
	s20 =	simm.s32 $0x6;
	[dreg:$0x19] =	wrdreg s26  }
0x26: {  	v0 =	vimm.f32 $0.0e+00;
	s8 =	simm.s32 $0x200;
	s26 =	simm.s32 $0x9;
	s21 =	simm.s32 $0xA  }
.LBB2_1:
0x27: {  	[dreg:$0x1a] =	wrdreg s10;
	s9 =	simm.s32 $0x0;
	s10 =	simm.s32 $0x200  }
.LBB2_2:
0x28: {  	p0 =	sne.s32 s10, $0x9E00;
	[tilespmem:s9+$0x470] =	vst v0  }
0x29: {  	[tilespmem:s9+$0x400] =	vst v0  }
0x2a: {  	[tilespmem:s9+$0x410] =	vst v0  }
.Ltmp0:
0x2b: {  	[tilespmem:s9+$0x420] =	vst v0;
	(pc) =	sbr.rel @p0 .LBB2_2-.Ltmp0, $4  }
0x2c: {  	[tilespmem:s9+$0x430] =	vst v0  }
0x2d: {  	[tilespmem:s9+$0x440] =	vst v0  }
0x2e: {  	[tilespmem:s9+$0x450] =	vst v0  }
0x2f: {  	[tilespmem:s9+$0x460] =	vst v0;
	s9 =	sshra.s32 s10, $0x2;
	s10 =	sadd.s32 $0x200, s10  }
0x30: {  	[tilespmem:s9+$0x470] =	vst v0  }
0x31: {  	[tilespmem:s9+$0x400] =	vst v0  }
0x32: {  	[tilespmem:s9+$0x410] =	vst v0  }
0x33: {  	[tilespmem:s9+$0x420] =	vst v0  }
0x34: {  	[tilespmem:s9+$0x430] =	vst v0  }
0x35: {  	[tilespmem:s9+$0x440] =	vst v0  }
0x36: {  	[tilespmem:s9+$0x450] =	vst v0  }
0x37: {  	[tilespmem:s9+$0x460] =	vst v0  }
0x38: {  	[spmem:s19] =	stream.linear.scatter [tilespmem:s3], [sflag:$0xB], $0x2800, $0x38;
	[tilespmem:$0x1E000] =	vst v63  }
0x39: {  	_ =	swait.ge [sflag:s7], $0x2800  }
0x3a: {  	[sflag:s7] =	ssyncset.done $0x0  }
0x3b: {  	[sflag:s7] =	ssyncadd.s32 $0xFFFFD800  }
0x3c: {  	[spmem:s23] =	stream.linear.scatter [tilespmem:s3], [sflag:$0xB], $0x2800, $0x38;
	[tilespmem:$0x1E000] =	vst v63  }
0x3d: {  	_ =	swait.ge [sflag:s7], $0x2800  }
0x3e: {  	[sflag:s7] =	ssyncset.done $0x0  }
0x3f: {  	[sflag:s7] =	ssyncadd.s32 $0xFFFFD800  }
0x40: {  	[spmem:s12] =	stream.linear.scatter [tilespmem:s3], [sflag:$0xB], $0x2800, $0x38;
	[tilespmem:$0x1E000] =	vst v63  }
0x41: {  	_ =	swait.ge [sflag:s7], $0x2800  }
0x42: {  	[sflag:s7] =	ssyncset.done $0x0  }
0x43: {  	[sflag:s7] =	ssyncadd.s32 $0xFFFFD800  }
0x44: {  	[spmem:s25] =	stream.linear.scatter [tilespmem:s3], [sflag:$0xB], $0x2800, $0x38;
	[tilespmem:$0x1E000] =	vst v63  }
0x45: {  	_ =	swait.ge [sflag:s7], $0x2800  }
0x46: {  	[sflag:s7] =	ssyncset.done $0x0  }
0x47: {  	[sflag:s7] =	ssyncadd.s32 $0xFFFFD800  }
0x48: {  	[spmem:s14] =	stream.linear.scatter [tilespmem:s3], [sflag:$0xB], $0x2800, $0x38;
	[tilespmem:$0x1E000] =	vst v63  }
0x49: {  	_ =	swait.ge [sflag:s7], $0x2800  }
0x4a: {  	[sflag:s7] =	ssyncset.done $0x0  }
0x4b: {  	[sflag:s7] =	ssyncadd.s32 $0xFFFFD800  }
0x4c: {  	[spmem:s30] =	stream.linear.scatter [tilespmem:s3], [sflag:$0xB], $0x2800, $0x38;
	[tilespmem:$0x1E000] =	vst v63  }
0x4d: {  	_ =	swait.ge [sflag:s7], $0x2800  }
0x4e: {  	[sflag:s7] =	ssyncset.done $0x0  }
0x4f: {  	[sflag:s7] =	ssyncadd.s32 $0xFFFFD800  }
0x50: {  	[spmem:s18] =	stream.linear.scatter [tilespmem:s3], [sflag:$0xB], $0x2800, $0x38;
	[tilespmem:$0x1E000] =	vst v63  }
0x51: {  	_ =	swait.ge [sflag:s7], $0x2800  }
0x52: {  	[sflag:s7] =	ssyncset.done $0x0  }
0x53: {  	s10 =	rddreg [dreg:$0x12];
	[sflag:s7] =	ssyncadd.s32 $0xFFFFD800  }
0x54: {  	[spmem:s10] =	stream.linear.scatter [tilespmem:s3], [sflag:$0xB], $0x2400, $0x38;
	[tilespmem:$0x1E000] =	vst v63  }
0x55: {  	_ =	swait.ge [sflag:s7], $0x2400  }
0x56: {  	[sflag:s7] =	ssyncset.done $0x0  }
0x57: {  	[sflag:s7] =	ssyncadd.s32 $0xFFFFDC00  }
0x58: {  	[bflag:$0x0] =	sbarrier.arrive $0xFFFF  }
0x59: {  	s23 =	simm.s32 $0x0;
	s12 =	rddreg [dreg:$0x14]  }
0x5a: {  	[tilespmem:s23], [sflag:$0xB] =	stream.linear.gather [hbm4b:s12+s23], $0x50, $0x38;
	[tilespmem:$0x1E000] =	vst v63  }
0x5b: {  	_ =	swait.ge [sflag:s7], $0x50  }
0x5c: {  	[sflag:s7] =	ssyncset.done $0x0  }
0x5d: {  	s14 =	rddreg [dreg:$0x15];
	[sflag:s7] =	ssyncadd.s32 $0xFFFFFFB0  }
0x5e: {  	[tilespmem:s8], [sflag:$0xB] =	stream.linear.gather [hbm4b:s14+s23], $0x50, $0x38;
	[tilespmem:$0x1E000] =	vst v63  }
0x5f: {  	_ =	swait.ge [sflag:s7], $0x50  }
0x60: {  	[sflag:s7] =	ssyncset.done $0x0  }
0x61: {  	s18 =	rddreg [dreg:$0x16];
	[sflag:s7] =	ssyncadd.s32 $0xFFFFFFB0  }
0x62: {  	[tilespmem:s31], [sflag:$0xB] =	stream.linear.gather [hbm4b:s18+s23], $0x50, $0x38;
	[tilespmem:$0x1E000] =	vst v63  }
0x63: {  	_ =	swait.ge [sflag:s7], $0x50  }
0x64: {  	[sflag:s7] =	ssyncset.done $0x0  }
0x65: {  	s10 =	simm.s32 $0x280;
	s19 =	rddreg [dreg:$0x19];
	[sflag:s7] =	ssyncadd.s32 $0xFFFFFFB0  }
0x66: {  	[tilespmem:s10], [sflag:$0xB] =	stream.linear.gather [hbm4b:s19+s23], $0x50, $0x38;
	[tilespmem:$0x1E000] =	vst v63  }
0x67: {  	_ =	swait.ge [sflag:s7], $0x50  }
0x68: {  	[sflag:s7] =	ssyncset.done $0x0  }
0x69: {  	[sflag:s7] =	ssyncadd.s32 $0xFFFFFFB0  }
0x6a: {  	[tilespmem:s3], [sflag:$0x1] =	stream.indirect.gather [hbm4b:s4+s11], $0x80, s23, s11, $0xb8;
	[tilespmem:$0x1E000] =	vst v63  }
0x6b: {  	s30 =	simm.s32 $0x5400;
	s25 =	rddreg [dreg:$0x17]  }
0x6c: {  	[tilespmem:s30], [sflag:$0x3] =	stream.linear.gather [hbm4b:s25+s23], $0x2800, $0x38;
	[tilespmem:$0x1E000] =	vst v63  }
.LBB2_4:
0x6d: {  	p0 =	seq.s32 s23, $0x0  }
0x6e: {  	s9 =	simm.s32 @!p0 $0x6  }
0x6f: {  	_ =	swait.ge @!p0 [sflag:s9], $0x2800  }
0x70: {  	[sflag:s9] =	ssyncset.done @!p0 $0x0  }
0x71: {  	[sflag:s9] =	ssyncadd.s32 @!p0 $0xFFFFD800;
	s9 =	simm.s32 @!p0 $0x8  }
0x72: {  	_ =	swait.ge @!p0 [sflag:s9], $0x50  }
0x73: {  	[sflag:s9] =	ssyncset.done @!p0 $0x0  }
0x74: {  	[sflag:s9] =	ssyncadd.s32 @!p0 $0xFFFFFFB0  }
0x75: {  	s14 =	smul.u32 $0x140, s23;
	_ =	swait.ge @!p0 [sflag:s9], $0x50  }
0x76: {  	[sflag:s9] =	ssyncset.done @!p0 $0x0;
	s10 =	rddreg [dreg:$0x13]  }
0x77: {  	[sflag:s9] =	ssyncadd.s32 @!p0 $0xFFFFFFB0;
	s9 =	sadd.s32 s14, s10  }
0x78: {  	[tilespmem:s13], [sflag:$0x2] =	stream.indirect.gather [hbm4b:s4+s11], $0x80, s31, s11, $0xb8;
	[tilespmem:$0x1E000] =	vst v63  }
0x79: {  	s9 =	sshll.u32 s9, $0x4  }
0x7a: {  	s10 =	simm.s32 $0x7C00;
	s9 =	sadd.s32 s6, s9  }
0x7b: {  	[tilespmem:s10], [sflag:$0x4] =	stream.linear.gather [hbm4b:s9+s2], $0x2800, $0x38;
	[tilespmem:$0x1E000] =	vst v63  }
0x7c: {  	_ =	swait.ge [sflag:s28], $0x2800  }
0x7d: {  	s12 =	sadd.s32 $0xA0, s14;
	[sflag:s28] =	ssyncset.done $0x0  }
0x7e: {  	s30 =	sadd.s32 s15, s12;
	[sflag:s28] =	ssyncadd.s32 $0xFFFFD800  }
0x7f: {  	s18 =	sshrl.u32 s30, $0x3;
	_ =	swait.ge [sflag:s29], $0x2800  }
0x80: {  	s9 =	sadd.s32 s24, s12;
	s10 =	sadd.s32 s5, s18;
	[sflag:s29] =	ssyncset.done $0x0  }
0x81: {  	s12 =	simm.s32 $0x100;
	s9 =	sshrl.u32 s9, $0x3;
	[sflag:s29] =	ssyncadd.s32 $0xFFFFD800  }
0x82: {  	[tilespmem:s12], [sflag:$0x9] =	stream.linear.gather [hbm4b:s10+s2], $0x50, $0x38;
	[tilespmem:$0x1E000] =	vst v63  }
0x83: {  	s19 =	simm.s32 $0x300;
	s25 =	simm.s32 $0x5480;
	s9 =	sadd.s32 s5, s9  }
0x84: {  	[tilespmem:s19], [sflag:$0x9] =	stream.linear.gather [hbm4b:s9+s2], $0x50, $0x38;
	[tilespmem:$0x1E000] =	vst v63  }
0x85: {  	s31 =	simm.s32 $0x480;
	v1 =	vld [tilespmem:s25+$0x0]  }
0x86: {  	v2 =	vld [tilespmem:s31+$0x0]  }
0x87: {  	v3 =	vld [tilespmem:s31+$0x40];
	_ =	sdelay $0x2  }
0x88: {  	v4 =	vld [tilespmem:s25+$0xFFFFFF80];
	v5 =	vshll.u32 v1, $0x10  }
0x89: {  	v6 =	vld [tilespmem:s31+$0xFFFFFF80];
	v1 =	vand.u32 $0xFFFF0000, v1;
	v2 =	vmul.f32 v5, v2  }
0x8a: {  	v5 =	vld [tilespmem:s31+$0xFFFFFFC0];
	v1 =	vmul.f32 v1, v3  }
0x8b: {  	[tilespmem:s31+$0x0] =	vst v2  }
0x8c: {  	v8 =	vld [tilespmem:s31+$0xFFFFFFA0];
	[tilespmem:s31+$0x40] =	vst v1  }
0x8d: {  	v1 =	vshll.u32 v4, $0x10;
	v7 =	vld [tilespmem:s25+$0x10]  }
0x8e: {  	v4 =	vand.u32 $0xFFFF0000, v4;
	v1 =	vmul.f32 v1, v6;
	v6 =	vld [tilespmem:s31+$0x10]  }
0x8f: {  	v4 =	vmul.f32 v4, v5;
	v5 =	vld [tilespmem:s31+$0x50]  }
0x90: {  	v10 =	vld [tilespmem:s31+$0xFFFFFFB0]  }
0x91: {  	v12 =	vld [tilespmem:s31+$0xFFFFFFF0];
	[tilespmem:s31+$0xFFFFFF80] =	vst v1  }
0x92: {  	v9 =	vld [tilespmem:s31+$0x20];
	[tilespmem:s31+$0xFFFFFFC0] =	vst v4;
	v4 =	vshll.u32 v7, $0x10  }
0x93: {  	v1 =	vld [tilespmem:s25+$0xFFFFFF90];
	v7 =	vand.u32 $0xFFFF0000, v7;
	v4 =	vmul.f32 v4, v6  }
0x94: {  	v3 =	vld [tilespmem:s31+$0xFFFFFF90];
	v5 =	vmul.f32 v7, v5  }
0x95: {  	s19 =	simm.s32 $0x580;
	v2 =	vld [tilespmem:s31+$0xFFFFFFD0];
	[tilespmem:s31+$0x10] =	vst v4  }
0x96: {  	v11 =	vld [tilespmem:s19+$0x40];
	[tilespmem:s31+$0x50] =	vst v5  }
0x97: {  	v4 =	vld [tilespmem:s25+$0x20]  }
0x98: {  	v14 =	vld [tilespmem:s19+$0xFFFFFFC0];
	v5 =	vshll.u32 v1, $0x10  }
0x99: {  	s18 =	simm.s32 $0x5580;
	v1 =	vand.u32 $0xFFFF0000, v1;
	v3 =	vmul.f32 v5, v3;
	v5 =	vld [tilespmem:s31+$0x60]  }
0x9a: {  	v1 =	vmul.f32 v1, v2;
	v2 =	vld [tilespmem:s18+$0x0]  }
0x9b: {  	[tilespmem:s31+$0xFFFFFF90] =	vst v3;
	v3 =	vld [tilespmem:s19+$0x0]  }
0x9c: {  	v58 =	vld [tilespmem:s19+$0x10];
	[tilespmem:s31+$0xFFFFFFD0] =	vst v1;
	v1 =	vshll.u32 v4, $0x10  }
0x9d: {  	v4 =	vand.u32 $0xFFFF0000, v4;
	v1 =	vmul.f32 v1, v9;
	v9 =	vld [tilespmem:s18+$0xFFFFFF80]  }
0x9e: {  	v4 =	vmul.f32 v4, v5;
	v5 =	vld [tilespmem:s19+$0xFFFFFF80]  }
0x9f: {  	v13 =	vld [tilespmem:s25+$0xFFFFFFA0];
	[tilespmem:s31+$0x20] =	vst v1;
	v1 =	vshll.u32 v2, $0x10  }
0xa0: {  	v6 =	vld [tilespmem:s31+$0xFFFFFFE0];
	v2 =	vand.u32 $0xFFFF0000, v2;
	v1 =	vmul.f32 v1, v3  }
0xa1: {  	v7 =	vld [tilespmem:s31+$0x30];
	[tilespmem:s31+$0x60] =	vst v4;
	v2 =	vmul.f32 v2, v11  }
0xa2: {  	v15 =	vld [tilespmem:s25+$0x30];
	[tilespmem:s19+$0x0] =	vst v1;
	v1 =	vshll.u32 v9, $0x10  }
0xa3: {  	v3 =	vld [tilespmem:s19+$0xFFFFFF90];
	[tilespmem:s19+$0x40] =	vst v2;
	v2 =	vand.u32 $0xFFFF0000, v9;
	v1 =	vmul.f32 v1, v5  }
0xa4: {  	v4 =	vshll.u32 v13, $0x10;
	v9 =	vld [tilespmem:s18+$0x10];
	v2 =	vmul.f32 v2, v14  }
0xa5: {  	v4 =	vmul.f32 v4, v8;
	v8 =	vld [tilespmem:s31+$0x70];
	[tilespmem:s19+$0xFFFFFF80] =	vst v1  }
0xa6: {  	v5 =	vand.u32 $0xFFFF0000, v13;
	v1 =	vld [tilespmem:s19+$0x50];
	[tilespmem:s19+$0xFFFFFFC0] =	vst v2  }
0xa7: {  	v2 =	vmul.f32 v5, v6;
	v6 =	vld [tilespmem:s18+$0xFFFFFF90]  }
0xa8: {  	v11 =	vld [tilespmem:s19+$0xFFFFFFD0]  }
0xa9: {  	[tilespmem:s31+$0xFFFFFFA0] =	vst v4;
	v4 =	vld [tilespmem:s19+$0xFFFFFFA0];
	v59 =	vshll.u32 v9, $0x10  }
0xaa: {  	v5 =	vld [tilespmem:s19+$0xFFFFFFE0];
	[tilespmem:s31+$0xFFFFFFE0] =	vst v2;
	v2 =	vand.u32 $0xFFFF0000, v9;
	v9 =	vmul.f32 v59, v58  }
0xab: {  	v60 =	vld [tilespmem:s25+$0xFFFFFFB0];
	v61 =	vmul.f32 v2, v1;
	v2 =	vand.u32 $0xFFFF0000, v15  }
0xac: {  	v1 =	vld [tilespmem:s19+$0xFFFFFFB0];
	[tilespmem:s19+$0x10] =	vst v9;
	v8 =	vmul.f32 v2, v8;
	v9 =	vshll.u32 v6, $0x10  }
0xad: {  	v2 =	vld [tilespmem:s19+$0xFFFFFFF0];
	v6 =	vand.u32 $0xFFFF0000, v6;
	[tilespmem:s19+$0x50] =	vst v61;
	v9 =	vmul.f32 v9, v3  }
0xae: {  	v62 =	vshll.u32 v15, $0x10;
	v3 =	vld [tilespmem:s19+$0x30];
	[tilespmem:s31+$0x70] =	vst v8;
	v8 =	vmul.f32 v6, v11  }
0xaf: {  	v6 =	vld [tilespmem:s18+$0x20];
	v11 =	vmul.f32 v62, v7;
	[tilespmem:s19+$0xFFFFFF90] =	vst v9  }
0xb0: {  	v7 =	vld [tilespmem:s19+$0x20];
	v63 =	vshll.u32 v60, $0x10;
	[tilespmem:s19+$0xFFFFFFD0] =	vst v8  }
0xb1: {  	s10 =	simm.s32 $0x2;
	v13 =	vand.u32 $0xFFFF0000, v60;
	v9 =	vld [tilespmem:s19+$0x60];
	[tilespmem:s31+$0x30] =	vst v11;
	v11 =	vmul.f32 v63, v10  }
0xb2: {  	s12 =	simm.s32 $0x5680;
	s9 =	simm.s32 $0x580;
	s25 =	sshll.u32 s23, $0x2;
	v8 =	vmul.f32 v13, v12;
	v10 =	vld [tilespmem:s18+$0xFFFFFFA0]  }
.LBB2_5:
0xb3: {  	v12 =	vld [tilespmem:s12+$0x0];
	s19 =	sadd.s32 $0x100, s19;
	[tilespmem:s31+$0xFFFFFFB0] =	vst v11  }
0xb4: {  	v11 =	vld [tilespmem:s19+$0x0];
	v13 =	vshll.u32 v6, $0x10;
	[tilespmem:s31+$0xFFFFFFF0] =	vst v8;
	s31 =	smov.u32 s9;
	s9 =	smov.u32 s19  }
0xb5: {  	v6 =	vand.u32 $0xFFFF0000, v6;
	v8 =	vld [tilespmem:s19+$0x40];
	v7 =	vmul.f32 v13, v7  }
0xb6: {  	s10 =	sadd.s32 $0x2, s10;
	v13 =	vld [tilespmem:s12+$0xFFFFFF80];
	v6 =	vmul.f32 v6, v9  }
0xb7: {  	p0 =	slt.u32 s10, $0x4E;
	v9 =	vld [tilespmem:s19+$0xFFFFFF80];
	v14 =	vshll.u32 v10, $0x10;
	v10 =	vand.u32 $0xFFFF0000, v10;
	[tilespmem:s31+$0x20] =	vst v7  }
0xb8: {  	v7 =	vld [tilespmem:s19+$0xFFFFFFC0];
	v15 =	vshll.u32 v12, $0x10;
	v4 =	vmul.f32 v14, v4;
	v5 =	vmul.f32 v10, v5;
	[tilespmem:s31+$0x60] =	vst v6  }
0xb9: {  	v6 =	vand.u32 $0xFFFF0000, v12;
	v10 =	vmul.f32 v15, v11;
	v11 =	vld [tilespmem:s18+$0x30]  }
0xba: {  	v6 =	vmul.f32 v6, v8;
	[tilespmem:s31+$0xFFFFFFA0] =	vst v4;
	v4 =	vld [tilespmem:s31+$0x70]  }
0xbb: {  	v8 =	vshll.u32 v13, $0x10;
	v12 =	vand.u32 $0xFFFF0000, v13;
	v13 =	vld [tilespmem:s19+$0xFFFFFF90];
	[tilespmem:s19+$0x0] =	vst v10  }
0xbc: {  	v8 =	vmul.f32 v8, v9;
	v9 =	vld [tilespmem:s19+$0xFFFFFFD0];
	[tilespmem:s19+$0x40] =	vst v6  }
0xbd: {  	v6 =	vmul.f32 v12, v7;
	v7 =	vld [tilespmem:s12+$0x10];
	[tilespmem:s31+$0xFFFFFFE0] =	vst v5  }
0xbe: {  	[tilespmem:s19+$0xFFFFFF80] =	vst v8;
	v8 =	vld [tilespmem:s19+$0x10];
	v5 =	vshll.u32 v11, $0x10;
	v10 =	vand.u32 $0xFFFF0000, v11  }
0xbf: {  	[tilespmem:s19+$0xFFFFFFC0] =	vst v6;
	v6 =	vld [tilespmem:s19+$0x50];
	v3 =	vmul.f32 v5, v3;
	v5 =	vmul.f32 v10, v4  }
0xc0: {  	v10 =	vld [tilespmem:s12+$0xFFFFFF90]  }
0xc1: {  	v4 =	vld [tilespmem:s19+$0xFFFFFFA0];
	[tilespmem:s31+$0x70] =	vst v5  }
0xc2: {  	v5 =	vld [tilespmem:s19+$0xFFFFFFE0];
	v11 =	vshll.u32 v7, $0x10;
	[tilespmem:s31+$0x30] =	vst v3  }
0xc3: {  	v3 =	vand.u32 $0xFFFF0000, v7;
	v7 =	vmul.f32 v11, v8;
	v8 =	vld [tilespmem:s18+$0xFFFFFFB0];
	s18 =	smov.u32 s12  }
0xc4: {  	v12 =	vld [tilespmem:s19+$0xFFFFFFB0];
	v3 =	vmul.f32 v3, v6  }
0xc5: {  	v6 =	vshll.u32 v10, $0x10;
	v10 =	vand.u32 $0xFFFF0000, v10;
	v14 =	vld [tilespmem:s19+$0xFFFFFFF0];
	[tilespmem:s19+$0x10] =	vst v7  }
.Ltmp1:
0xc6: {  	v7 =	vmul.f32 v6, v13;
	v9 =	vmul.f32 v10, v9;
	[tilespmem:s19+$0x50] =	vst v3;
	v3 =	vld [tilespmem:s19+$0x30];
	(pc) =	sbr.rel @p0 .LBB2_5-.Ltmp1, $4  }
0xc7: {  	v6 =	vld [tilespmem:s12+$0x20]  }
0xc8: {  	[tilespmem:s19+$0xFFFFFF90] =	vst v7;
	v7 =	vld [tilespmem:s19+$0x20];
	v10 =	vshll.u32 v8, $0x10;
	v8 =	vand.u32 $0xFFFF0000, v8  }
0xc9: {  	[tilespmem:s19+$0xFFFFFFD0] =	vst v9;
	v9 =	vld [tilespmem:s19+$0x60];
	v11 =	vmul.f32 v10, v1;
	v8 =	vmul.f32 v8, v2;
	v1 =	vmov v12  }
0xca: {  	s12 =	sadd.s32 $0x100, s12;
	v10 =	vld [tilespmem:s18+$0xFFFFFFA0];
	v2 =	vmov v14  }
0xcb: {  	_ =	sdelay $0x1  }
0xcc: {  	v12 =	vshll.u32 v6, $0x10  }
0xcd: {  	v6 =	vand.u32 $0xFFFF0000, v6;
	v7 =	vmul.f32 v12, v7  }
0xce: {  	v6 =	vmul.f32 v6, v9;
	v9 =	vshll.u32 v10, $0x10  }
0xcf: {  	v10 =	vand.u32 $0xFFFF0000, v10;
	[tilespmem:s9+$0x20] =	vst v7;
	v4 =	vmul.f32 v9, v4  }
0xd0: {  	v5 =	vmul.f32 v10, v5;
	[tilespmem:s9+$0x60] =	vst v6  }
0xd1: {  	v6 =	vld [tilespmem:s18+$0x30];
	[tilespmem:s9+$0xFFFFFFA0] =	vst v4  }
0xd2: {  	v4 =	vld [tilespmem:s9+$0x70];
	[tilespmem:s9+$0xFFFFFFE0] =	vst v5  }
0xd3: {  	v5 =	vld [tilespmem:s18+$0xFFFFFFB0];
	_ =	sdelay $0x2  }
0xd4: {  	v7 =	vand.u32 $0xFFFF0000, v6  }
0xd5: {  	[tilespmem:s31+$0xFFFFFFB0] =	vst v11;
	v6 =	vshll.u32 v6, $0x10;
	v4 =	vmul.f32 v7, v4  }
0xd6: {  	[tilespmem:s31+$0xFFFFFFF0] =	vst v8;
	v3 =	vmul.f32 v6, v3;
	v6 =	vshll.u32 v5, $0x10  }
0xd7: {  	[tilespmem:s9+$0x70] =	vst v4;
	v4 =	vand.u32 $0xFFFF0000, v5;
	v1 =	vmul.f32 v6, v1  }
0xd8: {  	[tilespmem:s9+$0x30] =	vst v3;
	v2 =	vmul.f32 v4, v2  }
0xd9: {  	[tilespmem:s9+$0xFFFFFFB0] =	vst v1  }
0xda: {  	[tilespmem:s9+$0xFFFFFFF0] =	vst v2  }
0xdb: {  	[spmem:s1] =	stream.indirect.scatter.add.f32 [tilespmem:s3], [sflag:$0x5], $0x80, s8, s11, $0xb8;
	[tilespmem:$0x1E000] =	vst v63  }
0xdc: {  	_ =	swait.ge [sflag:s0], $0x2800  }
0xdd: {  	[sflag:s0] =	ssyncset.done $0x0  }
0xde: {  	[sflag:s0] =	ssyncadd.s32 $0xFFFFD800  }
0xdf: {  	_ =	swait.ge [sflag:s26], $0x50  }
0xe0: {  	[sflag:s26] =	ssyncset.done $0x0  }
0xe1: {  	[sflag:s26] =	ssyncadd.s32 $0xFFFFFFB0  }
0xe2: {  	_ =	swait.ge [sflag:s26], $0x50  }
0xe3: {  	[sflag:s26] =	ssyncset.done $0x0  }
0xe4: {  	s19 =	simm.s32 $0x100;
	s10 =	sshll.u32 s30, $0x4;
	[sflag:s26] =	ssyncadd.s32 $0xFFFFFFB0  }
0xe5: {  	[tilespmem:s3], [sflag:$0x1] =	stream.indirect.gather [hbm4b:s4+s11], $0x80, s19, s11, $0xb8;
	[tilespmem:$0x1E000] =	vst v63  }
0xe6: {  	s9 =	sadd.s32 s6, s10;
	s10 =	simm.s32 $0x5400  }
0xe7: {  	[tilespmem:s10], [sflag:$0x3] =	stream.linear.gather [hbm4b:s9+s2], $0x2800, $0x38;
	[tilespmem:$0x1E000] =	vst v63  }
0xe8: {  	_ =	swait.ge [sflag:s16], $0x2800  }
0xe9: {  	s12 =	sadd.s32 $0xF0, s14;
	[sflag:s16] =	ssyncset.done $0x0  }
0xea: {  	s30 =	sadd.s32 s15, s12;
	[sflag:s16] =	ssyncadd.s32 $0xFFFFD800  }
0xeb: {  	s18 =	sshrl.u32 s30, $0x3;
	_ =	swait.ge [sflag:s17], $0x2800  }
0xec: {  	s9 =	sadd.s32 s24, s12;
	s10 =	sadd.s32 s5, s18;
	[sflag:s17] =	ssyncset.done $0x0  }
0xed: {  	s12 =	simm.s32 $0x180;
	s9 =	sshrl.u32 s9, $0x3;
	[sflag:s17] =	ssyncadd.s32 $0xFFFFD800  }
0xee: {  	[tilespmem:s12], [sflag:$0xA] =	stream.linear.gather [hbm4b:s10+s2], $0x50, $0x38;
	[tilespmem:$0x1E000] =	vst v63  }
0xef: {  	s19 =	simm.s32 $0x380;
	s9 =	sadd.s32 s5, s9;
	s12 =	simm.s32 $0x7CB0  }
0xf0: {  	[tilespmem:s19], [sflag:$0xA] =	stream.linear.gather [hbm4b:s9+s2], $0x50, $0x38;
	[tilespmem:$0x1E000] =	vst v63  }
0xf1: {  	s31 =	simm.s32 $0x2CF0;
	v1 =	vld [tilespmem:s12+$0xFFFFFFD0]  }
0xf2: {  	v2 =	vld [tilespmem:s31+$0xFFFFFF90]  }
0xf3: {  	v3 =	vld [tilespmem:s31+$0xFFFFFFD0];
	_ =	sdelay $0x2  }
0xf4: {  	v4 =	vld [tilespmem:s12+$0xFFFFFF50];
	v5 =	vshll.u32 v1, $0x10  }
0xf5: {  	v6 =	vld [tilespmem:s31+$0xFFFFFF10];
	v1 =	vand.u32 $0xFFFF0000, v1;
	v2 =	vmul.f32 v5, v2  }
0xf6: {  	v5 =	vld [tilespmem:s31+$0xFFFFFF50];
	v1 =	vmul.f32 v1, v3  }
0xf7: {  	[tilespmem:s31+$0xFFFFFF90] =	vst v2  }
0xf8: {  	v8 =	vld [tilespmem:s31+$0xFFFFFF30];
	[tilespmem:s31+$0xFFFFFFD0] =	vst v1  }
0xf9: {  	v1 =	vshll.u32 v4, $0x10;
	v7 =	vld [tilespmem:s12+$0xFFFFFFE0]  }
0xfa: {  	v4 =	vand.u32 $0xFFFF0000, v4;
	v1 =	vmul.f32 v1, v6;
	v6 =	vld [tilespmem:s31+$0xFFFFFFA0]  }
0xfb: {  	v4 =	vmul.f32 v4, v5;
	v5 =	vld [tilespmem:s31+$0xFFFFFFE0]  }
0xfc: {  	v10 =	vld [tilespmem:s31+$0xFFFFFF40]  }
0xfd: {  	v57 =	vld [tilespmem:s31+$0xFFFFFF80];
	[tilespmem:s31+$0xFFFFFF10] =	vst v1  }
0xfe: {  	v9 =	vld [tilespmem:s31+$0xFFFFFFB0];
	[tilespmem:s31+$0xFFFFFF50] =	vst v4;
	v4 =	vshll.u32 v7, $0x10  }
0xff: {  	v1 =	vld [tilespmem:s12+$0xFFFFFF60];
	v7 =	vand.u32 $0xFFFF0000, v7;
	v4 =	vmul.f32 v4, v6  }
0x100: {  	v3 =	vld [tilespmem:s31+$0xFFFFFF20];
	v5 =	vmul.f32 v7, v5  }
0x101: {  	s19 =	simm.s32 $0x2DF0;
	v2 =	vld [tilespmem:s31+$0xFFFFFF60];
	[tilespmem:s31+$0xFFFFFFA0] =	vst v4  }
0x102: {  	v11 =	vld [tilespmem:s19+$0xFFFFFFD0];
	[tilespmem:s31+$0xFFFFFFE0] =	vst v5  }
0x103: {  	v4 =	vld [tilespmem:s12+$0xFFFFFFF0]  }
0x104: {  	v14 =	vld [tilespmem:s19+$0xFFFFFF50];
	v5 =	vshll.u32 v1, $0x10  }
0x105: {  	s18 =	simm.s32 $0x7DB0;
	v1 =	vand.u32 $0xFFFF0000, v1;
	v3 =	vmul.f32 v5, v3;
	v5 =	vld [tilespmem:s31+$0xFFFFFFF0]  }
0x106: {  	v1 =	vmul.f32 v1, v2;
	v2 =	vld [tilespmem:s18+$0xFFFFFFD0]  }
0x107: {  	[tilespmem:s31+$0xFFFFFF20] =	vst v3;
	v3 =	vld [tilespmem:s19+$0xFFFFFF90]  }
0x108: {  	v58 =	vld [tilespmem:s19+$0xFFFFFFA0];
	[tilespmem:s31+$0xFFFFFF60] =	vst v1;
	v1 =	vshll.u32 v4, $0x10  }
0x109: {  	v4 =	vand.u32 $0xFFFF0000, v4;
	v1 =	vmul.f32 v1, v9;
	v9 =	vld [tilespmem:s18+$0xFFFFFF50]  }
0x10a: {  	v4 =	vmul.f32 v4, v5;
	v5 =	vld [tilespmem:s19+$0xFFFFFF10]  }
0x10b: {  	v13 =	vld [tilespmem:s12+$0xFFFFFF70];
	[tilespmem:s31+$0xFFFFFFB0] =	vst v1;
	v1 =	vshll.u32 v2, $0x10  }
0x10c: {  	v6 =	vld [tilespmem:s31+$0xFFFFFF70];
	v2 =	vand.u32 $0xFFFF0000, v2;
	v1 =	vmul.f32 v1, v3  }
0x10d: {  	v7 =	vld [tilespmem:s31+$0xFFFFFFC0];
	[tilespmem:s31+$0xFFFFFFF0] =	vst v4;
	v2 =	vmul.f32 v2, v11  }
0x10e: {  	v15 =	vld [tilespmem:s12+$0x0];
	[tilespmem:s19+$0xFFFFFF90] =	vst v1;
	v1 =	vshll.u32 v9, $0x10  }
0x10f: {  	v3 =	vld [tilespmem:s19+$0xFFFFFF20];
	[tilespmem:s19+$0xFFFFFFD0] =	vst v2;
	v2 =	vand.u32 $0xFFFF0000, v9;
	v1 =	vmul.f32 v1, v5  }
0x110: {  	v4 =	vshll.u32 v13, $0x10;
	v9 =	vld [tilespmem:s18+$0xFFFFFFE0];
	v2 =	vmul.f32 v2, v14  }
0x111: {  	v4 =	vmul.f32 v4, v8;
	v8 =	vld [tilespmem:s31+$0x0];
	[tilespmem:s19+$0xFFFFFF10] =	vst v1  }
0x112: {  	v5 =	vand.u32 $0xFFFF0000, v13;
	v1 =	vld [tilespmem:s19+$0xFFFFFFE0];
	[tilespmem:s19+$0xFFFFFF50] =	vst v2  }
0x113: {  	v2 =	vmul.f32 v5, v6;
	v6 =	vld [tilespmem:s18+$0xFFFFFF60]  }
0x114: {  	v11 =	vld [tilespmem:s19+$0xFFFFFF60]  }
0x115: {  	[tilespmem:s31+$0xFFFFFF30] =	vst v4;
	v4 =	vld [tilespmem:s19+$0xFFFFFF30];
	v59 =	vshll.u32 v9, $0x10  }
0x116: {  	v5 =	vld [tilespmem:s19+$0xFFFFFF70];
	[tilespmem:s31+$0xFFFFFF70] =	vst v2;
	v2 =	vand.u32 $0xFFFF0000, v9;
	v9 =	vmul.f32 v59, v58  }
0x117: {  	v60 =	vld [tilespmem:s12+$0xFFFFFF80];
	v61 =	vmul.f32 v2, v1;
	v2 =	vand.u32 $0xFFFF0000, v15  }
0x118: {  	v1 =	vld [tilespmem:s19+$0xFFFFFF40];
	[tilespmem:s19+$0xFFFFFFA0] =	vst v9;
	v8 =	vmul.f32 v2, v8;
	v9 =	vshll.u32 v6, $0x10  }
0x119: {  	v2 =	vld [tilespmem:s19+$0xFFFFFF80];
	v6 =	vand.u32 $0xFFFF0000, v6;
	[tilespmem:s19+$0xFFFFFFE0] =	vst v61;
	v9 =	vmul.f32 v9, v3  }
0x11a: {  	v62 =	vshll.u32 v15, $0x10;
	v3 =	vld [tilespmem:s19+$0xFFFFFFC0];
	[tilespmem:s31+$0x0] =	vst v8;
	v8 =	vmul.f32 v6, v11  }
0x11b: {  	v6 =	vld [tilespmem:s18+$0xFFFFFFF0];
	v11 =	vmul.f32 v62, v7;
	[tilespmem:s19+$0xFFFFFF20] =	vst v9  }
0x11c: {  	v7 =	vld [tilespmem:s19+$0xFFFFFFB0];
	v63 =	vshll.u32 v60, $0x10;
	[tilespmem:s19+$0xFFFFFF60] =	vst v8  }
0x11d: {  	v13 =	vand.u32 $0xFFFF0000, v60;
	v9 =	vld [tilespmem:s19+$0xFFFFFFF0];
	[tilespmem:s31+$0xFFFFFFC0] =	vst v11;
	v11 =	vmul.f32 v63, v10  }
0x11e: {  	s10 =	simm.s32 $0x2;
	s9 =	simm.s32 $0x2DF0;
	s12 =	simm.s32 $0x7EB0;
	v8 =	vmul.f32 v13, v57;
	v10 =	vld [tilespmem:s18+$0xFFFFFF70]  }
.LBB2_7:
0x11f: {  	v12 =	vld [tilespmem:s12+$0xFFFFFFD0];
	s19 =	sadd.s32 $0x100, s19;
	[tilespmem:s31+$0xFFFFFF40] =	vst v11  }
0x120: {  	v11 =	vld [tilespmem:s19+$0xFFFFFF90];
	v13 =	vshll.u32 v6, $0x10;
	[tilespmem:s31+$0xFFFFFF80] =	vst v8;
	s31 =	smov.u32 s9;
	s9 =	smov.u32 s19  }
0x121: {  	v6 =	vand.u32 $0xFFFF0000, v6;
	v8 =	vld [tilespmem:s19+$0xFFFFFFD0];
	v7 =	vmul.f32 v13, v7  }
0x122: {  	s10 =	sadd.s32 $0x2, s10;
	v13 =	vld [tilespmem:s12+$0xFFFFFF50];
	v6 =	vmul.f32 v6, v9  }
0x123: {  	p0 =	slt.u32 s10, $0x4E;
	v9 =	vld [tilespmem:s19+$0xFFFFFF10];
	v14 =	vshll.u32 v10, $0x10;
	v10 =	vand.u32 $0xFFFF0000, v10;
	[tilespmem:s31+$0xFFFFFFB0] =	vst v7  }
0x124: {  	v7 =	vld [tilespmem:s19+$0xFFFFFF50];
	v15 =	vshll.u32 v12, $0x10;
	v4 =	vmul.f32 v14, v4;
	v5 =	vmul.f32 v10, v5;
	[tilespmem:s31+$0xFFFFFFF0] =	vst v6  }
0x125: {  	v6 =	vand.u32 $0xFFFF0000, v12;
	v10 =	vmul.f32 v15, v11;
	v11 =	vld [tilespmem:s18+$0x0]  }
0x126: {  	v6 =	vmul.f32 v6, v8;
	[tilespmem:s31+$0xFFFFFF30] =	vst v4;
	v4 =	vld [tilespmem:s31+$0x0]  }
0x127: {  	v8 =	vshll.u32 v13, $0x10;
	v12 =	vand.u32 $0xFFFF0000, v13;
	v13 =	vld [tilespmem:s19+$0xFFFFFF20];
	[tilespmem:s19+$0xFFFFFF90] =	vst v10  }
0x128: {  	v8 =	vmul.f32 v8, v9;
	v9 =	vld [tilespmem:s19+$0xFFFFFF60];
	[tilespmem:s19+$0xFFFFFFD0] =	vst v6  }
0x129: {  	v6 =	vmul.f32 v12, v7;
	v7 =	vld [tilespmem:s12+$0xFFFFFFE0];
	[tilespmem:s31+$0xFFFFFF70] =	vst v5  }
0x12a: {  	[tilespmem:s19+$0xFFFFFF10] =	vst v8;
	v8 =	vld [tilespmem:s19+$0xFFFFFFA0];
	v5 =	vshll.u32 v11, $0x10;
	v10 =	vand.u32 $0xFFFF0000, v11  }
0x12b: {  	[tilespmem:s19+$0xFFFFFF50] =	vst v6;
	v6 =	vld [tilespmem:s19+$0xFFFFFFE0];
	v3 =	vmul.f32 v5, v3;
	v5 =	vmul.f32 v10, v4  }
0x12c: {  	v10 =	vld [tilespmem:s12+$0xFFFFFF60]  }
0x12d: {  	v4 =	vld [tilespmem:s19+$0xFFFFFF30];
	[tilespmem:s31+$0x0] =	vst v5  }
0x12e: {  	v5 =	vld [tilespmem:s19+$0xFFFFFF70];
	v11 =	vshll.u32 v7, $0x10;
	[tilespmem:s31+$0xFFFFFFC0] =	vst v3  }
0x12f: {  	v3 =	vand.u32 $0xFFFF0000, v7;
	v7 =	vmul.f32 v11, v8;
	v8 =	vld [tilespmem:s18+$0xFFFFFF80];
	s18 =	smov.u32 s12  }
0x130: {  	v12 =	vld [tilespmem:s19+$0xFFFFFF40];
	v3 =	vmul.f32 v3, v6  }
0x131: {  	v6 =	vshll.u32 v10, $0x10;
	v10 =	vand.u32 $0xFFFF0000, v10;
	v14 =	vld [tilespmem:s19+$0xFFFFFF80];
	[tilespmem:s19+$0xFFFFFFA0] =	vst v7  }
.Ltmp2:
0x132: {  	v7 =	vmul.f32 v6, v13;
	v9 =	vmul.f32 v10, v9;
	[tilespmem:s19+$0xFFFFFFE0] =	vst v3;
	v3 =	vld [tilespmem:s19+$0xFFFFFFC0];
	(pc) =	sbr.rel @p0 .LBB2_7-.Ltmp2, $4  }
0x133: {  	v6 =	vld [tilespmem:s12+$0xFFFFFFF0]  }
0x134: {  	[tilespmem:s19+$0xFFFFFF20] =	vst v7;
	v7 =	vld [tilespmem:s19+$0xFFFFFFB0];
	v10 =	vshll.u32 v8, $0x10;
	v8 =	vand.u32 $0xFFFF0000, v8  }
0x135: {  	[tilespmem:s19+$0xFFFFFF60] =	vst v9;
	v9 =	vld [tilespmem:s19+$0xFFFFFFF0];
	v11 =	vmul.f32 v10, v1;
	v8 =	vmul.f32 v8, v2;
	v1 =	vmov v12  }
0x136: {  	s12 =	sadd.s32 $0x100, s12;
	v10 =	vld [tilespmem:s18+$0xFFFFFF70];
	v2 =	vmov v14  }
0x137: {  	_ =	sdelay $0x1  }
0x138: {  	v12 =	vshll.u32 v6, $0x10  }
0x139: {  	v6 =	vand.u32 $0xFFFF0000, v6;
	v7 =	vmul.f32 v12, v7  }
0x13a: {  	v6 =	vmul.f32 v6, v9;
	v9 =	vshll.u32 v10, $0x10  }
0x13b: {  	v10 =	vand.u32 $0xFFFF0000, v10;
	[tilespmem:s9+$0xFFFFFFB0] =	vst v7;
	v4 =	vmul.f32 v9, v4  }
0x13c: {  	v5 =	vmul.f32 v10, v5;
	[tilespmem:s9+$0xFFFFFFF0] =	vst v6  }
0x13d: {  	v6 =	vld [tilespmem:s18+$0x0];
	[tilespmem:s9+$0xFFFFFF30] =	vst v4  }
0x13e: {  	v4 =	vld [tilespmem:s9+$0x0];
	[tilespmem:s9+$0xFFFFFF70] =	vst v5  }
0x13f: {  	v5 =	vld [tilespmem:s18+$0xFFFFFF80];
	_ =	sdelay $0x2  }
0x140: {  	v7 =	vand.u32 $0xFFFF0000, v6  }
0x141: {  	[tilespmem:s31+$0xFFFFFF40] =	vst v11;
	v6 =	vshll.u32 v6, $0x10;
	v4 =	vmul.f32 v7, v4  }
0x142: {  	[tilespmem:s31+$0xFFFFFF80] =	vst v8;
	v3 =	vmul.f32 v6, v3;
	v6 =	vshll.u32 v5, $0x10  }
0x143: {  	[tilespmem:s9+$0x0] =	vst v4;
	v4 =	vand.u32 $0xFFFF0000, v5;
	v1 =	vmul.f32 v6, v1  }
0x144: {  	[tilespmem:s9+$0xFFFFFFC0] =	vst v3;
	v2 =	vmul.f32 v4, v2  }
0x145: {  	[tilespmem:s9+$0xFFFFFF40] =	vst v1  }
0x146: {  	s31 =	simm.s32 $0x280;
	[tilespmem:s9+$0xFFFFFF80] =	vst v2  }
0x147: {  	[spmem:s1] =	stream.indirect.scatter.add.f32 [tilespmem:s13], [sflag:$0x6], $0x80, s31, s11, $0xb8;
	[tilespmem:$0x1E000] =	vst v63  }
0x148: {  	_ =	swait.ge [sflag:s20], $0x2800  }
0x149: {  	[sflag:s20] =	ssyncset.done $0x0  }
0x14a: {  	[sflag:s20] =	ssyncadd.s32 $0xFFFFD800  }
0x14b: {  	_ =	swait.ge [sflag:s21], $0x50  }
0x14c: {  	[sflag:s21] =	ssyncset.done $0x0  }
0x14d: {  	[sflag:s21] =	ssyncadd.s32 $0xFFFFFFB0  }
0x14e: {  	_ =	swait.ge [sflag:s21], $0x50  }
0x14f: {  	[sflag:s21] =	ssyncset.done $0x0  }
0x150: {  	s10 =	simm.s32 $0x180;
	s12 =	sshll.u32 s30, $0x4;
	[sflag:s21] =	ssyncadd.s32 $0xFFFFFFB0  }
0x151: {  	[tilespmem:s13], [sflag:$0x2] =	stream.indirect.gather [hbm4b:s4+s11], $0x80, s10, s11, $0xb8;
	[tilespmem:$0x1E000] =	vst v63  }
0x152: {  	s9 =	sadd.s32 s6, s12;
	s10 =	simm.s32 $0x7C00  }
0x153: {  	[tilespmem:s10], [sflag:$0x4] =	stream.linear.gather [hbm4b:s9+s2], $0x2800, $0x38;
	[tilespmem:$0x1E000] =	vst v63  }
0x154: {  	_ =	swait.ge [sflag:s28], $0x2800  }
0x155: {  	[sflag:s28] =	ssyncset.done $0x0  }
0x156: {  	s18 =	sadd.s32 $0x140, s14;
	[sflag:s28] =	ssyncadd.s32 $0xFFFFD800  }
0x157: {  	s14 =	sadd.s32 s15, s18;
	_ =	swait.ge [sflag:s29], $0x2800  }
0x158: {  	s19 =	sshrl.u32 s14, $0x3;
	s9 =	sadd.s32 s24, s18;
	[sflag:s29] =	ssyncset.done $0x0  }
0x159: {  	s10 =	sadd.s32 s5, s19;
	s9 =	sshrl.u32 s9, $0x3;
	[sflag:s29] =	ssyncadd.s32 $0xFFFFD800  }
0x15a: {  	[tilespmem:s2], [sflag:$0x7] =	stream.linear.gather [hbm4b:s10+s2], $0x50, $0x38;
	[tilespmem:$0x1E000] =	vst v63  }
0x15b: {  	s31 =	simm.s32 $0x5480;
	s9 =	sadd.s32 s5, s9  }
0x15c: {  	[tilespmem:s8], [sflag:$0x7] =	stream.linear.gather [hbm4b:s9+s2], $0x50, $0x38;
	[tilespmem:$0x1E000] =	vst v63  }
0x15d: {  	s30 =	simm.s32 $0x480;
	v1 =	vld [tilespmem:s31+$0x0]  }
0x15e: {  	v2 =	vld [tilespmem:s30+$0x0]  }
0x15f: {  	v3 =	vld [tilespmem:s30+$0x40];
	_ =	sdelay $0x2  }
0x160: {  	v4 =	vld [tilespmem:s31+$0xFFFFFF80];
	v5 =	vshll.u32 v1, $0x10  }
0x161: {  	v6 =	vld [tilespmem:s30+$0xFFFFFF80];
	v1 =	vand.u32 $0xFFFF0000, v1;
	v2 =	vmul.f32 v5, v2  }
0x162: {  	v5 =	vld [tilespmem:s30+$0xFFFFFFC0];
	v1 =	vmul.f32 v1, v3  }
0x163: {  	[tilespmem:s30+$0x0] =	vst v2  }
0x164: {  	v8 =	vld [tilespmem:s30+$0xFFFFFFA0];
	[tilespmem:s30+$0x40] =	vst v1  }
0x165: {  	v1 =	vshll.u32 v4, $0x10;
	v7 =	vld [tilespmem:s31+$0x10]  }
0x166: {  	v4 =	vand.u32 $0xFFFF0000, v4;
	v1 =	vmul.f32 v1, v6;
	v6 =	vld [tilespmem:s30+$0x10]  }
0x167: {  	v4 =	vmul.f32 v4, v5;
	v5 =	vld [tilespmem:s30+$0x50]  }
0x168: {  	v10 =	vld [tilespmem:s30+$0xFFFFFFB0]  }
0x169: {  	v57 =	vld [tilespmem:s30+$0xFFFFFFF0];
	[tilespmem:s30+$0xFFFFFF80] =	vst v1  }
0x16a: {  	v9 =	vld [tilespmem:s30+$0x20];
	[tilespmem:s30+$0xFFFFFFC0] =	vst v4;
	v4 =	vshll.u32 v7, $0x10  }
0x16b: {  	v1 =	vld [tilespmem:s31+$0xFFFFFF90];
	v7 =	vand.u32 $0xFFFF0000, v7;
	v4 =	vmul.f32 v4, v6  }
0x16c: {  	v3 =	vld [tilespmem:s30+$0xFFFFFF90];
	v5 =	vmul.f32 v7, v5  }
0x16d: {  	s19 =	simm.s32 $0x580;
	v2 =	vld [tilespmem:s30+$0xFFFFFFD0];
	[tilespmem:s30+$0x10] =	vst v4  }
0x16e: {  	v11 =	vld [tilespmem:s19+$0x40];
	[tilespmem:s30+$0x50] =	vst v5  }
0x16f: {  	v4 =	vld [tilespmem:s31+$0x20]  }
0x170: {  	v14 =	vld [tilespmem:s19+$0xFFFFFFC0];
	v5 =	vshll.u32 v1, $0x10  }
0x171: {  	s18 =	simm.s32 $0x5580;
	v1 =	vand.u32 $0xFFFF0000, v1;
	v3 =	vmul.f32 v5, v3;
	v5 =	vld [tilespmem:s30+$0x60]  }
0x172: {  	v1 =	vmul.f32 v1, v2;
	v2 =	vld [tilespmem:s18+$0x0]  }
0x173: {  	[tilespmem:s30+$0xFFFFFF90] =	vst v3;
	v3 =	vld [tilespmem:s19+$0x0]  }
0x174: {  	v58 =	vld [tilespmem:s19+$0x10];
	[tilespmem:s30+$0xFFFFFFD0] =	vst v1;
	v1 =	vshll.u32 v4, $0x10  }
0x175: {  	v4 =	vand.u32 $0xFFFF0000, v4;
	v1 =	vmul.f32 v1, v9;
	v9 =	vld [tilespmem:s18+$0xFFFFFF80]  }
0x176: {  	v4 =	vmul.f32 v4, v5;
	v5 =	vld [tilespmem:s19+$0xFFFFFF80]  }
0x177: {  	v13 =	vld [tilespmem:s31+$0xFFFFFFA0];
	[tilespmem:s30+$0x20] =	vst v1;
	v1 =	vshll.u32 v2, $0x10  }
0x178: {  	v6 =	vld [tilespmem:s30+$0xFFFFFFE0];
	v2 =	vand.u32 $0xFFFF0000, v2;
	v1 =	vmul.f32 v1, v3  }
0x179: {  	v7 =	vld [tilespmem:s30+$0x30];
	[tilespmem:s30+$0x60] =	vst v4;
	v2 =	vmul.f32 v2, v11  }
0x17a: {  	v15 =	vld [tilespmem:s31+$0x30];
	[tilespmem:s19+$0x0] =	vst v1;
	v1 =	vshll.u32 v9, $0x10  }
0x17b: {  	v3 =	vld [tilespmem:s19+$0xFFFFFF90];
	[tilespmem:s19+$0x40] =	vst v2;
	v2 =	vand.u32 $0xFFFF0000, v9;
	v1 =	vmul.f32 v1, v5  }
0x17c: {  	v4 =	vshll.u32 v13, $0x10;
	v9 =	vld [tilespmem:s18+$0x10];
	v2 =	vmul.f32 v2, v14  }
0x17d: {  	v4 =	vmul.f32 v4, v8;
	v8 =	vld [tilespmem:s30+$0x70];
	[tilespmem:s19+$0xFFFFFF80] =	vst v1  }
0x17e: {  	v5 =	vand.u32 $0xFFFF0000, v13;
	v1 =	vld [tilespmem:s19+$0x50];
	[tilespmem:s19+$0xFFFFFFC0] =	vst v2  }
0x17f: {  	v2 =	vmul.f32 v5, v6;
	v6 =	vld [tilespmem:s18+$0xFFFFFF90]  }
0x180: {  	v11 =	vld [tilespmem:s19+$0xFFFFFFD0]  }
0x181: {  	[tilespmem:s30+$0xFFFFFFA0] =	vst v4;
	v4 =	vld [tilespmem:s19+$0xFFFFFFA0];
	v59 =	vshll.u32 v9, $0x10  }
0x182: {  	v5 =	vld [tilespmem:s19+$0xFFFFFFE0];
	[tilespmem:s30+$0xFFFFFFE0] =	vst v2;
	v2 =	vand.u32 $0xFFFF0000, v9;
	v9 =	vmul.f32 v59, v58  }
0x183: {  	v60 =	vld [tilespmem:s31+$0xFFFFFFB0];
	v61 =	vmul.f32 v2, v1;
	v2 =	vand.u32 $0xFFFF0000, v15  }
0x184: {  	v1 =	vld [tilespmem:s19+$0xFFFFFFB0];
	[tilespmem:s19+$0x10] =	vst v9;
	v8 =	vmul.f32 v2, v8;
	v9 =	vshll.u32 v6, $0x10  }
0x185: {  	v2 =	vld [tilespmem:s19+$0xFFFFFFF0];
	v6 =	vand.u32 $0xFFFF0000, v6;
	[tilespmem:s19+$0x50] =	vst v61;
	v9 =	vmul.f32 v9, v3  }
0x186: {  	v62 =	vshll.u32 v15, $0x10;
	v3 =	vld [tilespmem:s19+$0x30];
	[tilespmem:s30+$0x70] =	vst v8;
	v8 =	vmul.f32 v6, v11  }
0x187: {  	v6 =	vld [tilespmem:s18+$0x20];
	v11 =	vmul.f32 v62, v7;
	[tilespmem:s19+$0xFFFFFF90] =	vst v9  }
0x188: {  	v7 =	vld [tilespmem:s19+$0x20];
	v63 =	vshll.u32 v60, $0x10;
	[tilespmem:s19+$0xFFFFFFD0] =	vst v8  }
0x189: {  	v13 =	vand.u32 $0xFFFF0000, v60;
	v9 =	vld [tilespmem:s19+$0x60];
	[tilespmem:s30+$0x30] =	vst v11;
	v11 =	vmul.f32 v63, v10  }
0x18a: {  	s12 =	simm.s32 $0x5680;
	s10 =	simm.s32 $0x2;
	s9 =	simm.s32 $0x580;
	v8 =	vmul.f32 v13, v57;
	v10 =	vld [tilespmem:s18+$0xFFFFFFA0]  }
.LBB2_9:
0x18b: {  	v12 =	vld [tilespmem:s12+$0x0];
	s19 =	sadd.s32 $0x100, s19;
	[tilespmem:s30+$0xFFFFFFB0] =	vst v11  }
0x18c: {  	v11 =	vld [tilespmem:s19+$0x0];
	v13 =	vshll.u32 v6, $0x10;
	[tilespmem:s30+$0xFFFFFFF0] =	vst v8;
	s30 =	smov.u32 s9;
	s9 =	smov.u32 s19  }
0x18d: {  	v6 =	vand.u32 $0xFFFF0000, v6;
	v8 =	vld [tilespmem:s19+$0x40];
	v7 =	vmul.f32 v13, v7  }
0x18e: {  	s10 =	sadd.s32 $0x2, s10;
	v13 =	vld [tilespmem:s12+$0xFFFFFF80];
	v6 =	vmul.f32 v6, v9  }
0x18f: {  	p0 =	slt.u32 s10, $0x4E;
	v9 =	vld [tilespmem:s19+$0xFFFFFF80];
	v14 =	vshll.u32 v10, $0x10;
	v10 =	vand.u32 $0xFFFF0000, v10;
	[tilespmem:s30+$0x20] =	vst v7  }
0x190: {  	v7 =	vld [tilespmem:s19+$0xFFFFFFC0];
	v15 =	vshll.u32 v12, $0x10;
	v4 =	vmul.f32 v14, v4;
	v5 =	vmul.f32 v10, v5;
	[tilespmem:s30+$0x60] =	vst v6  }
0x191: {  	v6 =	vand.u32 $0xFFFF0000, v12;
	v10 =	vmul.f32 v15, v11;
	v11 =	vld [tilespmem:s18+$0x30]  }
0x192: {  	v6 =	vmul.f32 v6, v8;
	[tilespmem:s30+$0xFFFFFFA0] =	vst v4;
	v4 =	vld [tilespmem:s30+$0x70]  }
0x193: {  	v8 =	vshll.u32 v13, $0x10;
	v12 =	vand.u32 $0xFFFF0000, v13;
	v13 =	vld [tilespmem:s19+$0xFFFFFF90];
	[tilespmem:s19+$0x0] =	vst v10  }
0x194: {  	v8 =	vmul.f32 v8, v9;
	v9 =	vld [tilespmem:s19+$0xFFFFFFD0];
	[tilespmem:s19+$0x40] =	vst v6  }
0x195: {  	v6 =	vmul.f32 v12, v7;
	v7 =	vld [tilespmem:s12+$0x10];
	[tilespmem:s30+$0xFFFFFFE0] =	vst v5  }
0x196: {  	[tilespmem:s19+$0xFFFFFF80] =	vst v8;
	v8 =	vld [tilespmem:s19+$0x10];
	v5 =	vshll.u32 v11, $0x10;
	v10 =	vand.u32 $0xFFFF0000, v11  }
0x197: {  	[tilespmem:s19+$0xFFFFFFC0] =	vst v6;
	v6 =	vld [tilespmem:s19+$0x50];
	v3 =	vmul.f32 v5, v3;
	v5 =	vmul.f32 v10, v4  }
0x198: {  	v10 =	vld [tilespmem:s12+$0xFFFFFF90]  }
0x199: {  	v4 =	vld [tilespmem:s19+$0xFFFFFFA0];
	[tilespmem:s30+$0x70] =	vst v5  }
0x19a: {  	v5 =	vld [tilespmem:s19+$0xFFFFFFE0];
	v11 =	vshll.u32 v7, $0x10;
	[tilespmem:s30+$0x30] =	vst v3  }
0x19b: {  	v3 =	vand.u32 $0xFFFF0000, v7;
	v7 =	vmul.f32 v11, v8;
	v8 =	vld [tilespmem:s18+$0xFFFFFFB0];
	s18 =	smov.u32 s12  }
0x19c: {  	v12 =	vld [tilespmem:s19+$0xFFFFFFB0];
	v3 =	vmul.f32 v3, v6  }
0x19d: {  	v6 =	vshll.u32 v10, $0x10;
	v10 =	vand.u32 $0xFFFF0000, v10;
	v14 =	vld [tilespmem:s19+$0xFFFFFFF0];
	[tilespmem:s19+$0x10] =	vst v7  }
.Ltmp3:
0x19e: {  	v7 =	vmul.f32 v6, v13;
	v9 =	vmul.f32 v10, v9;
	[tilespmem:s19+$0x50] =	vst v3;
	v3 =	vld [tilespmem:s19+$0x30];
	(pc) =	sbr.rel @p0 .LBB2_9-.Ltmp3, $4  }
0x19f: {  	v6 =	vld [tilespmem:s12+$0x20]  }
0x1a0: {  	[tilespmem:s19+$0xFFFFFF90] =	vst v7;
	v7 =	vld [tilespmem:s19+$0x20];
	v10 =	vshll.u32 v8, $0x10;
	v8 =	vand.u32 $0xFFFF0000, v8  }
0x1a1: {  	[tilespmem:s19+$0xFFFFFFD0] =	vst v9;
	v9 =	vld [tilespmem:s19+$0x60];
	v11 =	vmul.f32 v10, v1;
	v8 =	vmul.f32 v8, v2;
	v1 =	vmov v12  }
0x1a2: {  	s12 =	sadd.s32 $0x100, s12;
	v10 =	vld [tilespmem:s18+$0xFFFFFFA0];
	v2 =	vmov v14  }
0x1a3: {  	_ =	sdelay $0x1  }
0x1a4: {  	v12 =	vshll.u32 v6, $0x10  }
0x1a5: {  	v6 =	vand.u32 $0xFFFF0000, v6;
	v7 =	vmul.f32 v12, v7  }
0x1a6: {  	v6 =	vmul.f32 v6, v9;
	v9 =	vshll.u32 v10, $0x10  }
0x1a7: {  	v10 =	vand.u32 $0xFFFF0000, v10;
	[tilespmem:s9+$0x20] =	vst v7;
	v4 =	vmul.f32 v9, v4  }
0x1a8: {  	v5 =	vmul.f32 v10, v5;
	[tilespmem:s9+$0x60] =	vst v6  }
0x1a9: {  	v6 =	vld [tilespmem:s18+$0x30];
	[tilespmem:s9+$0xFFFFFFA0] =	vst v4  }
0x1aa: {  	v4 =	vld [tilespmem:s9+$0x70];
	[tilespmem:s9+$0xFFFFFFE0] =	vst v5  }
0x1ab: {  	v5 =	vld [tilespmem:s18+$0xFFFFFFB0];
	_ =	sdelay $0x2  }
0x1ac: {  	v7 =	vand.u32 $0xFFFF0000, v6  }
0x1ad: {  	[tilespmem:s30+$0xFFFFFFB0] =	vst v11;
	v6 =	vshll.u32 v6, $0x10;
	v4 =	vmul.f32 v7, v4  }
0x1ae: {  	[tilespmem:s30+$0xFFFFFFF0] =	vst v8;
	v3 =	vmul.f32 v6, v3;
	v6 =	vshll.u32 v5, $0x10  }
0x1af: {  	[tilespmem:s9+$0x70] =	vst v4;
	v4 =	vand.u32 $0xFFFF0000, v5;
	v1 =	vmul.f32 v6, v1  }
0x1b0: {  	[tilespmem:s9+$0x30] =	vst v3;
	v2 =	vmul.f32 v4, v2  }
0x1b1: {  	[tilespmem:s9+$0xFFFFFFB0] =	vst v1  }
0x1b2: {  	s12 =	simm.s32 $0x300;
	[tilespmem:s9+$0xFFFFFFF0] =	vst v2  }
0x1b3: {  	[spmem:s1] =	stream.indirect.scatter.add.f32 [tilespmem:s3], [sflag:$0x5], $0x80, s12, s11, $0xb8;
	[tilespmem:$0x1E000] =	vst v63  }
0x1b4: {  	_ =	swait.ge [sflag:s0], $0x2800  }
0x1b5: {  	[sflag:s0] =	ssyncset.done $0x0  }
0x1b6: {  	[sflag:s0] =	ssyncadd.s32 $0xFFFFD800  }
0x1b7: {  	_ =	swait.ge [sflag:s22], $0x50  }
0x1b8: {  	[sflag:s22] =	ssyncset.done $0x0  }
0x1b9: {  	[sflag:s22] =	ssyncadd.s32 $0xFFFFFFB0  }
0x1ba: {  	_ =	swait.ge [sflag:s22], $0x50  }
0x1bb: {  	[sflag:s22] =	ssyncset.done $0x0  }
0x1bc: {  	s14 =	sshll.u32 s14, $0x4;
	[sflag:s22] =	ssyncadd.s32 $0xFFFFFFB0  }
0x1bd: {  	[tilespmem:s3], [sflag:$0x1] =	stream.indirect.gather [hbm4b:s4+s11], $0x80, s2, s11, $0xb8;
	[tilespmem:$0x1E000] =	vst v63  }
0x1be: {  	s10 =	simm.s32 $0x5400;
	s18 =	smin.u32 s25, $0x77;
	s9 =	sadd.s32 s6, s14  }
0x1bf: {  	[tilespmem:s10], [sflag:$0x3] =	stream.linear.gather [hbm4b:s9+s2], $0x2800, $0x38;
	[tilespmem:$0x1E000] =	vst v63  }
0x1c0: {  	s9 =	smul.u32 $0x50, s18;
	_ =	swait.ge [sflag:s16], $0x2800  }
0x1c1: {  	[sflag:s16] =	ssyncset.done $0x0  }
0x1c2: {  	s9 =	sadd.s32 $0x190, s9;
	[sflag:s16] =	ssyncadd.s32 $0xFFFFD800  }
0x1c3: {  	s31 =	simm.s32 $0x80;
	s19 =	sadd.s32 s15, s9;
	_ =	swait.ge [sflag:s17], $0x2800  }
0x1c4: {  	s9 =	sadd.s32 s24, s9;
	s10 =	sshrl.u32 s19, $0x3;
	[sflag:s17] =	ssyncset.done $0x0  }
0x1c5: {  	s9 =	sshrl.u32 s9, $0x3;
	s10 =	sadd.s32 s5, s10;
	[sflag:s17] =	ssyncadd.s32 $0xFFFFD800  }
0x1c6: {  	[tilespmem:s31], [sflag:$0x8] =	stream.linear.gather [hbm4b:s10+s2], $0x50, $0x38;
	[tilespmem:$0x1E000] =	vst v63  }
0x1c7: {  	s30 =	simm.s32 $0x7CB0;
	s25 =	simm.s32 $0x280;
	s9 =	sadd.s32 s5, s9  }
0x1c8: {  	[tilespmem:s25], [sflag:$0x8] =	stream.linear.gather [hbm4b:s9+s2], $0x50, $0x38;
	[tilespmem:$0x1E000] =	vst v63  }
0x1c9: {  	s14 =	simm.s32 $0x2CF0;
	v1 =	vld [tilespmem:s30+$0xFFFFFFD0]  }
0x1ca: {  	v2 =	vld [tilespmem:s14+$0xFFFFFF90]  }
0x1cb: {  	v3 =	vld [tilespmem:s14+$0xFFFFFFD0];
	_ =	sdelay $0x2  }
0x1cc: {  	v4 =	vld [tilespmem:s30+$0xFFFFFF50];
	v5 =	vshll.u32 v1, $0x10  }
0x1cd: {  	v6 =	vld [tilespmem:s14+$0xFFFFFF10];
	v1 =	vand.u32 $0xFFFF0000, v1;
	v2 =	vmul.f32 v5, v2  }
0x1ce: {  	v5 =	vld [tilespmem:s14+$0xFFFFFF50];
	v1 =	vmul.f32 v1, v3  }
0x1cf: {  	[tilespmem:s14+$0xFFFFFF90] =	vst v2  }
0x1d0: {  	v8 =	vld [tilespmem:s14+$0xFFFFFF30];
	[tilespmem:s14+$0xFFFFFFD0] =	vst v1  }
0x1d1: {  	v1 =	vshll.u32 v4, $0x10;
	v7 =	vld [tilespmem:s30+$0xFFFFFFE0]  }
0x1d2: {  	v4 =	vand.u32 $0xFFFF0000, v4;
	v1 =	vmul.f32 v1, v6;
	v6 =	vld [tilespmem:s14+$0xFFFFFFA0]  }
0x1d3: {  	v4 =	vmul.f32 v4, v5;
	v5 =	vld [tilespmem:s14+$0xFFFFFFE0]  }
0x1d4: {  	v10 =	vld [tilespmem:s14+$0xFFFFFF40]  }
0x1d5: {  	v57 =	vld [tilespmem:s14+$0xFFFFFF80];
	[tilespmem:s14+$0xFFFFFF10] =	vst v1  }
0x1d6: {  	v9 =	vld [tilespmem:s14+$0xFFFFFFB0];
	[tilespmem:s14+$0xFFFFFF50] =	vst v4;
	v4 =	vshll.u32 v7, $0x10  }
0x1d7: {  	v1 =	vld [tilespmem:s30+$0xFFFFFF60];
	v7 =	vand.u32 $0xFFFF0000, v7;
	v4 =	vmul.f32 v4, v6  }
0x1d8: {  	v3 =	vld [tilespmem:s14+$0xFFFFFF20];
	v5 =	vmul.f32 v7, v5  }
0x1d9: {  	s19 =	simm.s32 $0x2DF0;
	v2 =	vld [tilespmem:s14+$0xFFFFFF60];
	[tilespmem:s14+$0xFFFFFFA0] =	vst v4  }
0x1da: {  	v11 =	vld [tilespmem:s19+$0xFFFFFFD0];
	[tilespmem:s14+$0xFFFFFFE0] =	vst v5  }
0x1db: {  	v4 =	vld [tilespmem:s30+$0xFFFFFFF0]  }
0x1dc: {  	v14 =	vld [tilespmem:s19+$0xFFFFFF50];
	v5 =	vshll.u32 v1, $0x10  }
0x1dd: {  	s18 =	simm.s32 $0x7DB0;
	v1 =	vand.u32 $0xFFFF0000, v1;
	v3 =	vmul.f32 v5, v3;
	v5 =	vld [tilespmem:s14+$0xFFFFFFF0]  }
0x1de: {  	v1 =	vmul.f32 v1, v2;
	v2 =	vld [tilespmem:s18+$0xFFFFFFD0]  }
0x1df: {  	[tilespmem:s14+$0xFFFFFF20] =	vst v3;
	v3 =	vld [tilespmem:s19+$0xFFFFFF90]  }
0x1e0: {  	v58 =	vld [tilespmem:s19+$0xFFFFFFA0];
	[tilespmem:s14+$0xFFFFFF60] =	vst v1;
	v1 =	vshll.u32 v4, $0x10  }
0x1e1: {  	v4 =	vand.u32 $0xFFFF0000, v4;
	v1 =	vmul.f32 v1, v9;
	v9 =	vld [tilespmem:s18+$0xFFFFFF50]  }
0x1e2: {  	v4 =	vmul.f32 v4, v5;
	v5 =	vld [tilespmem:s19+$0xFFFFFF10]  }
0x1e3: {  	v13 =	vld [tilespmem:s30+$0xFFFFFF70];
	[tilespmem:s14+$0xFFFFFFB0] =	vst v1;
	v1 =	vshll.u32 v2, $0x10  }
0x1e4: {  	v6 =	vld [tilespmem:s14+$0xFFFFFF70];
	v2 =	vand.u32 $0xFFFF0000, v2;
	v1 =	vmul.f32 v1, v3  }
0x1e5: {  	v7 =	vld [tilespmem:s14+$0xFFFFFFC0];
	[tilespmem:s14+$0xFFFFFFF0] =	vst v4;
	v2 =	vmul.f32 v2, v11  }
0x1e6: {  	v15 =	vld [tilespmem:s30+$0x0];
	[tilespmem:s19+$0xFFFFFF90] =	vst v1;
	v1 =	vshll.u32 v9, $0x10  }
0x1e7: {  	v3 =	vld [tilespmem:s19+$0xFFFFFF20];
	[tilespmem:s19+$0xFFFFFFD0] =	vst v2;
	v2 =	vand.u32 $0xFFFF0000, v9;
	v1 =	vmul.f32 v1, v5  }
0x1e8: {  	v4 =	vshll.u32 v13, $0x10;
	v9 =	vld [tilespmem:s18+$0xFFFFFFE0];
	v2 =	vmul.f32 v2, v14  }
0x1e9: {  	v4 =	vmul.f32 v4, v8;
	v8 =	vld [tilespmem:s14+$0x0];
	[tilespmem:s19+$0xFFFFFF10] =	vst v1  }
0x1ea: {  	v5 =	vand.u32 $0xFFFF0000, v13;
	v1 =	vld [tilespmem:s19+$0xFFFFFFE0];
	[tilespmem:s19+$0xFFFFFF50] =	vst v2  }
0x1eb: {  	v2 =	vmul.f32 v5, v6;
	v6 =	vld [tilespmem:s18+$0xFFFFFF60]  }
0x1ec: {  	v11 =	vld [tilespmem:s19+$0xFFFFFF60]  }
0x1ed: {  	[tilespmem:s14+$0xFFFFFF30] =	vst v4;
	v4 =	vld [tilespmem:s19+$0xFFFFFF30];
	v59 =	vshll.u32 v9, $0x10  }
0x1ee: {  	v5 =	vld [tilespmem:s19+$0xFFFFFF70];
	[tilespmem:s14+$0xFFFFFF70] =	vst v2;
	v2 =	vand.u32 $0xFFFF0000, v9;
	v9 =	vmul.f32 v59, v58  }
0x1ef: {  	v60 =	vld [tilespmem:s30+$0xFFFFFF80];
	v61 =	vmul.f32 v2, v1;
	v2 =	vand.u32 $0xFFFF0000, v15  }
0x1f0: {  	v1 =	vld [tilespmem:s19+$0xFFFFFF40];
	[tilespmem:s19+$0xFFFFFFA0] =	vst v9;
	v8 =	vmul.f32 v2, v8;
	v9 =	vshll.u32 v6, $0x10  }
0x1f1: {  	v2 =	vld [tilespmem:s19+$0xFFFFFF80];
	v6 =	vand.u32 $0xFFFF0000, v6;
	[tilespmem:s19+$0xFFFFFFE0] =	vst v61;
	v9 =	vmul.f32 v9, v3  }
0x1f2: {  	v62 =	vshll.u32 v15, $0x10;
	v3 =	vld [tilespmem:s19+$0xFFFFFFC0];
	[tilespmem:s14+$0x0] =	vst v8;
	v8 =	vmul.f32 v6, v11  }
0x1f3: {  	v6 =	vld [tilespmem:s18+$0xFFFFFFF0];
	v11 =	vmul.f32 v62, v7;
	[tilespmem:s19+$0xFFFFFF20] =	vst v9  }
0x1f4: {  	v7 =	vld [tilespmem:s19+$0xFFFFFFB0];
	v63 =	vshll.u32 v60, $0x10;
	[tilespmem:s19+$0xFFFFFF60] =	vst v8  }
0x1f5: {  	v13 =	vand.u32 $0xFFFF0000, v60;
	v9 =	vld [tilespmem:s19+$0xFFFFFFF0];
	[tilespmem:s14+$0xFFFFFFC0] =	vst v11;
	v11 =	vmul.f32 v63, v10  }
0x1f6: {  	s12 =	simm.s32 $0x7EB0;
	s10 =	simm.s32 $0x2;
	s9 =	simm.s32 $0x2DF0;
	v8 =	vmul.f32 v13, v57;
	v10 =	vld [tilespmem:s18+$0xFFFFFF70]  }
.LBB2_11:
0x1f7: {  	v12 =	vld [tilespmem:s12+$0xFFFFFFD0];
	s19 =	sadd.s32 $0x100, s19;
	[tilespmem:s14+$0xFFFFFF40] =	vst v11  }
0x1f8: {  	v11 =	vld [tilespmem:s19+$0xFFFFFF90];
	v13 =	vshll.u32 v6, $0x10;
	[tilespmem:s14+$0xFFFFFF80] =	vst v8;
	s14 =	smov.u32 s9;
	s9 =	smov.u32 s19  }
0x1f9: {  	v6 =	vand.u32 $0xFFFF0000, v6;
	v8 =	vld [tilespmem:s19+$0xFFFFFFD0];
	v7 =	vmul.f32 v13, v7  }
0x1fa: {  	s10 =	sadd.s32 $0x2, s10;
	v13 =	vld [tilespmem:s12+$0xFFFFFF50];
	v6 =	vmul.f32 v6, v9  }
0x1fb: {  	p0 =	slt.u32 s10, $0x4E;
	v9 =	vld [tilespmem:s19+$0xFFFFFF10];
	v14 =	vshll.u32 v10, $0x10;
	v10 =	vand.u32 $0xFFFF0000, v10;
	[tilespmem:s14+$0xFFFFFFB0] =	vst v7  }
0x1fc: {  	v7 =	vld [tilespmem:s19+$0xFFFFFF50];
	v15 =	vshll.u32 v12, $0x10;
	v4 =	vmul.f32 v14, v4;
	v5 =	vmul.f32 v10, v5;
	[tilespmem:s14+$0xFFFFFFF0] =	vst v6  }
0x1fd: {  	v6 =	vand.u32 $0xFFFF0000, v12;
	v10 =	vmul.f32 v15, v11;
	v11 =	vld [tilespmem:s18+$0x0]  }
0x1fe: {  	v6 =	vmul.f32 v6, v8;
	[tilespmem:s14+$0xFFFFFF30] =	vst v4;
	v4 =	vld [tilespmem:s14+$0x0]  }
0x1ff: {  	v8 =	vshll.u32 v13, $0x10;
	v12 =	vand.u32 $0xFFFF0000, v13;
	v13 =	vld [tilespmem:s19+$0xFFFFFF20];
	[tilespmem:s19+$0xFFFFFF90] =	vst v10  }
0x200: {  	v8 =	vmul.f32 v8, v9;
	v9 =	vld [tilespmem:s19+$0xFFFFFF60];
	[tilespmem:s19+$0xFFFFFFD0] =	vst v6  }
0x201: {  	v6 =	vmul.f32 v12, v7;
	v7 =	vld [tilespmem:s12+$0xFFFFFFE0];
	[tilespmem:s14+$0xFFFFFF70] =	vst v5  }
0x202: {  	[tilespmem:s19+$0xFFFFFF10] =	vst v8;
	v8 =	vld [tilespmem:s19+$0xFFFFFFA0];
	v5 =	vshll.u32 v11, $0x10;
	v10 =	vand.u32 $0xFFFF0000, v11  }
0x203: {  	[tilespmem:s19+$0xFFFFFF50] =	vst v6;
	v6 =	vld [tilespmem:s19+$0xFFFFFFE0];
	v3 =	vmul.f32 v5, v3;
	v5 =	vmul.f32 v10, v4  }
0x204: {  	v10 =	vld [tilespmem:s12+$0xFFFFFF60]  }
0x205: {  	v4 =	vld [tilespmem:s19+$0xFFFFFF30];
	[tilespmem:s14+$0x0] =	vst v5  }
0x206: {  	v5 =	vld [tilespmem:s19+$0xFFFFFF70];
	v11 =	vshll.u32 v7, $0x10;
	[tilespmem:s14+$0xFFFFFFC0] =	vst v3  }
0x207: {  	v3 =	vand.u32 $0xFFFF0000, v7;
	v7 =	vmul.f32 v11, v8;
	v8 =	vld [tilespmem:s18+$0xFFFFFF80];
	s18 =	smov.u32 s12  }
0x208: {  	v12 =	vld [tilespmem:s19+$0xFFFFFF40];
	v3 =	vmul.f32 v3, v6  }
0x209: {  	v6 =	vshll.u32 v10, $0x10;
	v10 =	vand.u32 $0xFFFF0000, v10;
	v14 =	vld [tilespmem:s19+$0xFFFFFF80];
	[tilespmem:s19+$0xFFFFFFA0] =	vst v7  }
.Ltmp4:
0x20a: {  	v7 =	vmul.f32 v6, v13;
	v9 =	vmul.f32 v10, v9;
	[tilespmem:s19+$0xFFFFFFE0] =	vst v3;
	v3 =	vld [tilespmem:s19+$0xFFFFFFC0];
	(pc) =	sbr.rel @p0 .LBB2_11-.Ltmp4, $4  }
0x20b: {  	v6 =	vld [tilespmem:s12+$0xFFFFFFF0]  }
0x20c: {  	[tilespmem:s19+$0xFFFFFF20] =	vst v7;
	v7 =	vld [tilespmem:s19+$0xFFFFFFB0];
	v10 =	vshll.u32 v8, $0x10;
	v8 =	vand.u32 $0xFFFF0000, v8  }
0x20d: {  	[tilespmem:s19+$0xFFFFFF60] =	vst v9;
	v9 =	vld [tilespmem:s19+$0xFFFFFFF0];
	v11 =	vmul.f32 v10, v1;
	v8 =	vmul.f32 v8, v2;
	v1 =	vmov v12  }
0x20e: {  	s12 =	sadd.s32 $0x100, s12;
	v10 =	vld [tilespmem:s18+$0xFFFFFF70];
	v2 =	vmov v14  }
0x20f: {  	_ =	sdelay $0x1  }
0x210: {  	v12 =	vshll.u32 v6, $0x10  }
0x211: {  	v57 =	vand.u32 $0xFFFF0000, v6;
	v7 =	vmul.f32 v12, v7  }
0x212: {  	v6 =	vmul.f32 v57, v9;
	v58 =	vshll.u32 v10, $0x10  }
0x213: {  	v59 =	vand.u32 $0xFFFF0000, v10;
	[tilespmem:s9+$0xFFFFFFB0] =	vst v7;
	v4 =	vmul.f32 v58, v4  }
0x214: {  	v5 =	vmul.f32 v59, v5;
	[tilespmem:s9+$0xFFFFFFF0] =	vst v6  }
0x215: {  	v6 =	vld [tilespmem:s18+$0x0];
	[tilespmem:s9+$0xFFFFFF30] =	vst v4  }
0x216: {  	v60 =	vld [tilespmem:s9+$0x0];
	[tilespmem:s9+$0xFFFFFF70] =	vst v5  }
0x217: {  	v5 =	vld [tilespmem:s18+$0xFFFFFF80];
	_ =	sdelay $0x2  }
0x218: {  	v61 =	vand.u32 $0xFFFF0000, v6  }
0x219: {  	[tilespmem:s14+$0xFFFFFF40] =	vst v11;
	s23 =	sadd.s32 $0x1, s23;
	v6 =	vshll.u32 v6, $0x10;
	v4 =	vmul.f32 v61, v60  }
0x21a: {  	[tilespmem:s14+$0xFFFFFF80] =	vst v8;
	p0 =	sne.s32 s23, $0x1F;
	v3 =	vmul.f32 v6, v3;
	v62 =	vshll.u32 v5, $0x10  }
.Ltmp5:
0x21b: {  	v63 =	vand.u32 $0xFFFF0000, v5;
	[tilespmem:s9+$0x0] =	vst v4;
	v1 =	vmul.f32 v62, v1;
	(pc) =	sbr.rel @p0 .LBB2_4-.Ltmp5, $4  }
0x21c: {  	[tilespmem:s9+$0xFFFFFFC0] =	vst v3;
	v2 =	vmul.f32 v63, v2  }
0x21d: {  	[tilespmem:s9+$0xFFFFFF40] =	vst v1  }
0x21e: {  	s30 =	simm.s32 $0x380;
	[tilespmem:s9+$0xFFFFFF80] =	vst v2  }
0x21f: {  	[spmem:s1] =	stream.indirect.scatter.add.f32 [tilespmem:s13], [sflag:$0x6], $0x80, s30, s11, $0xb8;
	[tilespmem:$0x1E000] =	vst v63  }
0x220: {  	_ =	swait.ge [sflag:s20], $0x2800  }
0x221: {  	[sflag:s20] =	ssyncset.done $0x0  }
0x222: {  	s9 =	simm.s32 $0x8;
	[sflag:s20] =	ssyncadd.s32 $0xFFFFD800  }
0x223: {  	_ =	swait.ge [sflag:s9], $0x50  }
0x224: {  	[sflag:s9] =	ssyncset.done $0x0  }
0x225: {  	[sflag:s9] =	ssyncadd.s32 $0xFFFFFFB0  }
0x226: {  	_ =	swait.ge [sflag:s9], $0x50  }
0x227: {  	[sflag:s9] =	ssyncset.done $0x0  }
0x228: {  	[sflag:s9] =	ssyncadd.s32 $0xFFFFFFB0  }
0x229: {  	_ =	swait.ge [sflag:s28], $0x2800  }
0x22a: {  	[sflag:s28] =	ssyncset.done $0x0  }
0x22b: {  	[sflag:s28] =	ssyncadd.s32 $0xFFFFD800  }
0x22c: {  	_ =	swait.ge [sflag:s29], $0x2800  }
0x22d: {  	[sflag:s29] =	ssyncset.done $0x0  }
0x22e: {  	s30 =	simm.s32 $0x5480;
	[sflag:s29] =	ssyncadd.s32 $0xFFFFD800  }
0x22f: {  	s14 =	simm.s32 $0x480;
	v1 =	vld [tilespmem:s30+$0x0]  }
0x230: {  	v2 =	vld [tilespmem:s14+$0x0]  }
0x231: {  	v3 =	vld [tilespmem:s14+$0x40];
	_ =	sdelay $0x2  }
0x232: {  	v4 =	vld [tilespmem:s30+$0xFFFFFF80];
	v5 =	vshll.u32 v1, $0x10  }
0x233: {  	v6 =	vld [tilespmem:s14+$0xFFFFFF80];
	v1 =	vand.u32 $0xFFFF0000, v1;
	v2 =	vmul.f32 v5, v2  }
0x234: {  	v5 =	vld [tilespmem:s14+$0xFFFFFFC0];
	v1 =	vmul.f32 v1, v3  }
0x235: {  	[tilespmem:s14+$0x0] =	vst v2  }
0x236: {  	v8 =	vld [tilespmem:s14+$0xFFFFFFA0];
	[tilespmem:s14+$0x40] =	vst v1  }
0x237: {  	v1 =	vshll.u32 v4, $0x10;
	v7 =	vld [tilespmem:s30+$0x10]  }
0x238: {  	v4 =	vand.u32 $0xFFFF0000, v4;
	v1 =	vmul.f32 v1, v6;
	v6 =	vld [tilespmem:s14+$0x10]  }
0x239: {  	v4 =	vmul.f32 v4, v5;
	v5 =	vld [tilespmem:s14+$0x50]  }
0x23a: {  	v10 =	vld [tilespmem:s14+$0xFFFFFFB0]  }
0x23b: {  	v12 =	vld [tilespmem:s14+$0xFFFFFFF0];
	[tilespmem:s14+$0xFFFFFF80] =	vst v1  }
0x23c: {  	v9 =	vld [tilespmem:s14+$0x20];
	[tilespmem:s14+$0xFFFFFFC0] =	vst v4;
	v4 =	vshll.u32 v7, $0x10  }
0x23d: {  	v1 =	vld [tilespmem:s30+$0xFFFFFF90];
	v7 =	vand.u32 $0xFFFF0000, v7;
	v4 =	vmul.f32 v4, v6  }
0x23e: {  	v3 =	vld [tilespmem:s14+$0xFFFFFF90];
	v5 =	vmul.f32 v7, v5  }
0x23f: {  	s19 =	simm.s32 $0x580;
	v2 =	vld [tilespmem:s14+$0xFFFFFFD0];
	[tilespmem:s14+$0x10] =	vst v4  }
0x240: {  	v11 =	vld [tilespmem:s19+$0x40];
	[tilespmem:s14+$0x50] =	vst v5  }
0x241: {  	v4 =	vld [tilespmem:s30+$0x20]  }
0x242: {  	v14 =	vld [tilespmem:s19+$0xFFFFFFC0];
	v5 =	vshll.u32 v1, $0x10  }
0x243: {  	s18 =	simm.s32 $0x5580;
	v1 =	vand.u32 $0xFFFF0000, v1;
	v3 =	vmul.f32 v5, v3;
	v5 =	vld [tilespmem:s14+$0x60]  }
0x244: {  	v1 =	vmul.f32 v1, v2;
	v2 =	vld [tilespmem:s18+$0x0]  }
0x245: {  	[tilespmem:s14+$0xFFFFFF90] =	vst v3;
	v3 =	vld [tilespmem:s19+$0x0]  }
0x246: {  	v58 =	vld [tilespmem:s19+$0x10];
	[tilespmem:s14+$0xFFFFFFD0] =	vst v1;
	v1 =	vshll.u32 v4, $0x10  }
0x247: {  	v4 =	vand.u32 $0xFFFF0000, v4;
	v1 =	vmul.f32 v1, v9;
	v9 =	vld [tilespmem:s18+$0xFFFFFF80]  }
0x248: {  	v4 =	vmul.f32 v4, v5;
	v5 =	vld [tilespmem:s19+$0xFFFFFF80]  }
0x249: {  	v13 =	vld [tilespmem:s30+$0xFFFFFFA0];
	[tilespmem:s14+$0x20] =	vst v1;
	v1 =	vshll.u32 v2, $0x10  }
0x24a: {  	v6 =	vld [tilespmem:s14+$0xFFFFFFE0];
	v2 =	vand.u32 $0xFFFF0000, v2;
	v1 =	vmul.f32 v1, v3  }
0x24b: {  	v7 =	vld [tilespmem:s14+$0x30];
	[tilespmem:s14+$0x60] =	vst v4;
	v2 =	vmul.f32 v2, v11  }
0x24c: {  	v15 =	vld [tilespmem:s30+$0x30];
	[tilespmem:s19+$0x0] =	vst v1;
	v1 =	vshll.u32 v9, $0x10  }
0x24d: {  	v3 =	vld [tilespmem:s19+$0xFFFFFF90];
	[tilespmem:s19+$0x40] =	vst v2;
	v2 =	vand.u32 $0xFFFF0000, v9;
	v1 =	vmul.f32 v1, v5  }
0x24e: {  	v4 =	vshll.u32 v13, $0x10;
	v9 =	vld [tilespmem:s18+$0x10];
	v2 =	vmul.f32 v2, v14  }
0x24f: {  	v4 =	vmul.f32 v4, v8;
	v8 =	vld [tilespmem:s14+$0x70];
	[tilespmem:s19+$0xFFFFFF80] =	vst v1  }
0x250: {  	v5 =	vand.u32 $0xFFFF0000, v13;
	v1 =	vld [tilespmem:s19+$0x50];
	[tilespmem:s19+$0xFFFFFFC0] =	vst v2  }
0x251: {  	v2 =	vmul.f32 v5, v6;
	v6 =	vld [tilespmem:s18+$0xFFFFFF90]  }
0x252: {  	v11 =	vld [tilespmem:s19+$0xFFFFFFD0]  }
0x253: {  	[tilespmem:s14+$0xFFFFFFA0] =	vst v4;
	v4 =	vld [tilespmem:s19+$0xFFFFFFA0];
	v59 =	vshll.u32 v9, $0x10  }
0x254: {  	v5 =	vld [tilespmem:s19+$0xFFFFFFE0];
	[tilespmem:s14+$0xFFFFFFE0] =	vst v2;
	v2 =	vand.u32 $0xFFFF0000, v9;
	v9 =	vmul.f32 v59, v58  }
0x255: {  	v60 =	vld [tilespmem:s30+$0xFFFFFFB0];
	v61 =	vmul.f32 v2, v1;
	v2 =	vand.u32 $0xFFFF0000, v15  }
0x256: {  	v1 =	vld [tilespmem:s19+$0xFFFFFFB0];
	[tilespmem:s19+$0x10] =	vst v9;
	v8 =	vmul.f32 v2, v8;
	v9 =	vshll.u32 v6, $0x10  }
0x257: {  	v2 =	vld [tilespmem:s19+$0xFFFFFFF0];
	v6 =	vand.u32 $0xFFFF0000, v6;
	[tilespmem:s19+$0x50] =	vst v61;
	v9 =	vmul.f32 v9, v3  }
0x258: {  	v62 =	vshll.u32 v15, $0x10;
	v3 =	vld [tilespmem:s19+$0x30];
	[tilespmem:s14+$0x70] =	vst v8;
	v8 =	vmul.f32 v6, v11  }
0x259: {  	v6 =	vld [tilespmem:s18+$0x20];
	v11 =	vmul.f32 v62, v7;
	[tilespmem:s19+$0xFFFFFF90] =	vst v9  }
0x25a: {  	v7 =	vld [tilespmem:s19+$0x20];
	v63 =	vshll.u32 v60, $0x10;
	[tilespmem:s19+$0xFFFFFFD0] =	vst v8  }
0x25b: {  	v13 =	vand.u32 $0xFFFF0000, v60;
	v9 =	vld [tilespmem:s19+$0x60];
	[tilespmem:s14+$0x30] =	vst v11;
	v11 =	vmul.f32 v63, v10  }
0x25c: {  	s10 =	simm.s32 $0x2;
	s12 =	simm.s32 $0x5680;
	s9 =	simm.s32 $0x580;
	v8 =	vmul.f32 v13, v12;
	v10 =	vld [tilespmem:s18+$0xFFFFFFA0]  }
.LBB2_14:
0x25d: {  	v12 =	vld [tilespmem:s12+$0x0];
	s19 =	sadd.s32 $0x100, s19;
	[tilespmem:s14+$0xFFFFFFB0] =	vst v11  }
0x25e: {  	v11 =	vld [tilespmem:s19+$0x0];
	v13 =	vshll.u32 v6, $0x10;
	[tilespmem:s14+$0xFFFFFFF0] =	vst v8;
	s14 =	smov.u32 s9;
	s9 =	smov.u32 s19  }
0x25f: {  	v6 =	vand.u32 $0xFFFF0000, v6;
	v8 =	vld [tilespmem:s19+$0x40];
	v7 =	vmul.f32 v13, v7  }
0x260: {  	s10 =	sadd.s32 $0x2, s10;
	v13 =	vld [tilespmem:s12+$0xFFFFFF80];
	v6 =	vmul.f32 v6, v9  }
0x261: {  	p0 =	slt.u32 s10, $0x4E;
	v9 =	vld [tilespmem:s19+$0xFFFFFF80];
	v14 =	vshll.u32 v10, $0x10;
	v10 =	vand.u32 $0xFFFF0000, v10;
	[tilespmem:s14+$0x20] =	vst v7  }
0x262: {  	v7 =	vld [tilespmem:s19+$0xFFFFFFC0];
	v15 =	vshll.u32 v12, $0x10;
	v4 =	vmul.f32 v14, v4;
	v5 =	vmul.f32 v10, v5;
	[tilespmem:s14+$0x60] =	vst v6  }
0x263: {  	v6 =	vand.u32 $0xFFFF0000, v12;
	v10 =	vmul.f32 v15, v11;
	v11 =	vld [tilespmem:s18+$0x30]  }
0x264: {  	v6 =	vmul.f32 v6, v8;
	[tilespmem:s14+$0xFFFFFFA0] =	vst v4;
	v4 =	vld [tilespmem:s14+$0x70]  }
0x265: {  	v8 =	vshll.u32 v13, $0x10;
	v12 =	vand.u32 $0xFFFF0000, v13;
	v13 =	vld [tilespmem:s19+$0xFFFFFF90];
	[tilespmem:s19+$0x0] =	vst v10  }
0x266: {  	v8 =	vmul.f32 v8, v9;
	v9 =	vld [tilespmem:s19+$0xFFFFFFD0];
	[tilespmem:s19+$0x40] =	vst v6  }
0x267: {  	v6 =	vmul.f32 v12, v7;
	v7 =	vld [tilespmem:s12+$0x10];
	[tilespmem:s14+$0xFFFFFFE0] =	vst v5  }
0x268: {  	[tilespmem:s19+$0xFFFFFF80] =	vst v8;
	v8 =	vld [tilespmem:s19+$0x10];
	v5 =	vshll.u32 v11, $0x10;
	v10 =	vand.u32 $0xFFFF0000, v11  }
0x269: {  	[tilespmem:s19+$0xFFFFFFC0] =	vst v6;
	v6 =	vld [tilespmem:s19+$0x50];
	v3 =	vmul.f32 v5, v3;
	v5 =	vmul.f32 v10, v4  }
0x26a: {  	v10 =	vld [tilespmem:s12+$0xFFFFFF90]  }
0x26b: {  	v4 =	vld [tilespmem:s19+$0xFFFFFFA0];
	[tilespmem:s14+$0x70] =	vst v5  }
0x26c: {  	v5 =	vld [tilespmem:s19+$0xFFFFFFE0];
	v11 =	vshll.u32 v7, $0x10;
	[tilespmem:s14+$0x30] =	vst v3  }
0x26d: {  	v3 =	vand.u32 $0xFFFF0000, v7;
	v7 =	vmul.f32 v11, v8;
	v8 =	vld [tilespmem:s18+$0xFFFFFFB0];
	s18 =	smov.u32 s12  }
0x26e: {  	v12 =	vld [tilespmem:s19+$0xFFFFFFB0];
	v3 =	vmul.f32 v3, v6  }
0x26f: {  	v6 =	vshll.u32 v10, $0x10;
	v10 =	vand.u32 $0xFFFF0000, v10;
	v14 =	vld [tilespmem:s19+$0xFFFFFFF0];
	[tilespmem:s19+$0x10] =	vst v7  }
.Ltmp6:
0x270: {  	v7 =	vmul.f32 v6, v13;
	v9 =	vmul.f32 v10, v9;
	[tilespmem:s19+$0x50] =	vst v3;
	v3 =	vld [tilespmem:s19+$0x30];
	(pc) =	sbr.rel @p0 .LBB2_14-.Ltmp6, $4  }
0x271: {  	v6 =	vld [tilespmem:s12+$0x20]  }
0x272: {  	[tilespmem:s19+$0xFFFFFF90] =	vst v7;
	v7 =	vld [tilespmem:s19+$0x20];
	v10 =	vshll.u32 v8, $0x10;
	v8 =	vand.u32 $0xFFFF0000, v8  }
0x273: {  	[tilespmem:s19+$0xFFFFFFD0] =	vst v9;
	v9 =	vld [tilespmem:s19+$0x60];
	v11 =	vmul.f32 v10, v1;
	v8 =	vmul.f32 v8, v2;
	v1 =	vmov v12  }
0x274: {  	s12 =	sadd.s32 $0x100, s12;
	v10 =	vld [tilespmem:s18+$0xFFFFFFA0];
	v2 =	vmov v14  }
0x275: {  	_ =	sdelay $0x1  }
0x276: {  	v12 =	vshll.u32 v6, $0x10  }
0x277: {  	v57 =	vand.u32 $0xFFFF0000, v6;
	v7 =	vmul.f32 v12, v7  }
0x278: {  	v6 =	vmul.f32 v57, v9;
	v58 =	vshll.u32 v10, $0x10  }
0x279: {  	v59 =	vand.u32 $0xFFFF0000, v10;
	[tilespmem:s9+$0x20] =	vst v7;
	v4 =	vmul.f32 v58, v4  }
0x27a: {  	v5 =	vmul.f32 v59, v5;
	[tilespmem:s9+$0x60] =	vst v6  }
0x27b: {  	v6 =	vld [tilespmem:s18+$0x30];
	[tilespmem:s9+$0xFFFFFFA0] =	vst v4  }
0x27c: {  	v60 =	vld [tilespmem:s9+$0x70];
	[tilespmem:s9+$0xFFFFFFE0] =	vst v5  }
0x27d: {  	v5 =	vld [tilespmem:s18+$0xFFFFFFB0];
	_ =	sdelay $0x2  }
0x27e: {  	v61 =	vand.u32 $0xFFFF0000, v6  }
0x27f: {  	[tilespmem:s14+$0xFFFFFFB0] =	vst v11;
	v6 =	vshll.u32 v6, $0x10;
	v4 =	vmul.f32 v61, v60  }
0x280: {  	[tilespmem:s14+$0xFFFFFFF0] =	vst v8;
	v3 =	vmul.f32 v6, v3;
	v62 =	vshll.u32 v5, $0x10  }
0x281: {  	v63 =	vand.u32 $0xFFFF0000, v5;
	[tilespmem:s9+$0x70] =	vst v4;
	v1 =	vmul.f32 v62, v1  }
0x282: {  	[tilespmem:s9+$0x30] =	vst v3;
	v2 =	vmul.f32 v63, v2  }
0x283: {  	[tilespmem:s9+$0xFFFFFFB0] =	vst v1  }
0x284: {  	[tilespmem:s9+$0xFFFFFFF0] =	vst v2  }
0x285: {  	[spmem:s1] =	stream.indirect.scatter.add.f32 [tilespmem:s3], [sflag:$0x5], $0x80, s8, s11, $0xb8;
	[tilespmem:$0x1E000] =	vst v63  }
0x286: {  	_ =	swait.ge [sflag:s0], $0x2800  }
0x287: {  	[sflag:s0] =	ssyncset.done $0x0  }
0x288: {  	[sflag:s0] =	ssyncadd.s32 $0xFFFFD800  }
0x289: {  	[bflag:$0x0] =	sbarrier.arrive $0xFFFF  }
0x28a: {  	s19 =	rddreg [dreg:$0xb]  }
0x28b: {  	[tilespmem:s3], [sflag:$0xB] =	stream.linear.gather [spmem:s19], $0x2800, $0x38;
	[tilespmem:$0x1E000] =	vst v63  }
0x28c: {  	_ =	swait.ge [sflag:s7], $0x2800  }
0x28d: {  	[sflag:s7] =	ssyncset.done $0x0  }
0x28e: {  	s10 =	rddreg [dreg:$0x3];
	[sflag:s7] =	ssyncadd.s32 $0xFFFFD800  }
0x28f: {  	[hbm4b:s10+s2] =	stream.linear.scatter [tilespmem:s3], [sflag:$0xB], $0x2800, $0x38;
	[tilespmem:$0x1E000] =	vst v63  }
0x290: {  	_ =	swait.ge [sflag:s7], $0x2800  }
0x291: {  	[sflag:s7] =	ssyncset.done $0x0  }
0x292: {  	s23 =	rddreg [dreg:$0xc];
	[sflag:s7] =	ssyncadd.s32 $0xFFFFD800  }
0x293: {  	[tilespmem:s3], [sflag:$0xB] =	stream.linear.gather [spmem:s23], $0x2800, $0x38;
	[tilespmem:$0x1E000] =	vst v63  }
0x294: {  	_ =	swait.ge [sflag:s7], $0x2800  }
0x295: {  	[sflag:s7] =	ssyncset.done $0x0  }
0x296: {  	s12 =	rddreg [dreg:$0x4];
	[sflag:s7] =	ssyncadd.s32 $0xFFFFD800  }
0x297: {  	[hbm4b:s12+s2] =	stream.linear.scatter [tilespmem:s3], [sflag:$0xB], $0x2800, $0x38;
	[tilespmem:$0x1E000] =	vst v63  }
0x298: {  	_ =	swait.ge [sflag:s7], $0x2800  }
0x299: {  	[sflag:s7] =	ssyncset.done $0x0  }
0x29a: {  	s12 =	rddreg [dreg:$0xd];
	[sflag:s7] =	ssyncadd.s32 $0xFFFFD800  }
0x29b: {  	[tilespmem:s3], [sflag:$0xB] =	stream.linear.gather [spmem:s12], $0x2800, $0x38;
	[tilespmem:$0x1E000] =	vst v63  }
0x29c: {  	_ =	swait.ge [sflag:s7], $0x2800  }
0x29d: {  	[sflag:s7] =	ssyncset.done $0x0  }
0x29e: {  	s14 =	rddreg [dreg:$0x5];
	[sflag:s7] =	ssyncadd.s32 $0xFFFFD800  }
0x29f: {  	[hbm4b:s14+s2] =	stream.linear.scatter [tilespmem:s3], [sflag:$0xB], $0x2800, $0x38;
	[tilespmem:$0x1E000] =	vst v63  }
0x2a0: {  	_ =	swait.ge [sflag:s7], $0x2800  }
0x2a1: {  	[sflag:s7] =	ssyncset.done $0x0  }
0x2a2: {  	s25 =	rddreg [dreg:$0xe];
	[sflag:s7] =	ssyncadd.s32 $0xFFFFD800  }
0x2a3: {  	[tilespmem:s3], [sflag:$0xB] =	stream.linear.gather [spmem:s25], $0x2800, $0x38;
	[tilespmem:$0x1E000] =	vst v63  }
0x2a4: {  	_ =	swait.ge [sflag:s7], $0x2800  }
0x2a5: {  	[sflag:s7] =	ssyncset.done $0x0  }
0x2a6: {  	s18 =	rddreg [dreg:$0x6];
	[sflag:s7] =	ssyncadd.s32 $0xFFFFD800  }
0x2a7: {  	[hbm4b:s18+s2] =	stream.linear.scatter [tilespmem:s3], [sflag:$0xB], $0x2800, $0x38;
	[tilespmem:$0x1E000] =	vst v63  }
0x2a8: {  	_ =	swait.ge [sflag:s7], $0x2800  }
0x2a9: {  	[sflag:s7] =	ssyncset.done $0x0  }
0x2aa: {  	s14 =	rddreg [dreg:$0xf];
	[sflag:s7] =	ssyncadd.s32 $0xFFFFD800  }
0x2ab: {  	[tilespmem:s3], [sflag:$0xB] =	stream.linear.gather [spmem:s14], $0x2800, $0x38;
	[tilespmem:$0x1E000] =	vst v63  }
0x2ac: {  	_ =	swait.ge [sflag:s7], $0x2800  }
0x2ad: {  	[sflag:s7] =	ssyncset.done $0x0  }
0x2ae: {  	s10 =	rddreg [dreg:$0x7];
	[sflag:s7] =	ssyncadd.s32 $0xFFFFD800  }
0x2af: {  	[hbm4b:s10+s2] =	stream.linear.scatter [tilespmem:s3], [sflag:$0xB], $0x2800, $0x38;
	[tilespmem:$0x1E000] =	vst v63  }
0x2b0: {  	_ =	swait.ge [sflag:s7], $0x2800  }
0x2b1: {  	[sflag:s7] =	ssyncset.done $0x0  }
0x2b2: {  	s30 =	rddreg [dreg:$0x10];
	[sflag:s7] =	ssyncadd.s32 $0xFFFFD800  }
0x2b3: {  	[tilespmem:s3], [sflag:$0xB] =	stream.linear.gather [spmem:s30], $0x2800, $0x38;
	[tilespmem:$0x1E000] =	vst v63  }
0x2b4: {  	_ =	swait.ge [sflag:s7], $0x2800  }
0x2b5: {  	[sflag:s7] =	ssyncset.done $0x0  }
0x2b6: {  	s18 =	rddreg [dreg:$0x8];
	[sflag:s7] =	ssyncadd.s32 $0xFFFFD800  }
0x2b7: {  	[hbm4b:s18+s2] =	stream.linear.scatter [tilespmem:s3], [sflag:$0xB], $0x2800, $0x38;
	[tilespmem:$0x1E000] =	vst v63  }
0x2b8: {  	_ =	swait.ge [sflag:s7], $0x2800  }
0x2b9: {  	[sflag:s7] =	ssyncset.done $0x0  }
0x2ba: {  	s18 =	rddreg [dreg:$0x11];
	[sflag:s7] =	ssyncadd.s32 $0xFFFFD800  }
0x2bb: {  	[tilespmem:s3], [sflag:$0xB] =	stream.linear.gather [spmem:s18], $0x2800, $0x38;
	[tilespmem:$0x1E000] =	vst v63  }
0x2bc: {  	_ =	swait.ge [sflag:s7], $0x2800  }
0x2bd: {  	[sflag:s7] =	ssyncset.done $0x0  }
0x2be: {  	s10 =	rddreg [dreg:$0x9];
	[sflag:s7] =	ssyncadd.s32 $0xFFFFD800  }
0x2bf: {  	[hbm4b:s10+s2] =	stream.linear.scatter [tilespmem:s3], [sflag:$0xB], $0x2800, $0x38;
	[tilespmem:$0x1E000] =	vst v63  }
0x2c0: {  	_ =	swait.ge [sflag:s7], $0x2800  }
0x2c1: {  	[sflag:s7] =	ssyncset.done $0x0  }
0x2c2: {  	s10 =	rddreg [dreg:$0x12];
	[sflag:s7] =	ssyncadd.s32 $0xFFFFD800  }
0x2c3: {  	[tilespmem:s3], [sflag:$0xB] =	stream.linear.gather [spmem:s10], $0x2400, $0x38;
	[tilespmem:$0x1E000] =	vst v63  }
0x2c4: {  	_ =	swait.ge [sflag:s7], $0x2400  }
0x2c5: {  	[sflag:s7] =	ssyncset.done $0x0  }
0x2c6: {  	s10 =	rddreg [dreg:$0xa];
	[sflag:s7] =	ssyncadd.s32 $0xFFFFDC00  }
0x2c7: {  	[hbm4b:s10+s2] =	stream.linear.scatter [tilespmem:s3], [sflag:$0xB], $0x2400, $0x38;
	[tilespmem:$0x1E000] =	vst v63  }
0x2c8: {  	_ =	swait.ge [sflag:s7], $0x2400  }
0x2c9: {  	s10 =	rddreg [dreg:$0x1a]  }
0x2ca: {  	s9 =	rddreg [dreg:$0x18];
	s10 =	sadd.s32 $0x1, s10  }
0x2cb: {  	p0 =	sne.s32 s10, s9  }
.Ltmp7:
0x2cc: {  	_ = 	snop;
	(pc) =	sbr.rel @p0 .LBB2_1-.Ltmp7, $3  }
0x2cd: {  	_ =	sdelay $0x1  }
0x2ce: {  	[sflag:s7] =	ssyncset.done $0x0  }
0x2cf: {  	[sflag:s7] =	ssyncadd.s32 $0xFFFFDC00  }
0x2d0: {  	_ =	sfence.sel $0x180000  }
0x2d1: {  	[bflag:$0x0] =	sbarrier.arrive $0xFFFF  }
0x2d2: {  	_ =	strace $0x90000047  }
0x2d3: {  	s0 =	stileid.u32;
	[bflag:$0x2] =	sbarrier.arrive $0xFFFF  }
0x2d4: {  	p0 =	sne.s32 s0, $0x0;
	s0 =	rddreg [dreg:$0x2]  }
0x2d5: {  	s0 =	sadd.s32 @!p0 $0x100000, s0  }
0x2d6: {  	[sflag:s0] =	ssyncadd.tile.s32 @!p0 $0x1;
	_ =	shalt  }
.Lfunc_end2:
_tile_overlayer_lowered:
.L_overlay_start_2:
0x2d7: {  	(tag) =	ssettag $0x2  }
0x2d8: {  	s0 =	rddreg [dreg:$0x0];
	s2 =	stileid.u32  }
0x2d9: {  	s1 =	rddreg [dreg:$0x1];
	p0 =	sne.s32 s2, $0x0  }
0x2da: {  	s3 =	rddreg [dreg:$0x2];
	[bflag:$0x3] =	sbarrier.arrive $0xFFFF;
	s2 =	simm.s32 @!p0 $0x1C0B  }
0x2db: {  	[timem:s3], [sflag:s2] =	dma.local @!p0 [hbm:s0], s1  }
0x2dc: {  	s0 =	simm.s32 @!p0 $0xB  }
0x2dd: {  	_ =	swait.ge @!p0 [sflag:s0], s1  }
0x2de: {  	s1 =	ssub.s32 @!p0 $0x0, s1;
	[sflag:s0] =	ssyncset.done @!p0 $0x0  }
0x2df: {  	[sflag:s0] =	ssyncadd.s32 @!p0 s1  }
0x2e0: {  	[bflag:$0x3] =	sbarrier.arrive $0xFFFF  }
0x2e1: {  	_ =	shalt  }

</sc_bundles>
